<compile_context>
chip_gen: v7x
topology: tpu7x:2x2x1
jax: 0.10.2.dev20260603
libtpu: 0.0.44.dev20260713+nightly
codegen_flags: <defaults>
</compile_context>

<pallas_src>
import functools

import jax
import jax.numpy as jnp
from jax import lax
from jax.experimental import pallas as pl
from jax.experimental.pallas import tpu as pltpu
from jax.experimental.pallas import tpu_sc as plsc

L = 16


def _sc_conv(x_flat, cu_pad, w, n_starts):
    T, D = x_flat.shape
    W = w.shape[0]
    info = plsc.get_sparse_core_info()
    NC, NS = info.num_cores, info.num_subcores
    NW = NC * NS
    TPW = T // NW
    TILE = 16
    NT = TPW // TILE
    CG = D // L
    CU = cu_pad.shape[0]
    H = 8

    mesh = plsc.VectorSubcoreMesh(core_axis_name="c", subcore_axis_name="s")

    @functools.partial(
        pl.kernel,
        mesh=mesh,
        out_type=jax.ShapeDtypeStruct((T, D), jnp.float32),
        scratch_types=[
            pltpu.VMEM((TILE + H, D), jnp.float32),
            pltpu.VMEM((TILE + H, D), jnp.float32),
            pltpu.VMEM((TILE, D), jnp.float32),
            pltpu.VMEM((TILE, D), jnp.float32),
            pltpu.VMEM((W, D), jnp.float32),
            pltpu.VMEM((CU,), jnp.int32),
            pltpu.SemaphoreType.DMA,
            pltpu.SemaphoreType.DMA,
            pltpu.SemaphoreType.DMA,
            pltpu.SemaphoreType.DMA,
        ],
    )
    def k(x_hbm, cu_hbm, w_hbm, out_hbm,
          xb0, xb1, yb0, yb1, wv, cus, si0, si1, so0, so1):
        wid = lax.axis_index("s") * NC + lax.axis_index("c")
        base = wid * TPW
        xbufs, ybufs = (xb0, xb1), (yb0, yb1)
        sis, sos = (si0, si1), (so0, so1)

        pltpu.sync_copy(w_hbm, wv)
        pltpu.sync_copy(cu_hbm, cus)

        def sread(ref, i):
            return ref[pl.ds(i, L)][0]

        @pl.when(wid == 0)
        def _():
            zero = jnp.zeros((L,), jnp.float32)

            def zbody(i, _):
                xb0[H - 3 + i // CG, pl.ds((i % CG) * L, L)] = zero
                return 0

            lax.fori_loop(0, 3 * CG, zbody, 0)

        @pl.when(wid > 0)
        def _():
            pltpu.sync_copy(x_hbm.at[pl.ds(base - H, H)], xb0.at[pl.ds(0, H)])

        pltpu.async_copy(x_hbm.at[pl.ds(base, TILE)],
                         xb0.at[pl.ds(H, TILE)], si0)

        def bmask(bi, msk):
            c = sread(cus, bi)
            for dt in range(W - 1):
                rel = c + dt - base
                ok = (rel >= 0) & (rel < TPW)
                msk = msk | jnp.where(ok, jnp.int32(1) << (rel // TILE),
                                      jnp.int32(0))
            return msk

        fixmask = lax.fori_loop(1, n_starts, bmask, jnp.int32(0))

        def pair_body(i2, _):
            for b in range(2):
                it = i2 * 2 + b
                start = base + it * TILE
                xb, yb = xbufs[b], ybufs[b]
                xbn = xbufs[1 - b]

                @pl.when(it + 1 < NT)
                def _():
                    pltpu.async_copy(
                        x_hbm.at[pl.ds(start + TILE, TILE)],
                        xbn.at[pl.ds(H, TILE)], sis[1 - b])

                pltpu.make_async_copy(
                    x_hbm.at[pl.ds(start, TILE)],
                    xb.at[pl.ds(H, TILE)], sis[b]).wait()

                @pl.when(it >= 2)
                def _():
                    pltpu.make_async_copy(
                        yb, out_hbm.at[pl.ds(start - 2 * TILE, TILE)],
                        sos[b]).wait()

                @plsc.parallel_loop(0, CG, 1)
                def cg_body(cg):
                    col = cg * L
                    w0 = wv[0, pl.ds(col, L)]
                    w1 = wv[1, pl.ds(col, L)]
                    w2 = wv[2, pl.ds(col, L)]
                    w3 = wv[3, pl.ds(col, L)]
                    xs = [xb[r, pl.ds(col, L)]
                          for r in range(H - 3, H + TILE)]
                    accs = [(xs[t] * w0 + xs[t + 1] * w1)
                            + (xs[t + 2] * w2 + xs[t + 3] * w3)
                            for t in range(TILE)]
                    es = [jnp.exp(-a) for a in accs]
                    for t in range(TILE):
                        yb[t, pl.ds(col, L)] = accs[t] / (1.0 + es[t])

                    @pl.when(it + 1 < NT)
                    def _():
                        xbn[H - 3, pl.ds(col, L)] = xs[TILE]
                        xbn[H - 2, pl.ds(col, L)] = xs[TILE + 1]
                        xbn[H - 1, pl.ds(col, L)] = xs[TILE + 2]

                def fix_body(bi, _):
                    cval = sread(cus, bi)
                    for dt in range(W - 1):
                        t = cval + dt
                        pred = (t >= start) & (t < start + TILE)

                        @pl.when(pred)
                        def _():
                            def dcount(i, dc):
                                ci = sread(cus, i)
                                ok = (ci <= t) & (ci != sread(cus, i - 1))
                                return dc + jnp.where(ok, 1, 0)

                            d = lax.fori_loop(1, n_starts, dcount,
                                              jnp.int32(1))
                            s = sread(cus, d - 1)
                            m = [jnp.where(t - (W - 1) + j >= s,
                                           1.0, 0.0).astype(jnp.float32)
                                 for j in range(W)]
                            row = t - start

                            def cg_fix(cg, _):
                                col = cg * L
                                r0 = row + H - 3
                                acc = ((xb[r0 + 0, pl.ds(col, L)]
                                        * wv[0, pl.ds(col, L)]) * m[0]
                                       + (xb[r0 + 1, pl.ds(col, L)]
                                          * wv[1, pl.ds(col, L)]) * m[1]
                                       + (xb[r0 + 2, pl.ds(col, L)]
                                          * wv[2, pl.ds(col, L)]) * m[2]
                                       + (xb[r0 + 3, pl.ds(col, L)]
                                          * wv[3, pl.ds(col, L)]) * m[3])
                                yb[row, pl.ds(col, L)] = (
                                    acc / (1.0 + jnp.exp(-acc)))
                                return 0

                            lax.fori_loop(0, CG, cg_fix, 0)
                    return 0

                @pl.when(((fixmask >> it) & 1) != 0)
                def _():
                    lax.fori_loop(1, n_starts, fix_body, 0)

                pltpu.async_copy(yb, out_hbm.at[pl.ds(start, TILE)], sos[b])
            return 0

        lax.fori_loop(0, NT // 2, pair_body, 0)

        pltpu.make_async_copy(
            yb0, out_hbm.at[pl.ds(base + (NT - 2) * TILE, TILE)], so0).wait()
        pltpu.make_async_copy(
            yb1, out_hbm.at[pl.ds(base + (NT - 1) * TILE, TILE)], so1).wait()

    return k(x_flat, cu_pad, w)


def kernel(x, cu_seqlens, kernel):
    B, T, D = x.shape
    W = kernel.shape[0]
    x_flat = x[0]
    w = kernel.reshape(W, D).astype(jnp.float32)
    n_starts = cu_seqlens.shape[0] - 1
    CU = 32
    cu_pad = jnp.concatenate(
        [cu_seqlens.astype(jnp.int32),
         jnp.full((CU - cu_seqlens.shape[0],), T, dtype=jnp.int32)])
    y = _sc_conv(x_flat.astype(jnp.float32), cu_pad, w, n_starts)
    return y.astype(x.dtype)[None]

# --- scband reference (transcript-rebuilt; emitter-appended) ---
"""Pipeline reference for scband-short-convolution-5016521802512 (READ-ONLY COPY).

The authoritative reference and input builder live on the scoring server;
editing this copy changes nothing except your own understanding.
"""

import jax, jax.numpy as jnp
import numpy as np

T, D, N, W = 16384, 1024, 16, 4

def setup_inputs(seed: int = 0) -> dict:
    key = jax.random.key(seed)
    k1, k2, k3 = jax.random.split(key, 3)
    x = jax.random.normal(k1, (1, T, D), dtype=jnp.float32)
    inner = jnp.sort(jax.random.randint(k2, (N - 1,), 1, T)).astype(jnp.int32)
    cu_seqlens = jnp.concatenate([jnp.array([0], dtype=jnp.int32), inner, jnp.array([T], dtype=jnp.int32)])
    # flax nnx.Conv depthwise kernel shape: (kernel_size, in_features//groups, out_features) = (W, 1, D)
    kernel = jax.random.normal(k3, (W, 1, D), dtype=jnp.float32) * 0.1
    return {"x": x, "cu_seqlens": cu_seqlens, "kernel": kernel}

def reference(x, cu_seqlens, kernel):
    # Varlen path of ShortConvolution (cache=None, output_final_state=False)
    B, T_, D_ = x.shape
    x_flat = x[0]
    starts = jnp.zeros((T_,), dtype=jnp.bool_)
    starts = starts.at[cu_seqlens[:-1]].set(True)
    seq_ids = jnp.cumsum(starts.astype(jnp.int32)) - 1
    seq_starts = cu_seqlens[seq_ids]
    w_kernel = kernel.reshape(W, D_)
    offsets = jnp.arange(W) - (W - 1)
    positions = jnp.arange(T_)[:, None] + offsets[None, :]
    valid = (positions >= seq_starts[:, None]) & (positions >= 0)
    safe_positions = jnp.clip(positions, 0, T_ - 1)
    windows = x_flat[safe_positions]
    windows = jnp.where(valid[:, :, None], windows, 0.0)
    y_flat = jnp.sum(windows * w_kernel[None, :, :], axis=1)
    y_flat = jax.nn.silu(y_flat.astype(jnp.float32)).astype(x.dtype)
    y = y_flat[None, :, :]
    return y

if __name__ == "__main__":
    import jax
    _d = setup_inputs()
    print(jax.jit(kernel)(*tuple(_d.values())))

</pallas_src>

<mosaic_0001>
#map = affine_map<(d0, d1) -> (0, 0)>
#map1 = affine_map<(d0, d1) -> (0)>
module attributes {stable_mosaic.version = 14 : i64} {
  func.func @k(%arg0: i32, %arg1: i32, %arg2: memref<16384x1024xf32, #tpu.memory_space<hbm>>, %arg3: memref<32xi32, #tpu.memory_space<hbm>>, %arg4: memref<4x1024xf32, #tpu.memory_space<hbm>>, %arg5: memref<16384x1024xf32, #tpu.memory_space<hbm>>, %arg6: memref<24x1024xf32, #tpu.memory_space<vmem>>, %arg7: memref<24x1024xf32, #tpu.memory_space<vmem>>, %arg8: memref<16x1024xf32, #tpu.memory_space<vmem>>, %arg9: memref<16x1024xf32, #tpu.memory_space<vmem>>, %arg10: memref<4x1024xf32, #tpu.memory_space<vmem>>, %arg11: memref<32xi32, #tpu.memory_space<vmem>>, %arg12: memref<!tpu.dma_semaphore, #tpu.memory_space<semaphore_mem>>, %arg13: memref<!tpu.dma_semaphore, #tpu.memory_space<semaphore_mem>>, %arg14: memref<!tpu.dma_semaphore, #tpu.memory_space<semaphore_mem>>, %arg15: memref<!tpu.dma_semaphore, #tpu.memory_space<semaphore_mem>>) attributes {dimension_semantics = [#tpu.dimension_semantics<core_parallel>, #tpu.dimension_semantics<subcore_parallel>], iteration_bounds = array<i64: 2, 16>, scalar_prefetch = 0 : i64, scratch_operands = 10 : i64, tpu.core_type = #tpu.core_type<sc_vector_subcore>, window_params = [{transform_indices = #map}, {transform_indices = #map1}, {transform_indices = #map}, {transform_indices = #map}]} {
    %mul3A = arith.constant 2 : i32
    %mul3A_0 = arith.muli %arg1, %mul3A : i32
    %add3A = arith.addi %mul3A_0, %arg0 : i32
    %mul3A_1 = arith.constant 512 : i32
    %mul3A_2 = arith.muli %add3A, %mul3A_1 : i32
    "tpu.region"() ({
      %run_scoped3A = tpu.sem_alloc : memref<!tpu.dma_semaphore, #tpu.memory_space<semaphore_mem>>
      tpu.enqueue_dma source(%arg4 : memref<4x1024xf32, #tpu.memory_space<hbm>>) target(%arg10 : memref<4x1024xf32, #tpu.memory_space<vmem>>) target_semaphore(%run_scoped3A : memref<!tpu.dma_semaphore, #tpu.memory_space<semaphore_mem>>)
      tpu.wait_dma2 semaphore(%run_scoped3A : memref<!tpu.dma_semaphore, #tpu.memory_space<semaphore_mem>>) src(%arg4 : memref<4x1024xf32, #tpu.memory_space<hbm>>) dst(%arg10 : memref<4x1024xf32, #tpu.memory_space<vmem>>)
      tpu.yield
    }) : () -> ()
    "tpu.region"() ({
      %run_scoped3A = tpu.sem_alloc : memref<!tpu.dma_semaphore, #tpu.memory_space<semaphore_mem>>
      tpu.enqueue_dma source(%arg3 : memref<32xi32, #tpu.memory_space<hbm>>) target(%arg11 : memref<32xi32, #tpu.memory_space<vmem>>) target_semaphore(%run_scoped3A : memref<!tpu.dma_semaphore, #tpu.memory_space<semaphore_mem>>)
      tpu.wait_dma2 semaphore(%run_scoped3A : memref<!tpu.dma_semaphore, #tpu.memory_space<semaphore_mem>>) src(%arg3 : memref<32xi32, #tpu.memory_space<hbm>>) dst(%arg11 : memref<32xi32, #tpu.memory_space<vmem>>)
      tpu.yield
    }) : () -> ()
    %eq3A = arith.constant 0 : i32
    %eq3A_3 = arith.cmpi eq, %add3A, %eq3A : i32
    %convert_element_type3A = arith.extui %eq3A_3 : i1 to i32
    %cond3A = arith.constant 0 : i32
    %cond3A_4 = arith.cmpi ne, %convert_element_type3A, %cond3A : i32
    scf.if %cond3A_4 {
      %broadcast_in_dim3A = arith.constant 0.000000e+00 : f32
      %broadcast_in_dim3A_42 = vector.broadcast %broadcast_in_dim3A : f32 to vector<16xf32>
      %scan3A_43 = arith.constant 0 : i32
      %scan3A_44 = arith.constant 0 : i32
      %scan3A_45 = arith.constant 192 : i32
      %scan3A_46 = arith.addi %scan3A_44, %scan3A_45 : i32
      %scan3A_47 = arith.constant 1 : i32
      %scan3A_48 = scf.for %scan3A_50 = %scan3A_44 to %scan3A_46 step %scan3A_47 iter_args(%scan3A_51 = %scan3A_43) -> (i32)  : i32 {
        %jit3A = arith.constant 64 : i32
        %div3A = arith.divsi %scan3A_50, %jit3A : i32
        %sign3A = arith.constant 0 : i32
        %sign3A_52 = arith.cmpi sgt, %scan3A_50, %sign3A : i32
        %sign3A_53 = arith.extui %sign3A_52 : i1 to i32
        %sign3A_54 = arith.constant 0 : i32
        %sign3A_55 = arith.cmpi slt, %scan3A_50, %sign3A_54 : i32
        %sign3A_56 = arith.extui %sign3A_55 : i1 to i32
        %sign3A_57 = arith.subi %sign3A_53, %sign3A_56 : i32
        %sign3A_58 = arith.constant 0 : i32
        %sign3A_59 = arith.cmpi sgt, %jit3A, %sign3A_58 : i32
        %sign3A_60 = arith.extui %sign3A_59 : i1 to i32
        %sign3A_61 = arith.constant 0 : i32
        %sign3A_62 = arith.cmpi slt, %jit3A, %sign3A_61 : i32
        %sign3A_63 = arith.extui %sign3A_62 : i1 to i32
        %sign3A_64 = arith.subi %sign3A_60, %sign3A_63 : i32
        %ne3A = arith.cmpi ne, %sign3A_57, %sign3A_64 : i32
        %rem3A = arith.remsi %scan3A_50, %jit3A : i32
        %ne3A_65 = arith.constant 0 : i32
        %ne3A_66 = arith.cmpi ne, %rem3A, %ne3A_65 : i32
        %and3A = arith.andi %ne3A, %ne3A_66 : i1
        %sub3A = arith.constant 1 : i32
        %sub3A_67 = arith.subi %div3A, %sub3A : i32
        %select_n3A = arith.select %and3A, %sub3A_67, %div3A : i32
        %add3A_68 = arith.constant 5 : i32
        %add3A_69 = arith.addi %add3A_68, %select_n3A : i32
        %jit3A_70 = arith.constant 64 : i32
        %eq3A_71 = arith.constant 0 : i32
        %eq3A_72 = arith.cmpi eq, %jit3A_70, %eq3A_71 : i32
        %jit3A_73 = arith.constant 1 : i32
        %select_n3A_74 = arith.select %eq3A_72, %jit3A_73, %jit3A_70 : i32
        %rem3A_75 = arith.remsi %scan3A_50, %select_n3A_74 : i32
        %ne3A_76 = arith.constant 0 : i32
        %ne3A_77 = arith.cmpi ne, %rem3A_75, %ne3A_76 : i32
        %lt3A = arith.constant 0 : i32
        %lt3A_78 = arith.cmpi slt, %rem3A_75, %lt3A : i32
        %lt3A_79 = arith.constant 0 : i32
        %lt3A_80 = arith.cmpi slt, %select_n3A_74, %lt3A_79 : i32
        %ne3A_81 = arith.xori %lt3A_78, %lt3A_80 : i1
        %and3A_82 = arith.andi %ne3A_81, %ne3A_77 : i1
        %add3A_83 = arith.addi %rem3A_75, %select_n3A_74 : i32
        %select_n3A_84 = arith.select %and3A_82, %add3A_83, %rem3A_75 : i32
        %mul3A_85 = arith.constant 16 : i32
        %mul3A_86 = arith.muli %select_n3A_84, %mul3A_85 : i32
        %swap3A = arith.index_cast %add3A_69 : i32 to index
        %swap3A_87 = arith.index_cast %mul3A_86 : i32 to index
        %swap3A_88 = tpu.vector_load %arg6[%swap3A, %swap3A_87] {strides = array<i32>} : memref<24x1024xf32, #tpu.memory_space<vmem>>, vector<1x16xf32>,
        %swap3A_89 = vector.shape_cast %swap3A_88 : vector<1x16xf32> to vector<16xf32>
        %swap3A_90 = vector.shape_cast %broadcast_in_dim3A_42 : vector<16xf32> to vector<1x16xf32>
        tpu.vector_store %arg6[%swap3A, %swap3A_87], %swap3A_90 {strides = array<i32>} : memref<24x1024xf32, #tpu.memory_space<vmem>>, vector<1x16xf32>,
        %scan3A_91 = arith.constant 0 : i32
        scf.yield %scan3A_91 : i32
      }
      %scan3A_49 = arith.constant 192 : i32
    } else {
    }
    %gt3A = arith.constant 0 : i32
    %gt3A_5 = arith.cmpi sgt, %add3A, %gt3A : i32
    %convert_element_type3A_6 = arith.extui %gt3A_5 : i1 to i32
    %cond3A_7 = arith.constant 0 : i32
    %cond3A_8 = arith.cmpi ne, %convert_element_type3A_6, %cond3A_7 : i32
    scf.if %cond3A_8 {
      %sub3A = arith.constant 8 : i32
      %sub3A_42 = arith.subi %mul3A_2, %sub3A : i32
      "tpu.region"() ({
        %run_scoped3A = tpu.sem_alloc : memref<!tpu.dma_semaphore, #tpu.memory_space<semaphore_mem>>
        %dma_start3A_43 = arith.constant 0 : i32
        %dma_start3A_44 = arith.constant 0 : i32
        %dma_start3A_45 = tpu.memref_slice %arg6[%dma_start3A_43, %dma_start3A_44] : memref<24x1024xf32, #tpu.memory_space<vmem>> -> memref<8x1024xf32, #tpu.memory_space<vmem>>
        %dma_start3A_46 = arith.constant 0 : i32
        %dma_start3A_47 = tpu.memref_slice %arg2[%sub3A_42, %dma_start3A_46] : memref<16384x1024xf32, #tpu.memory_space<hbm>> -> memref<8x1024xf32, #tpu.memory_space<hbm>>
        %dma_start3A_48 = arith.constant 0 : i32
        %dma_start3A_49 = arith.constant 0 : i32
        %dma_start3A_50 = tpu.memref_slice %arg6[%dma_start3A_48, %dma_start3A_49] : memref<24x1024xf32, #tpu.memory_space<vmem>> -> memref<8x1024xf32, #tpu.memory_space<vmem>>
        %dma_start3A_51 = arith.constant 0 : i32
        %dma_start3A_52 = tpu.memref_slice %arg2[%sub3A_42, %dma_start3A_51] : memref<16384x1024xf32, #tpu.memory_space<hbm>> -> memref<8x1024xf32, #tpu.memory_space<hbm>>
        tpu.enqueue_dma source(%dma_start3A_52 : memref<8x1024xf32, #tpu.memory_space<hbm>>) target(%dma_start3A_50 : memref<8x1024xf32, #tpu.memory_space<vmem>>) target_semaphore(%run_scoped3A : memref<!tpu.dma_semaphore, #tpu.memory_space<semaphore_mem>>)
        %dma_wait3A_53 = arith.constant 0 : i32
        %dma_wait3A_54 = arith.constant 0 : i32
        %dma_wait3A_55 = tpu.memref_slice %arg6[%dma_wait3A_53, %dma_wait3A_54] : memref<24x1024xf32, #tpu.memory_space<vmem>> -> memref<8x1024xf32, #tpu.memory_space<vmem>>
        %dma_wait3A_56 = arith.constant 0 : i32
        %dma_wait3A_57 = tpu.memref_slice %arg2[%sub3A_42, %dma_wait3A_56] : memref<16384x1024xf32, #tpu.memory_space<hbm>> -> memref<8x1024xf32, #tpu.memory_space<hbm>>
        %dma_wait3A_58 = arith.constant 0 : i32
        %dma_wait3A_59 = arith.constant 0 : i32
        %dma_wait3A_60 = tpu.memref_slice %arg6[%dma_wait3A_58, %dma_wait3A_59] : memref<24x1024xf32, #tpu.memory_space<vmem>> -> memref<8x1024xf32, #tpu.memory_space<vmem>>
        %dma_wait3A_61 = arith.constant 0 : i32
        %dma_wait3A_62 = tpu.memref_slice %arg2[%sub3A_42, %dma_wait3A_61] : memref<16384x1024xf32, #tpu.memory_space<hbm>> -> memref<8x1024xf32, #tpu.memory_space<hbm>>
        tpu.wait_dma2 semaphore(%run_scoped3A : memref<!tpu.dma_semaphore, #tpu.memory_space<semaphore_mem>>) src(%dma_wait3A_62 : memref<8x1024xf32, #tpu.memory_space<hbm>>) dst(%dma_wait3A_60 : memref<8x1024xf32, #tpu.memory_space<vmem>>)
        tpu.yield
      }) : () -> ()
    } else {
    }
    %dma_start3A = arith.constant 8 : i32
    %dma_start3A_9 = arith.constant 0 : i32
    %dma_start3A_10 = tpu.memref_slice %arg6[%dma_start3A, %dma_start3A_9] : memref<24x1024xf32, #tpu.memory_space<vmem>> -> memref<16x1024xf32, #tpu.memory_space<vmem>>
    %dma_start3A_11 = arith.constant 0 : i32
    %dma_start3A_12 = tpu.memref_slice %arg2[%mul3A_2, %dma_start3A_11] : memref<16384x1024xf32, #tpu.memory_space<hbm>> -> memref<16x1024xf32, #tpu.memory_space<hbm>>
    %dma_start3A_13 = arith.constant 8 : i32
    %dma_start3A_14 = arith.constant 0 : i32
    %dma_start3A_15 = tpu.memref_slice %arg6[%dma_start3A_13, %dma_start3A_14] : memref<24x1024xf32, #tpu.memory_space<vmem>> -> memref<16x1024xf32, #tpu.memory_space<vmem>>
    %dma_start3A_16 = arith.constant 0 : i32
    %dma_start3A_17 = tpu.memref_slice %arg2[%mul3A_2, %dma_start3A_16] : memref<16384x1024xf32, #tpu.memory_space<hbm>> -> memref<16x1024xf32, #tpu.memory_space<hbm>>
    tpu.enqueue_dma source(%dma_start3A_17 : memref<16x1024xf32, #tpu.memory_space<hbm>>) target(%dma_start3A_15 : memref<16x1024xf32, #tpu.memory_space<vmem>>) target_semaphore(%arg12 : memref<!tpu.dma_semaphore, #tpu.memory_space<semaphore_mem>>)
    %scan3A = arith.constant 0 : i32
    %scan3A_18 = arith.constant 1 : i32
    %scan3A_19 = arith.constant 15 : i32
    %scan3A_20 = arith.addi %scan3A_18, %scan3A_19 : i32
    %scan3A_21 = arith.constant 1 : i32
    %scan3A_22 = scf.for %scan3A_42 = %scan3A_18 to %scan3A_20 step %scan3A_21 iter_args(%scan3A_43 = %scan3A) -> (i32)  : i32 {
      %get3A = arith.index_cast %scan3A_42 : i32 to index
      %get3A_44 = tpu.vector_load %arg11[%get3A] {strides = array<i32>} : memref<32xi32, #tpu.memory_space<vmem>>, vector<16xi32>,
      %get3A_45 = vector.shape_cast %get3A_44 : vector<16xi32> to vector<16xi32>
      %slice3A = vector.extract_strided_slice %get3A_45 {offsets = [0], sizes = [1], strides = [1]} : vector<16xi32> to vector<1xi32>
      %squeeze3A = vector.extract %slice3A[0] : i32 from vector<1xi32>
      %add3A_46 = arith.constant 0 : i32
      %add3A_47 = arith.addi %squeeze3A, %add3A_46 : i32
      %sub3A = arith.subi %add3A_47, %mul3A_2 : i32
      %ge3A = arith.constant 0 : i32
      %ge3A_48 = arith.cmpi sge, %sub3A, %ge3A : i32
      %lt3A = arith.constant 512 : i32
      %lt3A_49 = arith.cmpi slt, %sub3A, %lt3A : i32
      %and3A = arith.andi %ge3A_48, %lt3A_49 : i1
      %jit3A = arith.constant 16 : i32
      %div3A = arith.divsi %sub3A, %jit3A : i32
      %sign3A = arith.constant 0 : i32
      %sign3A_50 = arith.cmpi sgt, %sub3A, %sign3A : i32
      %sign3A_51 = arith.extui %sign3A_50 : i1 to i32
      %sign3A_52 = arith.constant 0 : i32
      %sign3A_53 = arith.cmpi slt, %sub3A, %sign3A_52 : i32
      %sign3A_54 = arith.extui %sign3A_53 : i1 to i32
      %sign3A_55 = arith.subi %sign3A_51, %sign3A_54 : i32
      %sign3A_56 = arith.constant 0 : i32
      %sign3A_57 = arith.cmpi sgt, %jit3A, %sign3A_56 : i32
      %sign3A_58 = arith.extui %sign3A_57 : i1 to i32
      %sign3A_59 = arith.constant 0 : i32
      %sign3A_60 = arith.cmpi slt, %jit3A, %sign3A_59 : i32
      %sign3A_61 = arith.extui %sign3A_60 : i1 to i32
      %sign3A_62 = arith.subi %sign3A_58, %sign3A_61 : i32
      %ne3A = arith.cmpi ne, %sign3A_55, %sign3A_62 : i32
      %rem3A = arith.remsi %sub3A, %jit3A : i32
      %ne3A_63 = arith.constant 0 : i32
      %ne3A_64 = arith.cmpi ne, %rem3A, %ne3A_63 : i32
      %and3A_65 = arith.andi %ne3A, %ne3A_64 : i1
      %sub3A_66 = arith.constant 1 : i32
      %sub3A_67 = arith.subi %div3A, %sub3A_66 : i32
      %select_n3A = arith.select %and3A_65, %sub3A_67, %div3A : i32
      %shift_left3A = arith.constant 1 : i32
      %shift_left3A_68 = arith.shli %shift_left3A, %select_n3A : i32
      %jit3A_69 = arith.constant 0 : i32
      %select_n3A_70 = arith.select %and3A, %shift_left3A_68, %jit3A_69 : i32
      %or3A = arith.ori %scan3A_43, %select_n3A_70 : i32
      %add3A_71 = arith.constant 1 : i32
      %add3A_72 = arith.addi %squeeze3A, %add3A_71 : i32
      %sub3A_73 = arith.subi %add3A_72, %mul3A_2 : i32
      %ge3A_74 = arith.constant 0 : i32
      %ge3A_75 = arith.cmpi sge, %sub3A_73, %ge3A_74 : i32
      %lt3A_76 = arith.constant 512 : i32
      %lt3A_77 = arith.cmpi slt, %sub3A_73, %lt3A_76 : i32
      %and3A_78 = arith.andi %ge3A_75, %lt3A_77 : i1
      %jit3A_79 = arith.constant 16 : i32
      %div3A_80 = arith.divsi %sub3A_73, %jit3A_79 : i32
      %sign3A_81 = arith.constant 0 : i32
      %sign3A_82 = arith.cmpi sgt, %sub3A_73, %sign3A_81 : i32
      %sign3A_83 = arith.extui %sign3A_82 : i1 to i32
      %sign3A_84 = arith.constant 0 : i32
      %sign3A_85 = arith.cmpi slt, %sub3A_73, %sign3A_84 : i32
      %sign3A_86 = arith.extui %sign3A_85 : i1 to i32
      %sign3A_87 = arith.subi %sign3A_83, %sign3A_86 : i32
      %sign3A_88 = arith.constant 0 : i32
      %sign3A_89 = arith.cmpi sgt, %jit3A_79, %sign3A_88 : i32
      %sign3A_90 = arith.extui %sign3A_89 : i1 to i32
      %sign3A_91 = arith.constant 0 : i32
      %sign3A_92 = arith.cmpi slt, %jit3A_79, %sign3A_91 : i32
      %sign3A_93 = arith.extui %sign3A_92 : i1 to i32
      %sign3A_94 = arith.subi %sign3A_90, %sign3A_93 : i32
      %ne3A_95 = arith.cmpi ne, %sign3A_87, %sign3A_94 : i32
      %rem3A_96 = arith.remsi %sub3A_73, %jit3A_79 : i32
      %ne3A_97 = arith.constant 0 : i32
      %ne3A_98 = arith.cmpi ne, %rem3A_96, %ne3A_97 : i32
      %and3A_99 = arith.andi %ne3A_95, %ne3A_98 : i1
      %sub3A_100 = arith.constant 1 : i32
      %sub3A_101 = arith.subi %div3A_80, %sub3A_100 : i32
      %select_n3A_102 = arith.select %and3A_99, %sub3A_101, %div3A_80 : i32
      %shift_left3A_103 = arith.constant 1 : i32
      %shift_left3A_104 = arith.shli %shift_left3A_103, %select_n3A_102 : i32
      %jit3A_105 = arith.constant 0 : i32
      %select_n3A_106 = arith.select %and3A_78, %shift_left3A_104, %jit3A_105 : i32
      %or3A_107 = arith.ori %or3A, %select_n3A_106 : i32
      %add3A_108 = arith.constant 2 : i32
      %add3A_109 = arith.addi %squeeze3A, %add3A_108 : i32
      %sub3A_110 = arith.subi %add3A_109, %mul3A_2 : i32
      %ge3A_111 = arith.constant 0 : i32
      %ge3A_112 = arith.cmpi sge, %sub3A_110, %ge3A_111 : i32
      %lt3A_113 = arith.constant 512 : i32
      %lt3A_114 = arith.cmpi slt, %sub3A_110, %lt3A_113 : i32
      %and3A_115 = arith.andi %ge3A_112, %lt3A_114 : i1
      %jit3A_116 = arith.constant 16 : i32
      %div3A_117 = arith.divsi %sub3A_110, %jit3A_116 : i32
      %sign3A_118 = arith.constant 0 : i32
      %sign3A_119 = arith.cmpi sgt, %sub3A_110, %sign3A_118 : i32
      %sign3A_120 = arith.extui %sign3A_119 : i1 to i32
      %sign3A_121 = arith.constant 0 : i32
      %sign3A_122 = arith.cmpi slt, %sub3A_110, %sign3A_121 : i32
      %sign3A_123 = arith.extui %sign3A_122 : i1 to i32
      %sign3A_124 = arith.subi %sign3A_120, %sign3A_123 : i32
      %sign3A_125 = arith.constant 0 : i32
      %sign3A_126 = arith.cmpi sgt, %jit3A_116, %sign3A_125 : i32
      %sign3A_127 = arith.extui %sign3A_126 : i1 to i32
      %sign3A_128 = arith.constant 0 : i32
      %sign3A_129 = arith.cmpi slt, %jit3A_116, %sign3A_128 : i32
      %sign3A_130 = arith.extui %sign3A_129 : i1 to i32
      %sign3A_131 = arith.subi %sign3A_127, %sign3A_130 : i32
      %ne3A_132 = arith.cmpi ne, %sign3A_124, %sign3A_131 : i32
      %rem3A_133 = arith.remsi %sub3A_110, %jit3A_116 : i32
      %ne3A_134 = arith.constant 0 : i32
      %ne3A_135 = arith.cmpi ne, %rem3A_133, %ne3A_134 : i32
      %and3A_136 = arith.andi %ne3A_132, %ne3A_135 : i1
      %sub3A_137 = arith.constant 1 : i32
      %sub3A_138 = arith.subi %div3A_117, %sub3A_137 : i32
      %select_n3A_139 = arith.select %and3A_136, %sub3A_138, %div3A_117 : i32
      %shift_left3A_140 = arith.constant 1 : i32
      %shift_left3A_141 = arith.shli %shift_left3A_140, %select_n3A_139 : i32
      %jit3A_142 = arith.constant 0 : i32
      %select_n3A_143 = arith.select %and3A_115, %shift_left3A_141, %jit3A_142 : i32
      %or3A_144 = arith.ori %or3A_107, %select_n3A_143 : i32
      scf.yield %or3A_144 : i32
    }
    %scan3A_23 = arith.constant 15 : i32
    %scan3A_24 = arith.constant 0 : i32
    %scan3A_25 = arith.constant 0 : i32
    %scan3A_26 = arith.constant 16 : i32
    %scan3A_27 = arith.addi %scan3A_25, %scan3A_26 : i32
    %scan3A_28 = arith.constant 1 : i32
    %scan3A_29 = scf.for %scan3A_42 = %scan3A_25 to %scan3A_27 step %scan3A_28 iter_args(%scan3A_43 = %scan3A_24) -> (i32)  : i32 {
      %mul3A_44 = arith.constant 2 : i32
      %mul3A_45 = arith.muli %scan3A_42, %mul3A_44 : i32
      %add3A_46 = arith.constant 0 : i32
      %add3A_47 = arith.addi %mul3A_45, %add3A_46 : i32
      %mul3A_48 = arith.constant 16 : i32
      %mul3A_49 = arith.muli %add3A_47, %mul3A_48 : i32
      %add3A_50 = arith.addi %mul3A_2, %mul3A_49 : i32
      %add3A_51 = arith.constant 1 : i32
      %add3A_52 = arith.addi %add3A_47, %add3A_51 : i32
      %lt3A = arith.constant 32 : i32
      %lt3A_53 = arith.cmpi slt, %add3A_52, %lt3A : i32
      %convert_element_type3A_54 = arith.extui %lt3A_53 : i1 to i32
      %cond3A_55 = arith.constant 0 : i32
      %cond3A_56 = arith.cmpi ne, %convert_element_type3A_54, %cond3A_55 : i32
      scf.if %cond3A_56 {
        %add3A_127 = arith.constant 16 : i32
        %add3A_128 = arith.addi %add3A_50, %add3A_127 : i32
        %dma_start3A_129 = arith.constant 8 : i32
        %dma_start3A_130 = arith.constant 0 : i32
        %dma_start3A_131 = tpu.memref_slice %arg7[%dma_start3A_129, %dma_start3A_130] : memref<24x1024xf32, #tpu.memory_space<vmem>> -> memref<16x1024xf32, #tpu.memory_space<vmem>>
        %dma_start3A_132 = arith.constant 0 : i32
        %dma_start3A_133 = tpu.memref_slice %arg2[%add3A_128, %dma_start3A_132] : memref<16384x1024xf32, #tpu.memory_space<hbm>> -> memref<16x1024xf32, #tpu.memory_space<hbm>>
        %dma_start3A_134 = arith.constant 8 : i32
        %dma_start3A_135 = arith.constant 0 : i32
        %dma_start3A_136 = tpu.memref_slice %arg7[%dma_start3A_134, %dma_start3A_135] : memref<24x1024xf32, #tpu.memory_space<vmem>> -> memref<16x1024xf32, #tpu.memory_space<vmem>>
        %dma_start3A_137 = arith.constant 0 : i32
        %dma_start3A_138 = tpu.memref_slice %arg2[%add3A_128, %dma_start3A_137] : memref<16384x1024xf32, #tpu.memory_space<hbm>> -> memref<16x1024xf32, #tpu.memory_space<hbm>>
        tpu.enqueue_dma source(%dma_start3A_138 : memref<16x1024xf32, #tpu.memory_space<hbm>>) target(%dma_start3A_136 : memref<16x1024xf32, #tpu.memory_space<vmem>>) target_semaphore(%arg13 : memref<!tpu.dma_semaphore, #tpu.memory_space<semaphore_mem>>)
      } else {
      }
      %dma_wait3A_57 = arith.constant 8 : i32
      %dma_wait3A_58 = arith.constant 0 : i32
      %dma_wait3A_59 = tpu.memref_slice %arg6[%dma_wait3A_57, %dma_wait3A_58] : memref<24x1024xf32, #tpu.memory_space<vmem>> -> memref<16x1024xf32, #tpu.memory_space<vmem>>
      %dma_wait3A_60 = arith.constant 0 : i32
      %dma_wait3A_61 = tpu.memref_slice %arg2[%add3A_50, %dma_wait3A_60] : memref<16384x1024xf32, #tpu.memory_space<hbm>> -> memref<16x1024xf32, #tpu.memory_space<hbm>>
      %dma_wait3A_62 = arith.constant 8 : i32
      %dma_wait3A_63 = arith.constant 0 : i32
      %dma_wait3A_64 = tpu.memref_slice %arg6[%dma_wait3A_62, %dma_wait3A_63] : memref<24x1024xf32, #tpu.memory_space<vmem>> -> memref<16x1024xf32, #tpu.memory_space<vmem>>
      %dma_wait3A_65 = arith.constant 0 : i32
      %dma_wait3A_66 = tpu.memref_slice %arg2[%add3A_50, %dma_wait3A_65] : memref<16384x1024xf32, #tpu.memory_space<hbm>> -> memref<16x1024xf32, #tpu.memory_space<hbm>>
      tpu.wait_dma2 semaphore(%arg12 : memref<!tpu.dma_semaphore, #tpu.memory_space<semaphore_mem>>) src(%dma_wait3A_66 : memref<16x1024xf32, #tpu.memory_space<hbm>>) dst(%dma_wait3A_64 : memref<16x1024xf32, #tpu.memory_space<vmem>>)
      %ge3A = arith.constant 2 : i32
      %ge3A_67 = arith.cmpi sge, %add3A_47, %ge3A : i32
      %convert_element_type3A_68 = arith.extui %ge3A_67 : i1 to i32
      %cond3A_69 = arith.constant 0 : i32
      %cond3A_70 = arith.cmpi ne, %convert_element_type3A_68, %cond3A_69 : i32
      scf.if %cond3A_70 {
        %sub3A = arith.constant 32 : i32
        %sub3A_127 = arith.subi %add3A_50, %sub3A : i32
        %dma_wait3A_128 = arith.constant 0 : i32
        %dma_wait3A_129 = tpu.memref_slice %arg5[%sub3A_127, %dma_wait3A_128] : memref<16384x1024xf32, #tpu.memory_space<hbm>> -> memref<16x1024xf32, #tpu.memory_space<hbm>>
        %dma_wait3A_130 = arith.constant 0 : i32
        %dma_wait3A_131 = tpu.memref_slice %arg5[%sub3A_127, %dma_wait3A_130] : memref<16384x1024xf32, #tpu.memory_space<hbm>> -> memref<16x1024xf32, #tpu.memory_space<hbm>>
        tpu.wait_dma2 semaphore(%arg14 : memref<!tpu.dma_semaphore, #tpu.memory_space<semaphore_mem>>) src(%arg8 : memref<16x1024xf32, #tpu.memory_space<vmem>>) dst(%dma_wait3A_131 : memref<16x1024xf32, #tpu.memory_space<hbm>>)
      } else {
      }
      %parallel_loop3A = arith.constant 0 : i32
      %parallel_loop3A_71 = arith.constant 64 : i32
      %parallel_loop3A_72 = arith.constant 1 : i32
      scf.for %parallel_loop3A_127 = %parallel_loop3A to %parallel_loop3A_71 step %parallel_loop3A_72  : i32 {
        %parallel_loop3A_128 = arith.constant 16 : i32
        %parallel_loop3A_129 = arith.muli %parallel_loop3A_127, %parallel_loop3A_128 : i32
        %parallel_loop3A_130 = arith.constant 0 : i32
        %parallel_loop3A_131 = arith.index_cast %parallel_loop3A_130 : i32 to index
        %parallel_loop3A_132 = arith.index_cast %parallel_loop3A_129 : i32 to index
        %parallel_loop3A_133 = tpu.vector_load %arg10[%parallel_loop3A_131, %parallel_loop3A_132] {strides = array<i32>} : memref<4x1024xf32, #tpu.memory_space<vmem>>, vector<1x16xf32>,
        %parallel_loop3A_134 = vector.shape_cast %parallel_loop3A_133 : vector<1x16xf32> to vector<16xf32>
        %parallel_loop3A_135 = arith.constant 1 : i32
        %parallel_loop3A_136 = arith.index_cast %parallel_loop3A_135 : i32 to index
        %parallel_loop3A_137 = arith.index_cast %parallel_loop3A_129 : i32 to index
        %parallel_loop3A_138 = tpu.vector_load %arg10[%parallel_loop3A_136, %parallel_loop3A_137] {strides = array<i32>} : memref<4x1024xf32, #tpu.memory_space<vmem>>, vector<1x16xf32>,
        %parallel_loop3A_139 = vector.shape_cast %parallel_loop3A_138 : vector<1x16xf32> to vector<16xf32>
        %parallel_loop3A_140 = arith.constant 2 : i32
        %parallel_loop3A_141 = arith.index_cast %parallel_loop3A_140 : i32 to index
        %parallel_loop3A_142 = arith.index_cast %parallel_loop3A_129 : i32 to index
        %parallel_loop3A_143 = tpu.vector_load %arg10[%parallel_loop3A_141, %parallel_loop3A_142] {strides = array<i32>} : memref<4x1024xf32, #tpu.memory_space<vmem>>, vector<1x16xf32>,
        %parallel_loop3A_144 = vector.shape_cast %parallel_loop3A_143 : vector<1x16xf32> to vector<16xf32>
        %parallel_loop3A_145 = arith.constant 3 : i32
        %parallel_loop3A_146 = arith.index_cast %parallel_loop3A_145 : i32 to index
        %parallel_loop3A_147 = arith.index_cast %parallel_loop3A_129 : i32 to index
        %parallel_loop3A_148 = tpu.vector_load %arg10[%parallel_loop3A_146, %parallel_loop3A_147] {strides = array<i32>} : memref<4x1024xf32, #tpu.memory_space<vmem>>, vector<1x16xf32>,
        %parallel_loop3A_149 = vector.shape_cast %parallel_loop3A_148 : vector<1x16xf32> to vector<16xf32>
        %parallel_loop3A_150 = arith.constant 5 : i32
        %parallel_loop3A_151 = arith.index_cast %parallel_loop3A_150 : i32 to index
        %parallel_loop3A_152 = arith.index_cast %parallel_loop3A_129 : i32 to index
        %parallel_loop3A_153 = tpu.vector_load %arg6[%parallel_loop3A_151, %parallel_loop3A_152] {strides = array<i32>} : memref<24x1024xf32, #tpu.memory_space<vmem>>, vector<1x16xf32>,
        %parallel_loop3A_154 = vector.shape_cast %parallel_loop3A_153 : vector<1x16xf32> to vector<16xf32>
        %parallel_loop3A_155 = arith.constant 6 : i32
        %parallel_loop3A_156 = arith.index_cast %parallel_loop3A_155 : i32 to index
        %parallel_loop3A_157 = arith.index_cast %parallel_loop3A_129 : i32 to index
        %parallel_loop3A_158 = tpu.vector_load %arg6[%parallel_loop3A_156, %parallel_loop3A_157] {strides = array<i32>} : memref<24x1024xf32, #tpu.memory_space<vmem>>, vector<1x16xf32>,
        %parallel_loop3A_159 = vector.shape_cast %parallel_loop3A_158 : vector<1x16xf32> to vector<16xf32>
        %parallel_loop3A_160 = arith.constant 7 : i32
        %parallel_loop3A_161 = arith.index_cast %parallel_loop3A_160 : i32 to index
        %parallel_loop3A_162 = arith.index_cast %parallel_loop3A_129 : i32 to index
        %parallel_loop3A_163 = tpu.vector_load %arg6[%parallel_loop3A_161, %parallel_loop3A_162] {strides = array<i32>} : memref<24x1024xf32, #tpu.memory_space<vmem>>, vector<1x16xf32>,
        %parallel_loop3A_164 = vector.shape_cast %parallel_loop3A_163 : vector<1x16xf32> to vector<16xf32>
        %parallel_loop3A_165 = arith.constant 8 : i32
        %parallel_loop3A_166 = arith.index_cast %parallel_loop3A_165 : i32 to index
        %parallel_loop3A_167 = arith.index_cast %parallel_loop3A_129 : i32 to index
        %parallel_loop3A_168 = tpu.vector_load %arg6[%parallel_loop3A_166, %parallel_loop3A_167] {strides = array<i32>} : memref<24x1024xf32, #tpu.memory_space<vmem>>, vector<1x16xf32>,
        %parallel_loop3A_169 = vector.shape_cast %parallel_loop3A_168 : vector<1x16xf32> to vector<16xf32>
        %parallel_loop3A_170 = arith.constant 9 : i32
        %parallel_loop3A_171 = arith.index_cast %parallel_loop3A_170 : i32 to index
        %parallel_loop3A_172 = arith.index_cast %parallel_loop3A_129 : i32 to index
        %parallel_loop3A_173 = tpu.vector_load %arg6[%parallel_loop3A_171, %parallel_loop3A_172] {strides = array<i32>} : memref<24x1024xf32, #tpu.memory_space<vmem>>, vector<1x16xf32>,
        %parallel_loop3A_174 = vector.shape_cast %parallel_loop3A_173 : vector<1x16xf32> to vector<16xf32>
        %parallel_loop3A_175 = arith.constant 10 : i32
        %parallel_loop3A_176 = arith.index_cast %parallel_loop3A_175 : i32 to index
        %parallel_loop3A_177 = arith.index_cast %parallel_loop3A_129 : i32 to index
        %parallel_loop3A_178 = tpu.vector_load %arg6[%parallel_loop3A_176, %parallel_loop3A_177] {strides = array<i32>} : memref<24x1024xf32, #tpu.memory_space<vmem>>, vector<1x16xf32>,
        %parallel_loop3A_179 = vector.shape_cast %parallel_loop3A_178 : vector<1x16xf32> to vector<16xf32>
        %parallel_loop3A_180 = arith.constant 11 : i32
        %parallel_loop3A_181 = arith.index_cast %parallel_loop3A_180 : i32 to index
        %parallel_loop3A_182 = arith.index_cast %parallel_loop3A_129 : i32 to index
        %parallel_loop3A_183 = tpu.vector_load %arg6[%parallel_loop3A_181, %parallel_loop3A_182] {strides = array<i32>} : memref<24x1024xf32, #tpu.memory_space<vmem>>, vector<1x16xf32>,
        %parallel_loop3A_184 = vector.shape_cast %parallel_loop3A_183 : vector<1x16xf32> to vector<16xf32>
        %parallel_loop3A_185 = arith.constant 12 : i32
        %parallel_loop3A_186 = arith.index_cast %parallel_loop3A_185 : i32 to index
        %parallel_loop3A_187 = arith.index_cast %parallel_loop3A_129 : i32 to index
        %parallel_loop3A_188 = tpu.vector_load %arg6[%parallel_loop3A_186, %parallel_loop3A_187] {strides = array<i32>} : memref<24x1024xf32, #tpu.memory_space<vmem>>, vector<1x16xf32>,
        %parallel_loop3A_189 = vector.shape_cast %parallel_loop3A_188 : vector<1x16xf32> to vector<16xf32>
        %parallel_loop3A_190 = arith.constant 13 : i32
        %parallel_loop3A_191 = arith.index_cast %parallel_loop3A_190 : i32 to index
        %parallel_loop3A_192 = arith.index_cast %parallel_loop3A_129 : i32 to index
        %parallel_loop3A_193 = tpu.vector_load %arg6[%parallel_loop3A_191, %parallel_loop3A_192] {strides = array<i32>} : memref<24x1024xf32, #tpu.memory_space<vmem>>, vector<1x16xf32>,
        %parallel_loop3A_194 = vector.shape_cast %parallel_loop3A_193 : vector<1x16xf32> to vector<16xf32>
        %parallel_loop3A_195 = arith.constant 14 : i32
        %parallel_loop3A_196 = arith.index_cast %parallel_loop3A_195 : i32 to index
        %parallel_loop3A_197 = arith.index_cast %parallel_loop3A_129 : i32 to index
        %parallel_loop3A_198 = tpu.vector_load %arg6[%parallel_loop3A_196, %parallel_loop3A_197] {strides = array<i32>} : memref<24x1024xf32, #tpu.memory_space<vmem>>, vector<1x16xf32>,
        %parallel_loop3A_199 = vector.shape_cast %parallel_loop3A_198 : vector<1x16xf32> to vector<16xf32>
        %parallel_loop3A_200 = arith.constant 15 : i32
        %parallel_loop3A_201 = arith.index_cast %parallel_loop3A_200 : i32 to index
        %parallel_loop3A_202 = arith.index_cast %parallel_loop3A_129 : i32 to index
        %parallel_loop3A_203 = tpu.vector_load %arg6[%parallel_loop3A_201, %parallel_loop3A_202] {strides = array<i32>} : memref<24x1024xf32, #tpu.memory_space<vmem>>, vector<1x16xf32>,
        %parallel_loop3A_204 = vector.shape_cast %parallel_loop3A_203 : vector<1x16xf32> to vector<16xf32>
        %parallel_loop3A_205 = arith.constant 16 : i32
        %parallel_loop3A_206 = arith.index_cast %parallel_loop3A_205 : i32 to index
        %parallel_loop3A_207 = arith.index_cast %parallel_loop3A_129 : i32 to index
        %parallel_loop3A_208 = tpu.vector_load %arg6[%parallel_loop3A_206, %parallel_loop3A_207] {strides = array<i32>} : memref<24x1024xf32, #tpu.memory_space<vmem>>, vector<1x16xf32>,
        %parallel_loop3A_209 = vector.shape_cast %parallel_loop3A_208 : vector<1x16xf32> to vector<16xf32>
        %parallel_loop3A_210 = arith.constant 17 : i32
        %parallel_loop3A_211 = arith.index_cast %parallel_loop3A_210 : i32 to index
        %parallel_loop3A_212 = arith.index_cast %parallel_loop3A_129 : i32 to index
        %parallel_loop3A_213 = tpu.vector_load %arg6[%parallel_loop3A_211, %parallel_loop3A_212] {strides = array<i32>} : memref<24x1024xf32, #tpu.memory_space<vmem>>, vector<1x16xf32>,
        %parallel_loop3A_214 = vector.shape_cast %parallel_loop3A_213 : vector<1x16xf32> to vector<16xf32>
        %parallel_loop3A_215 = arith.constant 18 : i32
        %parallel_loop3A_216 = arith.index_cast %parallel_loop3A_215 : i32 to index
        %parallel_loop3A_217 = arith.index_cast %parallel_loop3A_129 : i32 to index
        %parallel_loop3A_218 = tpu.vector_load %arg6[%parallel_loop3A_216, %parallel_loop3A_217] {strides = array<i32>} : memref<24x1024xf32, #tpu.memory_space<vmem>>, vector<1x16xf32>,
        %parallel_loop3A_219 = vector.shape_cast %parallel_loop3A_218 : vector<1x16xf32> to vector<16xf32>
        %parallel_loop3A_220 = arith.constant 19 : i32
        %parallel_loop3A_221 = arith.index_cast %parallel_loop3A_220 : i32 to index
        %parallel_loop3A_222 = arith.index_cast %parallel_loop3A_129 : i32 to index
        %parallel_loop3A_223 = tpu.vector_load %arg6[%parallel_loop3A_221, %parallel_loop3A_222] {strides = array<i32>} : memref<24x1024xf32, #tpu.memory_space<vmem>>, vector<1x16xf32>,
        %parallel_loop3A_224 = vector.shape_cast %parallel_loop3A_223 : vector<1x16xf32> to vector<16xf32>
        %parallel_loop3A_225 = arith.constant 20 : i32
        %parallel_loop3A_226 = arith.index_cast %parallel_loop3A_225 : i32 to index
        %parallel_loop3A_227 = arith.index_cast %parallel_loop3A_129 : i32 to index
        %parallel_loop3A_228 = tpu.vector_load %arg6[%parallel_loop3A_226, %parallel_loop3A_227] {strides = array<i32>} : memref<24x1024xf32, #tpu.memory_space<vmem>>, vector<1x16xf32>,
        %parallel_loop3A_229 = vector.shape_cast %parallel_loop3A_228 : vector<1x16xf32> to vector<16xf32>
        %parallel_loop3A_230 = arith.constant 21 : i32
        %parallel_loop3A_231 = arith.index_cast %parallel_loop3A_230 : i32 to index
        %parallel_loop3A_232 = arith.index_cast %parallel_loop3A_129 : i32 to index
        %parallel_loop3A_233 = tpu.vector_load %arg6[%parallel_loop3A_231, %parallel_loop3A_232] {strides = array<i32>} : memref<24x1024xf32, #tpu.memory_space<vmem>>, vector<1x16xf32>,
        %parallel_loop3A_234 = vector.shape_cast %parallel_loop3A_233 : vector<1x16xf32> to vector<16xf32>
        %parallel_loop3A_235 = arith.constant 22 : i32
        %parallel_loop3A_236 = arith.index_cast %parallel_loop3A_235 : i32 to index
        %parallel_loop3A_237 = arith.index_cast %parallel_loop3A_129 : i32 to index
        %parallel_loop3A_238 = tpu.vector_load %arg6[%parallel_loop3A_236, %parallel_loop3A_237] {strides = array<i32>} : memref<24x1024xf32, #tpu.memory_space<vmem>>, vector<1x16xf32>,
        %parallel_loop3A_239 = vector.shape_cast %parallel_loop3A_238 : vector<1x16xf32> to vector<16xf32>
        %parallel_loop3A_240 = arith.constant 23 : i32
        %parallel_loop3A_241 = arith.index_cast %parallel_loop3A_240 : i32 to index
        %parallel_loop3A_242 = arith.index_cast %parallel_loop3A_129 : i32 to index
        %parallel_loop3A_243 = tpu.vector_load %arg6[%parallel_loop3A_241, %parallel_loop3A_242] {strides = array<i32>} : memref<24x1024xf32, #tpu.memory_space<vmem>>, vector<1x16xf32>,
        %parallel_loop3A_244 = vector.shape_cast %parallel_loop3A_243 : vector<1x16xf32> to vector<16xf32>
        %parallel_loop3A_245 = arith.mulf %parallel_loop3A_154, %parallel_loop3A_134 : vector<16xf32>
        %parallel_loop3A_246 = arith.mulf %parallel_loop3A_159, %parallel_loop3A_139 : vector<16xf32>
        %parallel_loop3A_247 = arith.addf %parallel_loop3A_245, %parallel_loop3A_246 : vector<16xf32>
        %parallel_loop3A_248 = arith.mulf %parallel_loop3A_164, %parallel_loop3A_144 : vector<16xf32>
        %parallel_loop3A_249 = arith.mulf %parallel_loop3A_169, %parallel_loop3A_149 : vector<16xf32>
        %parallel_loop3A_250 = arith.addf %parallel_loop3A_248, %parallel_loop3A_249 : vector<16xf32>
        %parallel_loop3A_251 = arith.addf %parallel_loop3A_247, %parallel_loop3A_250 : vector<16xf32>
        %parallel_loop3A_252 = arith.mulf %parallel_loop3A_159, %parallel_loop3A_134 : vector<16xf32>
        %parallel_loop3A_253 = arith.mulf %parallel_loop3A_164, %parallel_loop3A_139 : vector<16xf32>
        %parallel_loop3A_254 = arith.addf %parallel_loop3A_252, %parallel_loop3A_253 : vector<16xf32>
        %parallel_loop3A_255 = arith.mulf %parallel_loop3A_169, %parallel_loop3A_144 : vector<16xf32>
        %parallel_loop3A_256 = arith.mulf %parallel_loop3A_174, %parallel_loop3A_149 : vector<16xf32>
        %parallel_loop3A_257 = arith.addf %parallel_loop3A_255, %parallel_loop3A_256 : vector<16xf32>
        %parallel_loop3A_258 = arith.addf %parallel_loop3A_254, %parallel_loop3A_257 : vector<16xf32>
        %parallel_loop3A_259 = arith.mulf %parallel_loop3A_164, %parallel_loop3A_134 : vector<16xf32>
        %parallel_loop3A_260 = arith.mulf %parallel_loop3A_169, %parallel_loop3A_139 : vector<16xf32>
        %parallel_loop3A_261 = arith.addf %parallel_loop3A_259, %parallel_loop3A_260 : vector<16xf32>
        %parallel_loop3A_262 = arith.mulf %parallel_loop3A_174, %parallel_loop3A_144 : vector<16xf32>
        %parallel_loop3A_263 = arith.mulf %parallel_loop3A_179, %parallel_loop3A_149 : vector<16xf32>
        %parallel_loop3A_264 = arith.addf %parallel_loop3A_262, %parallel_loop3A_263 : vector<16xf32>
        %parallel_loop3A_265 = arith.addf %parallel_loop3A_261, %parallel_loop3A_264 : vector<16xf32>
        %parallel_loop3A_266 = arith.mulf %parallel_loop3A_169, %parallel_loop3A_134 : vector<16xf32>
        %parallel_loop3A_267 = arith.mulf %parallel_loop3A_174, %parallel_loop3A_139 : vector<16xf32>
        %parallel_loop3A_268 = arith.addf %parallel_loop3A_266, %parallel_loop3A_267 : vector<16xf32>
        %parallel_loop3A_269 = arith.mulf %parallel_loop3A_179, %parallel_loop3A_144 : vector<16xf32>
        %parallel_loop3A_270 = arith.mulf %parallel_loop3A_184, %parallel_loop3A_149 : vector<16xf32>
        %parallel_loop3A_271 = arith.addf %parallel_loop3A_269, %parallel_loop3A_270 : vector<16xf32>
        %parallel_loop3A_272 = arith.addf %parallel_loop3A_268, %parallel_loop3A_271 : vector<16xf32>
        %parallel_loop3A_273 = arith.mulf %parallel_loop3A_174, %parallel_loop3A_134 : vector<16xf32>
        %parallel_loop3A_274 = arith.mulf %parallel_loop3A_179, %parallel_loop3A_139 : vector<16xf32>
        %parallel_loop3A_275 = arith.addf %parallel_loop3A_273, %parallel_loop3A_274 : vector<16xf32>
        %parallel_loop3A_276 = arith.mulf %parallel_loop3A_184, %parallel_loop3A_144 : vector<16xf32>
        %parallel_loop3A_277 = arith.mulf %parallel_loop3A_189, %parallel_loop3A_149 : vector<16xf32>
        %parallel_loop3A_278 = arith.addf %parallel_loop3A_276, %parallel_loop3A_277 : vector<16xf32>
        %parallel_loop3A_279 = arith.addf %parallel_loop3A_275, %parallel_loop3A_278 : vector<16xf32>
        %parallel_loop3A_280 = arith.mulf %parallel_loop3A_179, %parallel_loop3A_134 : vector<16xf32>
        %parallel_loop3A_281 = arith.mulf %parallel_loop3A_184, %parallel_loop3A_139 : vector<16xf32>
        %parallel_loop3A_282 = arith.addf %parallel_loop3A_280, %parallel_loop3A_281 : vector<16xf32>
        %parallel_loop3A_283 = arith.mulf %parallel_loop3A_189, %parallel_loop3A_144 : vector<16xf32>
        %parallel_loop3A_284 = arith.mulf %parallel_loop3A_194, %parallel_loop3A_149 : vector<16xf32>
        %parallel_loop3A_285 = arith.addf %parallel_loop3A_283, %parallel_loop3A_284 : vector<16xf32>
        %parallel_loop3A_286 = arith.addf %parallel_loop3A_282, %parallel_loop3A_285 : vector<16xf32>
        %parallel_loop3A_287 = arith.mulf %parallel_loop3A_184, %parallel_loop3A_134 : vector<16xf32>
        %parallel_loop3A_288 = arith.mulf %parallel_loop3A_189, %parallel_loop3A_139 : vector<16xf32>
        %parallel_loop3A_289 = arith.addf %parallel_loop3A_287, %parallel_loop3A_288 : vector<16xf32>
        %parallel_loop3A_290 = arith.mulf %parallel_loop3A_194, %parallel_loop3A_144 : vector<16xf32>
        %parallel_loop3A_291 = arith.mulf %parallel_loop3A_199, %parallel_loop3A_149 : vector<16xf32>
        %parallel_loop3A_292 = arith.addf %parallel_loop3A_290, %parallel_loop3A_291 : vector<16xf32>
        %parallel_loop3A_293 = arith.addf %parallel_loop3A_289, %parallel_loop3A_292 : vector<16xf32>
        %parallel_loop3A_294 = arith.mulf %parallel_loop3A_189, %parallel_loop3A_134 : vector<16xf32>
        %parallel_loop3A_295 = arith.mulf %parallel_loop3A_194, %parallel_loop3A_139 : vector<16xf32>
        %parallel_loop3A_296 = arith.addf %parallel_loop3A_294, %parallel_loop3A_295 : vector<16xf32>
        %parallel_loop3A_297 = arith.mulf %parallel_loop3A_199, %parallel_loop3A_144 : vector<16xf32>
        %parallel_loop3A_298 = arith.mulf %parallel_loop3A_204, %parallel_loop3A_149 : vector<16xf32>
        %parallel_loop3A_299 = arith.addf %parallel_loop3A_297, %parallel_loop3A_298 : vector<16xf32>
        %parallel_loop3A_300 = arith.addf %parallel_loop3A_296, %parallel_loop3A_299 : vector<16xf32>
        %parallel_loop3A_301 = arith.mulf %parallel_loop3A_194, %parallel_loop3A_134 : vector<16xf32>
        %parallel_loop3A_302 = arith.mulf %parallel_loop3A_199, %parallel_loop3A_139 : vector<16xf32>
        %parallel_loop3A_303 = arith.addf %parallel_loop3A_301, %parallel_loop3A_302 : vector<16xf32>
        %parallel_loop3A_304 = arith.mulf %parallel_loop3A_204, %parallel_loop3A_144 : vector<16xf32>
        %parallel_loop3A_305 = arith.mulf %parallel_loop3A_209, %parallel_loop3A_149 : vector<16xf32>
        %parallel_loop3A_306 = arith.addf %parallel_loop3A_304, %parallel_loop3A_305 : vector<16xf32>
        %parallel_loop3A_307 = arith.addf %parallel_loop3A_303, %parallel_loop3A_306 : vector<16xf32>
        %parallel_loop3A_308 = arith.mulf %parallel_loop3A_199, %parallel_loop3A_134 : vector<16xf32>
        %parallel_loop3A_309 = arith.mulf %parallel_loop3A_204, %parallel_loop3A_139 : vector<16xf32>
        %parallel_loop3A_310 = arith.addf %parallel_loop3A_308, %parallel_loop3A_309 : vector<16xf32>
        %parallel_loop3A_311 = arith.mulf %parallel_loop3A_209, %parallel_loop3A_144 : vector<16xf32>
        %parallel_loop3A_312 = arith.mulf %parallel_loop3A_214, %parallel_loop3A_149 : vector<16xf32>
        %parallel_loop3A_313 = arith.addf %parallel_loop3A_311, %parallel_loop3A_312 : vector<16xf32>
        %parallel_loop3A_314 = arith.addf %parallel_loop3A_310, %parallel_loop3A_313 : vector<16xf32>
        %parallel_loop3A_315 = arith.mulf %parallel_loop3A_204, %parallel_loop3A_134 : vector<16xf32>
        %parallel_loop3A_316 = arith.mulf %parallel_loop3A_209, %parallel_loop3A_139 : vector<16xf32>
        %parallel_loop3A_317 = arith.addf %parallel_loop3A_315, %parallel_loop3A_316 : vector<16xf32>
        %parallel_loop3A_318 = arith.mulf %parallel_loop3A_214, %parallel_loop3A_144 : vector<16xf32>
        %parallel_loop3A_319 = arith.mulf %parallel_loop3A_219, %parallel_loop3A_149 : vector<16xf32>
        %parallel_loop3A_320 = arith.addf %parallel_loop3A_318, %parallel_loop3A_319 : vector<16xf32>
        %parallel_loop3A_321 = arith.addf %parallel_loop3A_317, %parallel_loop3A_320 : vector<16xf32>
        %parallel_loop3A_322 = arith.mulf %parallel_loop3A_209, %parallel_loop3A_134 : vector<16xf32>
        %parallel_loop3A_323 = arith.mulf %parallel_loop3A_214, %parallel_loop3A_139 : vector<16xf32>
        %parallel_loop3A_324 = arith.addf %parallel_loop3A_322, %parallel_loop3A_323 : vector<16xf32>
        %parallel_loop3A_325 = arith.mulf %parallel_loop3A_219, %parallel_loop3A_144 : vector<16xf32>
        %parallel_loop3A_326 = arith.mulf %parallel_loop3A_224, %parallel_loop3A_149 : vector<16xf32>
        %parallel_loop3A_327 = arith.addf %parallel_loop3A_325, %parallel_loop3A_326 : vector<16xf32>
        %parallel_loop3A_328 = arith.addf %parallel_loop3A_324, %parallel_loop3A_327 : vector<16xf32>
        %parallel_loop3A_329 = arith.mulf %parallel_loop3A_214, %parallel_loop3A_134 : vector<16xf32>
        %parallel_loop3A_330 = arith.mulf %parallel_loop3A_219, %parallel_loop3A_139 : vector<16xf32>
        %parallel_loop3A_331 = arith.addf %parallel_loop3A_329, %parallel_loop3A_330 : vector<16xf32>
        %parallel_loop3A_332 = arith.mulf %parallel_loop3A_224, %parallel_loop3A_144 : vector<16xf32>
        %parallel_loop3A_333 = arith.mulf %parallel_loop3A_229, %parallel_loop3A_149 : vector<16xf32>
        %parallel_loop3A_334 = arith.addf %parallel_loop3A_332, %parallel_loop3A_333 : vector<16xf32>
        %parallel_loop3A_335 = arith.addf %parallel_loop3A_331, %parallel_loop3A_334 : vector<16xf32>
        %parallel_loop3A_336 = arith.mulf %parallel_loop3A_219, %parallel_loop3A_134 : vector<16xf32>
        %parallel_loop3A_337 = arith.mulf %parallel_loop3A_224, %parallel_loop3A_139 : vector<16xf32>
        %parallel_loop3A_338 = arith.addf %parallel_loop3A_336, %parallel_loop3A_337 : vector<16xf32>
        %parallel_loop3A_339 = arith.mulf %parallel_loop3A_229, %parallel_loop3A_144 : vector<16xf32>
        %parallel_loop3A_340 = arith.mulf %parallel_loop3A_234, %parallel_loop3A_149 : vector<16xf32>
        %parallel_loop3A_341 = arith.addf %parallel_loop3A_339, %parallel_loop3A_340 : vector<16xf32>
        %parallel_loop3A_342 = arith.addf %parallel_loop3A_338, %parallel_loop3A_341 : vector<16xf32>
        %parallel_loop3A_343 = arith.mulf %parallel_loop3A_224, %parallel_loop3A_134 : vector<16xf32>
        %parallel_loop3A_344 = arith.mulf %parallel_loop3A_229, %parallel_loop3A_139 : vector<16xf32>
        %parallel_loop3A_345 = arith.addf %parallel_loop3A_343, %parallel_loop3A_344 : vector<16xf32>
        %parallel_loop3A_346 = arith.mulf %parallel_loop3A_234, %parallel_loop3A_144 : vector<16xf32>
        %parallel_loop3A_347 = arith.mulf %parallel_loop3A_239, %parallel_loop3A_149 : vector<16xf32>
        %parallel_loop3A_348 = arith.addf %parallel_loop3A_346, %parallel_loop3A_347 : vector<16xf32>
        %parallel_loop3A_349 = arith.addf %parallel_loop3A_345, %parallel_loop3A_348 : vector<16xf32>
        %parallel_loop3A_350 = arith.mulf %parallel_loop3A_229, %parallel_loop3A_134 : vector<16xf32>
        %parallel_loop3A_351 = arith.mulf %parallel_loop3A_234, %parallel_loop3A_139 : vector<16xf32>
        %parallel_loop3A_352 = arith.addf %parallel_loop3A_350, %parallel_loop3A_351 : vector<16xf32>
        %parallel_loop3A_353 = arith.mulf %parallel_loop3A_239, %parallel_loop3A_144 : vector<16xf32>
        %parallel_loop3A_354 = arith.mulf %parallel_loop3A_244, %parallel_loop3A_149 : vector<16xf32>
        %parallel_loop3A_355 = arith.addf %parallel_loop3A_353, %parallel_loop3A_354 : vector<16xf32>
        %parallel_loop3A_356 = arith.addf %parallel_loop3A_352, %parallel_loop3A_355 : vector<16xf32>
        %parallel_loop3A_357 = arith.constant 0.000000e+00 : f32
        %parallel_loop3A_358 = vector.broadcast %parallel_loop3A_357 : f32 to vector<16xf32>
        %parallel_loop3A_359 = arith.subf %parallel_loop3A_358, %parallel_loop3A_251 : vector<16xf32>
        %parallel_loop3A_360 = math.exp %parallel_loop3A_359 : vector<16xf32>
        %parallel_loop3A_361 = arith.constant 0.000000e+00 : f32
        %parallel_loop3A_362 = vector.broadcast %parallel_loop3A_361 : f32 to vector<16xf32>
        %parallel_loop3A_363 = arith.subf %parallel_loop3A_362, %parallel_loop3A_258 : vector<16xf32>
        %parallel_loop3A_364 = math.exp %parallel_loop3A_363 : vector<16xf32>
        %parallel_loop3A_365 = arith.constant 0.000000e+00 : f32
        %parallel_loop3A_366 = vector.broadcast %parallel_loop3A_365 : f32 to vector<16xf32>
        %parallel_loop3A_367 = arith.subf %parallel_loop3A_366, %parallel_loop3A_265 : vector<16xf32>
        %parallel_loop3A_368 = math.exp %parallel_loop3A_367 : vector<16xf32>
        %parallel_loop3A_369 = arith.constant 0.000000e+00 : f32
        %parallel_loop3A_370 = vector.broadcast %parallel_loop3A_369 : f32 to vector<16xf32>
        %parallel_loop3A_371 = arith.subf %parallel_loop3A_370, %parallel_loop3A_272 : vector<16xf32>
        %parallel_loop3A_372 = math.exp %parallel_loop3A_371 : vector<16xf32>
        %parallel_loop3A_373 = arith.constant 0.000000e+00 : f32
        %parallel_loop3A_374 = vector.broadcast %parallel_loop3A_373 : f32 to vector<16xf32>
        %parallel_loop3A_375 = arith.subf %parallel_loop3A_374, %parallel_loop3A_279 : vector<16xf32>
        %parallel_loop3A_376 = math.exp %parallel_loop3A_375 : vector<16xf32>
        %parallel_loop3A_377 = arith.constant 0.000000e+00 : f32
        %parallel_loop3A_378 = vector.broadcast %parallel_loop3A_377 : f32 to vector<16xf32>
        %parallel_loop3A_379 = arith.subf %parallel_loop3A_378, %parallel_loop3A_286 : vector<16xf32>
        %parallel_loop3A_380 = math.exp %parallel_loop3A_379 : vector<16xf32>
        %parallel_loop3A_381 = arith.constant 0.000000e+00 : f32
        %parallel_loop3A_382 = vector.broadcast %parallel_loop3A_381 : f32 to vector<16xf32>
        %parallel_loop3A_383 = arith.subf %parallel_loop3A_382, %parallel_loop3A_293 : vector<16xf32>
        %parallel_loop3A_384 = math.exp %parallel_loop3A_383 : vector<16xf32>
        %parallel_loop3A_385 = arith.constant 0.000000e+00 : f32
        %parallel_loop3A_386 = vector.broadcast %parallel_loop3A_385 : f32 to vector<16xf32>
        %parallel_loop3A_387 = arith.subf %parallel_loop3A_386, %parallel_loop3A_300 : vector<16xf32>
        %parallel_loop3A_388 = math.exp %parallel_loop3A_387 : vector<16xf32>
        %parallel_loop3A_389 = arith.constant 0.000000e+00 : f32
        %parallel_loop3A_390 = vector.broadcast %parallel_loop3A_389 : f32 to vector<16xf32>
        %parallel_loop3A_391 = arith.subf %parallel_loop3A_390, %parallel_loop3A_307 : vector<16xf32>
        %parallel_loop3A_392 = math.exp %parallel_loop3A_391 : vector<16xf32>
        %parallel_loop3A_393 = arith.constant 0.000000e+00 : f32
        %parallel_loop3A_394 = vector.broadcast %parallel_loop3A_393 : f32 to vector<16xf32>
        %parallel_loop3A_395 = arith.subf %parallel_loop3A_394, %parallel_loop3A_314 : vector<16xf32>
        %parallel_loop3A_396 = math.exp %parallel_loop3A_395 : vector<16xf32>
        %parallel_loop3A_397 = arith.constant 0.000000e+00 : f32
        %parallel_loop3A_398 = vector.broadcast %parallel_loop3A_397 : f32 to vector<16xf32>
        %parallel_loop3A_399 = arith.subf %parallel_loop3A_398, %parallel_loop3A_321 : vector<16xf32>
        %parallel_loop3A_400 = math.exp %parallel_loop3A_399 : vector<16xf32>
        %parallel_loop3A_401 = arith.constant 0.000000e+00 : f32
        %parallel_loop3A_402 = vector.broadcast %parallel_loop3A_401 : f32 to vector<16xf32>
        %parallel_loop3A_403 = arith.subf %parallel_loop3A_402, %parallel_loop3A_328 : vector<16xf32>
        %parallel_loop3A_404 = math.exp %parallel_loop3A_403 : vector<16xf32>
        %parallel_loop3A_405 = arith.constant 0.000000e+00 : f32
        %parallel_loop3A_406 = vector.broadcast %parallel_loop3A_405 : f32 to vector<16xf32>
        %parallel_loop3A_407 = arith.subf %parallel_loop3A_406, %parallel_loop3A_335 : vector<16xf32>
        %parallel_loop3A_408 = math.exp %parallel_loop3A_407 : vector<16xf32>
        %parallel_loop3A_409 = arith.constant 0.000000e+00 : f32
        %parallel_loop3A_410 = vector.broadcast %parallel_loop3A_409 : f32 to vector<16xf32>
        %parallel_loop3A_411 = arith.subf %parallel_loop3A_410, %parallel_loop3A_342 : vector<16xf32>
        %parallel_loop3A_412 = math.exp %parallel_loop3A_411 : vector<16xf32>
        %parallel_loop3A_413 = arith.constant 0.000000e+00 : f32
        %parallel_loop3A_414 = vector.broadcast %parallel_loop3A_413 : f32 to vector<16xf32>
        %parallel_loop3A_415 = arith.subf %parallel_loop3A_414, %parallel_loop3A_349 : vector<16xf32>
        %parallel_loop3A_416 = math.exp %parallel_loop3A_415 : vector<16xf32>
        %parallel_loop3A_417 = arith.constant 0.000000e+00 : f32
        %parallel_loop3A_418 = vector.broadcast %parallel_loop3A_417 : f32 to vector<16xf32>
        %parallel_loop3A_419 = arith.subf %parallel_loop3A_418, %parallel_loop3A_356 : vector<16xf32>
        %parallel_loop3A_420 = math.exp %parallel_loop3A_419 : vector<16xf32>
        %parallel_loop3A_421 = arith.constant 1.000000e+00 : f32
        %parallel_loop3A_422 = vector.broadcast %parallel_loop3A_421 : f32 to vector<16xf32>
        %parallel_loop3A_423 = arith.addf %parallel_loop3A_422, %parallel_loop3A_360 : vector<16xf32>
        %parallel_loop3A_424 = arith.divf %parallel_loop3A_251, %parallel_loop3A_423 : vector<16xf32>
        %parallel_loop3A_425 = arith.constant 0 : i32
        %parallel_loop3A_426 = arith.index_cast %parallel_loop3A_425 : i32 to index
        %parallel_loop3A_427 = arith.index_cast %parallel_loop3A_129 : i32 to index
        %parallel_loop3A_428 = tpu.vector_load %arg8[%parallel_loop3A_426, %parallel_loop3A_427] {strides = array<i32>} : memref<16x1024xf32, #tpu.memory_space<vmem>>, vector<1x16xf32>,
        %parallel_loop3A_429 = vector.shape_cast %parallel_loop3A_428 : vector<1x16xf32> to vector<16xf32>
        %parallel_loop3A_430 = vector.shape_cast %parallel_loop3A_424 : vector<16xf32> to vector<1x16xf32>
        tpu.vector_store %arg8[%parallel_loop3A_426, %parallel_loop3A_427], %parallel_loop3A_430 {strides = array<i32>} : memref<16x1024xf32, #tpu.memory_space<vmem>>, vector<1x16xf32>,
        %parallel_loop3A_431 = arith.constant 1.000000e+00 : f32
        %parallel_loop3A_432 = vector.broadcast %parallel_loop3A_431 : f32 to vector<16xf32>
        %parallel_loop3A_433 = arith.addf %parallel_loop3A_432, %parallel_loop3A_364 : vector<16xf32>
        %parallel_loop3A_434 = arith.divf %parallel_loop3A_258, %parallel_loop3A_433 : vector<16xf32>
        %parallel_loop3A_435 = arith.constant 1 : i32
        %parallel_loop3A_436 = arith.index_cast %parallel_loop3A_435 : i32 to index
        %parallel_loop3A_437 = arith.index_cast %parallel_loop3A_129 : i32 to index
        %parallel_loop3A_438 = tpu.vector_load %arg8[%parallel_loop3A_436, %parallel_loop3A_437] {strides = array<i32>} : memref<16x1024xf32, #tpu.memory_space<vmem>>, vector<1x16xf32>,
        %parallel_loop3A_439 = vector.shape_cast %parallel_loop3A_438 : vector<1x16xf32> to vector<16xf32>
        %parallel_loop3A_440 = vector.shape_cast %parallel_loop3A_434 : vector<16xf32> to vector<1x16xf32>
        tpu.vector_store %arg8[%parallel_loop3A_436, %parallel_loop3A_437], %parallel_loop3A_440 {strides = array<i32>} : memref<16x1024xf32, #tpu.memory_space<vmem>>, vector<1x16xf32>,
        %parallel_loop3A_441 = arith.constant 1.000000e+00 : f32
        %parallel_loop3A_442 = vector.broadcast %parallel_loop3A_441 : f32 to vector<16xf32>
        %parallel_loop3A_443 = arith.addf %parallel_loop3A_442, %parallel_loop3A_368 : vector<16xf32>
        %parallel_loop3A_444 = arith.divf %parallel_loop3A_265, %parallel_loop3A_443 : vector<16xf32>
        %parallel_loop3A_445 = arith.constant 2 : i32
        %parallel_loop3A_446 = arith.index_cast %parallel_loop3A_445 : i32 to index
        %parallel_loop3A_447 = arith.index_cast %parallel_loop3A_129 : i32 to index
        %parallel_loop3A_448 = tpu.vector_load %arg8[%parallel_loop3A_446, %parallel_loop3A_447] {strides = array<i32>} : memref<16x1024xf32, #tpu.memory_space<vmem>>, vector<1x16xf32>,
        %parallel_loop3A_449 = vector.shape_cast %parallel_loop3A_448 : vector<1x16xf32> to vector<16xf32>
        %parallel_loop3A_450 = vector.shape_cast %parallel_loop3A_444 : vector<16xf32> to vector<1x16xf32>
        tpu.vector_store %arg8[%parallel_loop3A_446, %parallel_loop3A_447], %parallel_loop3A_450 {strides = array<i32>} : memref<16x1024xf32, #tpu.memory_space<vmem>>, vector<1x16xf32>,
        %parallel_loop3A_451 = arith.constant 1.000000e+00 : f32
        %parallel_loop3A_452 = vector.broadcast %parallel_loop3A_451 : f32 to vector<16xf32>
        %parallel_loop3A_453 = arith.addf %parallel_loop3A_452, %parallel_loop3A_372 : vector<16xf32>
        %parallel_loop3A_454 = arith.divf %parallel_loop3A_272, %parallel_loop3A_453 : vector<16xf32>
        %parallel_loop3A_455 = arith.constant 3 : i32
        %parallel_loop3A_456 = arith.index_cast %parallel_loop3A_455 : i32 to index
        %parallel_loop3A_457 = arith.index_cast %parallel_loop3A_129 : i32 to index
        %parallel_loop3A_458 = tpu.vector_load %arg8[%parallel_loop3A_456, %parallel_loop3A_457] {strides = array<i32>} : memref<16x1024xf32, #tpu.memory_space<vmem>>, vector<1x16xf32>,
        %parallel_loop3A_459 = vector.shape_cast %parallel_loop3A_458 : vector<1x16xf32> to vector<16xf32>
        %parallel_loop3A_460 = vector.shape_cast %parallel_loop3A_454 : vector<16xf32> to vector<1x16xf32>
        tpu.vector_store %arg8[%parallel_loop3A_456, %parallel_loop3A_457], %parallel_loop3A_460 {strides = array<i32>} : memref<16x1024xf32, #tpu.memory_space<vmem>>, vector<1x16xf32>,
        %parallel_loop3A_461 = arith.constant 1.000000e+00 : f32
        %parallel_loop3A_462 = vector.broadcast %parallel_loop3A_461 : f32 to vector<16xf32>
        %parallel_loop3A_463 = arith.addf %parallel_loop3A_462, %parallel_loop3A_376 : vector<16xf32>
        %parallel_loop3A_464 = arith.divf %parallel_loop3A_279, %parallel_loop3A_463 : vector<16xf32>
        %parallel_loop3A_465 = arith.constant 4 : i32
        %parallel_loop3A_466 = arith.index_cast %parallel_loop3A_465 : i32 to index
        %parallel_loop3A_467 = arith.index_cast %parallel_loop3A_129 : i32 to index
        %parallel_loop3A_468 = tpu.vector_load %arg8[%parallel_loop3A_466, %parallel_loop3A_467] {strides = array<i32>} : memref<16x1024xf32, #tpu.memory_space<vmem>>, vector<1x16xf32>,
        %parallel_loop3A_469 = vector.shape_cast %parallel_loop3A_468 : vector<1x16xf32> to vector<16xf32>
        %parallel_loop3A_470 = vector.shape_cast %parallel_loop3A_464 : vector<16xf32> to vector<1x16xf32>
        tpu.vector_store %arg8[%parallel_loop3A_466, %parallel_loop3A_467], %parallel_loop3A_470 {strides = array<i32>} : memref<16x1024xf32, #tpu.memory_space<vmem>>, vector<1x16xf32>,
        %parallel_loop3A_471 = arith.constant 1.000000e+00 : f32
        %parallel_loop3A_472 = vector.broadcast %parallel_loop3A_471 : f32 to vector<16xf32>
        %parallel_loop3A_473 = arith.addf %parallel_loop3A_472, %parallel_loop3A_380 : vector<16xf32>
        %parallel_loop3A_474 = arith.divf %parallel_loop3A_286, %parallel_loop3A_473 : vector<16xf32>
        %parallel_loop3A_475 = arith.constant 5 : i32
        %parallel_loop3A_476 = arith.index_cast %parallel_loop3A_475 : i32 to index
        %parallel_loop3A_477 = arith.index_cast %parallel_loop3A_129 : i32 to index
        %parallel_loop3A_478 = tpu.vector_load %arg8[%parallel_loop3A_476, %parallel_loop3A_477] {strides = array<i32>} : memref<16x1024xf32, #tpu.memory_space<vmem>>, vector<1x16xf32>,
        %parallel_loop3A_479 = vector.shape_cast %parallel_loop3A_478 : vector<1x16xf32> to vector<16xf32>
        %parallel_loop3A_480 = vector.shape_cast %parallel_loop3A_474 : vector<16xf32> to vector<1x16xf32>
        tpu.vector_store %arg8[%parallel_loop3A_476, %parallel_loop3A_477], %parallel_loop3A_480 {strides = array<i32>} : memref<16x1024xf32, #tpu.memory_space<vmem>>, vector<1x16xf32>,
        %parallel_loop3A_481 = arith.constant 1.000000e+00 : f32
        %parallel_loop3A_482 = vector.broadcast %parallel_loop3A_481 : f32 to vector<16xf32>
        %parallel_loop3A_483 = arith.addf %parallel_loop3A_482, %parallel_loop3A_384 : vector<16xf32>
        %parallel_loop3A_484 = arith.divf %parallel_loop3A_293, %parallel_loop3A_483 : vector<16xf32>
        %parallel_loop3A_485 = arith.constant 6 : i32
        %parallel_loop3A_486 = arith.index_cast %parallel_loop3A_485 : i32 to index
        %parallel_loop3A_487 = arith.index_cast %parallel_loop3A_129 : i32 to index
        %parallel_loop3A_488 = tpu.vector_load %arg8[%parallel_loop3A_486, %parallel_loop3A_487] {strides = array<i32>} : memref<16x1024xf32, #tpu.memory_space<vmem>>, vector<1x16xf32>,
        %parallel_loop3A_489 = vector.shape_cast %parallel_loop3A_488 : vector<1x16xf32> to vector<16xf32>
        %parallel_loop3A_490 = vector.shape_cast %parallel_loop3A_484 : vector<16xf32> to vector<1x16xf32>
        tpu.vector_store %arg8[%parallel_loop3A_486, %parallel_loop3A_487], %parallel_loop3A_490 {strides = array<i32>} : memref<16x1024xf32, #tpu.memory_space<vmem>>, vector<1x16xf32>,
        %parallel_loop3A_491 = arith.constant 1.000000e+00 : f32
        %parallel_loop3A_492 = vector.broadcast %parallel_loop3A_491 : f32 to vector<16xf32>
        %parallel_loop3A_493 = arith.addf %parallel_loop3A_492, %parallel_loop3A_388 : vector<16xf32>
        %parallel_loop3A_494 = arith.divf %parallel_loop3A_300, %parallel_loop3A_493 : vector<16xf32>
        %parallel_loop3A_495 = arith.constant 7 : i32
        %parallel_loop3A_496 = arith.index_cast %parallel_loop3A_495 : i32 to index
        %parallel_loop3A_497 = arith.index_cast %parallel_loop3A_129 : i32 to index
        %parallel_loop3A_498 = tpu.vector_load %arg8[%parallel_loop3A_496, %parallel_loop3A_497] {strides = array<i32>} : memref<16x1024xf32, #tpu.memory_space<vmem>>, vector<1x16xf32>,
        %parallel_loop3A_499 = vector.shape_cast %parallel_loop3A_498 : vector<1x16xf32> to vector<16xf32>
        %parallel_loop3A_500 = vector.shape_cast %parallel_loop3A_494 : vector<16xf32> to vector<1x16xf32>
        tpu.vector_store %arg8[%parallel_loop3A_496, %parallel_loop3A_497], %parallel_loop3A_500 {strides = array<i32>} : memref<16x1024xf32, #tpu.memory_space<vmem>>, vector<1x16xf32>,
        %parallel_loop3A_501 = arith.constant 1.000000e+00 : f32
        %parallel_loop3A_502 = vector.broadcast %parallel_loop3A_501 : f32 to vector<16xf32>
        %parallel_loop3A_503 = arith.addf %parallel_loop3A_502, %parallel_loop3A_392 : vector<16xf32>
        %parallel_loop3A_504 = arith.divf %parallel_loop3A_307, %parallel_loop3A_503 : vector<16xf32>
        %parallel_loop3A_505 = arith.constant 8 : i32
        %parallel_loop3A_506 = arith.index_cast %parallel_loop3A_505 : i32 to index
        %parallel_loop3A_507 = arith.index_cast %parallel_loop3A_129 : i32 to index
        %parallel_loop3A_508 = tpu.vector_load %arg8[%parallel_loop3A_506, %parallel_loop3A_507] {strides = array<i32>} : memref<16x1024xf32, #tpu.memory_space<vmem>>, vector<1x16xf32>,
        %parallel_loop3A_509 = vector.shape_cast %parallel_loop3A_508 : vector<1x16xf32> to vector<16xf32>
        %parallel_loop3A_510 = vector.shape_cast %parallel_loop3A_504 : vector<16xf32> to vector<1x16xf32>
        tpu.vector_store %arg8[%parallel_loop3A_506, %parallel_loop3A_507], %parallel_loop3A_510 {strides = array<i32>} : memref<16x1024xf32, #tpu.memory_space<vmem>>, vector<1x16xf32>,
        %parallel_loop3A_511 = arith.constant 1.000000e+00 : f32
        %parallel_loop3A_512 = vector.broadcast %parallel_loop3A_511 : f32 to vector<16xf32>
        %parallel_loop3A_513 = arith.addf %parallel_loop3A_512, %parallel_loop3A_396 : vector<16xf32>
        %parallel_loop3A_514 = arith.divf %parallel_loop3A_314, %parallel_loop3A_513 : vector<16xf32>
        %parallel_loop3A_515 = arith.constant 9 : i32
        %parallel_loop3A_516 = arith.index_cast %parallel_loop3A_515 : i32 to index
        %parallel_loop3A_517 = arith.index_cast %parallel_loop3A_129 : i32 to index
        %parallel_loop3A_518 = tpu.vector_load %arg8[%parallel_loop3A_516, %parallel_loop3A_517] {strides = array<i32>} : memref<16x1024xf32, #tpu.memory_space<vmem>>, vector<1x16xf32>,
        %parallel_loop3A_519 = vector.shape_cast %parallel_loop3A_518 : vector<1x16xf32> to vector<16xf32>
        %parallel_loop3A_520 = vector.shape_cast %parallel_loop3A_514 : vector<16xf32> to vector<1x16xf32>
        tpu.vector_store %arg8[%parallel_loop3A_516, %parallel_loop3A_517], %parallel_loop3A_520 {strides = array<i32>} : memref<16x1024xf32, #tpu.memory_space<vmem>>, vector<1x16xf32>,
        %parallel_loop3A_521 = arith.constant 1.000000e+00 : f32
        %parallel_loop3A_522 = vector.broadcast %parallel_loop3A_521 : f32 to vector<16xf32>
        %parallel_loop3A_523 = arith.addf %parallel_loop3A_522, %parallel_loop3A_400 : vector<16xf32>
        %parallel_loop3A_524 = arith.divf %parallel_loop3A_321, %parallel_loop3A_523 : vector<16xf32>
        %parallel_loop3A_525 = arith.constant 10 : i32
        %parallel_loop3A_526 = arith.index_cast %parallel_loop3A_525 : i32 to index
        %parallel_loop3A_527 = arith.index_cast %parallel_loop3A_129 : i32 to index
        %parallel_loop3A_528 = tpu.vector_load %arg8[%parallel_loop3A_526, %parallel_loop3A_527] {strides = array<i32>} : memref<16x1024xf32, #tpu.memory_space<vmem>>, vector<1x16xf32>,
        %parallel_loop3A_529 = vector.shape_cast %parallel_loop3A_528 : vector<1x16xf32> to vector<16xf32>
        %parallel_loop3A_530 = vector.shape_cast %parallel_loop3A_524 : vector<16xf32> to vector<1x16xf32>
        tpu.vector_store %arg8[%parallel_loop3A_526, %parallel_loop3A_527], %parallel_loop3A_530 {strides = array<i32>} : memref<16x1024xf32, #tpu.memory_space<vmem>>, vector<1x16xf32>,
        %parallel_loop3A_531 = arith.constant 1.000000e+00 : f32
        %parallel_loop3A_532 = vector.broadcast %parallel_loop3A_531 : f32 to vector<16xf32>
        %parallel_loop3A_533 = arith.addf %parallel_loop3A_532, %parallel_loop3A_404 : vector<16xf32>
        %parallel_loop3A_534 = arith.divf %parallel_loop3A_328, %parallel_loop3A_533 : vector<16xf32>
        %parallel_loop3A_535 = arith.constant 11 : i32
        %parallel_loop3A_536 = arith.index_cast %parallel_loop3A_535 : i32 to index
        %parallel_loop3A_537 = arith.index_cast %parallel_loop3A_129 : i32 to index
        %parallel_loop3A_538 = tpu.vector_load %arg8[%parallel_loop3A_536, %parallel_loop3A_537] {strides = array<i32>} : memref<16x1024xf32, #tpu.memory_space<vmem>>, vector<1x16xf32>,
        %parallel_loop3A_539 = vector.shape_cast %parallel_loop3A_538 : vector<1x16xf32> to vector<16xf32>
        %parallel_loop3A_540 = vector.shape_cast %parallel_loop3A_534 : vector<16xf32> to vector<1x16xf32>
        tpu.vector_store %arg8[%parallel_loop3A_536, %parallel_loop3A_537], %parallel_loop3A_540 {strides = array<i32>} : memref<16x1024xf32, #tpu.memory_space<vmem>>, vector<1x16xf32>,
        %parallel_loop3A_541 = arith.constant 1.000000e+00 : f32
        %parallel_loop3A_542 = vector.broadcast %parallel_loop3A_541 : f32 to vector<16xf32>
        %parallel_loop3A_543 = arith.addf %parallel_loop3A_542, %parallel_loop3A_408 : vector<16xf32>
        %parallel_loop3A_544 = arith.divf %parallel_loop3A_335, %parallel_loop3A_543 : vector<16xf32>
        %parallel_loop3A_545 = arith.constant 12 : i32
        %parallel_loop3A_546 = arith.index_cast %parallel_loop3A_545 : i32 to index
        %parallel_loop3A_547 = arith.index_cast %parallel_loop3A_129 : i32 to index
        %parallel_loop3A_548 = tpu.vector_load %arg8[%parallel_loop3A_546, %parallel_loop3A_547] {strides = array<i32>} : memref<16x1024xf32, #tpu.memory_space<vmem>>, vector<1x16xf32>,
        %parallel_loop3A_549 = vector.shape_cast %parallel_loop3A_548 : vector<1x16xf32> to vector<16xf32>
        %parallel_loop3A_550 = vector.shape_cast %parallel_loop3A_544 : vector<16xf32> to vector<1x16xf32>
        tpu.vector_store %arg8[%parallel_loop3A_546, %parallel_loop3A_547], %parallel_loop3A_550 {strides = array<i32>} : memref<16x1024xf32, #tpu.memory_space<vmem>>, vector<1x16xf32>,
        %parallel_loop3A_551 = arith.constant 1.000000e+00 : f32
        %parallel_loop3A_552 = vector.broadcast %parallel_loop3A_551 : f32 to vector<16xf32>
        %parallel_loop3A_553 = arith.addf %parallel_loop3A_552, %parallel_loop3A_412 : vector<16xf32>
        %parallel_loop3A_554 = arith.divf %parallel_loop3A_342, %parallel_loop3A_553 : vector<16xf32>
        %parallel_loop3A_555 = arith.constant 13 : i32
        %parallel_loop3A_556 = arith.index_cast %parallel_loop3A_555 : i32 to index
        %parallel_loop3A_557 = arith.index_cast %parallel_loop3A_129 : i32 to index
        %parallel_loop3A_558 = tpu.vector_load %arg8[%parallel_loop3A_556, %parallel_loop3A_557] {strides = array<i32>} : memref<16x1024xf32, #tpu.memory_space<vmem>>, vector<1x16xf32>,
        %parallel_loop3A_559 = vector.shape_cast %parallel_loop3A_558 : vector<1x16xf32> to vector<16xf32>
        %parallel_loop3A_560 = vector.shape_cast %parallel_loop3A_554 : vector<16xf32> to vector<1x16xf32>
        tpu.vector_store %arg8[%parallel_loop3A_556, %parallel_loop3A_557], %parallel_loop3A_560 {strides = array<i32>} : memref<16x1024xf32, #tpu.memory_space<vmem>>, vector<1x16xf32>,
        %parallel_loop3A_561 = arith.constant 1.000000e+00 : f32
        %parallel_loop3A_562 = vector.broadcast %parallel_loop3A_561 : f32 to vector<16xf32>
        %parallel_loop3A_563 = arith.addf %parallel_loop3A_562, %parallel_loop3A_416 : vector<16xf32>
        %parallel_loop3A_564 = arith.divf %parallel_loop3A_349, %parallel_loop3A_563 : vector<16xf32>
        %parallel_loop3A_565 = arith.constant 14 : i32
        %parallel_loop3A_566 = arith.index_cast %parallel_loop3A_565 : i32 to index
        %parallel_loop3A_567 = arith.index_cast %parallel_loop3A_129 : i32 to index
        %parallel_loop3A_568 = tpu.vector_load %arg8[%parallel_loop3A_566, %parallel_loop3A_567] {strides = array<i32>} : memref<16x1024xf32, #tpu.memory_space<vmem>>, vector<1x16xf32>,
        %parallel_loop3A_569 = vector.shape_cast %parallel_loop3A_568 : vector<1x16xf32> to vector<16xf32>
        %parallel_loop3A_570 = vector.shape_cast %parallel_loop3A_564 : vector<16xf32> to vector<1x16xf32>
        tpu.vector_store %arg8[%parallel_loop3A_566, %parallel_loop3A_567], %parallel_loop3A_570 {strides = array<i32>} : memref<16x1024xf32, #tpu.memory_space<vmem>>, vector<1x16xf32>,
        %parallel_loop3A_571 = arith.constant 1.000000e+00 : f32
        %parallel_loop3A_572 = vector.broadcast %parallel_loop3A_571 : f32 to vector<16xf32>
        %parallel_loop3A_573 = arith.addf %parallel_loop3A_572, %parallel_loop3A_420 : vector<16xf32>
        %parallel_loop3A_574 = arith.divf %parallel_loop3A_356, %parallel_loop3A_573 : vector<16xf32>
        %parallel_loop3A_575 = arith.constant 15 : i32
        %parallel_loop3A_576 = arith.index_cast %parallel_loop3A_575 : i32 to index
        %parallel_loop3A_577 = arith.index_cast %parallel_loop3A_129 : i32 to index
        %parallel_loop3A_578 = tpu.vector_load %arg8[%parallel_loop3A_576, %parallel_loop3A_577] {strides = array<i32>} : memref<16x1024xf32, #tpu.memory_space<vmem>>, vector<1x16xf32>,
        %parallel_loop3A_579 = vector.shape_cast %parallel_loop3A_578 : vector<1x16xf32> to vector<16xf32>
        %parallel_loop3A_580 = vector.shape_cast %parallel_loop3A_574 : vector<16xf32> to vector<1x16xf32>
        tpu.vector_store %arg8[%parallel_loop3A_576, %parallel_loop3A_577], %parallel_loop3A_580 {strides = array<i32>} : memref<16x1024xf32, #tpu.memory_space<vmem>>, vector<1x16xf32>,
        %parallel_loop3A_581 = arith.constant 1 : i32
        %parallel_loop3A_582 = arith.addi %add3A_47, %parallel_loop3A_581 : i32
        %parallel_loop3A_583 = arith.constant 32 : i32
        %parallel_loop3A_584 = arith.cmpi slt, %parallel_loop3A_582, %parallel_loop3A_583 : i32
        %parallel_loop3A_585 = arith.extui %parallel_loop3A_584 : i1 to i32
        %parallel_loop3A_586 = arith.constant 0 : i32
        %parallel_loop3A_587 = arith.cmpi ne, %parallel_loop3A_585, %parallel_loop3A_586 : i32
        scf.if %parallel_loop3A_587 {
          %parallel_loop3A_588 = arith.constant 5 : i32
          %parallel_loop3A_589 = arith.index_cast %parallel_loop3A_588 : i32 to index
          %parallel_loop3A_590 = arith.index_cast %parallel_loop3A_129 : i32 to index
          %parallel_loop3A_591 = tpu.vector_load %arg7[%parallel_loop3A_589, %parallel_loop3A_590] {strides = array<i32>} : memref<24x1024xf32, #tpu.memory_space<vmem>>, vector<1x16xf32>,
          %parallel_loop3A_592 = vector.shape_cast %parallel_loop3A_591 : vector<1x16xf32> to vector<16xf32>
          %parallel_loop3A_593 = vector.shape_cast %parallel_loop3A_234 : vector<16xf32> to vector<1x16xf32>
          tpu.vector_store %arg7[%parallel_loop3A_589, %parallel_loop3A_590], %parallel_loop3A_593 {strides = array<i32>} : memref<24x1024xf32, #tpu.memory_space<vmem>>, vector<1x16xf32>,
          %parallel_loop3A_594 = arith.constant 6 : i32
          %parallel_loop3A_595 = arith.index_cast %parallel_loop3A_594 : i32 to index
          %parallel_loop3A_596 = arith.index_cast %parallel_loop3A_129 : i32 to index
          %parallel_loop3A_597 = tpu.vector_load %arg7[%parallel_loop3A_595, %parallel_loop3A_596] {strides = array<i32>} : memref<24x1024xf32, #tpu.memory_space<vmem>>, vector<1x16xf32>,
          %parallel_loop3A_598 = vector.shape_cast %parallel_loop3A_597 : vector<1x16xf32> to vector<16xf32>
          %parallel_loop3A_599 = vector.shape_cast %parallel_loop3A_239 : vector<16xf32> to vector<1x16xf32>
          tpu.vector_store %arg7[%parallel_loop3A_595, %parallel_loop3A_596], %parallel_loop3A_599 {strides = array<i32>} : memref<24x1024xf32, #tpu.memory_space<vmem>>, vector<1x16xf32>,
          %parallel_loop3A_600 = arith.constant 7 : i32
          %parallel_loop3A_601 = arith.index_cast %parallel_loop3A_600 : i32 to index
          %parallel_loop3A_602 = arith.index_cast %parallel_loop3A_129 : i32 to index
          %parallel_loop3A_603 = tpu.vector_load %arg7[%parallel_loop3A_601, %parallel_loop3A_602] {strides = array<i32>} : memref<24x1024xf32, #tpu.memory_space<vmem>>, vector<1x16xf32>,
          %parallel_loop3A_604 = vector.shape_cast %parallel_loop3A_603 : vector<1x16xf32> to vector<16xf32>
          %parallel_loop3A_605 = vector.shape_cast %parallel_loop3A_244 : vector<16xf32> to vector<1x16xf32>
          tpu.vector_store %arg7[%parallel_loop3A_601, %parallel_loop3A_602], %parallel_loop3A_605 {strides = array<i32>} : memref<24x1024xf32, #tpu.memory_space<vmem>>, vector<1x16xf32>,
        } else {
        }
      } {sc.loop_unroll_factor = 1 : i64, sc.parallel_access}
      %shift_right_arithmetic3A = arith.shrsi %scan3A_22, %add3A_47 : i32
      %and3A = arith.constant 1 : i32
      %and3A_73 = arith.andi %shift_right_arithmetic3A, %and3A : i32
      %ne3A = arith.constant 0 : i32
      %ne3A_74 = arith.cmpi ne, %and3A_73, %ne3A : i32
      %convert_element_type3A_75 = arith.extui %ne3A_74 : i1 to i32
      %cond3A_76 = arith.constant 0 : i32
      %cond3A_77 = arith.cmpi ne, %convert_element_type3A_75, %cond3A_76 : i32
      scf.if %cond3A_77 {
        %scan3A_127 = arith.constant 0 : i32
        %scan3A_128 = arith.constant 1 : i32
        %scan3A_129 = arith.constant 15 : i32
        %scan3A_130 = arith.addi %scan3A_128, %scan3A_129 : i32
        %scan3A_131 = arith.constant 1 : i32
        %scan3A_132 = scf.for %scan3A_134 = %scan3A_128 to %scan3A_130 step %scan3A_131 iter_args(%scan3A_135 = %scan3A_127) -> (i32)  : i32 {
          %get3A = arith.index_cast %scan3A_134 : i32 to index
          %get3A_136 = tpu.vector_load %arg11[%get3A] {strides = array<i32>} : memref<32xi32, #tpu.memory_space<vmem>>, vector<16xi32>,
          %get3A_137 = vector.shape_cast %get3A_136 : vector<16xi32> to vector<16xi32>
          %slice3A = vector.extract_strided_slice %get3A_137 {offsets = [0], sizes = [1], strides = [1]} : vector<16xi32> to vector<1xi32>
          %squeeze3A = vector.extract %slice3A[0] : i32 from vector<1xi32>
          %add3A_138 = arith.constant 0 : i32
          %add3A_139 = arith.addi %squeeze3A, %add3A_138 : i32
          %ge3A_140 = arith.cmpi sge, %add3A_139, %add3A_50 : i32
          %add3A_141 = arith.constant 16 : i32
          %add3A_142 = arith.addi %add3A_50, %add3A_141 : i32
          %lt3A_143 = arith.cmpi slt, %add3A_139, %add3A_142 : i32
          %and3A_144 = arith.andi %ge3A_140, %lt3A_143 : i1
          %convert_element_type3A_145 = arith.extui %and3A_144 : i1 to i32
          %cond3A_146 = arith.constant 0 : i32
          %cond3A_147 = arith.cmpi ne, %convert_element_type3A_145, %cond3A_146 : i32
          scf.if %cond3A_147 {
            %scan3A_169 = arith.constant 1 : i32
            %scan3A_170 = arith.constant 1 : i32
            %scan3A_171 = arith.constant 15 : i32
            %scan3A_172 = arith.addi %scan3A_170, %scan3A_171 : i32
            %scan3A_173 = arith.constant 1 : i32
            %scan3A_174 = scf.for %scan3A_220 = %scan3A_170 to %scan3A_172 step %scan3A_173 iter_args(%scan3A_221 = %scan3A_169) -> (i32)  : i32 {
              %get3A_222 = arith.index_cast %scan3A_220 : i32 to index
              %get3A_223 = tpu.vector_load %arg11[%get3A_222] {strides = array<i32>} : memref<32xi32, #tpu.memory_space<vmem>>, vector<16xi32>,
              %get3A_224 = vector.shape_cast %get3A_223 : vector<16xi32> to vector<16xi32>
              %slice3A_225 = vector.extract_strided_slice %get3A_224 {offsets = [0], sizes = [1], strides = [1]} : vector<16xi32> to vector<1xi32>
              %squeeze3A_226 = vector.extract %slice3A_225[0] : i32 from vector<1xi32>
              %le3A = arith.cmpi sle, %squeeze3A_226, %add3A_139 : i32
              %sub3A_227 = arith.constant 1 : i32
              %sub3A_228 = arith.subi %scan3A_220, %sub3A_227 : i32
              %get3A_229 = arith.index_cast %sub3A_228 : i32 to index
              %get3A_230 = tpu.vector_load %arg11[%get3A_229] {strides = array<i32>} : memref<32xi32, #tpu.memory_space<vmem>>, vector<16xi32>,
              %get3A_231 = vector.shape_cast %get3A_230 : vector<16xi32> to vector<16xi32>
              %slice3A_232 = vector.extract_strided_slice %get3A_231 {offsets = [0], sizes = [1], strides = [1]} : vector<16xi32> to vector<1xi32>
              %squeeze3A_233 = vector.extract %slice3A_232[0] : i32 from vector<1xi32>
              %ne3A_234 = arith.cmpi ne, %squeeze3A_226, %squeeze3A_233 : i32
              %and3A_235 = arith.andi %le3A, %ne3A_234 : i1
              %jit3A_236 = arith.constant 1 : i32
              %jit3A_237 = arith.constant 0 : i32
              %select_n3A_238 = arith.select %and3A_235, %jit3A_236, %jit3A_237 : i32
              %add3A_239 = arith.addi %scan3A_221, %select_n3A_238 : i32
              scf.yield %add3A_239 : i32
            }
            %scan3A_175 = arith.constant 15 : i32
            %sub3A = arith.constant 1 : i32
            %sub3A_176 = arith.subi %scan3A_174, %sub3A : i32
            %get3A_177 = arith.index_cast %sub3A_176 : i32 to index
            %get3A_178 = tpu.vector_load %arg11[%get3A_177] {strides = array<i32>} : memref<32xi32, #tpu.memory_space<vmem>>, vector<16xi32>,
            %get3A_179 = vector.shape_cast %get3A_178 : vector<16xi32> to vector<16xi32>
            %slice3A_180 = vector.extract_strided_slice %get3A_179 {offsets = [0], sizes = [1], strides = [1]} : vector<16xi32> to vector<1xi32>
            %squeeze3A_181 = vector.extract %slice3A_180[0] : i32 from vector<1xi32>
            %sub3A_182 = arith.constant 3 : i32
            %sub3A_183 = arith.subi %add3A_139, %sub3A_182 : i32
            %add3A_184 = arith.constant 0 : i32
            %add3A_185 = arith.addi %sub3A_183, %add3A_184 : i32
            %ge3A_186 = arith.cmpi sge, %add3A_185, %squeeze3A_181 : i32
            %jit3A = arith.constant 1.000000e+00 : f32
            %jit3A_187 = arith.constant 0.000000e+00 : f32
            %select_n3A = arith.select %ge3A_186, %jit3A, %jit3A_187 : f32
            %sub3A_188 = arith.constant 3 : i32
            %sub3A_189 = arith.subi %add3A_139, %sub3A_188 : i32
            %add3A_190 = arith.constant 1 : i32
            %add3A_191 = arith.addi %sub3A_189, %add3A_190 : i32
            %ge3A_192 = arith.cmpi sge, %add3A_191, %squeeze3A_181 : i32
            %jit3A_193 = arith.constant 1.000000e+00 : f32
            %jit3A_194 = arith.constant 0.000000e+00 : f32
            %select_n3A_195 = arith.select %ge3A_192, %jit3A_193, %jit3A_194 : f32
            %sub3A_196 = arith.constant 3 : i32
            %sub3A_197 = arith.subi %add3A_139, %sub3A_196 : i32
            %add3A_198 = arith.constant 2 : i32
            %add3A_199 = arith.addi %sub3A_197, %add3A_198 : i32
            %ge3A_200 = arith.cmpi sge, %add3A_199, %squeeze3A_181 : i32
            %jit3A_201 = arith.constant 1.000000e+00 : f32
            %jit3A_202 = arith.constant 0.000000e+00 : f32
            %select_n3A_203 = arith.select %ge3A_200, %jit3A_201, %jit3A_202 : f32
            %sub3A_204 = arith.constant 3 : i32
            %sub3A_205 = arith.subi %add3A_139, %sub3A_204 : i32
            %add3A_206 = arith.constant 3 : i32
            %add3A_207 = arith.addi %sub3A_205, %add3A_206 : i32
            %ge3A_208 = arith.cmpi sge, %add3A_207, %squeeze3A_181 : i32
            %jit3A_209 = arith.constant 1.000000e+00 : f32
            %jit3A_210 = arith.constant 0.000000e+00 : f32
            %select_n3A_211 = arith.select %ge3A_208, %jit3A_209, %jit3A_210 : f32
            %sub3A_212 = arith.subi %add3A_139, %add3A_50 : i32
            %scan3A_213 = arith.constant 0 : i32
            %scan3A_214 = arith.constant 0 : i32
            %scan3A_215 = arith.constant 64 : i32
            %scan3A_216 = arith.addi %scan3A_214, %scan3A_215 : i32
            %scan3A_217 = arith.constant 1 : i32
            %scan3A_218 = scf.for %scan3A_220 = %scan3A_214 to %scan3A_216 step %scan3A_217 iter_args(%scan3A_221 = %scan3A_213) -> (i32)  : i32 {
              %mul3A_222 = arith.constant 16 : i32
              %mul3A_223 = arith.muli %scan3A_220, %mul3A_222 : i32
              %add3A_224 = arith.constant 8 : i32
              %add3A_225 = arith.addi %sub3A_212, %add3A_224 : i32
              %sub3A_226 = arith.constant 3 : i32
              %sub3A_227 = arith.subi %add3A_225, %sub3A_226 : i32
              %add3A_228 = arith.constant 0 : i32
              %add3A_229 = arith.addi %sub3A_227, %add3A_228 : i32
              %get3A_230 = arith.index_cast %add3A_229 : i32 to index
              %get3A_231 = arith.index_cast %mul3A_223 : i32 to index
              %get3A_232 = tpu.vector_load %arg6[%get3A_230, %get3A_231] {strides = array<i32>} : memref<24x1024xf32, #tpu.memory_space<vmem>>, vector<1x16xf32>,
              %get3A_233 = vector.shape_cast %get3A_232 : vector<1x16xf32> to vector<16xf32>
              %get3A_234 = arith.constant 0 : i32
              %get3A_235 = arith.index_cast %get3A_234 : i32 to index
              %get3A_236 = arith.index_cast %mul3A_223 : i32 to index
              %get3A_237 = tpu.vector_load %arg10[%get3A_235, %get3A_236] {strides = array<i32>} : memref<4x1024xf32, #tpu.memory_space<vmem>>, vector<1x16xf32>,
              %get3A_238 = vector.shape_cast %get3A_237 : vector<1x16xf32> to vector<16xf32>
              %mul3A_239 = arith.mulf %get3A_233, %get3A_238 : vector<16xf32>
              %mul3A_240 = vector.broadcast %select_n3A : f32 to vector<16xf32>
              %mul3A_241 = arith.mulf %mul3A_239, %mul3A_240 : vector<16xf32>
              %add3A_242 = arith.constant 1 : i32
              %add3A_243 = arith.addi %sub3A_227, %add3A_242 : i32
              %get3A_244 = arith.index_cast %add3A_243 : i32 to index
              %get3A_245 = arith.index_cast %mul3A_223 : i32 to index
              %get3A_246 = tpu.vector_load %arg6[%get3A_244, %get3A_245] {strides = array<i32>} : memref<24x1024xf32, #tpu.memory_space<vmem>>, vector<1x16xf32>,
              %get3A_247 = vector.shape_cast %get3A_246 : vector<1x16xf32> to vector<16xf32>
              %get3A_248 = arith.constant 1 : i32
              %get3A_249 = arith.index_cast %get3A_248 : i32 to index
              %get3A_250 = arith.index_cast %mul3A_223 : i32 to index
              %get3A_251 = tpu.vector_load %arg10[%get3A_249, %get3A_250] {strides = array<i32>} : memref<4x1024xf32, #tpu.memory_space<vmem>>, vector<1x16xf32>,
              %get3A_252 = vector.shape_cast %get3A_251 : vector<1x16xf32> to vector<16xf32>
              %mul3A_253 = arith.mulf %get3A_247, %get3A_252 : vector<16xf32>
              %mul3A_254 = vector.broadcast %select_n3A_195 : f32 to vector<16xf32>
              %mul3A_255 = arith.mulf %mul3A_253, %mul3A_254 : vector<16xf32>
              %add3A_256 = arith.addf %mul3A_241, %mul3A_255 : vector<16xf32>
              %add3A_257 = arith.constant 2 : i32
              %add3A_258 = arith.addi %sub3A_227, %add3A_257 : i32
              %get3A_259 = arith.index_cast %add3A_258 : i32 to index
              %get3A_260 = arith.index_cast %mul3A_223 : i32 to index
              %get3A_261 = tpu.vector_load %arg6[%get3A_259, %get3A_260] {strides = array<i32>} : memref<24x1024xf32, #tpu.memory_space<vmem>>, vector<1x16xf32>,
              %get3A_262 = vector.shape_cast %get3A_261 : vector<1x16xf32> to vector<16xf32>
              %get3A_263 = arith.constant 2 : i32
              %get3A_264 = arith.index_cast %get3A_263 : i32 to index
              %get3A_265 = arith.index_cast %mul3A_223 : i32 to index
              %get3A_266 = tpu.vector_load %arg10[%get3A_264, %get3A_265] {strides = array<i32>} : memref<4x1024xf32, #tpu.memory_space<vmem>>, vector<1x16xf32>,
              %get3A_267 = vector.shape_cast %get3A_266 : vector<1x16xf32> to vector<16xf32>
              %mul3A_268 = arith.mulf %get3A_262, %get3A_267 : vector<16xf32>
              %mul3A_269 = vector.broadcast %select_n3A_203 : f32 to vector<16xf32>
              %mul3A_270 = arith.mulf %mul3A_268, %mul3A_269 : vector<16xf32>
              %add3A_271 = arith.addf %add3A_256, %mul3A_270 : vector<16xf32>
              %add3A_272 = arith.constant 3 : i32
              %add3A_273 = arith.addi %sub3A_227, %add3A_272 : i32
              %get3A_274 = arith.index_cast %add3A_273 : i32 to index
              %get3A_275 = arith.index_cast %mul3A_223 : i32 to index
              %get3A_276 = tpu.vector_load %arg6[%get3A_274, %get3A_275] {strides = array<i32>} : memref<24x1024xf32, #tpu.memory_space<vmem>>, vector<1x16xf32>,
              %get3A_277 = vector.shape_cast %get3A_276 : vector<1x16xf32> to vector<16xf32>
              %get3A_278 = arith.constant 3 : i32
              %get3A_279 = arith.index_cast %get3A_278 : i32 to index
              %get3A_280 = arith.index_cast %mul3A_223 : i32 to index
              %get3A_281 = tpu.vector_load %arg10[%get3A_279, %get3A_280] {strides = array<i32>} : memref<4x1024xf32, #tpu.memory_space<vmem>>, vector<1x16xf32>,
              %get3A_282 = vector.shape_cast %get3A_281 : vector<1x16xf32> to vector<16xf32>
              %mul3A_283 = arith.mulf %get3A_277, %get3A_282 : vector<16xf32>
              %mul3A_284 = vector.broadcast %select_n3A_211 : f32 to vector<16xf32>
              %mul3A_285 = arith.mulf %mul3A_283, %mul3A_284 : vector<16xf32>
              %add3A_286 = arith.addf %add3A_271, %mul3A_285 : vector<16xf32>
              %neg3A = arith.constant 0.000000e+00 : f32
              %neg3A_287 = vector.broadcast %neg3A : f32 to vector<16xf32>
              %neg3A_288 = arith.subf %neg3A_287, %add3A_286 : vector<16xf32>
              %exp3A = math.exp %neg3A_288 : vector<16xf32>
              %add3A_289 = arith.constant 1.000000e+00 : f32
              %add3A_290 = vector.broadcast %add3A_289 : f32 to vector<16xf32>
              %add3A_291 = arith.addf %add3A_290, %exp3A : vector<16xf32>
              %div3A = arith.divf %add3A_286, %add3A_291 : vector<16xf32>
              %swap3A = arith.index_cast %sub3A_212 : i32 to index
              %swap3A_292 = arith.index_cast %mul3A_223 : i32 to index
              %swap3A_293 = tpu.vector_load %arg8[%swap3A, %swap3A_292] {strides = array<i32>} : memref<16x1024xf32, #tpu.memory_space<vmem>>, vector<1x16xf32>,
              %swap3A_294 = vector.shape_cast %swap3A_293 : vector<1x16xf32> to vector<16xf32>
              %swap3A_295 = vector.shape_cast %div3A : vector<16xf32> to vector<1x16xf32>
              tpu.vector_store %arg8[%swap3A, %swap3A_292], %swap3A_295 {strides = array<i32>} : memref<16x1024xf32, #tpu.memory_space<vmem>>, vector<1x16xf32>,
              %scan3A_296 = arith.constant 0 : i32
              scf.yield %scan3A_296 : i32
            }
            %scan3A_219 = arith.constant 64 : i32
          } else {
          }
          %add3A_148 = arith.constant 1 : i32
          %add3A_149 = arith.addi %squeeze3A, %add3A_148 : i32
          %ge3A_150 = arith.cmpi sge, %add3A_149, %add3A_50 : i32
          %add3A_151 = arith.constant 16 : i32
          %add3A_152 = arith.addi %add3A_50, %add3A_151 : i32
          %lt3A_153 = arith.cmpi slt, %add3A_149, %add3A_152 : i32
          %and3A_154 = arith.andi %ge3A_150, %lt3A_153 : i1
          %convert_element_type3A_155 = arith.extui %and3A_154 : i1 to i32
          %cond3A_156 = arith.constant 0 : i32
          %cond3A_157 = arith.cmpi ne, %convert_element_type3A_155, %cond3A_156 : i32
          scf.if %cond3A_157 {
            %scan3A_169 = arith.constant 1 : i32
            %scan3A_170 = arith.constant 1 : i32
            %scan3A_171 = arith.constant 15 : i32
            %scan3A_172 = arith.addi %scan3A_170, %scan3A_171 : i32
            %scan3A_173 = arith.constant 1 : i32
            %scan3A_174 = scf.for %scan3A_220 = %scan3A_170 to %scan3A_172 step %scan3A_173 iter_args(%scan3A_221 = %scan3A_169) -> (i32)  : i32 {
              %get3A_222 = arith.index_cast %scan3A_220 : i32 to index
              %get3A_223 = tpu.vector_load %arg11[%get3A_222] {strides = array<i32>} : memref<32xi32, #tpu.memory_space<vmem>>, vector<16xi32>,
              %get3A_224 = vector.shape_cast %get3A_223 : vector<16xi32> to vector<16xi32>
              %slice3A_225 = vector.extract_strided_slice %get3A_224 {offsets = [0], sizes = [1], strides = [1]} : vector<16xi32> to vector<1xi32>
              %squeeze3A_226 = vector.extract %slice3A_225[0] : i32 from vector<1xi32>
              %le3A = arith.cmpi sle, %squeeze3A_226, %add3A_149 : i32
              %sub3A_227 = arith.constant 1 : i32
              %sub3A_228 = arith.subi %scan3A_220, %sub3A_227 : i32
              %get3A_229 = arith.index_cast %sub3A_228 : i32 to index
              %get3A_230 = tpu.vector_load %arg11[%get3A_229] {strides = array<i32>} : memref<32xi32, #tpu.memory_space<vmem>>, vector<16xi32>,
              %get3A_231 = vector.shape_cast %get3A_230 : vector<16xi32> to vector<16xi32>
              %slice3A_232 = vector.extract_strided_slice %get3A_231 {offsets = [0], sizes = [1], strides = [1]} : vector<16xi32> to vector<1xi32>
              %squeeze3A_233 = vector.extract %slice3A_232[0] : i32 from vector<1xi32>
              %ne3A_234 = arith.cmpi ne, %squeeze3A_226, %squeeze3A_233 : i32
              %and3A_235 = arith.andi %le3A, %ne3A_234 : i1
              %jit3A_236 = arith.constant 1 : i32
              %jit3A_237 = arith.constant 0 : i32
              %select_n3A_238 = arith.select %and3A_235, %jit3A_236, %jit3A_237 : i32
              %add3A_239 = arith.addi %scan3A_221, %select_n3A_238 : i32
              scf.yield %add3A_239 : i32
            }
            %scan3A_175 = arith.constant 15 : i32
            %sub3A = arith.constant 1 : i32
            %sub3A_176 = arith.subi %scan3A_174, %sub3A : i32
            %get3A_177 = arith.index_cast %sub3A_176 : i32 to index
            %get3A_178 = tpu.vector_load %arg11[%get3A_177] {strides = array<i32>} : memref<32xi32, #tpu.memory_space<vmem>>, vector<16xi32>,
            %get3A_179 = vector.shape_cast %get3A_178 : vector<16xi32> to vector<16xi32>
            %slice3A_180 = vector.extract_strided_slice %get3A_179 {offsets = [0], sizes = [1], strides = [1]} : vector<16xi32> to vector<1xi32>
            %squeeze3A_181 = vector.extract %slice3A_180[0] : i32 from vector<1xi32>
            %sub3A_182 = arith.constant 3 : i32
            %sub3A_183 = arith.subi %add3A_149, %sub3A_182 : i32
            %add3A_184 = arith.constant 0 : i32
            %add3A_185 = arith.addi %sub3A_183, %add3A_184 : i32
            %ge3A_186 = arith.cmpi sge, %add3A_185, %squeeze3A_181 : i32
            %jit3A = arith.constant 1.000000e+00 : f32
            %jit3A_187 = arith.constant 0.000000e+00 : f32
            %select_n3A = arith.select %ge3A_186, %jit3A, %jit3A_187 : f32
            %sub3A_188 = arith.constant 3 : i32
            %sub3A_189 = arith.subi %add3A_149, %sub3A_188 : i32
            %add3A_190 = arith.constant 1 : i32
            %add3A_191 = arith.addi %sub3A_189, %add3A_190 : i32
            %ge3A_192 = arith.cmpi sge, %add3A_191, %squeeze3A_181 : i32
            %jit3A_193 = arith.constant 1.000000e+00 : f32
            %jit3A_194 = arith.constant 0.000000e+00 : f32
            %select_n3A_195 = arith.select %ge3A_192, %jit3A_193, %jit3A_194 : f32
            %sub3A_196 = arith.constant 3 : i32
            %sub3A_197 = arith.subi %add3A_149, %sub3A_196 : i32
            %add3A_198 = arith.constant 2 : i32
            %add3A_199 = arith.addi %sub3A_197, %add3A_198 : i32
            %ge3A_200 = arith.cmpi sge, %add3A_199, %squeeze3A_181 : i32
            %jit3A_201 = arith.constant 1.000000e+00 : f32
            %jit3A_202 = arith.constant 0.000000e+00 : f32
            %select_n3A_203 = arith.select %ge3A_200, %jit3A_201, %jit3A_202 : f32
            %sub3A_204 = arith.constant 3 : i32
            %sub3A_205 = arith.subi %add3A_149, %sub3A_204 : i32
            %add3A_206 = arith.constant 3 : i32
            %add3A_207 = arith.addi %sub3A_205, %add3A_206 : i32
            %ge3A_208 = arith.cmpi sge, %add3A_207, %squeeze3A_181 : i32
            %jit3A_209 = arith.constant 1.000000e+00 : f32
            %jit3A_210 = arith.constant 0.000000e+00 : f32
            %select_n3A_211 = arith.select %ge3A_208, %jit3A_209, %jit3A_210 : f32
            %sub3A_212 = arith.subi %add3A_149, %add3A_50 : i32
            %scan3A_213 = arith.constant 0 : i32
            %scan3A_214 = arith.constant 0 : i32
            %scan3A_215 = arith.constant 64 : i32
            %scan3A_216 = arith.addi %scan3A_214, %scan3A_215 : i32
            %scan3A_217 = arith.constant 1 : i32
            %scan3A_218 = scf.for %scan3A_220 = %scan3A_214 to %scan3A_216 step %scan3A_217 iter_args(%scan3A_221 = %scan3A_213) -> (i32)  : i32 {
              %mul3A_222 = arith.constant 16 : i32
              %mul3A_223 = arith.muli %scan3A_220, %mul3A_222 : i32
              %add3A_224 = arith.constant 8 : i32
              %add3A_225 = arith.addi %sub3A_212, %add3A_224 : i32
              %sub3A_226 = arith.constant 3 : i32
              %sub3A_227 = arith.subi %add3A_225, %sub3A_226 : i32
              %add3A_228 = arith.constant 0 : i32
              %add3A_229 = arith.addi %sub3A_227, %add3A_228 : i32
              %get3A_230 = arith.index_cast %add3A_229 : i32 to index
              %get3A_231 = arith.index_cast %mul3A_223 : i32 to index
              %get3A_232 = tpu.vector_load %arg6[%get3A_230, %get3A_231] {strides = array<i32>} : memref<24x1024xf32, #tpu.memory_space<vmem>>, vector<1x16xf32>,
              %get3A_233 = vector.shape_cast %get3A_232 : vector<1x16xf32> to vector<16xf32>
              %get3A_234 = arith.constant 0 : i32
              %get3A_235 = arith.index_cast %get3A_234 : i32 to index
              %get3A_236 = arith.index_cast %mul3A_223 : i32 to index
              %get3A_237 = tpu.vector_load %arg10[%get3A_235, %get3A_236] {strides = array<i32>} : memref<4x1024xf32, #tpu.memory_space<vmem>>, vector<1x16xf32>,
              %get3A_238 = vector.shape_cast %get3A_237 : vector<1x16xf32> to vector<16xf32>
              %mul3A_239 = arith.mulf %get3A_233, %get3A_238 : vector<16xf32>
              %mul3A_240 = vector.broadcast %select_n3A : f32 to vector<16xf32>
              %mul3A_241 = arith.mulf %mul3A_239, %mul3A_240 : vector<16xf32>
              %add3A_242 = arith.constant 1 : i32
              %add3A_243 = arith.addi %sub3A_227, %add3A_242 : i32
              %get3A_244 = arith.index_cast %add3A_243 : i32 to index
              %get3A_245 = arith.index_cast %mul3A_223 : i32 to index
              %get3A_246 = tpu.vector_load %arg6[%get3A_244, %get3A_245] {strides = array<i32>} : memref<24x1024xf32, #tpu.memory_space<vmem>>, vector<1x16xf32>,
              %get3A_247 = vector.shape_cast %get3A_246 : vector<1x16xf32> to vector<16xf32>
              %get3A_248 = arith.constant 1 : i32
              %get3A_249 = arith.index_cast %get3A_248 : i32 to index
              %get3A_250 = arith.index_cast %mul3A_223 : i32 to index
              %get3A_251 = tpu.vector_load %arg10[%get3A_249, %get3A_250] {strides = array<i32>} : memref<4x1024xf32, #tpu.memory_space<vmem>>, vector<1x16xf32>,
              %get3A_252 = vector.shape_cast %get3A_251 : vector<1x16xf32> to vector<16xf32>
              %mul3A_253 = arith.mulf %get3A_247, %get3A_252 : vector<16xf32>
              %mul3A_254 = vector.broadcast %select_n3A_195 : f32 to vector<16xf32>
              %mul3A_255 = arith.mulf %mul3A_253, %mul3A_254 : vector<16xf32>
              %add3A_256 = arith.addf %mul3A_241, %mul3A_255 : vector<16xf32>
              %add3A_257 = arith.constant 2 : i32
              %add3A_258 = arith.addi %sub3A_227, %add3A_257 : i32
              %get3A_259 = arith.index_cast %add3A_258 : i32 to index
              %get3A_260 = arith.index_cast %mul3A_223 : i32 to index
              %get3A_261 = tpu.vector_load %arg6[%get3A_259, %get3A_260] {strides = array<i32>} : memref<24x1024xf32, #tpu.memory_space<vmem>>, vector<1x16xf32>,
              %get3A_262 = vector.shape_cast %get3A_261 : vector<1x16xf32> to vector<16xf32>
              %get3A_263 = arith.constant 2 : i32
              %get3A_264 = arith.index_cast %get3A_263 : i32 to index
              %get3A_265 = arith.index_cast %mul3A_223 : i32 to index
              %get3A_266 = tpu.vector_load %arg10[%get3A_264, %get3A_265] {strides = array<i32>} : memref<4x1024xf32, #tpu.memory_space<vmem>>, vector<1x16xf32>,
              %get3A_267 = vector.shape_cast %get3A_266 : vector<1x16xf32> to vector<16xf32>
              %mul3A_268 = arith.mulf %get3A_262, %get3A_267 : vector<16xf32>
              %mul3A_269 = vector.broadcast %select_n3A_203 : f32 to vector<16xf32>
              %mul3A_270 = arith.mulf %mul3A_268, %mul3A_269 : vector<16xf32>
              %add3A_271 = arith.addf %add3A_256, %mul3A_270 : vector<16xf32>
              %add3A_272 = arith.constant 3 : i32
              %add3A_273 = arith.addi %sub3A_227, %add3A_272 : i32
              %get3A_274 = arith.index_cast %add3A_273 : i32 to index
              %get3A_275 = arith.index_cast %mul3A_223 : i32 to index
              %get3A_276 = tpu.vector_load %arg6[%get3A_274, %get3A_275] {strides = array<i32>} : memref<24x1024xf32, #tpu.memory_space<vmem>>, vector<1x16xf32>,
              %get3A_277 = vector.shape_cast %get3A_276 : vector<1x16xf32> to vector<16xf32>
              %get3A_278 = arith.constant 3 : i32
              %get3A_279 = arith.index_cast %get3A_278 : i32 to index
              %get3A_280 = arith.index_cast %mul3A_223 : i32 to index
              %get3A_281 = tpu.vector_load %arg10[%get3A_279, %get3A_280] {strides = array<i32>} : memref<4x1024xf32, #tpu.memory_space<vmem>>, vector<1x16xf32>,
              %get3A_282 = vector.shape_cast %get3A_281 : vector<1x16xf32> to vector<16xf32>
              %mul3A_283 = arith.mulf %get3A_277, %get3A_282 : vector<16xf32>
              %mul3A_284 = vector.broadcast %select_n3A_211 : f32 to vector<16xf32>
              %mul3A_285 = arith.mulf %mul3A_283, %mul3A_284 : vector<16xf32>
              %add3A_286 = arith.addf %add3A_271, %mul3A_285 : vector<16xf32>
              %neg3A = arith.constant 0.000000e+00 : f32
              %neg3A_287 = vector.broadcast %neg3A : f32 to vector<16xf32>
              %neg3A_288 = arith.subf %neg3A_287, %add3A_286 : vector<16xf32>
              %exp3A = math.exp %neg3A_288 : vector<16xf32>
              %add3A_289 = arith.constant 1.000000e+00 : f32
              %add3A_290 = vector.broadcast %add3A_289 : f32 to vector<16xf32>
              %add3A_291 = arith.addf %add3A_290, %exp3A : vector<16xf32>
              %div3A = arith.divf %add3A_286, %add3A_291 : vector<16xf32>
              %swap3A = arith.index_cast %sub3A_212 : i32 to index
              %swap3A_292 = arith.index_cast %mul3A_223 : i32 to index
              %swap3A_293 = tpu.vector_load %arg8[%swap3A, %swap3A_292] {strides = array<i32>} : memref<16x1024xf32, #tpu.memory_space<vmem>>, vector<1x16xf32>,
              %swap3A_294 = vector.shape_cast %swap3A_293 : vector<1x16xf32> to vector<16xf32>
              %swap3A_295 = vector.shape_cast %div3A : vector<16xf32> to vector<1x16xf32>
              tpu.vector_store %arg8[%swap3A, %swap3A_292], %swap3A_295 {strides = array<i32>} : memref<16x1024xf32, #tpu.memory_space<vmem>>, vector<1x16xf32>,
              %scan3A_296 = arith.constant 0 : i32
              scf.yield %scan3A_296 : i32
            }
            %scan3A_219 = arith.constant 64 : i32
          } else {
          }
          %add3A_158 = arith.constant 2 : i32
          %add3A_159 = arith.addi %squeeze3A, %add3A_158 : i32
          %ge3A_160 = arith.cmpi sge, %add3A_159, %add3A_50 : i32
          %add3A_161 = arith.constant 16 : i32
          %add3A_162 = arith.addi %add3A_50, %add3A_161 : i32
          %lt3A_163 = arith.cmpi slt, %add3A_159, %add3A_162 : i32
          %and3A_164 = arith.andi %ge3A_160, %lt3A_163 : i1
          %convert_element_type3A_165 = arith.extui %and3A_164 : i1 to i32
          %cond3A_166 = arith.constant 0 : i32
          %cond3A_167 = arith.cmpi ne, %convert_element_type3A_165, %cond3A_166 : i32
          scf.if %cond3A_167 {
            %scan3A_169 = arith.constant 1 : i32
            %scan3A_170 = arith.constant 1 : i32
            %scan3A_171 = arith.constant 15 : i32
            %scan3A_172 = arith.addi %scan3A_170, %scan3A_171 : i32
            %scan3A_173 = arith.constant 1 : i32
            %scan3A_174 = scf.for %scan3A_220 = %scan3A_170 to %scan3A_172 step %scan3A_173 iter_args(%scan3A_221 = %scan3A_169) -> (i32)  : i32 {
              %get3A_222 = arith.index_cast %scan3A_220 : i32 to index
              %get3A_223 = tpu.vector_load %arg11[%get3A_222] {strides = array<i32>} : memref<32xi32, #tpu.memory_space<vmem>>, vector<16xi32>,
              %get3A_224 = vector.shape_cast %get3A_223 : vector<16xi32> to vector<16xi32>
              %slice3A_225 = vector.extract_strided_slice %get3A_224 {offsets = [0], sizes = [1], strides = [1]} : vector<16xi32> to vector<1xi32>
              %squeeze3A_226 = vector.extract %slice3A_225[0] : i32 from vector<1xi32>
              %le3A = arith.cmpi sle, %squeeze3A_226, %add3A_159 : i32
              %sub3A_227 = arith.constant 1 : i32
              %sub3A_228 = arith.subi %scan3A_220, %sub3A_227 : i32
              %get3A_229 = arith.index_cast %sub3A_228 : i32 to index
              %get3A_230 = tpu.vector_load %arg11[%get3A_229] {strides = array<i32>} : memref<32xi32, #tpu.memory_space<vmem>>, vector<16xi32>,
              %get3A_231 = vector.shape_cast %get3A_230 : vector<16xi32> to vector<16xi32>
              %slice3A_232 = vector.extract_strided_slice %get3A_231 {offsets = [0], sizes = [1], strides = [1]} : vector<16xi32> to vector<1xi32>
              %squeeze3A_233 = vector.extract %slice3A_232[0] : i32 from vector<1xi32>
              %ne3A_234 = arith.cmpi ne, %squeeze3A_226, %squeeze3A_233 : i32
              %and3A_235 = arith.andi %le3A, %ne3A_234 : i1
              %jit3A_236 = arith.constant 1 : i32
              %jit3A_237 = arith.constant 0 : i32
              %select_n3A_238 = arith.select %and3A_235, %jit3A_236, %jit3A_237 : i32
              %add3A_239 = arith.addi %scan3A_221, %select_n3A_238 : i32
              scf.yield %add3A_239 : i32
            }
            %scan3A_175 = arith.constant 15 : i32
            %sub3A = arith.constant 1 : i32
            %sub3A_176 = arith.subi %scan3A_174, %sub3A : i32
            %get3A_177 = arith.index_cast %sub3A_176 : i32 to index
            %get3A_178 = tpu.vector_load %arg11[%get3A_177] {strides = array<i32>} : memref<32xi32, #tpu.memory_space<vmem>>, vector<16xi32>,
            %get3A_179 = vector.shape_cast %get3A_178 : vector<16xi32> to vector<16xi32>
            %slice3A_180 = vector.extract_strided_slice %get3A_179 {offsets = [0], sizes = [1], strides = [1]} : vector<16xi32> to vector<1xi32>
            %squeeze3A_181 = vector.extract %slice3A_180[0] : i32 from vector<1xi32>
            %sub3A_182 = arith.constant 3 : i32
            %sub3A_183 = arith.subi %add3A_159, %sub3A_182 : i32
            %add3A_184 = arith.constant 0 : i32
            %add3A_185 = arith.addi %sub3A_183, %add3A_184 : i32
            %ge3A_186 = arith.cmpi sge, %add3A_185, %squeeze3A_181 : i32
            %jit3A = arith.constant 1.000000e+00 : f32
            %jit3A_187 = arith.constant 0.000000e+00 : f32
            %select_n3A = arith.select %ge3A_186, %jit3A, %jit3A_187 : f32
            %sub3A_188 = arith.constant 3 : i32
            %sub3A_189 = arith.subi %add3A_159, %sub3A_188 : i32
            %add3A_190 = arith.constant 1 : i32
            %add3A_191 = arith.addi %sub3A_189, %add3A_190 : i32
            %ge3A_192 = arith.cmpi sge, %add3A_191, %squeeze3A_181 : i32
            %jit3A_193 = arith.constant 1.000000e+00 : f32
            %jit3A_194 = arith.constant 0.000000e+00 : f32
            %select_n3A_195 = arith.select %ge3A_192, %jit3A_193, %jit3A_194 : f32
            %sub3A_196 = arith.constant 3 : i32
            %sub3A_197 = arith.subi %add3A_159, %sub3A_196 : i32
            %add3A_198 = arith.constant 2 : i32
            %add3A_199 = arith.addi %sub3A_197, %add3A_198 : i32
            %ge3A_200 = arith.cmpi sge, %add3A_199, %squeeze3A_181 : i32
            %jit3A_201 = arith.constant 1.000000e+00 : f32
            %jit3A_202 = arith.constant 0.000000e+00 : f32
            %select_n3A_203 = arith.select %ge3A_200, %jit3A_201, %jit3A_202 : f32
            %sub3A_204 = arith.constant 3 : i32
            %sub3A_205 = arith.subi %add3A_159, %sub3A_204 : i32
            %add3A_206 = arith.constant 3 : i32
            %add3A_207 = arith.addi %sub3A_205, %add3A_206 : i32
            %ge3A_208 = arith.cmpi sge, %add3A_207, %squeeze3A_181 : i32
            %jit3A_209 = arith.constant 1.000000e+00 : f32
            %jit3A_210 = arith.constant 0.000000e+00 : f32
            %select_n3A_211 = arith.select %ge3A_208, %jit3A_209, %jit3A_210 : f32
            %sub3A_212 = arith.subi %add3A_159, %add3A_50 : i32
            %scan3A_213 = arith.constant 0 : i32
            %scan3A_214 = arith.constant 0 : i32
            %scan3A_215 = arith.constant 64 : i32
            %scan3A_216 = arith.addi %scan3A_214, %scan3A_215 : i32
            %scan3A_217 = arith.constant 1 : i32
            %scan3A_218 = scf.for %scan3A_220 = %scan3A_214 to %scan3A_216 step %scan3A_217 iter_args(%scan3A_221 = %scan3A_213) -> (i32)  : i32 {
              %mul3A_222 = arith.constant 16 : i32
              %mul3A_223 = arith.muli %scan3A_220, %mul3A_222 : i32
              %add3A_224 = arith.constant 8 : i32
              %add3A_225 = arith.addi %sub3A_212, %add3A_224 : i32
              %sub3A_226 = arith.constant 3 : i32
              %sub3A_227 = arith.subi %add3A_225, %sub3A_226 : i32
              %add3A_228 = arith.constant 0 : i32
              %add3A_229 = arith.addi %sub3A_227, %add3A_228 : i32
              %get3A_230 = arith.index_cast %add3A_229 : i32 to index
              %get3A_231 = arith.index_cast %mul3A_223 : i32 to index
              %get3A_232 = tpu.vector_load %arg6[%get3A_230, %get3A_231] {strides = array<i32>} : memref<24x1024xf32, #tpu.memory_space<vmem>>, vector<1x16xf32>,
              %get3A_233 = vector.shape_cast %get3A_232 : vector<1x16xf32> to vector<16xf32>
              %get3A_234 = arith.constant 0 : i32
              %get3A_235 = arith.index_cast %get3A_234 : i32 to index
              %get3A_236 = arith.index_cast %mul3A_223 : i32 to index
              %get3A_237 = tpu.vector_load %arg10[%get3A_235, %get3A_236] {strides = array<i32>} : memref<4x1024xf32, #tpu.memory_space<vmem>>, vector<1x16xf32>,
              %get3A_238 = vector.shape_cast %get3A_237 : vector<1x16xf32> to vector<16xf32>
              %mul3A_239 = arith.mulf %get3A_233, %get3A_238 : vector<16xf32>
              %mul3A_240 = vector.broadcast %select_n3A : f32 to vector<16xf32>
              %mul3A_241 = arith.mulf %mul3A_239, %mul3A_240 : vector<16xf32>
              %add3A_242 = arith.constant 1 : i32
              %add3A_243 = arith.addi %sub3A_227, %add3A_242 : i32
              %get3A_244 = arith.index_cast %add3A_243 : i32 to index
              %get3A_245 = arith.index_cast %mul3A_223 : i32 to index
              %get3A_246 = tpu.vector_load %arg6[%get3A_244, %get3A_245] {strides = array<i32>} : memref<24x1024xf32, #tpu.memory_space<vmem>>, vector<1x16xf32>,
              %get3A_247 = vector.shape_cast %get3A_246 : vector<1x16xf32> to vector<16xf32>
              %get3A_248 = arith.constant 1 : i32
              %get3A_249 = arith.index_cast %get3A_248 : i32 to index
              %get3A_250 = arith.index_cast %mul3A_223 : i32 to index
              %get3A_251 = tpu.vector_load %arg10[%get3A_249, %get3A_250] {strides = array<i32>} : memref<4x1024xf32, #tpu.memory_space<vmem>>, vector<1x16xf32>,
              %get3A_252 = vector.shape_cast %get3A_251 : vector<1x16xf32> to vector<16xf32>
              %mul3A_253 = arith.mulf %get3A_247, %get3A_252 : vector<16xf32>
              %mul3A_254 = vector.broadcast %select_n3A_195 : f32 to vector<16xf32>
              %mul3A_255 = arith.mulf %mul3A_253, %mul3A_254 : vector<16xf32>
              %add3A_256 = arith.addf %mul3A_241, %mul3A_255 : vector<16xf32>
              %add3A_257 = arith.constant 2 : i32
              %add3A_258 = arith.addi %sub3A_227, %add3A_257 : i32
              %get3A_259 = arith.index_cast %add3A_258 : i32 to index
              %get3A_260 = arith.index_cast %mul3A_223 : i32 to index
              %get3A_261 = tpu.vector_load %arg6[%get3A_259, %get3A_260] {strides = array<i32>} : memref<24x1024xf32, #tpu.memory_space<vmem>>, vector<1x16xf32>,
              %get3A_262 = vector.shape_cast %get3A_261 : vector<1x16xf32> to vector<16xf32>
              %get3A_263 = arith.constant 2 : i32
              %get3A_264 = arith.index_cast %get3A_263 : i32 to index
              %get3A_265 = arith.index_cast %mul3A_223 : i32 to index
              %get3A_266 = tpu.vector_load %arg10[%get3A_264, %get3A_265] {strides = array<i32>} : memref<4x1024xf32, #tpu.memory_space<vmem>>, vector<1x16xf32>,
              %get3A_267 = vector.shape_cast %get3A_266 : vector<1x16xf32> to vector<16xf32>
              %mul3A_268 = arith.mulf %get3A_262, %get3A_267 : vector<16xf32>
              %mul3A_269 = vector.broadcast %select_n3A_203 : f32 to vector<16xf32>
              %mul3A_270 = arith.mulf %mul3A_268, %mul3A_269 : vector<16xf32>
              %add3A_271 = arith.addf %add3A_256, %mul3A_270 : vector<16xf32>
              %add3A_272 = arith.constant 3 : i32
              %add3A_273 = arith.addi %sub3A_227, %add3A_272 : i32
              %get3A_274 = arith.index_cast %add3A_273 : i32 to index
              %get3A_275 = arith.index_cast %mul3A_223 : i32 to index
              %get3A_276 = tpu.vector_load %arg6[%get3A_274, %get3A_275] {strides = array<i32>} : memref<24x1024xf32, #tpu.memory_space<vmem>>, vector<1x16xf32>,
              %get3A_277 = vector.shape_cast %get3A_276 : vector<1x16xf32> to vector<16xf32>
              %get3A_278 = arith.constant 3 : i32
              %get3A_279 = arith.index_cast %get3A_278 : i32 to index
              %get3A_280 = arith.index_cast %mul3A_223 : i32 to index
              %get3A_281 = tpu.vector_load %arg10[%get3A_279, %get3A_280] {strides = array<i32>} : memref<4x1024xf32, #tpu.memory_space<vmem>>, vector<1x16xf32>,
              %get3A_282 = vector.shape_cast %get3A_281 : vector<1x16xf32> to vector<16xf32>
              %mul3A_283 = arith.mulf %get3A_277, %get3A_282 : vector<16xf32>
              %mul3A_284 = vector.broadcast %select_n3A_211 : f32 to vector<16xf32>
              %mul3A_285 = arith.mulf %mul3A_283, %mul3A_284 : vector<16xf32>
              %add3A_286 = arith.addf %add3A_271, %mul3A_285 : vector<16xf32>
              %neg3A = arith.constant 0.000000e+00 : f32
              %neg3A_287 = vector.broadcast %neg3A : f32 to vector<16xf32>
              %neg3A_288 = arith.subf %neg3A_287, %add3A_286 : vector<16xf32>
              %exp3A = math.exp %neg3A_288 : vector<16xf32>
              %add3A_289 = arith.constant 1.000000e+00 : f32
              %add3A_290 = vector.broadcast %add3A_289 : f32 to vector<16xf32>
              %add3A_291 = arith.addf %add3A_290, %exp3A : vector<16xf32>
              %div3A = arith.divf %add3A_286, %add3A_291 : vector<16xf32>
              %swap3A = arith.index_cast %sub3A_212 : i32 to index
              %swap3A_292 = arith.index_cast %mul3A_223 : i32 to index
              %swap3A_293 = tpu.vector_load %arg8[%swap3A, %swap3A_292] {strides = array<i32>} : memref<16x1024xf32, #tpu.memory_space<vmem>>, vector<1x16xf32>,
              %swap3A_294 = vector.shape_cast %swap3A_293 : vector<1x16xf32> to vector<16xf32>
              %swap3A_295 = vector.shape_cast %div3A : vector<16xf32> to vector<1x16xf32>
              tpu.vector_store %arg8[%swap3A, %swap3A_292], %swap3A_295 {strides = array<i32>} : memref<16x1024xf32, #tpu.memory_space<vmem>>, vector<1x16xf32>,
              %scan3A_296 = arith.constant 0 : i32
              scf.yield %scan3A_296 : i32
            }
            %scan3A_219 = arith.constant 64 : i32
          } else {
          }
          %scan3A_168 = arith.constant 0 : i32
          scf.yield %scan3A_168 : i32
        }
        %scan3A_133 = arith.constant 15 : i32
      } else {
      }
      %dma_start3A_78 = arith.constant 0 : i32
      %dma_start3A_79 = tpu.memref_slice %arg5[%add3A_50, %dma_start3A_78] : memref<16384x1024xf32, #tpu.memory_space<hbm>> -> memref<16x1024xf32, #tpu.memory_space<hbm>>
      %dma_start3A_80 = arith.constant 0 : i32
      %dma_start3A_81 = tpu.memref_slice %arg5[%add3A_50, %dma_start3A_80] : memref<16384x1024xf32, #tpu.memory_space<hbm>> -> memref<16x1024xf32, #tpu.memory_space<hbm>>
      tpu.enqueue_dma source(%arg8 : memref<16x1024xf32, #tpu.memory_space<vmem>>) target(%dma_start3A_81 : memref<16x1024xf32, #tpu.memory_space<hbm>>) target_semaphore(%arg14 : memref<!tpu.dma_semaphore, #tpu.memory_space<semaphore_mem>>)
      %mul3A_82 = arith.constant 2 : i32
      %mul3A_83 = arith.muli %scan3A_42, %mul3A_82 : i32
      %add3A_84 = arith.constant 1 : i32
      %add3A_85 = arith.addi %mul3A_83, %add3A_84 : i32
      %mul3A_86 = arith.constant 16 : i32
      %mul3A_87 = arith.muli %add3A_85, %mul3A_86 : i32
      %add3A_88 = arith.addi %mul3A_2, %mul3A_87 : i32
      %add3A_89 = arith.constant 1 : i32
      %add3A_90 = arith.addi %add3A_85, %add3A_89 : i32
      %lt3A_91 = arith.constant 32 : i32
      %lt3A_92 = arith.cmpi slt, %add3A_90, %lt3A_91 : i32
      %convert_element_type3A_93 = arith.extui %lt3A_92 : i1 to i32
      %cond3A_94 = arith.constant 0 : i32
      %cond3A_95 = arith.cmpi ne, %convert_element_type3A_93, %cond3A_94 : i32
      scf.if %cond3A_95 {
        %add3A_127 = arith.constant 16 : i32
        %add3A_128 = arith.addi %add3A_88, %add3A_127 : i32
        %dma_start3A_129 = arith.constant 8 : i32
        %dma_start3A_130 = arith.constant 0 : i32
        %dma_start3A_131 = tpu.memref_slice %arg6[%dma_start3A_129, %dma_start3A_130] : memref<24x1024xf32, #tpu.memory_space<vmem>> -> memref<16x1024xf32, #tpu.memory_space<vmem>>
        %dma_start3A_132 = arith.constant 0 : i32
        %dma_start3A_133 = tpu.memref_slice %arg2[%add3A_128, %dma_start3A_132] : memref<16384x1024xf32, #tpu.memory_space<hbm>> -> memref<16x1024xf32, #tpu.memory_space<hbm>>
        %dma_start3A_134 = arith.constant 8 : i32
        %dma_start3A_135 = arith.constant 0 : i32
        %dma_start3A_136 = tpu.memref_slice %arg6[%dma_start3A_134, %dma_start3A_135] : memref<24x1024xf32, #tpu.memory_space<vmem>> -> memref<16x1024xf32, #tpu.memory_space<vmem>>
        %dma_start3A_137 = arith.constant 0 : i32
        %dma_start3A_138 = tpu.memref_slice %arg2[%add3A_128, %dma_start3A_137] : memref<16384x1024xf32, #tpu.memory_space<hbm>> -> memref<16x1024xf32, #tpu.memory_space<hbm>>
        tpu.enqueue_dma source(%dma_start3A_138 : memref<16x1024xf32, #tpu.memory_space<hbm>>) target(%dma_start3A_136 : memref<16x1024xf32, #tpu.memory_space<vmem>>) target_semaphore(%arg12 : memref<!tpu.dma_semaphore, #tpu.memory_space<semaphore_mem>>)
      } else {
      }
      %dma_wait3A_96 = arith.constant 8 : i32
      %dma_wait3A_97 = arith.constant 0 : i32
      %dma_wait3A_98 = tpu.memref_slice %arg7[%dma_wait3A_96, %dma_wait3A_97] : memref<24x1024xf32, #tpu.memory_space<vmem>> -> memref<16x1024xf32, #tpu.memory_space<vmem>>
      %dma_wait3A_99 = arith.constant 0 : i32
      %dma_wait3A_100 = tpu.memref_slice %arg2[%add3A_88, %dma_wait3A_99] : memref<16384x1024xf32, #tpu.memory_space<hbm>> -> memref<16x1024xf32, #tpu.memory_space<hbm>>
      %dma_wait3A_101 = arith.constant 8 : i32
      %dma_wait3A_102 = arith.constant 0 : i32
      %dma_wait3A_103 = tpu.memref_slice %arg7[%dma_wait3A_101, %dma_wait3A_102] : memref<24x1024xf32, #tpu.memory_space<vmem>> -> memref<16x1024xf32, #tpu.memory_space<vmem>>
      %dma_wait3A_104 = arith.constant 0 : i32
      %dma_wait3A_105 = tpu.memref_slice %arg2[%add3A_88, %dma_wait3A_104] : memref<16384x1024xf32, #tpu.memory_space<hbm>> -> memref<16x1024xf32, #tpu.memory_space<hbm>>
      tpu.wait_dma2 semaphore(%arg13 : memref<!tpu.dma_semaphore, #tpu.memory_space<semaphore_mem>>) src(%dma_wait3A_105 : memref<16x1024xf32, #tpu.memory_space<hbm>>) dst(%dma_wait3A_103 : memref<16x1024xf32, #tpu.memory_space<vmem>>)
      %ge3A_106 = arith.constant 2 : i32
      %ge3A_107 = arith.cmpi sge, %add3A_85, %ge3A_106 : i32
      %convert_element_type3A_108 = arith.extui %ge3A_107 : i1 to i32
      %cond3A_109 = arith.constant 0 : i32
      %cond3A_110 = arith.cmpi ne, %convert_element_type3A_108, %cond3A_109 : i32
      scf.if %cond3A_110 {
        %sub3A = arith.constant 32 : i32
        %sub3A_127 = arith.subi %add3A_88, %sub3A : i32
        %dma_wait3A_128 = arith.constant 0 : i32
        %dma_wait3A_129 = tpu.memref_slice %arg5[%sub3A_127, %dma_wait3A_128] : memref<16384x1024xf32, #tpu.memory_space<hbm>> -> memref<16x1024xf32, #tpu.memory_space<hbm>>
        %dma_wait3A_130 = arith.constant 0 : i32
        %dma_wait3A_131 = tpu.memref_slice %arg5[%sub3A_127, %dma_wait3A_130] : memref<16384x1024xf32, #tpu.memory_space<hbm>> -> memref<16x1024xf32, #tpu.memory_space<hbm>>
        tpu.wait_dma2 semaphore(%arg15 : memref<!tpu.dma_semaphore, #tpu.memory_space<semaphore_mem>>) src(%arg9 : memref<16x1024xf32, #tpu.memory_space<vmem>>) dst(%dma_wait3A_131 : memref<16x1024xf32, #tpu.memory_space<hbm>>)
      } else {
      }
      %parallel_loop3A_111 = arith.constant 0 : i32
      %parallel_loop3A_112 = arith.constant 64 : i32
      %parallel_loop3A_113 = arith.constant 1 : i32
      scf.for %parallel_loop3A_127 = %parallel_loop3A_111 to %parallel_loop3A_112 step %parallel_loop3A_113  : i32 {
        %parallel_loop3A_128 = arith.constant 16 : i32
        %parallel_loop3A_129 = arith.muli %parallel_loop3A_127, %parallel_loop3A_128 : i32
        %parallel_loop3A_130 = arith.constant 0 : i32
        %parallel_loop3A_131 = arith.index_cast %parallel_loop3A_130 : i32 to index
        %parallel_loop3A_132 = arith.index_cast %parallel_loop3A_129 : i32 to index
        %parallel_loop3A_133 = tpu.vector_load %arg10[%parallel_loop3A_131, %parallel_loop3A_132] {strides = array<i32>} : memref<4x1024xf32, #tpu.memory_space<vmem>>, vector<1x16xf32>,
        %parallel_loop3A_134 = vector.shape_cast %parallel_loop3A_133 : vector<1x16xf32> to vector<16xf32>
        %parallel_loop3A_135 = arith.constant 1 : i32
        %parallel_loop3A_136 = arith.index_cast %parallel_loop3A_135 : i32 to index
        %parallel_loop3A_137 = arith.index_cast %parallel_loop3A_129 : i32 to index
        %parallel_loop3A_138 = tpu.vector_load %arg10[%parallel_loop3A_136, %parallel_loop3A_137] {strides = array<i32>} : memref<4x1024xf32, #tpu.memory_space<vmem>>, vector<1x16xf32>,
        %parallel_loop3A_139 = vector.shape_cast %parallel_loop3A_138 : vector<1x16xf32> to vector<16xf32>
        %parallel_loop3A_140 = arith.constant 2 : i32
        %parallel_loop3A_141 = arith.index_cast %parallel_loop3A_140 : i32 to index
        %parallel_loop3A_142 = arith.index_cast %parallel_loop3A_129 : i32 to index
        %parallel_loop3A_143 = tpu.vector_load %arg10[%parallel_loop3A_141, %parallel_loop3A_142] {strides = array<i32>} : memref<4x1024xf32, #tpu.memory_space<vmem>>, vector<1x16xf32>,
        %parallel_loop3A_144 = vector.shape_cast %parallel_loop3A_143 : vector<1x16xf32> to vector<16xf32>
        %parallel_loop3A_145 = arith.constant 3 : i32
        %parallel_loop3A_146 = arith.index_cast %parallel_loop3A_145 : i32 to index
        %parallel_loop3A_147 = arith.index_cast %parallel_loop3A_129 : i32 to index
        %parallel_loop3A_148 = tpu.vector_load %arg10[%parallel_loop3A_146, %parallel_loop3A_147] {strides = array<i32>} : memref<4x1024xf32, #tpu.memory_space<vmem>>, vector<1x16xf32>,
        %parallel_loop3A_149 = vector.shape_cast %parallel_loop3A_148 : vector<1x16xf32> to vector<16xf32>
        %parallel_loop3A_150 = arith.constant 5 : i32
        %parallel_loop3A_151 = arith.index_cast %parallel_loop3A_150 : i32 to index
        %parallel_loop3A_152 = arith.index_cast %parallel_loop3A_129 : i32 to index
        %parallel_loop3A_153 = tpu.vector_load %arg7[%parallel_loop3A_151, %parallel_loop3A_152] {strides = array<i32>} : memref<24x1024xf32, #tpu.memory_space<vmem>>, vector<1x16xf32>,
        %parallel_loop3A_154 = vector.shape_cast %parallel_loop3A_153 : vector<1x16xf32> to vector<16xf32>
        %parallel_loop3A_155 = arith.constant 6 : i32
        %parallel_loop3A_156 = arith.index_cast %parallel_loop3A_155 : i32 to index
        %parallel_loop3A_157 = arith.index_cast %parallel_loop3A_129 : i32 to index
        %parallel_loop3A_158 = tpu.vector_load %arg7[%parallel_loop3A_156, %parallel_loop3A_157] {strides = array<i32>} : memref<24x1024xf32, #tpu.memory_space<vmem>>, vector<1x16xf32>,
        %parallel_loop3A_159 = vector.shape_cast %parallel_loop3A_158 : vector<1x16xf32> to vector<16xf32>
        %parallel_loop3A_160 = arith.constant 7 : i32
        %parallel_loop3A_161 = arith.index_cast %parallel_loop3A_160 : i32 to index
        %parallel_loop3A_162 = arith.index_cast %parallel_loop3A_129 : i32 to index
        %parallel_loop3A_163 = tpu.vector_load %arg7[%parallel_loop3A_161, %parallel_loop3A_162] {strides = array<i32>} : memref<24x1024xf32, #tpu.memory_space<vmem>>, vector<1x16xf32>,
        %parallel_loop3A_164 = vector.shape_cast %parallel_loop3A_163 : vector<1x16xf32> to vector<16xf32>
        %parallel_loop3A_165 = arith.constant 8 : i32
        %parallel_loop3A_166 = arith.index_cast %parallel_loop3A_165 : i32 to index
        %parallel_loop3A_167 = arith.index_cast %parallel_loop3A_129 : i32 to index
        %parallel_loop3A_168 = tpu.vector_load %arg7[%parallel_loop3A_166, %parallel_loop3A_167] {strides = array<i32>} : memref<24x1024xf32, #tpu.memory_space<vmem>>, vector<1x16xf32>,
        %parallel_loop3A_169 = vector.shape_cast %parallel_loop3A_168 : vector<1x16xf32> to vector<16xf32>
        %parallel_loop3A_170 = arith.constant 9 : i32
        %parallel_loop3A_171 = arith.index_cast %parallel_loop3A_170 : i32 to index
        %parallel_loop3A_172 = arith.index_cast %parallel_loop3A_129 : i32 to index
        %parallel_loop3A_173 = tpu.vector_load %arg7[%parallel_loop3A_171, %parallel_loop3A_172] {strides = array<i32>} : memref<24x1024xf32, #tpu.memory_space<vmem>>, vector<1x16xf32>,
        %parallel_loop3A_174 = vector.shape_cast %parallel_loop3A_173 : vector<1x16xf32> to vector<16xf32>
        %parallel_loop3A_175 = arith.constant 10 : i32
        %parallel_loop3A_176 = arith.index_cast %parallel_loop3A_175 : i32 to index
        %parallel_loop3A_177 = arith.index_cast %parallel_loop3A_129 : i32 to index
        %parallel_loop3A_178 = tpu.vector_load %arg7[%parallel_loop3A_176, %parallel_loop3A_177] {strides = array<i32>} : memref<24x1024xf32, #tpu.memory_space<vmem>>, vector<1x16xf32>,
        %parallel_loop3A_179 = vector.shape_cast %parallel_loop3A_178 : vector<1x16xf32> to vector<16xf32>
        %parallel_loop3A_180 = arith.constant 11 : i32
        %parallel_loop3A_181 = arith.index_cast %parallel_loop3A_180 : i32 to index
        %parallel_loop3A_182 = arith.index_cast %parallel_loop3A_129 : i32 to index
        %parallel_loop3A_183 = tpu.vector_load %arg7[%parallel_loop3A_181, %parallel_loop3A_182] {strides = array<i32>} : memref<24x1024xf32, #tpu.memory_space<vmem>>, vector<1x16xf32>,
        %parallel_loop3A_184 = vector.shape_cast %parallel_loop3A_183 : vector<1x16xf32> to vector<16xf32>
        %parallel_loop3A_185 = arith.constant 12 : i32
        %parallel_loop3A_186 = arith.index_cast %parallel_loop3A_185 : i32 to index
        %parallel_loop3A_187 = arith.index_cast %parallel_loop3A_129 : i32 to index
        %parallel_loop3A_188 = tpu.vector_load %arg7[%parallel_loop3A_186, %parallel_loop3A_187] {strides = array<i32>} : memref<24x1024xf32, #tpu.memory_space<vmem>>, vector<1x16xf32>,
        %parallel_loop3A_189 = vector.shape_cast %parallel_loop3A_188 : vector<1x16xf32> to vector<16xf32>
        %parallel_loop3A_190 = arith.constant 13 : i32
        %parallel_loop3A_191 = arith.index_cast %parallel_loop3A_190 : i32 to index
        %parallel_loop3A_192 = arith.index_cast %parallel_loop3A_129 : i32 to index
        %parallel_loop3A_193 = tpu.vector_load %arg7[%parallel_loop3A_191, %parallel_loop3A_192] {strides = array<i32>} : memref<24x1024xf32, #tpu.memory_space<vmem>>, vector<1x16xf32>,
        %parallel_loop3A_194 = vector.shape_cast %parallel_loop3A_193 : vector<1x16xf32> to vector<16xf32>
        %parallel_loop3A_195 = arith.constant 14 : i32
        %parallel_loop3A_196 = arith.index_cast %parallel_loop3A_195 : i32 to index
        %parallel_loop3A_197 = arith.index_cast %parallel_loop3A_129 : i32 to index
        %parallel_loop3A_198 = tpu.vector_load %arg7[%parallel_loop3A_196, %parallel_loop3A_197] {strides = array<i32>} : memref<24x1024xf32, #tpu.memory_space<vmem>>, vector<1x16xf32>,
        %parallel_loop3A_199 = vector.shape_cast %parallel_loop3A_198 : vector<1x16xf32> to vector<16xf32>
        %parallel_loop3A_200 = arith.constant 15 : i32
        %parallel_loop3A_201 = arith.index_cast %parallel_loop3A_200 : i32 to index
        %parallel_loop3A_202 = arith.index_cast %parallel_loop3A_129 : i32 to index
        %parallel_loop3A_203 = tpu.vector_load %arg7[%parallel_loop3A_201, %parallel_loop3A_202] {strides = array<i32>} : memref<24x1024xf32, #tpu.memory_space<vmem>>, vector<1x16xf32>,
        %parallel_loop3A_204 = vector.shape_cast %parallel_loop3A_203 : vector<1x16xf32> to vector<16xf32>
        %parallel_loop3A_205 = arith.constant 16 : i32
        %parallel_loop3A_206 = arith.index_cast %parallel_loop3A_205 : i32 to index
        %parallel_loop3A_207 = arith.index_cast %parallel_loop3A_129 : i32 to index
        %parallel_loop3A_208 = tpu.vector_load %arg7[%parallel_loop3A_206, %parallel_loop3A_207] {strides = array<i32>} : memref<24x1024xf32, #tpu.memory_space<vmem>>, vector<1x16xf32>,
        %parallel_loop3A_209 = vector.shape_cast %parallel_loop3A_208 : vector<1x16xf32> to vector<16xf32>
        %parallel_loop3A_210 = arith.constant 17 : i32
        %parallel_loop3A_211 = arith.index_cast %parallel_loop3A_210 : i32 to index
        %parallel_loop3A_212 = arith.index_cast %parallel_loop3A_129 : i32 to index
        %parallel_loop3A_213 = tpu.vector_load %arg7[%parallel_loop3A_211, %parallel_loop3A_212] {strides = array<i32>} : memref<24x1024xf32, #tpu.memory_space<vmem>>, vector<1x16xf32>,
        %parallel_loop3A_214 = vector.shape_cast %parallel_loop3A_213 : vector<1x16xf32> to vector<16xf32>
        %parallel_loop3A_215 = arith.constant 18 : i32
        %parallel_loop3A_216 = arith.index_cast %parallel_loop3A_215 : i32 to index
        %parallel_loop3A_217 = arith.index_cast %parallel_loop3A_129 : i32 to index
        %parallel_loop3A_218 = tpu.vector_load %arg7[%parallel_loop3A_216, %parallel_loop3A_217] {strides = array<i32>} : memref<24x1024xf32, #tpu.memory_space<vmem>>, vector<1x16xf32>,
        %parallel_loop3A_219 = vector.shape_cast %parallel_loop3A_218 : vector<1x16xf32> to vector<16xf32>
        %parallel_loop3A_220 = arith.constant 19 : i32
        %parallel_loop3A_221 = arith.index_cast %parallel_loop3A_220 : i32 to index
        %parallel_loop3A_222 = arith.index_cast %parallel_loop3A_129 : i32 to index
        %parallel_loop3A_223 = tpu.vector_load %arg7[%parallel_loop3A_221, %parallel_loop3A_222] {strides = array<i32>} : memref<24x1024xf32, #tpu.memory_space<vmem>>, vector<1x16xf32>,
        %parallel_loop3A_224 = vector.shape_cast %parallel_loop3A_223 : vector<1x16xf32> to vector<16xf32>
        %parallel_loop3A_225 = arith.constant 20 : i32
        %parallel_loop3A_226 = arith.index_cast %parallel_loop3A_225 : i32 to index
        %parallel_loop3A_227 = arith.index_cast %parallel_loop3A_129 : i32 to index
        %parallel_loop3A_228 = tpu.vector_load %arg7[%parallel_loop3A_226, %parallel_loop3A_227] {strides = array<i32>} : memref<24x1024xf32, #tpu.memory_space<vmem>>, vector<1x16xf32>,
        %parallel_loop3A_229 = vector.shape_cast %parallel_loop3A_228 : vector<1x16xf32> to vector<16xf32>
        %parallel_loop3A_230 = arith.constant 21 : i32
        %parallel_loop3A_231 = arith.index_cast %parallel_loop3A_230 : i32 to index
        %parallel_loop3A_232 = arith.index_cast %parallel_loop3A_129 : i32 to index
        %parallel_loop3A_233 = tpu.vector_load %arg7[%parallel_loop3A_231, %parallel_loop3A_232] {strides = array<i32>} : memref<24x1024xf32, #tpu.memory_space<vmem>>, vector<1x16xf32>,
        %parallel_loop3A_234 = vector.shape_cast %parallel_loop3A_233 : vector<1x16xf32> to vector<16xf32>
        %parallel_loop3A_235 = arith.constant 22 : i32
        %parallel_loop3A_236 = arith.index_cast %parallel_loop3A_235 : i32 to index
        %parallel_loop3A_237 = arith.index_cast %parallel_loop3A_129 : i32 to index
        %parallel_loop3A_238 = tpu.vector_load %arg7[%parallel_loop3A_236, %parallel_loop3A_237] {strides = array<i32>} : memref<24x1024xf32, #tpu.memory_space<vmem>>, vector<1x16xf32>,
        %parallel_loop3A_239 = vector.shape_cast %parallel_loop3A_238 : vector<1x16xf32> to vector<16xf32>
        %parallel_loop3A_240 = arith.constant 23 : i32
        %parallel_loop3A_241 = arith.index_cast %parallel_loop3A_240 : i32 to index
        %parallel_loop3A_242 = arith.index_cast %parallel_loop3A_129 : i32 to index
        %parallel_loop3A_243 = tpu.vector_load %arg7[%parallel_loop3A_241, %parallel_loop3A_242] {strides = array<i32>} : memref<24x1024xf32, #tpu.memory_space<vmem>>, vector<1x16xf32>,
        %parallel_loop3A_244 = vector.shape_cast %parallel_loop3A_243 : vector<1x16xf32> to vector<16xf32>
        %parallel_loop3A_245 = arith.mulf %parallel_loop3A_154, %parallel_loop3A_134 : vector<16xf32>
        %parallel_loop3A_246 = arith.mulf %parallel_loop3A_159, %parallel_loop3A_139 : vector<16xf32>
        %parallel_loop3A_247 = arith.addf %parallel_loop3A_245, %parallel_loop3A_246 : vector<16xf32>
        %parallel_loop3A_248 = arith.mulf %parallel_loop3A_164, %parallel_loop3A_144 : vector<16xf32>
        %parallel_loop3A_249 = arith.mulf %parallel_loop3A_169, %parallel_loop3A_149 : vector<16xf32>
        %parallel_loop3A_250 = arith.addf %parallel_loop3A_248, %parallel_loop3A_249 : vector<16xf32>
        %parallel_loop3A_251 = arith.addf %parallel_loop3A_247, %parallel_loop3A_250 : vector<16xf32>
        %parallel_loop3A_252 = arith.mulf %parallel_loop3A_159, %parallel_loop3A_134 : vector<16xf32>
        %parallel_loop3A_253 = arith.mulf %parallel_loop3A_164, %parallel_loop3A_139 : vector<16xf32>
        %parallel_loop3A_254 = arith.addf %parallel_loop3A_252, %parallel_loop3A_253 : vector<16xf32>
        %parallel_loop3A_255 = arith.mulf %parallel_loop3A_169, %parallel_loop3A_144 : vector<16xf32>
        %parallel_loop3A_256 = arith.mulf %parallel_loop3A_174, %parallel_loop3A_149 : vector<16xf32>
        %parallel_loop3A_257 = arith.addf %parallel_loop3A_255, %parallel_loop3A_256 : vector<16xf32>
        %parallel_loop3A_258 = arith.addf %parallel_loop3A_254, %parallel_loop3A_257 : vector<16xf32>
        %parallel_loop3A_259 = arith.mulf %parallel_loop3A_164, %parallel_loop3A_134 : vector<16xf32>
        %parallel_loop3A_260 = arith.mulf %parallel_loop3A_169, %parallel_loop3A_139 : vector<16xf32>
        %parallel_loop3A_261 = arith.addf %parallel_loop3A_259, %parallel_loop3A_260 : vector<16xf32>
        %parallel_loop3A_262 = arith.mulf %parallel_loop3A_174, %parallel_loop3A_144 : vector<16xf32>
        %parallel_loop3A_263 = arith.mulf %parallel_loop3A_179, %parallel_loop3A_149 : vector<16xf32>
        %parallel_loop3A_264 = arith.addf %parallel_loop3A_262, %parallel_loop3A_263 : vector<16xf32>
        %parallel_loop3A_265 = arith.addf %parallel_loop3A_261, %parallel_loop3A_264 : vector<16xf32>
        %parallel_loop3A_266 = arith.mulf %parallel_loop3A_169, %parallel_loop3A_134 : vector<16xf32>
        %parallel_loop3A_267 = arith.mulf %parallel_loop3A_174, %parallel_loop3A_139 : vector<16xf32>
        %parallel_loop3A_268 = arith.addf %parallel_loop3A_266, %parallel_loop3A_267 : vector<16xf32>
        %parallel_loop3A_269 = arith.mulf %parallel_loop3A_179, %parallel_loop3A_144 : vector<16xf32>
        %parallel_loop3A_270 = arith.mulf %parallel_loop3A_184, %parallel_loop3A_149 : vector<16xf32>
        %parallel_loop3A_271 = arith.addf %parallel_loop3A_269, %parallel_loop3A_270 : vector<16xf32>
        %parallel_loop3A_272 = arith.addf %parallel_loop3A_268, %parallel_loop3A_271 : vector<16xf32>
        %parallel_loop3A_273 = arith.mulf %parallel_loop3A_174, %parallel_loop3A_134 : vector<16xf32>
        %parallel_loop3A_274 = arith.mulf %parallel_loop3A_179, %parallel_loop3A_139 : vector<16xf32>
        %parallel_loop3A_275 = arith.addf %parallel_loop3A_273, %parallel_loop3A_274 : vector<16xf32>
        %parallel_loop3A_276 = arith.mulf %parallel_loop3A_184, %parallel_loop3A_144 : vector<16xf32>
        %parallel_loop3A_277 = arith.mulf %parallel_loop3A_189, %parallel_loop3A_149 : vector<16xf32>
        %parallel_loop3A_278 = arith.addf %parallel_loop3A_276, %parallel_loop3A_277 : vector<16xf32>
        %parallel_loop3A_279 = arith.addf %parallel_loop3A_275, %parallel_loop3A_278 : vector<16xf32>
        %parallel_loop3A_280 = arith.mulf %parallel_loop3A_179, %parallel_loop3A_134 : vector<16xf32>
        %parallel_loop3A_281 = arith.mulf %parallel_loop3A_184, %parallel_loop3A_139 : vector<16xf32>
        %parallel_loop3A_282 = arith.addf %parallel_loop3A_280, %parallel_loop3A_281 : vector<16xf32>
        %parallel_loop3A_283 = arith.mulf %parallel_loop3A_189, %parallel_loop3A_144 : vector<16xf32>
        %parallel_loop3A_284 = arith.mulf %parallel_loop3A_194, %parallel_loop3A_149 : vector<16xf32>
        %parallel_loop3A_285 = arith.addf %parallel_loop3A_283, %parallel_loop3A_284 : vector<16xf32>
        %parallel_loop3A_286 = arith.addf %parallel_loop3A_282, %parallel_loop3A_285 : vector<16xf32>
        %parallel_loop3A_287 = arith.mulf %parallel_loop3A_184, %parallel_loop3A_134 : vector<16xf32>
        %parallel_loop3A_288 = arith.mulf %parallel_loop3A_189, %parallel_loop3A_139 : vector<16xf32>
        %parallel_loop3A_289 = arith.addf %parallel_loop3A_287, %parallel_loop3A_288 : vector<16xf32>
        %parallel_loop3A_290 = arith.mulf %parallel_loop3A_194, %parallel_loop3A_144 : vector<16xf32>
        %parallel_loop3A_291 = arith.mulf %parallel_loop3A_199, %parallel_loop3A_149 : vector<16xf32>
        %parallel_loop3A_292 = arith.addf %parallel_loop3A_290, %parallel_loop3A_291 : vector<16xf32>
        %parallel_loop3A_293 = arith.addf %parallel_loop3A_289, %parallel_loop3A_292 : vector<16xf32>
        %parallel_loop3A_294 = arith.mulf %parallel_loop3A_189, %parallel_loop3A_134 : vector<16xf32>
        %parallel_loop3A_295 = arith.mulf %parallel_loop3A_194, %parallel_loop3A_139 : vector<16xf32>
        %parallel_loop3A_296 = arith.addf %parallel_loop3A_294, %parallel_loop3A_295 : vector<16xf32>
        %parallel_loop3A_297 = arith.mulf %parallel_loop3A_199, %parallel_loop3A_144 : vector<16xf32>
        %parallel_loop3A_298 = arith.mulf %parallel_loop3A_204, %parallel_loop3A_149 : vector<16xf32>
        %parallel_loop3A_299 = arith.addf %parallel_loop3A_297, %parallel_loop3A_298 : vector<16xf32>
        %parallel_loop3A_300 = arith.addf %parallel_loop3A_296, %parallel_loop3A_299 : vector<16xf32>
        %parallel_loop3A_301 = arith.mulf %parallel_loop3A_194, %parallel_loop3A_134 : vector<16xf32>
        %parallel_loop3A_302 = arith.mulf %parallel_loop3A_199, %parallel_loop3A_139 : vector<16xf32>
        %parallel_loop3A_303 = arith.addf %parallel_loop3A_301, %parallel_loop3A_302 : vector<16xf32>
        %parallel_loop3A_304 = arith.mulf %parallel_loop3A_204, %parallel_loop3A_144 : vector<16xf32>
        %parallel_loop3A_305 = arith.mulf %parallel_loop3A_209, %parallel_loop3A_149 : vector<16xf32>
        %parallel_loop3A_306 = arith.addf %parallel_loop3A_304, %parallel_loop3A_305 : vector<16xf32>
        %parallel_loop3A_307 = arith.addf %parallel_loop3A_303, %parallel_loop3A_306 : vector<16xf32>
        %parallel_loop3A_308 = arith.mulf %parallel_loop3A_199, %parallel_loop3A_134 : vector<16xf32>
        %parallel_loop3A_309 = arith.mulf %parallel_loop3A_204, %parallel_loop3A_139 : vector<16xf32>
        %parallel_loop3A_310 = arith.addf %parallel_loop3A_308, %parallel_loop3A_309 : vector<16xf32>
        %parallel_loop3A_311 = arith.mulf %parallel_loop3A_209, %parallel_loop3A_144 : vector<16xf32>
        %parallel_loop3A_312 = arith.mulf %parallel_loop3A_214, %parallel_loop3A_149 : vector<16xf32>
        %parallel_loop3A_313 = arith.addf %parallel_loop3A_311, %parallel_loop3A_312 : vector<16xf32>
        %parallel_loop3A_314 = arith.addf %parallel_loop3A_310, %parallel_loop3A_313 : vector<16xf32>
        %parallel_loop3A_315 = arith.mulf %parallel_loop3A_204, %parallel_loop3A_134 : vector<16xf32>
        %parallel_loop3A_316 = arith.mulf %parallel_loop3A_209, %parallel_loop3A_139 : vector<16xf32>
        %parallel_loop3A_317 = arith.addf %parallel_loop3A_315, %parallel_loop3A_316 : vector<16xf32>
        %parallel_loop3A_318 = arith.mulf %parallel_loop3A_214, %parallel_loop3A_144 : vector<16xf32>
        %parallel_loop3A_319 = arith.mulf %parallel_loop3A_219, %parallel_loop3A_149 : vector<16xf32>
        %parallel_loop3A_320 = arith.addf %parallel_loop3A_318, %parallel_loop3A_319 : vector<16xf32>
        %parallel_loop3A_321 = arith.addf %parallel_loop3A_317, %parallel_loop3A_320 : vector<16xf32>
        %parallel_loop3A_322 = arith.mulf %parallel_loop3A_209, %parallel_loop3A_134 : vector<16xf32>
        %parallel_loop3A_323 = arith.mulf %parallel_loop3A_214, %parallel_loop3A_139 : vector<16xf32>
        %parallel_loop3A_324 = arith.addf %parallel_loop3A_322, %parallel_loop3A_323 : vector<16xf32>
        %parallel_loop3A_325 = arith.mulf %parallel_loop3A_219, %parallel_loop3A_144 : vector<16xf32>
        %parallel_loop3A_326 = arith.mulf %parallel_loop3A_224, %parallel_loop3A_149 : vector<16xf32>
        %parallel_loop3A_327 = arith.addf %parallel_loop3A_325, %parallel_loop3A_326 : vector<16xf32>
        %parallel_loop3A_328 = arith.addf %parallel_loop3A_324, %parallel_loop3A_327 : vector<16xf32>
        %parallel_loop3A_329 = arith.mulf %parallel_loop3A_214, %parallel_loop3A_134 : vector<16xf32>
        %parallel_loop3A_330 = arith.mulf %parallel_loop3A_219, %parallel_loop3A_139 : vector<16xf32>
        %parallel_loop3A_331 = arith.addf %parallel_loop3A_329, %parallel_loop3A_330 : vector<16xf32>
        %parallel_loop3A_332 = arith.mulf %parallel_loop3A_224, %parallel_loop3A_144 : vector<16xf32>
        %parallel_loop3A_333 = arith.mulf %parallel_loop3A_229, %parallel_loop3A_149 : vector<16xf32>
        %parallel_loop3A_334 = arith.addf %parallel_loop3A_332, %parallel_loop3A_333 : vector<16xf32>
        %parallel_loop3A_335 = arith.addf %parallel_loop3A_331, %parallel_loop3A_334 : vector<16xf32>
        %parallel_loop3A_336 = arith.mulf %parallel_loop3A_219, %parallel_loop3A_134 : vector<16xf32>
        %parallel_loop3A_337 = arith.mulf %parallel_loop3A_224, %parallel_loop3A_139 : vector<16xf32>
        %parallel_loop3A_338 = arith.addf %parallel_loop3A_336, %parallel_loop3A_337 : vector<16xf32>
        %parallel_loop3A_339 = arith.mulf %parallel_loop3A_229, %parallel_loop3A_144 : vector<16xf32>
        %parallel_loop3A_340 = arith.mulf %parallel_loop3A_234, %parallel_loop3A_149 : vector<16xf32>
        %parallel_loop3A_341 = arith.addf %parallel_loop3A_339, %parallel_loop3A_340 : vector<16xf32>
        %parallel_loop3A_342 = arith.addf %parallel_loop3A_338, %parallel_loop3A_341 : vector<16xf32>
        %parallel_loop3A_343 = arith.mulf %parallel_loop3A_224, %parallel_loop3A_134 : vector<16xf32>
        %parallel_loop3A_344 = arith.mulf %parallel_loop3A_229, %parallel_loop3A_139 : vector<16xf32>
        %parallel_loop3A_345 = arith.addf %parallel_loop3A_343, %parallel_loop3A_344 : vector<16xf32>
        %parallel_loop3A_346 = arith.mulf %parallel_loop3A_234, %parallel_loop3A_144 : vector<16xf32>
        %parallel_loop3A_347 = arith.mulf %parallel_loop3A_239, %parallel_loop3A_149 : vector<16xf32>
        %parallel_loop3A_348 = arith.addf %parallel_loop3A_346, %parallel_loop3A_347 : vector<16xf32>
        %parallel_loop3A_349 = arith.addf %parallel_loop3A_345, %parallel_loop3A_348 : vector<16xf32>
        %parallel_loop3A_350 = arith.mulf %parallel_loop3A_229, %parallel_loop3A_134 : vector<16xf32>
        %parallel_loop3A_351 = arith.mulf %parallel_loop3A_234, %parallel_loop3A_139 : vector<16xf32>
        %parallel_loop3A_352 = arith.addf %parallel_loop3A_350, %parallel_loop3A_351 : vector<16xf32>
        %parallel_loop3A_353 = arith.mulf %parallel_loop3A_239, %parallel_loop3A_144 : vector<16xf32>
        %parallel_loop3A_354 = arith.mulf %parallel_loop3A_244, %parallel_loop3A_149 : vector<16xf32>
        %parallel_loop3A_355 = arith.addf %parallel_loop3A_353, %parallel_loop3A_354 : vector<16xf32>
        %parallel_loop3A_356 = arith.addf %parallel_loop3A_352, %parallel_loop3A_355 : vector<16xf32>
        %parallel_loop3A_357 = arith.constant 0.000000e+00 : f32
        %parallel_loop3A_358 = vector.broadcast %parallel_loop3A_357 : f32 to vector<16xf32>
        %parallel_loop3A_359 = arith.subf %parallel_loop3A_358, %parallel_loop3A_251 : vector<16xf32>
        %parallel_loop3A_360 = math.exp %parallel_loop3A_359 : vector<16xf32>
        %parallel_loop3A_361 = arith.constant 0.000000e+00 : f32
        %parallel_loop3A_362 = vector.broadcast %parallel_loop3A_361 : f32 to vector<16xf32>
        %parallel_loop3A_363 = arith.subf %parallel_loop3A_362, %parallel_loop3A_258 : vector<16xf32>
        %parallel_loop3A_364 = math.exp %parallel_loop3A_363 : vector<16xf32>
        %parallel_loop3A_365 = arith.constant 0.000000e+00 : f32
        %parallel_loop3A_366 = vector.broadcast %parallel_loop3A_365 : f32 to vector<16xf32>
        %parallel_loop3A_367 = arith.subf %parallel_loop3A_366, %parallel_loop3A_265 : vector<16xf32>
        %parallel_loop3A_368 = math.exp %parallel_loop3A_367 : vector<16xf32>
        %parallel_loop3A_369 = arith.constant 0.000000e+00 : f32
        %parallel_loop3A_370 = vector.broadcast %parallel_loop3A_369 : f32 to vector<16xf32>
        %parallel_loop3A_371 = arith.subf %parallel_loop3A_370, %parallel_loop3A_272 : vector<16xf32>
        %parallel_loop3A_372 = math.exp %parallel_loop3A_371 : vector<16xf32>
        %parallel_loop3A_373 = arith.constant 0.000000e+00 : f32
        %parallel_loop3A_374 = vector.broadcast %parallel_loop3A_373 : f32 to vector<16xf32>
        %parallel_loop3A_375 = arith.subf %parallel_loop3A_374, %parallel_loop3A_279 : vector<16xf32>
        %parallel_loop3A_376 = math.exp %parallel_loop3A_375 : vector<16xf32>
        %parallel_loop3A_377 = arith.constant 0.000000e+00 : f32
        %parallel_loop3A_378 = vector.broadcast %parallel_loop3A_377 : f32 to vector<16xf32>
        %parallel_loop3A_379 = arith.subf %parallel_loop3A_378, %parallel_loop3A_286 : vector<16xf32>
        %parallel_loop3A_380 = math.exp %parallel_loop3A_379 : vector<16xf32>
        %parallel_loop3A_381 = arith.constant 0.000000e+00 : f32
        %parallel_loop3A_382 = vector.broadcast %parallel_loop3A_381 : f32 to vector<16xf32>
        %parallel_loop3A_383 = arith.subf %parallel_loop3A_382, %parallel_loop3A_293 : vector<16xf32>
        %parallel_loop3A_384 = math.exp %parallel_loop3A_383 : vector<16xf32>
        %parallel_loop3A_385 = arith.constant 0.000000e+00 : f32
        %parallel_loop3A_386 = vector.broadcast %parallel_loop3A_385 : f32 to vector<16xf32>
        %parallel_loop3A_387 = arith.subf %parallel_loop3A_386, %parallel_loop3A_300 : vector<16xf32>
        %parallel_loop3A_388 = math.exp %parallel_loop3A_387 : vector<16xf32>
        %parallel_loop3A_389 = arith.constant 0.000000e+00 : f32
        %parallel_loop3A_390 = vector.broadcast %parallel_loop3A_389 : f32 to vector<16xf32>
        %parallel_loop3A_391 = arith.subf %parallel_loop3A_390, %parallel_loop3A_307 : vector<16xf32>
        %parallel_loop3A_392 = math.exp %parallel_loop3A_391 : vector<16xf32>
        %parallel_loop3A_393 = arith.constant 0.000000e+00 : f32
        %parallel_loop3A_394 = vector.broadcast %parallel_loop3A_393 : f32 to vector<16xf32>
        %parallel_loop3A_395 = arith.subf %parallel_loop3A_394, %parallel_loop3A_314 : vector<16xf32>
        %parallel_loop3A_396 = math.exp %parallel_loop3A_395 : vector<16xf32>
        %parallel_loop3A_397 = arith.constant 0.000000e+00 : f32
        %parallel_loop3A_398 = vector.broadcast %parallel_loop3A_397 : f32 to vector<16xf32>
        %parallel_loop3A_399 = arith.subf %parallel_loop3A_398, %parallel_loop3A_321 : vector<16xf32>
        %parallel_loop3A_400 = math.exp %parallel_loop3A_399 : vector<16xf32>
        %parallel_loop3A_401 = arith.constant 0.000000e+00 : f32
        %parallel_loop3A_402 = vector.broadcast %parallel_loop3A_401 : f32 to vector<16xf32>
        %parallel_loop3A_403 = arith.subf %parallel_loop3A_402, %parallel_loop3A_328 : vector<16xf32>
        %parallel_loop3A_404 = math.exp %parallel_loop3A_403 : vector<16xf32>
        %parallel_loop3A_405 = arith.constant 0.000000e+00 : f32
        %parallel_loop3A_406 = vector.broadcast %parallel_loop3A_405 : f32 to vector<16xf32>
        %parallel_loop3A_407 = arith.subf %parallel_loop3A_406, %parallel_loop3A_335 : vector<16xf32>
        %parallel_loop3A_408 = math.exp %parallel_loop3A_407 : vector<16xf32>
        %parallel_loop3A_409 = arith.constant 0.000000e+00 : f32
        %parallel_loop3A_410 = vector.broadcast %parallel_loop3A_409 : f32 to vector<16xf32>
        %parallel_loop3A_411 = arith.subf %parallel_loop3A_410, %parallel_loop3A_342 : vector<16xf32>
        %parallel_loop3A_412 = math.exp %parallel_loop3A_411 : vector<16xf32>
        %parallel_loop3A_413 = arith.constant 0.000000e+00 : f32
        %parallel_loop3A_414 = vector.broadcast %parallel_loop3A_413 : f32 to vector<16xf32>
        %parallel_loop3A_415 = arith.subf %parallel_loop3A_414, %parallel_loop3A_349 : vector<16xf32>
        %parallel_loop3A_416 = math.exp %parallel_loop3A_415 : vector<16xf32>
        %parallel_loop3A_417 = arith.constant 0.000000e+00 : f32
        %parallel_loop3A_418 = vector.broadcast %parallel_loop3A_417 : f32 to vector<16xf32>
        %parallel_loop3A_419 = arith.subf %parallel_loop3A_418, %parallel_loop3A_356 : vector<16xf32>
        %parallel_loop3A_420 = math.exp %parallel_loop3A_419 : vector<16xf32>
        %parallel_loop3A_421 = arith.constant 1.000000e+00 : f32
        %parallel_loop3A_422 = vector.broadcast %parallel_loop3A_421 : f32 to vector<16xf32>
        %parallel_loop3A_423 = arith.addf %parallel_loop3A_422, %parallel_loop3A_360 : vector<16xf32>
        %parallel_loop3A_424 = arith.divf %parallel_loop3A_251, %parallel_loop3A_423 : vector<16xf32>
        %parallel_loop3A_425 = arith.constant 0 : i32
        %parallel_loop3A_426 = arith.index_cast %parallel_loop3A_425 : i32 to index
        %parallel_loop3A_427 = arith.index_cast %parallel_loop3A_129 : i32 to index
        %parallel_loop3A_428 = tpu.vector_load %arg9[%parallel_loop3A_426, %parallel_loop3A_427] {strides = array<i32>} : memref<16x1024xf32, #tpu.memory_space<vmem>>, vector<1x16xf32>,
        %parallel_loop3A_429 = vector.shape_cast %parallel_loop3A_428 : vector<1x16xf32> to vector<16xf32>
        %parallel_loop3A_430 = vector.shape_cast %parallel_loop3A_424 : vector<16xf32> to vector<1x16xf32>
        tpu.vector_store %arg9[%parallel_loop3A_426, %parallel_loop3A_427], %parallel_loop3A_430 {strides = array<i32>} : memref<16x1024xf32, #tpu.memory_space<vmem>>, vector<1x16xf32>,
        %parallel_loop3A_431 = arith.constant 1.000000e+00 : f32
        %parallel_loop3A_432 = vector.broadcast %parallel_loop3A_431 : f32 to vector<16xf32>
        %parallel_loop3A_433 = arith.addf %parallel_loop3A_432, %parallel_loop3A_364 : vector<16xf32>
        %parallel_loop3A_434 = arith.divf %parallel_loop3A_258, %parallel_loop3A_433 : vector<16xf32>
        %parallel_loop3A_435 = arith.constant 1 : i32
        %parallel_loop3A_436 = arith.index_cast %parallel_loop3A_435 : i32 to index
        %parallel_loop3A_437 = arith.index_cast %parallel_loop3A_129 : i32 to index
        %parallel_loop3A_438 = tpu.vector_load %arg9[%parallel_loop3A_436, %parallel_loop3A_437] {strides = array<i32>} : memref<16x1024xf32, #tpu.memory_space<vmem>>, vector<1x16xf32>,
        %parallel_loop3A_439 = vector.shape_cast %parallel_loop3A_438 : vector<1x16xf32> to vector<16xf32>
        %parallel_loop3A_440 = vector.shape_cast %parallel_loop3A_434 : vector<16xf32> to vector<1x16xf32>
        tpu.vector_store %arg9[%parallel_loop3A_436, %parallel_loop3A_437], %parallel_loop3A_440 {strides = array<i32>} : memref<16x1024xf32, #tpu.memory_space<vmem>>, vector<1x16xf32>,
        %parallel_loop3A_441 = arith.constant 1.000000e+00 : f32
        %parallel_loop3A_442 = vector.broadcast %parallel_loop3A_441 : f32 to vector<16xf32>
        %parallel_loop3A_443 = arith.addf %parallel_loop3A_442, %parallel_loop3A_368 : vector<16xf32>
        %parallel_loop3A_444 = arith.divf %parallel_loop3A_265, %parallel_loop3A_443 : vector<16xf32>
        %parallel_loop3A_445 = arith.constant 2 : i32
        %parallel_loop3A_446 = arith.index_cast %parallel_loop3A_445 : i32 to index
        %parallel_loop3A_447 = arith.index_cast %parallel_loop3A_129 : i32 to index
        %parallel_loop3A_448 = tpu.vector_load %arg9[%parallel_loop3A_446, %parallel_loop3A_447] {strides = array<i32>} : memref<16x1024xf32, #tpu.memory_space<vmem>>, vector<1x16xf32>,
        %parallel_loop3A_449 = vector.shape_cast %parallel_loop3A_448 : vector<1x16xf32> to vector<16xf32>
        %parallel_loop3A_450 = vector.shape_cast %parallel_loop3A_444 : vector<16xf32> to vector<1x16xf32>
        tpu.vector_store %arg9[%parallel_loop3A_446, %parallel_loop3A_447], %parallel_loop3A_450 {strides = array<i32>} : memref<16x1024xf32, #tpu.memory_space<vmem>>, vector<1x16xf32>,
        %parallel_loop3A_451 = arith.constant 1.000000e+00 : f32
        %parallel_loop3A_452 = vector.broadcast %parallel_loop3A_451 : f32 to vector<16xf32>
        %parallel_loop3A_453 = arith.addf %parallel_loop3A_452, %parallel_loop3A_372 : vector<16xf32>
        %parallel_loop3A_454 = arith.divf %parallel_loop3A_272, %parallel_loop3A_453 : vector<16xf32>
        %parallel_loop3A_455 = arith.constant 3 : i32
        %parallel_loop3A_456 = arith.index_cast %parallel_loop3A_455 : i32 to index
        %parallel_loop3A_457 = arith.index_cast %parallel_loop3A_129 : i32 to index
        %parallel_loop3A_458 = tpu.vector_load %arg9[%parallel_loop3A_456, %parallel_loop3A_457] {strides = array<i32>} : memref<16x1024xf32, #tpu.memory_space<vmem>>, vector<1x16xf32>,
        %parallel_loop3A_459 = vector.shape_cast %parallel_loop3A_458 : vector<1x16xf32> to vector<16xf32>
        %parallel_loop3A_460 = vector.shape_cast %parallel_loop3A_454 : vector<16xf32> to vector<1x16xf32>
        tpu.vector_store %arg9[%parallel_loop3A_456, %parallel_loop3A_457], %parallel_loop3A_460 {strides = array<i32>} : memref<16x1024xf32, #tpu.memory_space<vmem>>, vector<1x16xf32>,
        %parallel_loop3A_461 = arith.constant 1.000000e+00 : f32
        %parallel_loop3A_462 = vector.broadcast %parallel_loop3A_461 : f32 to vector<16xf32>
        %parallel_loop3A_463 = arith.addf %parallel_loop3A_462, %parallel_loop3A_376 : vector<16xf32>
        %parallel_loop3A_464 = arith.divf %parallel_loop3A_279, %parallel_loop3A_463 : vector<16xf32>
        %parallel_loop3A_465 = arith.constant 4 : i32
        %parallel_loop3A_466 = arith.index_cast %parallel_loop3A_465 : i32 to index
        %parallel_loop3A_467 = arith.index_cast %parallel_loop3A_129 : i32 to index
        %parallel_loop3A_468 = tpu.vector_load %arg9[%parallel_loop3A_466, %parallel_loop3A_467] {strides = array<i32>} : memref<16x1024xf32, #tpu.memory_space<vmem>>, vector<1x16xf32>,
        %parallel_loop3A_469 = vector.shape_cast %parallel_loop3A_468 : vector<1x16xf32> to vector<16xf32>
        %parallel_loop3A_470 = vector.shape_cast %parallel_loop3A_464 : vector<16xf32> to vector<1x16xf32>
        tpu.vector_store %arg9[%parallel_loop3A_466, %parallel_loop3A_467], %parallel_loop3A_470 {strides = array<i32>} : memref<16x1024xf32, #tpu.memory_space<vmem>>, vector<1x16xf32>,
        %parallel_loop3A_471 = arith.constant 1.000000e+00 : f32
        %parallel_loop3A_472 = vector.broadcast %parallel_loop3A_471 : f32 to vector<16xf32>
        %parallel_loop3A_473 = arith.addf %parallel_loop3A_472, %parallel_loop3A_380 : vector<16xf32>
        %parallel_loop3A_474 = arith.divf %parallel_loop3A_286, %parallel_loop3A_473 : vector<16xf32>
        %parallel_loop3A_475 = arith.constant 5 : i32
        %parallel_loop3A_476 = arith.index_cast %parallel_loop3A_475 : i32 to index
        %parallel_loop3A_477 = arith.index_cast %parallel_loop3A_129 : i32 to index
        %parallel_loop3A_478 = tpu.vector_load %arg9[%parallel_loop3A_476, %parallel_loop3A_477] {strides = array<i32>} : memref<16x1024xf32, #tpu.memory_space<vmem>>, vector<1x16xf32>,
        %parallel_loop3A_479 = vector.shape_cast %parallel_loop3A_478 : vector<1x16xf32> to vector<16xf32>
        %parallel_loop3A_480 = vector.shape_cast %parallel_loop3A_474 : vector<16xf32> to vector<1x16xf32>
        tpu.vector_store %arg9[%parallel_loop3A_476, %parallel_loop3A_477], %parallel_loop3A_480 {strides = array<i32>} : memref<16x1024xf32, #tpu.memory_space<vmem>>, vector<1x16xf32>,
        %parallel_loop3A_481 = arith.constant 1.000000e+00 : f32
        %parallel_loop3A_482 = vector.broadcast %parallel_loop3A_481 : f32 to vector<16xf32>
        %parallel_loop3A_483 = arith.addf %parallel_loop3A_482, %parallel_loop3A_384 : vector<16xf32>
        %parallel_loop3A_484 = arith.divf %parallel_loop3A_293, %parallel_loop3A_483 : vector<16xf32>
        %parallel_loop3A_485 = arith.constant 6 : i32
        %parallel_loop3A_486 = arith.index_cast %parallel_loop3A_485 : i32 to index
        %parallel_loop3A_487 = arith.index_cast %parallel_loop3A_129 : i32 to index
        %parallel_loop3A_488 = tpu.vector_load %arg9[%parallel_loop3A_486, %parallel_loop3A_487] {strides = array<i32>} : memref<16x1024xf32, #tpu.memory_space<vmem>>, vector<1x16xf32>,
        %parallel_loop3A_489 = vector.shape_cast %parallel_loop3A_488 : vector<1x16xf32> to vector<16xf32>
        %parallel_loop3A_490 = vector.shape_cast %parallel_loop3A_484 : vector<16xf32> to vector<1x16xf32>
        tpu.vector_store %arg9[%parallel_loop3A_486, %parallel_loop3A_487], %parallel_loop3A_490 {strides = array<i32>} : memref<16x1024xf32, #tpu.memory_space<vmem>>, vector<1x16xf32>,
        %parallel_loop3A_491 = arith.constant 1.000000e+00 : f32
        %parallel_loop3A_492 = vector.broadcast %parallel_loop3A_491 : f32 to vector<16xf32>
        %parallel_loop3A_493 = arith.addf %parallel_loop3A_492, %parallel_loop3A_388 : vector<16xf32>
        %parallel_loop3A_494 = arith.divf %parallel_loop3A_300, %parallel_loop3A_493 : vector<16xf32>
        %parallel_loop3A_495 = arith.constant 7 : i32
        %parallel_loop3A_496 = arith.index_cast %parallel_loop3A_495 : i32 to index
        %parallel_loop3A_497 = arith.index_cast %parallel_loop3A_129 : i32 to index
        %parallel_loop3A_498 = tpu.vector_load %arg9[%parallel_loop3A_496, %parallel_loop3A_497] {strides = array<i32>} : memref<16x1024xf32, #tpu.memory_space<vmem>>, vector<1x16xf32>,
        %parallel_loop3A_499 = vector.shape_cast %parallel_loop3A_498 : vector<1x16xf32> to vector<16xf32>
        %parallel_loop3A_500 = vector.shape_cast %parallel_loop3A_494 : vector<16xf32> to vector<1x16xf32>
        tpu.vector_store %arg9[%parallel_loop3A_496, %parallel_loop3A_497], %parallel_loop3A_500 {strides = array<i32>} : memref<16x1024xf32, #tpu.memory_space<vmem>>, vector<1x16xf32>,
        %parallel_loop3A_501 = arith.constant 1.000000e+00 : f32
        %parallel_loop3A_502 = vector.broadcast %parallel_loop3A_501 : f32 to vector<16xf32>
        %parallel_loop3A_503 = arith.addf %parallel_loop3A_502, %parallel_loop3A_392 : vector<16xf32>
        %parallel_loop3A_504 = arith.divf %parallel_loop3A_307, %parallel_loop3A_503 : vector<16xf32>
        %parallel_loop3A_505 = arith.constant 8 : i32
        %parallel_loop3A_506 = arith.index_cast %parallel_loop3A_505 : i32 to index
        %parallel_loop3A_507 = arith.index_cast %parallel_loop3A_129 : i32 to index
        %parallel_loop3A_508 = tpu.vector_load %arg9[%parallel_loop3A_506, %parallel_loop3A_507] {strides = array<i32>} : memref<16x1024xf32, #tpu.memory_space<vmem>>, vector<1x16xf32>,
        %parallel_loop3A_509 = vector.shape_cast %parallel_loop3A_508 : vector<1x16xf32> to vector<16xf32>
        %parallel_loop3A_510 = vector.shape_cast %parallel_loop3A_504 : vector<16xf32> to vector<1x16xf32>
        tpu.vector_store %arg9[%parallel_loop3A_506, %parallel_loop3A_507], %parallel_loop3A_510 {strides = array<i32>} : memref<16x1024xf32, #tpu.memory_space<vmem>>, vector<1x16xf32>,
        %parallel_loop3A_511 = arith.constant 1.000000e+00 : f32
        %parallel_loop3A_512 = vector.broadcast %parallel_loop3A_511 : f32 to vector<16xf32>
        %parallel_loop3A_513 = arith.addf %parallel_loop3A_512, %parallel_loop3A_396 : vector<16xf32>
        %parallel_loop3A_514 = arith.divf %parallel_loop3A_314, %parallel_loop3A_513 : vector<16xf32>
        %parallel_loop3A_515 = arith.constant 9 : i32
        %parallel_loop3A_516 = arith.index_cast %parallel_loop3A_515 : i32 to index
        %parallel_loop3A_517 = arith.index_cast %parallel_loop3A_129 : i32 to index
        %parallel_loop3A_518 = tpu.vector_load %arg9[%parallel_loop3A_516, %parallel_loop3A_517] {strides = array<i32>} : memref<16x1024xf32, #tpu.memory_space<vmem>>, vector<1x16xf32>,
        %parallel_loop3A_519 = vector.shape_cast %parallel_loop3A_518 : vector<1x16xf32> to vector<16xf32>
        %parallel_loop3A_520 = vector.shape_cast %parallel_loop3A_514 : vector<16xf32> to vector<1x16xf32>
        tpu.vector_store %arg9[%parallel_loop3A_516, %parallel_loop3A_517], %parallel_loop3A_520 {strides = array<i32>} : memref<16x1024xf32, #tpu.memory_space<vmem>>, vector<1x16xf32>,
        %parallel_loop3A_521 = arith.constant 1.000000e+00 : f32
        %parallel_loop3A_522 = vector.broadcast %parallel_loop3A_521 : f32 to vector<16xf32>
        %parallel_loop3A_523 = arith.addf %parallel_loop3A_522, %parallel_loop3A_400 : vector<16xf32>
        %parallel_loop3A_524 = arith.divf %parallel_loop3A_321, %parallel_loop3A_523 : vector<16xf32>
        %parallel_loop3A_525 = arith.constant 10 : i32
        %parallel_loop3A_526 = arith.index_cast %parallel_loop3A_525 : i32 to index
        %parallel_loop3A_527 = arith.index_cast %parallel_loop3A_129 : i32 to index
        %parallel_loop3A_528 = tpu.vector_load %arg9[%parallel_loop3A_526, %parallel_loop3A_527] {strides = array<i32>} : memref<16x1024xf32, #tpu.memory_space<vmem>>, vector<1x16xf32>,
        %parallel_loop3A_529 = vector.shape_cast %parallel_loop3A_528 : vector<1x16xf32> to vector<16xf32>
        %parallel_loop3A_530 = vector.shape_cast %parallel_loop3A_524 : vector<16xf32> to vector<1x16xf32>
        tpu.vector_store %arg9[%parallel_loop3A_526, %parallel_loop3A_527], %parallel_loop3A_530 {strides = array<i32>} : memref<16x1024xf32, #tpu.memory_space<vmem>>, vector<1x16xf32>,
        %parallel_loop3A_531 = arith.constant 1.000000e+00 : f32
        %parallel_loop3A_532 = vector.broadcast %parallel_loop3A_531 : f32 to vector<16xf32>
        %parallel_loop3A_533 = arith.addf %parallel_loop3A_532, %parallel_loop3A_404 : vector<16xf32>
        %parallel_loop3A_534 = arith.divf %parallel_loop3A_328, %parallel_loop3A_533 : vector<16xf32>
        %parallel_loop3A_535 = arith.constant 11 : i32
        %parallel_loop3A_536 = arith.index_cast %parallel_loop3A_535 : i32 to index
        %parallel_loop3A_537 = arith.index_cast %parallel_loop3A_129 : i32 to index
        %parallel_loop3A_538 = tpu.vector_load %arg9[%parallel_loop3A_536, %parallel_loop3A_537] {strides = array<i32>} : memref<16x1024xf32, #tpu.memory_space<vmem>>, vector<1x16xf32>,
        %parallel_loop3A_539 = vector.shape_cast %parallel_loop3A_538 : vector<1x16xf32> to vector<16xf32>
        %parallel_loop3A_540 = vector.shape_cast %parallel_loop3A_534 : vector<16xf32> to vector<1x16xf32>
        tpu.vector_store %arg9[%parallel_loop3A_536, %parallel_loop3A_537], %parallel_loop3A_540 {strides = array<i32>} : memref<16x1024xf32, #tpu.memory_space<vmem>>, vector<1x16xf32>,
        %parallel_loop3A_541 = arith.constant 1.000000e+00 : f32
        %parallel_loop3A_542 = vector.broadcast %parallel_loop3A_541 : f32 to vector<16xf32>
        %parallel_loop3A_543 = arith.addf %parallel_loop3A_542, %parallel_loop3A_408 : vector<16xf32>
        %parallel_loop3A_544 = arith.divf %parallel_loop3A_335, %parallel_loop3A_543 : vector<16xf32>
        %parallel_loop3A_545 = arith.constant 12 : i32
        %parallel_loop3A_546 = arith.index_cast %parallel_loop3A_545 : i32 to index
        %parallel_loop3A_547 = arith.index_cast %parallel_loop3A_129 : i32 to index
        %parallel_loop3A_548 = tpu.vector_load %arg9[%parallel_loop3A_546, %parallel_loop3A_547] {strides = array<i32>} : memref<16x1024xf32, #tpu.memory_space<vmem>>, vector<1x16xf32>,
        %parallel_loop3A_549 = vector.shape_cast %parallel_loop3A_548 : vector<1x16xf32> to vector<16xf32>
        %parallel_loop3A_550 = vector.shape_cast %parallel_loop3A_544 : vector<16xf32> to vector<1x16xf32>
        tpu.vector_store %arg9[%parallel_loop3A_546, %parallel_loop3A_547], %parallel_loop3A_550 {strides = array<i32>} : memref<16x1024xf32, #tpu.memory_space<vmem>>, vector<1x16xf32>,
        %parallel_loop3A_551 = arith.constant 1.000000e+00 : f32
        %parallel_loop3A_552 = vector.broadcast %parallel_loop3A_551 : f32 to vector<16xf32>
        %parallel_loop3A_553 = arith.addf %parallel_loop3A_552, %parallel_loop3A_412 : vector<16xf32>
        %parallel_loop3A_554 = arith.divf %parallel_loop3A_342, %parallel_loop3A_553 : vector<16xf32>
        %parallel_loop3A_555 = arith.constant 13 : i32
        %parallel_loop3A_556 = arith.index_cast %parallel_loop3A_555 : i32 to index
        %parallel_loop3A_557 = arith.index_cast %parallel_loop3A_129 : i32 to index
        %parallel_loop3A_558 = tpu.vector_load %arg9[%parallel_loop3A_556, %parallel_loop3A_557] {strides = array<i32>} : memref<16x1024xf32, #tpu.memory_space<vmem>>, vector<1x16xf32>,
        %parallel_loop3A_559 = vector.shape_cast %parallel_loop3A_558 : vector<1x16xf32> to vector<16xf32>
        %parallel_loop3A_560 = vector.shape_cast %parallel_loop3A_554 : vector<16xf32> to vector<1x16xf32>
        tpu.vector_store %arg9[%parallel_loop3A_556, %parallel_loop3A_557], %parallel_loop3A_560 {strides = array<i32>} : memref<16x1024xf32, #tpu.memory_space<vmem>>, vector<1x16xf32>,
        %parallel_loop3A_561 = arith.constant 1.000000e+00 : f32
        %parallel_loop3A_562 = vector.broadcast %parallel_loop3A_561 : f32 to vector<16xf32>
        %parallel_loop3A_563 = arith.addf %parallel_loop3A_562, %parallel_loop3A_416 : vector<16xf32>
        %parallel_loop3A_564 = arith.divf %parallel_loop3A_349, %parallel_loop3A_563 : vector<16xf32>
        %parallel_loop3A_565 = arith.constant 14 : i32
        %parallel_loop3A_566 = arith.index_cast %parallel_loop3A_565 : i32 to index
        %parallel_loop3A_567 = arith.index_cast %parallel_loop3A_129 : i32 to index
        %parallel_loop3A_568 = tpu.vector_load %arg9[%parallel_loop3A_566, %parallel_loop3A_567] {strides = array<i32>} : memref<16x1024xf32, #tpu.memory_space<vmem>>, vector<1x16xf32>,
        %parallel_loop3A_569 = vector.shape_cast %parallel_loop3A_568 : vector<1x16xf32> to vector<16xf32>
        %parallel_loop3A_570 = vector.shape_cast %parallel_loop3A_564 : vector<16xf32> to vector<1x16xf32>
        tpu.vector_store %arg9[%parallel_loop3A_566, %parallel_loop3A_567], %parallel_loop3A_570 {strides = array<i32>} : memref<16x1024xf32, #tpu.memory_space<vmem>>, vector<1x16xf32>,
        %parallel_loop3A_571 = arith.constant 1.000000e+00 : f32
        %parallel_loop3A_572 = vector.broadcast %parallel_loop3A_571 : f32 to vector<16xf32>
        %parallel_loop3A_573 = arith.addf %parallel_loop3A_572, %parallel_loop3A_420 : vector<16xf32>
        %parallel_loop3A_574 = arith.divf %parallel_loop3A_356, %parallel_loop3A_573 : vector<16xf32>
        %parallel_loop3A_575 = arith.constant 15 : i32
        %parallel_loop3A_576 = arith.index_cast %parallel_loop3A_575 : i32 to index
        %parallel_loop3A_577 = arith.index_cast %parallel_loop3A_129 : i32 to index
        %parallel_loop3A_578 = tpu.vector_load %arg9[%parallel_loop3A_576, %parallel_loop3A_577] {strides = array<i32>} : memref<16x1024xf32, #tpu.memory_space<vmem>>, vector<1x16xf32>,
        %parallel_loop3A_579 = vector.shape_cast %parallel_loop3A_578 : vector<1x16xf32> to vector<16xf32>
        %parallel_loop3A_580 = vector.shape_cast %parallel_loop3A_574 : vector<16xf32> to vector<1x16xf32>
        tpu.vector_store %arg9[%parallel_loop3A_576, %parallel_loop3A_577], %parallel_loop3A_580 {strides = array<i32>} : memref<16x1024xf32, #tpu.memory_space<vmem>>, vector<1x16xf32>,
        %parallel_loop3A_581 = arith.constant 1 : i32
        %parallel_loop3A_582 = arith.addi %add3A_85, %parallel_loop3A_581 : i32
        %parallel_loop3A_583 = arith.constant 32 : i32
        %parallel_loop3A_584 = arith.cmpi slt, %parallel_loop3A_582, %parallel_loop3A_583 : i32
        %parallel_loop3A_585 = arith.extui %parallel_loop3A_584 : i1 to i32
        %parallel_loop3A_586 = arith.constant 0 : i32
        %parallel_loop3A_587 = arith.cmpi ne, %parallel_loop3A_585, %parallel_loop3A_586 : i32
        scf.if %parallel_loop3A_587 {
          %parallel_loop3A_588 = arith.constant 5 : i32
          %parallel_loop3A_589 = arith.index_cast %parallel_loop3A_588 : i32 to index
          %parallel_loop3A_590 = arith.index_cast %parallel_loop3A_129 : i32 to index
          %parallel_loop3A_591 = tpu.vector_load %arg6[%parallel_loop3A_589, %parallel_loop3A_590] {strides = array<i32>} : memref<24x1024xf32, #tpu.memory_space<vmem>>, vector<1x16xf32>,
          %parallel_loop3A_592 = vector.shape_cast %parallel_loop3A_591 : vector<1x16xf32> to vector<16xf32>
          %parallel_loop3A_593 = vector.shape_cast %parallel_loop3A_234 : vector<16xf32> to vector<1x16xf32>
          tpu.vector_store %arg6[%parallel_loop3A_589, %parallel_loop3A_590], %parallel_loop3A_593 {strides = array<i32>} : memref<24x1024xf32, #tpu.memory_space<vmem>>, vector<1x16xf32>,
          %parallel_loop3A_594 = arith.constant 6 : i32
          %parallel_loop3A_595 = arith.index_cast %parallel_loop3A_594 : i32 to index
          %parallel_loop3A_596 = arith.index_cast %parallel_loop3A_129 : i32 to index
          %parallel_loop3A_597 = tpu.vector_load %arg6[%parallel_loop3A_595, %parallel_loop3A_596] {strides = array<i32>} : memref<24x1024xf32, #tpu.memory_space<vmem>>, vector<1x16xf32>,
          %parallel_loop3A_598 = vector.shape_cast %parallel_loop3A_597 : vector<1x16xf32> to vector<16xf32>
          %parallel_loop3A_599 = vector.shape_cast %parallel_loop3A_239 : vector<16xf32> to vector<1x16xf32>
          tpu.vector_store %arg6[%parallel_loop3A_595, %parallel_loop3A_596], %parallel_loop3A_599 {strides = array<i32>} : memref<24x1024xf32, #tpu.memory_space<vmem>>, vector<1x16xf32>,
          %parallel_loop3A_600 = arith.constant 7 : i32
          %parallel_loop3A_601 = arith.index_cast %parallel_loop3A_600 : i32 to index
          %parallel_loop3A_602 = arith.index_cast %parallel_loop3A_129 : i32 to index
          %parallel_loop3A_603 = tpu.vector_load %arg6[%parallel_loop3A_601, %parallel_loop3A_602] {strides = array<i32>} : memref<24x1024xf32, #tpu.memory_space<vmem>>, vector<1x16xf32>,
          %parallel_loop3A_604 = vector.shape_cast %parallel_loop3A_603 : vector<1x16xf32> to vector<16xf32>
          %parallel_loop3A_605 = vector.shape_cast %parallel_loop3A_244 : vector<16xf32> to vector<1x16xf32>
          tpu.vector_store %arg6[%parallel_loop3A_601, %parallel_loop3A_602], %parallel_loop3A_605 {strides = array<i32>} : memref<24x1024xf32, #tpu.memory_space<vmem>>, vector<1x16xf32>,
        } else {
        }
      } {sc.loop_unroll_factor = 1 : i64, sc.parallel_access}
      %shift_right_arithmetic3A_114 = arith.shrsi %scan3A_22, %add3A_85 : i32
      %and3A_115 = arith.constant 1 : i32
      %and3A_116 = arith.andi %shift_right_arithmetic3A_114, %and3A_115 : i32
      %ne3A_117 = arith.constant 0 : i32
      %ne3A_118 = arith.cmpi ne, %and3A_116, %ne3A_117 : i32
      %convert_element_type3A_119 = arith.extui %ne3A_118 : i1 to i32
      %cond3A_120 = arith.constant 0 : i32
      %cond3A_121 = arith.cmpi ne, %convert_element_type3A_119, %cond3A_120 : i32
      scf.if %cond3A_121 {
        %scan3A_127 = arith.constant 0 : i32
        %scan3A_128 = arith.constant 1 : i32
        %scan3A_129 = arith.constant 15 : i32
        %scan3A_130 = arith.addi %scan3A_128, %scan3A_129 : i32
        %scan3A_131 = arith.constant 1 : i32
        %scan3A_132 = scf.for %scan3A_134 = %scan3A_128 to %scan3A_130 step %scan3A_131 iter_args(%scan3A_135 = %scan3A_127) -> (i32)  : i32 {
          %get3A = arith.index_cast %scan3A_134 : i32 to index
          %get3A_136 = tpu.vector_load %arg11[%get3A] {strides = array<i32>} : memref<32xi32, #tpu.memory_space<vmem>>, vector<16xi32>,
          %get3A_137 = vector.shape_cast %get3A_136 : vector<16xi32> to vector<16xi32>
          %slice3A = vector.extract_strided_slice %get3A_137 {offsets = [0], sizes = [1], strides = [1]} : vector<16xi32> to vector<1xi32>
          %squeeze3A = vector.extract %slice3A[0] : i32 from vector<1xi32>
          %add3A_138 = arith.constant 0 : i32
          %add3A_139 = arith.addi %squeeze3A, %add3A_138 : i32
          %ge3A_140 = arith.cmpi sge, %add3A_139, %add3A_88 : i32
          %add3A_141 = arith.constant 16 : i32
          %add3A_142 = arith.addi %add3A_88, %add3A_141 : i32
          %lt3A_143 = arith.cmpi slt, %add3A_139, %add3A_142 : i32
          %and3A_144 = arith.andi %ge3A_140, %lt3A_143 : i1
          %convert_element_type3A_145 = arith.extui %and3A_144 : i1 to i32
          %cond3A_146 = arith.constant 0 : i32
          %cond3A_147 = arith.cmpi ne, %convert_element_type3A_145, %cond3A_146 : i32
          scf.if %cond3A_147 {
            %scan3A_169 = arith.constant 1 : i32
            %scan3A_170 = arith.constant 1 : i32
            %scan3A_171 = arith.constant 15 : i32
            %scan3A_172 = arith.addi %scan3A_170, %scan3A_171 : i32
            %scan3A_173 = arith.constant 1 : i32
            %scan3A_174 = scf.for %scan3A_220 = %scan3A_170 to %scan3A_172 step %scan3A_173 iter_args(%scan3A_221 = %scan3A_169) -> (i32)  : i32 {
              %get3A_222 = arith.index_cast %scan3A_220 : i32 to index
              %get3A_223 = tpu.vector_load %arg11[%get3A_222] {strides = array<i32>} : memref<32xi32, #tpu.memory_space<vmem>>, vector<16xi32>,
              %get3A_224 = vector.shape_cast %get3A_223 : vector<16xi32> to vector<16xi32>
              %slice3A_225 = vector.extract_strided_slice %get3A_224 {offsets = [0], sizes = [1], strides = [1]} : vector<16xi32> to vector<1xi32>
              %squeeze3A_226 = vector.extract %slice3A_225[0] : i32 from vector<1xi32>
              %le3A = arith.cmpi sle, %squeeze3A_226, %add3A_139 : i32
              %sub3A_227 = arith.constant 1 : i32
              %sub3A_228 = arith.subi %scan3A_220, %sub3A_227 : i32
              %get3A_229 = arith.index_cast %sub3A_228 : i32 to index
              %get3A_230 = tpu.vector_load %arg11[%get3A_229] {strides = array<i32>} : memref<32xi32, #tpu.memory_space<vmem>>, vector<16xi32>,
              %get3A_231 = vector.shape_cast %get3A_230 : vector<16xi32> to vector<16xi32>
              %slice3A_232 = vector.extract_strided_slice %get3A_231 {offsets = [0], sizes = [1], strides = [1]} : vector<16xi32> to vector<1xi32>
              %squeeze3A_233 = vector.extract %slice3A_232[0] : i32 from vector<1xi32>
              %ne3A_234 = arith.cmpi ne, %squeeze3A_226, %squeeze3A_233 : i32
              %and3A_235 = arith.andi %le3A, %ne3A_234 : i1
              %jit3A_236 = arith.constant 1 : i32
              %jit3A_237 = arith.constant 0 : i32
              %select_n3A_238 = arith.select %and3A_235, %jit3A_236, %jit3A_237 : i32
              %add3A_239 = arith.addi %scan3A_221, %select_n3A_238 : i32
              scf.yield %add3A_239 : i32
            }
            %scan3A_175 = arith.constant 15 : i32
            %sub3A = arith.constant 1 : i32
            %sub3A_176 = arith.subi %scan3A_174, %sub3A : i32
            %get3A_177 = arith.index_cast %sub3A_176 : i32 to index
            %get3A_178 = tpu.vector_load %arg11[%get3A_177] {strides = array<i32>} : memref<32xi32, #tpu.memory_space<vmem>>, vector<16xi32>,
            %get3A_179 = vector.shape_cast %get3A_178 : vector<16xi32> to vector<16xi32>
            %slice3A_180 = vector.extract_strided_slice %get3A_179 {offsets = [0], sizes = [1], strides = [1]} : vector<16xi32> to vector<1xi32>
            %squeeze3A_181 = vector.extract %slice3A_180[0] : i32 from vector<1xi32>
            %sub3A_182 = arith.constant 3 : i32
            %sub3A_183 = arith.subi %add3A_139, %sub3A_182 : i32
            %add3A_184 = arith.constant 0 : i32
            %add3A_185 = arith.addi %sub3A_183, %add3A_184 : i32
            %ge3A_186 = arith.cmpi sge, %add3A_185, %squeeze3A_181 : i32
            %jit3A = arith.constant 1.000000e+00 : f32
            %jit3A_187 = arith.constant 0.000000e+00 : f32
            %select_n3A = arith.select %ge3A_186, %jit3A, %jit3A_187 : f32
            %sub3A_188 = arith.constant 3 : i32
            %sub3A_189 = arith.subi %add3A_139, %sub3A_188 : i32
            %add3A_190 = arith.constant 1 : i32
            %add3A_191 = arith.addi %sub3A_189, %add3A_190 : i32
            %ge3A_192 = arith.cmpi sge, %add3A_191, %squeeze3A_181 : i32
            %jit3A_193 = arith.constant 1.000000e+00 : f32
            %jit3A_194 = arith.constant 0.000000e+00 : f32
            %select_n3A_195 = arith.select %ge3A_192, %jit3A_193, %jit3A_194 : f32
            %sub3A_196 = arith.constant 3 : i32
            %sub3A_197 = arith.subi %add3A_139, %sub3A_196 : i32
            %add3A_198 = arith.constant 2 : i32
            %add3A_199 = arith.addi %sub3A_197, %add3A_198 : i32
            %ge3A_200 = arith.cmpi sge, %add3A_199, %squeeze3A_181 : i32
            %jit3A_201 = arith.constant 1.000000e+00 : f32
            %jit3A_202 = arith.constant 0.000000e+00 : f32
            %select_n3A_203 = arith.select %ge3A_200, %jit3A_201, %jit3A_202 : f32
            %sub3A_204 = arith.constant 3 : i32
            %sub3A_205 = arith.subi %add3A_139, %sub3A_204 : i32
            %add3A_206 = arith.constant 3 : i32
            %add3A_207 = arith.addi %sub3A_205, %add3A_206 : i32
            %ge3A_208 = arith.cmpi sge, %add3A_207, %squeeze3A_181 : i32
            %jit3A_209 = arith.constant 1.000000e+00 : f32
            %jit3A_210 = arith.constant 0.000000e+00 : f32
            %select_n3A_211 = arith.select %ge3A_208, %jit3A_209, %jit3A_210 : f32
            %sub3A_212 = arith.subi %add3A_139, %add3A_88 : i32
            %scan3A_213 = arith.constant 0 : i32
            %scan3A_214 = arith.constant 0 : i32
            %scan3A_215 = arith.constant 64 : i32
            %scan3A_216 = arith.addi %scan3A_214, %scan3A_215 : i32
            %scan3A_217 = arith.constant 1 : i32
            %scan3A_218 = scf.for %scan3A_220 = %scan3A_214 to %scan3A_216 step %scan3A_217 iter_args(%scan3A_221 = %scan3A_213) -> (i32)  : i32 {
              %mul3A_222 = arith.constant 16 : i32
              %mul3A_223 = arith.muli %scan3A_220, %mul3A_222 : i32
              %add3A_224 = arith.constant 8 : i32
              %add3A_225 = arith.addi %sub3A_212, %add3A_224 : i32
              %sub3A_226 = arith.constant 3 : i32
              %sub3A_227 = arith.subi %add3A_225, %sub3A_226 : i32
              %add3A_228 = arith.constant 0 : i32
              %add3A_229 = arith.addi %sub3A_227, %add3A_228 : i32
              %get3A_230 = arith.index_cast %add3A_229 : i32 to index
              %get3A_231 = arith.index_cast %mul3A_223 : i32 to index
              %get3A_232 = tpu.vector_load %arg7[%get3A_230, %get3A_231] {strides = array<i32>} : memref<24x1024xf32, #tpu.memory_space<vmem>>, vector<1x16xf32>,
              %get3A_233 = vector.shape_cast %get3A_232 : vector<1x16xf32> to vector<16xf32>
              %get3A_234 = arith.constant 0 : i32
              %get3A_235 = arith.index_cast %get3A_234 : i32 to index
              %get3A_236 = arith.index_cast %mul3A_223 : i32 to index
              %get3A_237 = tpu.vector_load %arg10[%get3A_235, %get3A_236] {strides = array<i32>} : memref<4x1024xf32, #tpu.memory_space<vmem>>, vector<1x16xf32>,
              %get3A_238 = vector.shape_cast %get3A_237 : vector<1x16xf32> to vector<16xf32>
              %mul3A_239 = arith.mulf %get3A_233, %get3A_238 : vector<16xf32>
              %mul3A_240 = vector.broadcast %select_n3A : f32 to vector<16xf32>
              %mul3A_241 = arith.mulf %mul3A_239, %mul3A_240 : vector<16xf32>
              %add3A_242 = arith.constant 1 : i32
              %add3A_243 = arith.addi %sub3A_227, %add3A_242 : i32
              %get3A_244 = arith.index_cast %add3A_243 : i32 to index
              %get3A_245 = arith.index_cast %mul3A_223 : i32 to index
              %get3A_246 = tpu.vector_load %arg7[%get3A_244, %get3A_245] {strides = array<i32>} : memref<24x1024xf32, #tpu.memory_space<vmem>>, vector<1x16xf32>,
              %get3A_247 = vector.shape_cast %get3A_246 : vector<1x16xf32> to vector<16xf32>
              %get3A_248 = arith.constant 1 : i32
              %get3A_249 = arith.index_cast %get3A_248 : i32 to index
              %get3A_250 = arith.index_cast %mul3A_223 : i32 to index
              %get3A_251 = tpu.vector_load %arg10[%get3A_249, %get3A_250] {strides = array<i32>} : memref<4x1024xf32, #tpu.memory_space<vmem>>, vector<1x16xf32>,
              %get3A_252 = vector.shape_cast %get3A_251 : vector<1x16xf32> to vector<16xf32>
              %mul3A_253 = arith.mulf %get3A_247, %get3A_252 : vector<16xf32>
              %mul3A_254 = vector.broadcast %select_n3A_195 : f32 to vector<16xf32>
              %mul3A_255 = arith.mulf %mul3A_253, %mul3A_254 : vector<16xf32>
              %add3A_256 = arith.addf %mul3A_241, %mul3A_255 : vector<16xf32>
              %add3A_257 = arith.constant 2 : i32
              %add3A_258 = arith.addi %sub3A_227, %add3A_257 : i32
              %get3A_259 = arith.index_cast %add3A_258 : i32 to index
              %get3A_260 = arith.index_cast %mul3A_223 : i32 to index
              %get3A_261 = tpu.vector_load %arg7[%get3A_259, %get3A_260] {strides = array<i32>} : memref<24x1024xf32, #tpu.memory_space<vmem>>, vector<1x16xf32>,
              %get3A_262 = vector.shape_cast %get3A_261 : vector<1x16xf32> to vector<16xf32>
              %get3A_263 = arith.constant 2 : i32
              %get3A_264 = arith.index_cast %get3A_263 : i32 to index
              %get3A_265 = arith.index_cast %mul3A_223 : i32 to index
              %get3A_266 = tpu.vector_load %arg10[%get3A_264, %get3A_265] {strides = array<i32>} : memref<4x1024xf32, #tpu.memory_space<vmem>>, vector<1x16xf32>,
              %get3A_267 = vector.shape_cast %get3A_266 : vector<1x16xf32> to vector<16xf32>
              %mul3A_268 = arith.mulf %get3A_262, %get3A_267 : vector<16xf32>
              %mul3A_269 = vector.broadcast %select_n3A_203 : f32 to vector<16xf32>
              %mul3A_270 = arith.mulf %mul3A_268, %mul3A_269 : vector<16xf32>
              %add3A_271 = arith.addf %add3A_256, %mul3A_270 : vector<16xf32>
              %add3A_272 = arith.constant 3 : i32
              %add3A_273 = arith.addi %sub3A_227, %add3A_272 : i32
              %get3A_274 = arith.index_cast %add3A_273 : i32 to index
              %get3A_275 = arith.index_cast %mul3A_223 : i32 to index
              %get3A_276 = tpu.vector_load %arg7[%get3A_274, %get3A_275] {strides = array<i32>} : memref<24x1024xf32, #tpu.memory_space<vmem>>, vector<1x16xf32>,
              %get3A_277 = vector.shape_cast %get3A_276 : vector<1x16xf32> to vector<16xf32>
              %get3A_278 = arith.constant 3 : i32
              %get3A_279 = arith.index_cast %get3A_278 : i32 to index
              %get3A_280 = arith.index_cast %mul3A_223 : i32 to index
              %get3A_281 = tpu.vector_load %arg10[%get3A_279, %get3A_280] {strides = array<i32>} : memref<4x1024xf32, #tpu.memory_space<vmem>>, vector<1x16xf32>,
              %get3A_282 = vector.shape_cast %get3A_281 : vector<1x16xf32> to vector<16xf32>
              %mul3A_283 = arith.mulf %get3A_277, %get3A_282 : vector<16xf32>
              %mul3A_284 = vector.broadcast %select_n3A_211 : f32 to vector<16xf32>
              %mul3A_285 = arith.mulf %mul3A_283, %mul3A_284 : vector<16xf32>
              %add3A_286 = arith.addf %add3A_271, %mul3A_285 : vector<16xf32>
              %neg3A = arith.constant 0.000000e+00 : f32
              %neg3A_287 = vector.broadcast %neg3A : f32 to vector<16xf32>
              %neg3A_288 = arith.subf %neg3A_287, %add3A_286 : vector<16xf32>
              %exp3A = math.exp %neg3A_288 : vector<16xf32>
              %add3A_289 = arith.constant 1.000000e+00 : f32
              %add3A_290 = vector.broadcast %add3A_289 : f32 to vector<16xf32>
              %add3A_291 = arith.addf %add3A_290, %exp3A : vector<16xf32>
              %div3A = arith.divf %add3A_286, %add3A_291 : vector<16xf32>
              %swap3A = arith.index_cast %sub3A_212 : i32 to index
              %swap3A_292 = arith.index_cast %mul3A_223 : i32 to index
              %swap3A_293 = tpu.vector_load %arg9[%swap3A, %swap3A_292] {strides = array<i32>} : memref<16x1024xf32, #tpu.memory_space<vmem>>, vector<1x16xf32>,
              %swap3A_294 = vector.shape_cast %swap3A_293 : vector<1x16xf32> to vector<16xf32>
              %swap3A_295 = vector.shape_cast %div3A : vector<16xf32> to vector<1x16xf32>
              tpu.vector_store %arg9[%swap3A, %swap3A_292], %swap3A_295 {strides = array<i32>} : memref<16x1024xf32, #tpu.memory_space<vmem>>, vector<1x16xf32>,
              %scan3A_296 = arith.constant 0 : i32
              scf.yield %scan3A_296 : i32
            }
            %scan3A_219 = arith.constant 64 : i32
          } else {
          }
          %add3A_148 = arith.constant 1 : i32
          %add3A_149 = arith.addi %squeeze3A, %add3A_148 : i32
          %ge3A_150 = arith.cmpi sge, %add3A_149, %add3A_88 : i32
          %add3A_151 = arith.constant 16 : i32
          %add3A_152 = arith.addi %add3A_88, %add3A_151 : i32
          %lt3A_153 = arith.cmpi slt, %add3A_149, %add3A_152 : i32
          %and3A_154 = arith.andi %ge3A_150, %lt3A_153 : i1
          %convert_element_type3A_155 = arith.extui %and3A_154 : i1 to i32
          %cond3A_156 = arith.constant 0 : i32
          %cond3A_157 = arith.cmpi ne, %convert_element_type3A_155, %cond3A_156 : i32
          scf.if %cond3A_157 {
            %scan3A_169 = arith.constant 1 : i32
            %scan3A_170 = arith.constant 1 : i32
            %scan3A_171 = arith.constant 15 : i32
            %scan3A_172 = arith.addi %scan3A_170, %scan3A_171 : i32
            %scan3A_173 = arith.constant 1 : i32
            %scan3A_174 = scf.for %scan3A_220 = %scan3A_170 to %scan3A_172 step %scan3A_173 iter_args(%scan3A_221 = %scan3A_169) -> (i32)  : i32 {
              %get3A_222 = arith.index_cast %scan3A_220 : i32 to index
              %get3A_223 = tpu.vector_load %arg11[%get3A_222] {strides = array<i32>} : memref<32xi32, #tpu.memory_space<vmem>>, vector<16xi32>,
              %get3A_224 = vector.shape_cast %get3A_223 : vector<16xi32> to vector<16xi32>
              %slice3A_225 = vector.extract_strided_slice %get3A_224 {offsets = [0], sizes = [1], strides = [1]} : vector<16xi32> to vector<1xi32>
              %squeeze3A_226 = vector.extract %slice3A_225[0] : i32 from vector<1xi32>
              %le3A = arith.cmpi sle, %squeeze3A_226, %add3A_149 : i32
              %sub3A_227 = arith.constant 1 : i32
              %sub3A_228 = arith.subi %scan3A_220, %sub3A_227 : i32
              %get3A_229 = arith.index_cast %sub3A_228 : i32 to index
              %get3A_230 = tpu.vector_load %arg11[%get3A_229] {strides = array<i32>} : memref<32xi32, #tpu.memory_space<vmem>>, vector<16xi32>,
              %get3A_231 = vector.shape_cast %get3A_230 : vector<16xi32> to vector<16xi32>
              %slice3A_232 = vector.extract_strided_slice %get3A_231 {offsets = [0], sizes = [1], strides = [1]} : vector<16xi32> to vector<1xi32>
              %squeeze3A_233 = vector.extract %slice3A_232[0] : i32 from vector<1xi32>
              %ne3A_234 = arith.cmpi ne, %squeeze3A_226, %squeeze3A_233 : i32
              %and3A_235 = arith.andi %le3A, %ne3A_234 : i1
              %jit3A_236 = arith.constant 1 : i32
              %jit3A_237 = arith.constant 0 : i32
              %select_n3A_238 = arith.select %and3A_235, %jit3A_236, %jit3A_237 : i32
              %add3A_239 = arith.addi %scan3A_221, %select_n3A_238 : i32
              scf.yield %add3A_239 : i32
            }
            %scan3A_175 = arith.constant 15 : i32
            %sub3A = arith.constant 1 : i32
            %sub3A_176 = arith.subi %scan3A_174, %sub3A : i32
            %get3A_177 = arith.index_cast %sub3A_176 : i32 to index
            %get3A_178 = tpu.vector_load %arg11[%get3A_177] {strides = array<i32>} : memref<32xi32, #tpu.memory_space<vmem>>, vector<16xi32>,
            %get3A_179 = vector.shape_cast %get3A_178 : vector<16xi32> to vector<16xi32>
            %slice3A_180 = vector.extract_strided_slice %get3A_179 {offsets = [0], sizes = [1], strides = [1]} : vector<16xi32> to vector<1xi32>
            %squeeze3A_181 = vector.extract %slice3A_180[0] : i32 from vector<1xi32>
            %sub3A_182 = arith.constant 3 : i32
            %sub3A_183 = arith.subi %add3A_149, %sub3A_182 : i32
            %add3A_184 = arith.constant 0 : i32
            %add3A_185 = arith.addi %sub3A_183, %add3A_184 : i32
            %ge3A_186 = arith.cmpi sge, %add3A_185, %squeeze3A_181 : i32
            %jit3A = arith.constant 1.000000e+00 : f32
            %jit3A_187 = arith.constant 0.000000e+00 : f32
            %select_n3A = arith.select %ge3A_186, %jit3A, %jit3A_187 : f32
            %sub3A_188 = arith.constant 3 : i32
            %sub3A_189 = arith.subi %add3A_149, %sub3A_188 : i32
            %add3A_190 = arith.constant 1 : i32
            %add3A_191 = arith.addi %sub3A_189, %add3A_190 : i32
            %ge3A_192 = arith.cmpi sge, %add3A_191, %squeeze3A_181 : i32
            %jit3A_193 = arith.constant 1.000000e+00 : f32
            %jit3A_194 = arith.constant 0.000000e+00 : f32
            %select_n3A_195 = arith.select %ge3A_192, %jit3A_193, %jit3A_194 : f32
            %sub3A_196 = arith.constant 3 : i32
            %sub3A_197 = arith.subi %add3A_149, %sub3A_196 : i32
            %add3A_198 = arith.constant 2 : i32
            %add3A_199 = arith.addi %sub3A_197, %add3A_198 : i32
            %ge3A_200 = arith.cmpi sge, %add3A_199, %squeeze3A_181 : i32
            %jit3A_201 = arith.constant 1.000000e+00 : f32
            %jit3A_202 = arith.constant 0.000000e+00 : f32
            %select_n3A_203 = arith.select %ge3A_200, %jit3A_201, %jit3A_202 : f32
            %sub3A_204 = arith.constant 3 : i32
            %sub3A_205 = arith.subi %add3A_149, %sub3A_204 : i32
            %add3A_206 = arith.constant 3 : i32
            %add3A_207 = arith.addi %sub3A_205, %add3A_206 : i32
            %ge3A_208 = arith.cmpi sge, %add3A_207, %squeeze3A_181 : i32
            %jit3A_209 = arith.constant 1.000000e+00 : f32
            %jit3A_210 = arith.constant 0.000000e+00 : f32
            %select_n3A_211 = arith.select %ge3A_208, %jit3A_209, %jit3A_210 : f32
            %sub3A_212 = arith.subi %add3A_149, %add3A_88 : i32
            %scan3A_213 = arith.constant 0 : i32
            %scan3A_214 = arith.constant 0 : i32
            %scan3A_215 = arith.constant 64 : i32
            %scan3A_216 = arith.addi %scan3A_214, %scan3A_215 : i32
            %scan3A_217 = arith.constant 1 : i32
            %scan3A_218 = scf.for %scan3A_220 = %scan3A_214 to %scan3A_216 step %scan3A_217 iter_args(%scan3A_221 = %scan3A_213) -> (i32)  : i32 {
              %mul3A_222 = arith.constant 16 : i32
              %mul3A_223 = arith.muli %scan3A_220, %mul3A_222 : i32
              %add3A_224 = arith.constant 8 : i32
              %add3A_225 = arith.addi %sub3A_212, %add3A_224 : i32
              %sub3A_226 = arith.constant 3 : i32
              %sub3A_227 = arith.subi %add3A_225, %sub3A_226 : i32
              %add3A_228 = arith.constant 0 : i32
              %add3A_229 = arith.addi %sub3A_227, %add3A_228 : i32
              %get3A_230 = arith.index_cast %add3A_229 : i32 to index
              %get3A_231 = arith.index_cast %mul3A_223 : i32 to index
              %get3A_232 = tpu.vector_load %arg7[%get3A_230, %get3A_231] {strides = array<i32>} : memref<24x1024xf32, #tpu.memory_space<vmem>>, vector<1x16xf32>,
              %get3A_233 = vector.shape_cast %get3A_232 : vector<1x16xf32> to vector<16xf32>
              %get3A_234 = arith.constant 0 : i32
              %get3A_235 = arith.index_cast %get3A_234 : i32 to index
              %get3A_236 = arith.index_cast %mul3A_223 : i32 to index
              %get3A_237 = tpu.vector_load %arg10[%get3A_235, %get3A_236] {strides = array<i32>} : memref<4x1024xf32, #tpu.memory_space<vmem>>, vector<1x16xf32>,
              %get3A_238 = vector.shape_cast %get3A_237 : vector<1x16xf32> to vector<16xf32>
              %mul3A_239 = arith.mulf %get3A_233, %get3A_238 : vector<16xf32>
              %mul3A_240 = vector.broadcast %select_n3A : f32 to vector<16xf32>
              %mul3A_241 = arith.mulf %mul3A_239, %mul3A_240 : vector<16xf32>
              %add3A_242 = arith.constant 1 : i32
              %add3A_243 = arith.addi %sub3A_227, %add3A_242 : i32
              %get3A_244 = arith.index_cast %add3A_243 : i32 to index
              %get3A_245 = arith.index_cast %mul3A_223 : i32 to index
              %get3A_246 = tpu.vector_load %arg7[%get3A_244, %get3A_245] {strides = array<i32>} : memref<24x1024xf32, #tpu.memory_space<vmem>>, vector<1x16xf32>,
              %get3A_247 = vector.shape_cast %get3A_246 : vector<1x16xf32> to vector<16xf32>
              %get3A_248 = arith.constant 1 : i32
              %get3A_249 = arith.index_cast %get3A_248 : i32 to index
              %get3A_250 = arith.index_cast %mul3A_223 : i32 to index
              %get3A_251 = tpu.vector_load %arg10[%get3A_249, %get3A_250] {strides = array<i32>} : memref<4x1024xf32, #tpu.memory_space<vmem>>, vector<1x16xf32>,
              %get3A_252 = vector.shape_cast %get3A_251 : vector<1x16xf32> to vector<16xf32>
              %mul3A_253 = arith.mulf %get3A_247, %get3A_252 : vector<16xf32>
              %mul3A_254 = vector.broadcast %select_n3A_195 : f32 to vector<16xf32>
              %mul3A_255 = arith.mulf %mul3A_253, %mul3A_254 : vector<16xf32>
              %add3A_256 = arith.addf %mul3A_241, %mul3A_255 : vector<16xf32>
              %add3A_257 = arith.constant 2 : i32
              %add3A_258 = arith.addi %sub3A_227, %add3A_257 : i32
              %get3A_259 = arith.index_cast %add3A_258 : i32 to index
              %get3A_260 = arith.index_cast %mul3A_223 : i32 to index
              %get3A_261 = tpu.vector_load %arg7[%get3A_259, %get3A_260] {strides = array<i32>} : memref<24x1024xf32, #tpu.memory_space<vmem>>, vector<1x16xf32>,
              %get3A_262 = vector.shape_cast %get3A_261 : vector<1x16xf32> to vector<16xf32>
              %get3A_263 = arith.constant 2 : i32
              %get3A_264 = arith.index_cast %get3A_263 : i32 to index
              %get3A_265 = arith.index_cast %mul3A_223 : i32 to index
              %get3A_266 = tpu.vector_load %arg10[%get3A_264, %get3A_265] {strides = array<i32>} : memref<4x1024xf32, #tpu.memory_space<vmem>>, vector<1x16xf32>,
              %get3A_267 = vector.shape_cast %get3A_266 : vector<1x16xf32> to vector<16xf32>
              %mul3A_268 = arith.mulf %get3A_262, %get3A_267 : vector<16xf32>
              %mul3A_269 = vector.broadcast %select_n3A_203 : f32 to vector<16xf32>
              %mul3A_270 = arith.mulf %mul3A_268, %mul3A_269 : vector<16xf32>
              %add3A_271 = arith.addf %add3A_256, %mul3A_270 : vector<16xf32>
              %add3A_272 = arith.constant 3 : i32
              %add3A_273 = arith.addi %sub3A_227, %add3A_272 : i32
              %get3A_274 = arith.index_cast %add3A_273 : i32 to index
              %get3A_275 = arith.index_cast %mul3A_223 : i32 to index
              %get3A_276 = tpu.vector_load %arg7[%get3A_274, %get3A_275] {strides = array<i32>} : memref<24x1024xf32, #tpu.memory_space<vmem>>, vector<1x16xf32>,
              %get3A_277 = vector.shape_cast %get3A_276 : vector<1x16xf32> to vector<16xf32>
              %get3A_278 = arith.constant 3 : i32
              %get3A_279 = arith.index_cast %get3A_278 : i32 to index
              %get3A_280 = arith.index_cast %mul3A_223 : i32 to index
              %get3A_281 = tpu.vector_load %arg10[%get3A_279, %get3A_280] {strides = array<i32>} : memref<4x1024xf32, #tpu.memory_space<vmem>>, vector<1x16xf32>,
              %get3A_282 = vector.shape_cast %get3A_281 : vector<1x16xf32> to vector<16xf32>
              %mul3A_283 = arith.mulf %get3A_277, %get3A_282 : vector<16xf32>
              %mul3A_284 = vector.broadcast %select_n3A_211 : f32 to vector<16xf32>
              %mul3A_285 = arith.mulf %mul3A_283, %mul3A_284 : vector<16xf32>
              %add3A_286 = arith.addf %add3A_271, %mul3A_285 : vector<16xf32>
              %neg3A = arith.constant 0.000000e+00 : f32
              %neg3A_287 = vector.broadcast %neg3A : f32 to vector<16xf32>
              %neg3A_288 = arith.subf %neg3A_287, %add3A_286 : vector<16xf32>
              %exp3A = math.exp %neg3A_288 : vector<16xf32>
              %add3A_289 = arith.constant 1.000000e+00 : f32
              %add3A_290 = vector.broadcast %add3A_289 : f32 to vector<16xf32>
              %add3A_291 = arith.addf %add3A_290, %exp3A : vector<16xf32>
              %div3A = arith.divf %add3A_286, %add3A_291 : vector<16xf32>
              %swap3A = arith.index_cast %sub3A_212 : i32 to index
              %swap3A_292 = arith.index_cast %mul3A_223 : i32 to index
              %swap3A_293 = tpu.vector_load %arg9[%swap3A, %swap3A_292] {strides = array<i32>} : memref<16x1024xf32, #tpu.memory_space<vmem>>, vector<1x16xf32>,
              %swap3A_294 = vector.shape_cast %swap3A_293 : vector<1x16xf32> to vector<16xf32>
              %swap3A_295 = vector.shape_cast %div3A : vector<16xf32> to vector<1x16xf32>
              tpu.vector_store %arg9[%swap3A, %swap3A_292], %swap3A_295 {strides = array<i32>} : memref<16x1024xf32, #tpu.memory_space<vmem>>, vector<1x16xf32>,
              %scan3A_296 = arith.constant 0 : i32
              scf.yield %scan3A_296 : i32
            }
            %scan3A_219 = arith.constant 64 : i32
          } else {
          }
          %add3A_158 = arith.constant 2 : i32
          %add3A_159 = arith.addi %squeeze3A, %add3A_158 : i32
          %ge3A_160 = arith.cmpi sge, %add3A_159, %add3A_88 : i32
          %add3A_161 = arith.constant 16 : i32
          %add3A_162 = arith.addi %add3A_88, %add3A_161 : i32
          %lt3A_163 = arith.cmpi slt, %add3A_159, %add3A_162 : i32
          %and3A_164 = arith.andi %ge3A_160, %lt3A_163 : i1
          %convert_element_type3A_165 = arith.extui %and3A_164 : i1 to i32
          %cond3A_166 = arith.constant 0 : i32
          %cond3A_167 = arith.cmpi ne, %convert_element_type3A_165, %cond3A_166 : i32
          scf.if %cond3A_167 {
            %scan3A_169 = arith.constant 1 : i32
            %scan3A_170 = arith.constant 1 : i32
            %scan3A_171 = arith.constant 15 : i32
            %scan3A_172 = arith.addi %scan3A_170, %scan3A_171 : i32
            %scan3A_173 = arith.constant 1 : i32
            %scan3A_174 = scf.for %scan3A_220 = %scan3A_170 to %scan3A_172 step %scan3A_173 iter_args(%scan3A_221 = %scan3A_169) -> (i32)  : i32 {
              %get3A_222 = arith.index_cast %scan3A_220 : i32 to index
              %get3A_223 = tpu.vector_load %arg11[%get3A_222] {strides = array<i32>} : memref<32xi32, #tpu.memory_space<vmem>>, vector<16xi32>,
              %get3A_224 = vector.shape_cast %get3A_223 : vector<16xi32> to vector<16xi32>
              %slice3A_225 = vector.extract_strided_slice %get3A_224 {offsets = [0], sizes = [1], strides = [1]} : vector<16xi32> to vector<1xi32>
              %squeeze3A_226 = vector.extract %slice3A_225[0] : i32 from vector<1xi32>
              %le3A = arith.cmpi sle, %squeeze3A_226, %add3A_159 : i32
              %sub3A_227 = arith.constant 1 : i32
              %sub3A_228 = arith.subi %scan3A_220, %sub3A_227 : i32
              %get3A_229 = arith.index_cast %sub3A_228 : i32 to index
              %get3A_230 = tpu.vector_load %arg11[%get3A_229] {strides = array<i32>} : memref<32xi32, #tpu.memory_space<vmem>>, vector<16xi32>,
              %get3A_231 = vector.shape_cast %get3A_230 : vector<16xi32> to vector<16xi32>
              %slice3A_232 = vector.extract_strided_slice %get3A_231 {offsets = [0], sizes = [1], strides = [1]} : vector<16xi32> to vector<1xi32>
              %squeeze3A_233 = vector.extract %slice3A_232[0] : i32 from vector<1xi32>
              %ne3A_234 = arith.cmpi ne, %squeeze3A_226, %squeeze3A_233 : i32
              %and3A_235 = arith.andi %le3A, %ne3A_234 : i1
              %jit3A_236 = arith.constant 1 : i32
              %jit3A_237 = arith.constant 0 : i32
              %select_n3A_238 = arith.select %and3A_235, %jit3A_236, %jit3A_237 : i32
              %add3A_239 = arith.addi %scan3A_221, %select_n3A_238 : i32
              scf.yield %add3A_239 : i32
            }
            %scan3A_175 = arith.constant 15 : i32
            %sub3A = arith.constant 1 : i32
            %sub3A_176 = arith.subi %scan3A_174, %sub3A : i32
            %get3A_177 = arith.index_cast %sub3A_176 : i32 to index
            %get3A_178 = tpu.vector_load %arg11[%get3A_177] {strides = array<i32>} : memref<32xi32, #tpu.memory_space<vmem>>, vector<16xi32>,
            %get3A_179 = vector.shape_cast %get3A_178 : vector<16xi32> to vector<16xi32>
            %slice3A_180 = vector.extract_strided_slice %get3A_179 {offsets = [0], sizes = [1], strides = [1]} : vector<16xi32> to vector<1xi32>
            %squeeze3A_181 = vector.extract %slice3A_180[0] : i32 from vector<1xi32>
            %sub3A_182 = arith.constant 3 : i32
            %sub3A_183 = arith.subi %add3A_159, %sub3A_182 : i32
            %add3A_184 = arith.constant 0 : i32
            %add3A_185 = arith.addi %sub3A_183, %add3A_184 : i32
            %ge3A_186 = arith.cmpi sge, %add3A_185, %squeeze3A_181 : i32
            %jit3A = arith.constant 1.000000e+00 : f32
            %jit3A_187 = arith.constant 0.000000e+00 : f32
            %select_n3A = arith.select %ge3A_186, %jit3A, %jit3A_187 : f32
            %sub3A_188 = arith.constant 3 : i32
            %sub3A_189 = arith.subi %add3A_159, %sub3A_188 : i32
            %add3A_190 = arith.constant 1 : i32
            %add3A_191 = arith.addi %sub3A_189, %add3A_190 : i32
            %ge3A_192 = arith.cmpi sge, %add3A_191, %squeeze3A_181 : i32
            %jit3A_193 = arith.constant 1.000000e+00 : f32
            %jit3A_194 = arith.constant 0.000000e+00 : f32
            %select_n3A_195 = arith.select %ge3A_192, %jit3A_193, %jit3A_194 : f32
            %sub3A_196 = arith.constant 3 : i32
            %sub3A_197 = arith.subi %add3A_159, %sub3A_196 : i32
            %add3A_198 = arith.constant 2 : i32
            %add3A_199 = arith.addi %sub3A_197, %add3A_198 : i32
            %ge3A_200 = arith.cmpi sge, %add3A_199, %squeeze3A_181 : i32
            %jit3A_201 = arith.constant 1.000000e+00 : f32
            %jit3A_202 = arith.constant 0.000000e+00 : f32
            %select_n3A_203 = arith.select %ge3A_200, %jit3A_201, %jit3A_202 : f32
            %sub3A_204 = arith.constant 3 : i32
            %sub3A_205 = arith.subi %add3A_159, %sub3A_204 : i32
            %add3A_206 = arith.constant 3 : i32
            %add3A_207 = arith.addi %sub3A_205, %add3A_206 : i32
            %ge3A_208 = arith.cmpi sge, %add3A_207, %squeeze3A_181 : i32
            %jit3A_209 = arith.constant 1.000000e+00 : f32
            %jit3A_210 = arith.constant 0.000000e+00 : f32
            %select_n3A_211 = arith.select %ge3A_208, %jit3A_209, %jit3A_210 : f32
            %sub3A_212 = arith.subi %add3A_159, %add3A_88 : i32
            %scan3A_213 = arith.constant 0 : i32
            %scan3A_214 = arith.constant 0 : i32
            %scan3A_215 = arith.constant 64 : i32
            %scan3A_216 = arith.addi %scan3A_214, %scan3A_215 : i32
            %scan3A_217 = arith.constant 1 : i32
            %scan3A_218 = scf.for %scan3A_220 = %scan3A_214 to %scan3A_216 step %scan3A_217 iter_args(%scan3A_221 = %scan3A_213) -> (i32)  : i32 {
              %mul3A_222 = arith.constant 16 : i32
              %mul3A_223 = arith.muli %scan3A_220, %mul3A_222 : i32
              %add3A_224 = arith.constant 8 : i32
              %add3A_225 = arith.addi %sub3A_212, %add3A_224 : i32
              %sub3A_226 = arith.constant 3 : i32
              %sub3A_227 = arith.subi %add3A_225, %sub3A_226 : i32
              %add3A_228 = arith.constant 0 : i32
              %add3A_229 = arith.addi %sub3A_227, %add3A_228 : i32
              %get3A_230 = arith.index_cast %add3A_229 : i32 to index
              %get3A_231 = arith.index_cast %mul3A_223 : i32 to index
              %get3A_232 = tpu.vector_load %arg7[%get3A_230, %get3A_231] {strides = array<i32>} : memref<24x1024xf32, #tpu.memory_space<vmem>>, vector<1x16xf32>,
              %get3A_233 = vector.shape_cast %get3A_232 : vector<1x16xf32> to vector<16xf32>
              %get3A_234 = arith.constant 0 : i32
              %get3A_235 = arith.index_cast %get3A_234 : i32 to index
              %get3A_236 = arith.index_cast %mul3A_223 : i32 to index
              %get3A_237 = tpu.vector_load %arg10[%get3A_235, %get3A_236] {strides = array<i32>} : memref<4x1024xf32, #tpu.memory_space<vmem>>, vector<1x16xf32>,
              %get3A_238 = vector.shape_cast %get3A_237 : vector<1x16xf32> to vector<16xf32>
              %mul3A_239 = arith.mulf %get3A_233, %get3A_238 : vector<16xf32>
              %mul3A_240 = vector.broadcast %select_n3A : f32 to vector<16xf32>
              %mul3A_241 = arith.mulf %mul3A_239, %mul3A_240 : vector<16xf32>
              %add3A_242 = arith.constant 1 : i32
              %add3A_243 = arith.addi %sub3A_227, %add3A_242 : i32
              %get3A_244 = arith.index_cast %add3A_243 : i32 to index
              %get3A_245 = arith.index_cast %mul3A_223 : i32 to index
              %get3A_246 = tpu.vector_load %arg7[%get3A_244, %get3A_245] {strides = array<i32>} : memref<24x1024xf32, #tpu.memory_space<vmem>>, vector<1x16xf32>,
              %get3A_247 = vector.shape_cast %get3A_246 : vector<1x16xf32> to vector<16xf32>
              %get3A_248 = arith.constant 1 : i32
              %get3A_249 = arith.index_cast %get3A_248 : i32 to index
              %get3A_250 = arith.index_cast %mul3A_223 : i32 to index
              %get3A_251 = tpu.vector_load %arg10[%get3A_249, %get3A_250] {strides = array<i32>} : memref<4x1024xf32, #tpu.memory_space<vmem>>, vector<1x16xf32>,
              %get3A_252 = vector.shape_cast %get3A_251 : vector<1x16xf32> to vector<16xf32>
              %mul3A_253 = arith.mulf %get3A_247, %get3A_252 : vector<16xf32>
              %mul3A_254 = vector.broadcast %select_n3A_195 : f32 to vector<16xf32>
              %mul3A_255 = arith.mulf %mul3A_253, %mul3A_254 : vector<16xf32>
              %add3A_256 = arith.addf %mul3A_241, %mul3A_255 : vector<16xf32>
              %add3A_257 = arith.constant 2 : i32
              %add3A_258 = arith.addi %sub3A_227, %add3A_257 : i32
              %get3A_259 = arith.index_cast %add3A_258 : i32 to index
              %get3A_260 = arith.index_cast %mul3A_223 : i32 to index
              %get3A_261 = tpu.vector_load %arg7[%get3A_259, %get3A_260] {strides = array<i32>} : memref<24x1024xf32, #tpu.memory_space<vmem>>, vector<1x16xf32>,
              %get3A_262 = vector.shape_cast %get3A_261 : vector<1x16xf32> to vector<16xf32>
              %get3A_263 = arith.constant 2 : i32
              %get3A_264 = arith.index_cast %get3A_263 : i32 to index
              %get3A_265 = arith.index_cast %mul3A_223 : i32 to index
              %get3A_266 = tpu.vector_load %arg10[%get3A_264, %get3A_265] {strides = array<i32>} : memref<4x1024xf32, #tpu.memory_space<vmem>>, vector<1x16xf32>,
              %get3A_267 = vector.shape_cast %get3A_266 : vector<1x16xf32> to vector<16xf32>
              %mul3A_268 = arith.mulf %get3A_262, %get3A_267 : vector<16xf32>
              %mul3A_269 = vector.broadcast %select_n3A_203 : f32 to vector<16xf32>
              %mul3A_270 = arith.mulf %mul3A_268, %mul3A_269 : vector<16xf32>
              %add3A_271 = arith.addf %add3A_256, %mul3A_270 : vector<16xf32>
              %add3A_272 = arith.constant 3 : i32
              %add3A_273 = arith.addi %sub3A_227, %add3A_272 : i32
              %get3A_274 = arith.index_cast %add3A_273 : i32 to index
              %get3A_275 = arith.index_cast %mul3A_223 : i32 to index
              %get3A_276 = tpu.vector_load %arg7[%get3A_274, %get3A_275] {strides = array<i32>} : memref<24x1024xf32, #tpu.memory_space<vmem>>, vector<1x16xf32>,
              %get3A_277 = vector.shape_cast %get3A_276 : vector<1x16xf32> to vector<16xf32>
              %get3A_278 = arith.constant 3 : i32
              %get3A_279 = arith.index_cast %get3A_278 : i32 to index
              %get3A_280 = arith.index_cast %mul3A_223 : i32 to index
              %get3A_281 = tpu.vector_load %arg10[%get3A_279, %get3A_280] {strides = array<i32>} : memref<4x1024xf32, #tpu.memory_space<vmem>>, vector<1x16xf32>,
              %get3A_282 = vector.shape_cast %get3A_281 : vector<1x16xf32> to vector<16xf32>
              %mul3A_283 = arith.mulf %get3A_277, %get3A_282 : vector<16xf32>
              %mul3A_284 = vector.broadcast %select_n3A_211 : f32 to vector<16xf32>
              %mul3A_285 = arith.mulf %mul3A_283, %mul3A_284 : vector<16xf32>
              %add3A_286 = arith.addf %add3A_271, %mul3A_285 : vector<16xf32>
              %neg3A = arith.constant 0.000000e+00 : f32
              %neg3A_287 = vector.broadcast %neg3A : f32 to vector<16xf32>
              %neg3A_288 = arith.subf %neg3A_287, %add3A_286 : vector<16xf32>
              %exp3A = math.exp %neg3A_288 : vector<16xf32>
              %add3A_289 = arith.constant 1.000000e+00 : f32
              %add3A_290 = vector.broadcast %add3A_289 : f32 to vector<16xf32>
              %add3A_291 = arith.addf %add3A_290, %exp3A : vector<16xf32>
              %div3A = arith.divf %add3A_286, %add3A_291 : vector<16xf32>
              %swap3A = arith.index_cast %sub3A_212 : i32 to index
              %swap3A_292 = arith.index_cast %mul3A_223 : i32 to index
              %swap3A_293 = tpu.vector_load %arg9[%swap3A, %swap3A_292] {strides = array<i32>} : memref<16x1024xf32, #tpu.memory_space<vmem>>, vector<1x16xf32>,
              %swap3A_294 = vector.shape_cast %swap3A_293 : vector<1x16xf32> to vector<16xf32>
              %swap3A_295 = vector.shape_cast %div3A : vector<16xf32> to vector<1x16xf32>
              tpu.vector_store %arg9[%swap3A, %swap3A_292], %swap3A_295 {strides = array<i32>} : memref<16x1024xf32, #tpu.memory_space<vmem>>, vector<1x16xf32>,
              %scan3A_296 = arith.constant 0 : i32
              scf.yield %scan3A_296 : i32
            }
            %scan3A_219 = arith.constant 64 : i32
          } else {
          }
          %scan3A_168 = arith.constant 0 : i32
          scf.yield %scan3A_168 : i32
        }
        %scan3A_133 = arith.constant 15 : i32
      } else {
      }
      %dma_start3A_122 = arith.constant 0 : i32
      %dma_start3A_123 = tpu.memref_slice %arg5[%add3A_88, %dma_start3A_122] : memref<16384x1024xf32, #tpu.memory_space<hbm>> -> memref<16x1024xf32, #tpu.memory_space<hbm>>
      %dma_start3A_124 = arith.constant 0 : i32
      %dma_start3A_125 = tpu.memref_slice %arg5[%add3A_88, %dma_start3A_124] : memref<16384x1024xf32, #tpu.memory_space<hbm>> -> memref<16x1024xf32, #tpu.memory_space<hbm>>
      tpu.enqueue_dma source(%arg9 : memref<16x1024xf32, #tpu.memory_space<vmem>>) target(%dma_start3A_125 : memref<16x1024xf32, #tpu.memory_space<hbm>>) target_semaphore(%arg15 : memref<!tpu.dma_semaphore, #tpu.memory_space<semaphore_mem>>)
      %scan3A_126 = arith.constant 0 : i32
      scf.yield %scan3A_126 : i32
    }
    %scan3A_30 = arith.constant 16 : i32
    %add3A_31 = arith.constant 480 : i32
    %add3A_32 = arith.addi %mul3A_2, %add3A_31 : i32
    %dma_wait3A = arith.constant 0 : i32
    %dma_wait3A_33 = tpu.memref_slice %arg5[%add3A_32, %dma_wait3A] : memref<16384x1024xf32, #tpu.memory_space<hbm>> -> memref<16x1024xf32, #tpu.memory_space<hbm>>
    %dma_wait3A_34 = arith.constant 0 : i32
    %dma_wait3A_35 = tpu.memref_slice %arg5[%add3A_32, %dma_wait3A_34] : memref<16384x1024xf32, #tpu.memory_space<hbm>> -> memref<16x1024xf32, #tpu.memory_space<hbm>>
    tpu.wait_dma2 semaphore(%arg14 : memref<!tpu.dma_semaphore, #tpu.memory_space<semaphore_mem>>) src(%arg8 : memref<16x1024xf32, #tpu.memory_space<vmem>>) dst(%dma_wait3A_35 : memref<16x1024xf32, #tpu.memory_space<hbm>>)
    %add3A_36 = arith.constant 496 : i32
    %add3A_37 = arith.addi %mul3A_2, %add3A_36 : i32
    %dma_wait3A_38 = arith.constant 0 : i32
    %dma_wait3A_39 = tpu.memref_slice %arg5[%add3A_37, %dma_wait3A_38] : memref<16384x1024xf32, #tpu.memory_space<hbm>> -> memref<16x1024xf32, #tpu.memory_space<hbm>>
    %dma_wait3A_40 = arith.constant 0 : i32
    %dma_wait3A_41 = tpu.memref_slice %arg5[%add3A_37, %dma_wait3A_40] : memref<16384x1024xf32, #tpu.memory_space<hbm>> -> memref<16x1024xf32, #tpu.memory_space<hbm>>
    tpu.wait_dma2 semaphore(%arg15 : memref<!tpu.dma_semaphore, #tpu.memory_space<semaphore_mem>>) src(%arg9 : memref<16x1024xf32, #tpu.memory_space<vmem>>) dst(%dma_wait3A_41 : memref<16x1024xf32, #tpu.memory_space<hbm>>)
    return
  }
}

</mosaic_0001>

<sc_bundles>
// kernel: kernel.4.cloned.1.call-start
scs
__scs_entry_jumppad:
0x0: {  	(pc) =	sbr.rel $0x88, $3  }
0x1: {  	(tag) =	ssettag $0x0;
	lr =	simm.s32 $0x1  }
0x2: {  	[smem:$0x3F9E] =	sst lr;
	_ =	strace $0xD0000000  }
0x3: {  	_ = 	snop  }
0x4: {  	_ = 	snop  }
0x5: {  	_ = 	snop  }
0x6: {  	_ = 	snop  }
0x7: {  	_ = 	snop  }
__scs_overlays_trampoline_lowered:
0x8: {  	[smem:$0x3FAD] =	sst s0  }
0x9: {  	[smem:$0x3FAE] =	sst s1  }
0xa: {  	[smem:$0x3FAF] =	sst s2  }
0xb: {  	[smem:$0x3FB0] =	sst s3  }
0xc: {  	[smem:$0x3FB1] =	sst s4  }
0xd: {  	[smem:$0x3FB2] =	sst s5  }
0xe: {  	[smem:$0x3FB3] =	sst s6  }
0xf: {  	[smem:$0x3FB4] =	sst s7  }
0x10: {  	[smem:$0x3FB5] =	sst s8  }
0x11: {  	[smem:$0x3FB6] =	sst s9;
	s0 =	simm.s32 @!p0 $0x0  }
0x12: {  	s1 =	sld [smem:$0x3F9C];
	s0 =	simm.s32 @p0 $0x1  }
0x13: {  	[smem:$0x3FB7] =	sst s0;
	s0 =	simm.s32 @!p1 $0x0  }
0x14: {  	s2 =	sld [smem:$0x3F9B];
	s0 =	simm.s32 @p1 $0x1  }
0x15: {  	[smem:$0x3FB8] =	sst s0;
	s0 =	simm.s32 @!p2 $0x0  }
0x16: {  	s3 =	sld [smem:$0x3FDB];
	s0 =	simm.s32 @p2 $0x1  }
0x17: {  	s4 =	simm.s32 $0x1BF5;
	[smem:$0x3FBA] =	sst s0  }
0x18: {  	s0 =	sld [smem:$0x3F9D];
	_ =	swait.ge [sflag:s4], $0x0  }
0x19: {  	s7 =	sld [smem:$0x3F9E]  }
0x1a: {  	s8 =	sadd.s32 $0xFFFFE003, lr  }
0x1b: {  	s9 =	sadd.s32 $0xFFFFFEF7, lr;
	s5 =	simm.s32 $0xFFFFFFFF;
	p2 =	slt.u32 s8, $0xFFFFF086  }
0x1c: {  	p1 =	slt.u32 s9, $0xF7A;
	s5 =	simm.s32 @!p2 $0x0  }
0x1d: {  	s5 =	simm.s32 @p1 $0x1;
	p0 =	seq.s32 s7, s2  }
0x1e: {  	s7 =	smul.u32 @!p0 $0xF7A, s2;
	p2 =	seq.s32 @!p0 s5, $0x0  }
0x1f: {  	s9 =	smul.u32 $0xF7A, s1;
	s8 =	simm.s32 @!p0 $0x1BF5;
	p2 =	por !p2, p0  }
0x20: {  	[sflag:s8] =	ssyncset.s32 @!p0 $0xFFFFF086;
	s6 =	sadd.s32 @!p0 s3, s7;
	s7 =	simm.s32 @!p0 $0x108  }
0x21: {  	s3 =	sadd.s32 s3, s9;
	s6 =	sadd.s32 @!p0 $0x88, s6;
	s7 =	simm.s32 @p2 $0x1082  }
0x22: {  	[simem:s7], [sflag:s8] =	dma.local @!p0 [hbm:s6], $0xF7A  }
0x23: {  	s9 =	sor.u32 $0xD0000000, s2;
	s6 =	simm.s32 $0x108;
	_ =	swait.ge @!p0 [sflag:s8], $0x0  }
0x24: {  	s3 =	sadd.s32 $0x88, s3;
	s6 =	simm.s32 @!p1 $0x1082;
	[sflag:s4] =	ssyncset.s32 $0xFFFFF086  }
0x25: {  	[simem:s6], [sflag:s4] =	dma.local [hbm:s3], $0xF7A  }
0x26: {  	[smem:$0x3F9E] =	sst s1;
	(tag) =	ssettag s2;
	_ =	strace s9  }
0x27: {  	s1 =	sld [smem:$0x3FAE]  }
0x28: {  	s2 =	sld [smem:$0x3FAF]  }
0x29: {  	s4 =	sld [smem:$0x3FB1]  }
0x2a: {  	p0 =	seq.s32 s5, $0x0;
	s5 =	sld [smem:$0x3FB2]  }
0x2b: {  	s6 =	sld [smem:$0x3FB3]  }
0x2c: {  	s7 =	sld [smem:$0x3FB4]  }
0x2d: {  	s3 =	simm.s32 $0x108;
	s8 =	sld [smem:$0x3FB5]  }
0x2e: {  	s3 =	simm.s32 @!p0 $0x1082;
	s9 =	sld [smem:$0x3FB6]  }
0x2f: {  	lr =	sadd.s32 s0, s3;
	s0 =	sld [smem:$0x3FAD]  }
0x30: {  	s3 =	sld [smem:$0x3FB0]  }
0x31: {  	[smem:$0x3FB9] =	sst s10  }
0x32: {  	s10 =	sld [smem:$0x3FB7];
	_ =	sdelay $0x3  }
0x33: {  	p0 =	seq.s32 s10, $0x1;
	s10 =	sld [smem:$0x3FB9];
	_ =	sdelay $0x3  }
0x34: {  	[smem:$0x3FB9] =	sst s10  }
0x35: {  	s10 =	sld [smem:$0x3FB8];
	_ =	sdelay $0x3  }
0x36: {  	p1 =	seq.s32 s10, $0x1;
	s10 =	sld [smem:$0x3FB9];
	_ =	sdelay $0x3  }
0x37: {  	[smem:$0x3FB9] =	sst s10  }
0x38: {  	s10 =	sld [smem:$0x3FBA]  }
0x39: {  	_ = 	snop;
	(pc) =	sbr.ind lr, $3  }
0x3a: {  	_ = 	snop  }
0x3b: {  	_ = 	snop  }
0x3c: {  	p2 =	seq.s32 s10, $0x1;
	s10 =	sld [smem:$0x3FB9]  }
0x3d: {  	_ =	shalt  }
0x3e: {  	_ =	shalt  }
0x3f: {  	_ =	shalt  }
0x40: {  	_ =	shalt  }
0x41: {  	_ =	shalt  }
0x42: {  	_ =	shalt  }
0x43: {  	_ =	shalt  }
0x44: {  	_ =	shalt  }
0x45: {  	_ =	shalt  }
0x46: {  	_ =	shalt  }
0x47: {  	_ =	shalt  }
0x48: {  	_ =	shalt  }
0x49: {  	_ =	shalt  }
0x4a: {  	_ =	shalt  }
0x4b: {  	_ =	shalt  }
0x4c: {  	_ =	shalt  }
0x4d: {  	_ =	shalt  }
0x4e: {  	_ =	shalt  }
0x4f: {  	_ =	shalt  }
0x50: {  	_ =	shalt  }
0x51: {  	_ =	shalt  }
0x52: {  	_ =	shalt  }
0x53: {  	_ =	shalt  }
0x54: {  	_ =	shalt  }
0x55: {  	_ =	shalt  }
0x56: {  	_ =	shalt  }
0x57: {  	_ =	shalt  }
0x58: {  	_ =	shalt  }
0x59: {  	_ =	shalt  }
0x5a: {  	_ =	shalt  }
0x5b: {  	_ =	shalt  }
0x5c: {  	_ =	shalt  }
0x5d: {  	_ =	shalt  }
0x5e: {  	_ =	shalt  }
0x5f: {  	_ =	shalt  }
0x60: {  	_ =	shalt  }
0x61: {  	_ =	shalt  }
0x62: {  	_ =	shalt  }
0x63: {  	_ =	shalt  }
0x64: {  	_ =	shalt  }
0x65: {  	_ =	shalt  }
0x66: {  	_ =	shalt  }
0x67: {  	_ =	shalt  }
0x68: {  	_ =	shalt  }
0x69: {  	_ =	shalt  }
0x6a: {  	_ =	shalt  }
0x6b: {  	_ =	shalt  }
0x6c: {  	_ =	shalt  }
0x6d: {  	_ =	shalt  }
0x6e: {  	_ =	shalt  }
0x6f: {  	_ =	shalt  }
0x70: {  	_ =	shalt  }
0x71: {  	_ =	shalt  }
0x72: {  	_ =	shalt  }
0x73: {  	_ =	shalt  }
0x74: {  	_ =	shalt  }
0x75: {  	_ =	shalt  }
0x76: {  	_ =	shalt  }
0x77: {  	_ =	shalt  }
0x78: {  	_ =	shalt  }
0x79: {  	_ =	shalt  }
0x7a: {  	_ =	shalt  }
0x7b: {  	_ =	shalt  }
0x7c: {  	_ =	shalt  }
0x7d: {  	_ =	shalt  }
0x7e: {  	_ =	shalt  }
0x7f: {  	_ =	shalt  }
0x80: {  	_ =	shalt  }
0x81: {  	_ =	shalt  }
0x82: {  	_ =	shalt  }
0x83: {  	_ =	shalt  }
0x84: {  	_ =	shalt  }
0x85: {  	_ =	shalt  }
0x86: {  	_ =	shalt  }
0x87: {  	_ =	shalt  }
.Lfunc_end0:
.L_simem_size_0:
called_computation_lowered:
.L_overlay_start_0:
0x88: {  	s2 =	sld [smem:$0x3FD9]  }
0x89: {  	s3 =	sld [smem:$0x3FFE];
	_ =	sdelay $0x1  }
0x8a: {  	s1 =	srdreg.scid  }
0x8b: {  	s0 =	sand.u32 $0x1, s1  }
0x8c: {  	s17 =	sshll.u32 s0, $0xA;
	s2 =	sadd.s32 s3, s2  }
0x8d: {  	s2 =	sadd.s32 s2, s17  }
0x8e: {  	[smem:$0x3FC5] =	sst s2  }
0x8f: {  	_ = 	snop  }
0x90: {  	s2 =	sld [smem:$0x3FC9]  }
0x91: {  	s18 =	sld [smem:$0x3FD0];
	(tm) =	ssettm $0x1  }
0x92: {  	s4 =	sld [smem:$0x3FFB];
	_ =	sdelay $0x3  }
0x93: {  	_ =	strace s4  }
0x94: {  	s4 =	sld [smem:$0x3FFC];
	_ =	sdelay $0x3  }
0x95: {  	_ =	strace s4  }
0x96: {  	s4 =	sld [smem:$0x3FFD];
	_ =	sdelay $0x3  }
0x97: {  	_ =	strace s4  }
0x98: {  	_ =	strace $0x8FFFFFFF  }
0x99: {  	s19 =	sld [smem:$0x3FDB];
	_ =	sdelay $0x1  }
0x9a: {  	s5 =	simm.s32 $_scs_section_size  }
0x9b: {  	s6 =	simm.s32 $_size__tile_overlayer_lowered;
	s7 =	simm.s32 $_tile_overlayer_lowered  }
0x9c: {  	s22 =	simm.s32 $0x1BFF;
	s21 =	sshll.u32 s7, $0x1;
	s4 =	sadd.s32 s5, s19  }
0x9d: {  	s8 =	simm.s32 $0x0;
	s20 =	sshll.u32 s6, $0x1;
	s6 =	sadd.s32 s21, s4  }
0x9e: {  	[timem:s8], [sflag:s22] =	dma.local [hbm:s6], s20  }
0x9f: {  	_ =	swait.ge [sflag:s22], s20  }
0xa0: {  	s5 =	ssub.s32 $0x0, s20;
	[sflag:s22] =	ssyncset.done $0x0  }
0xa1: {  	[sflag:s22] =	ssyncadd.s32 s5;
	_ =	sdelay $0x1  }
0xa2: {  	s23 =	simm.s32 $0x1B8B  }
0xa3: {  	_ =	swait.ge [sflag:s23], $0x1  }
0xa4: {  	[sflag:s23] =	ssyncset.done $0x0  }
0xa5: {  	s25 =	simm.s32 $0x1B8E;
	s24 =	sld [smem:$0x3FFE];
	[sflag:s23] =	ssyncadd.s32 $0xFFFFFFFF  }
0xa6: {  	s26 =	simm.s32 $execute0_lowered;
	[smem:$0x3FD2] =	sst s25  }
0xa7: {  	s6 =	sshll.u32 s26, $0x1;
	_ =	strace $0x80000046;
	[dreg:$0x1] =	wrdreg $0xFFFFFFFF  }
0xa8: {  	s28 =	simm.s32 $_size_execute0_lowered;
	s4 =	sadd.s32 s4, s6;
	[dreg:$0x0] =	wrdreg $0x0  }
0xa9: {  	s6 =	sshll.u32 s28, $0x1;
	[dreg:$0x2] =	wrdreg s4  }
0xaa: {  	[dreg:$0x3] =	wrdreg s6  }
0xab: {  	[dreg:$0x4] =	wrdreg $0xC0  }
0xac: {  	_ =	task [dreg:s8], $0x5FFFF  }
0xad: {  	[dreg:$0x1] =	wrdreg $0xFFFFFFFF  }
0xae: {  	[dreg:$0x0] =	wrdreg $0x60  }
0xaf: {  	[dreg:$0x2] =	wrdreg s2  }
0xb0: {  	[dreg:$0x3] =	wrdreg s24  }
0xb1: {  	[dreg:$0x4] =	wrdreg s18  }
0xb2: {  	[dreg:$0x5] =	wrdreg $0x9  }
0xb3: {  	_ =	task.clear_ibuf [dreg:s8], $0x6FFFF;
	_ =	strace $0x90000046  }
0xb4: {  	s29 =	simm.s32 $0x9;
	_ =	strace $0x80000048  }
0xb5: {  	_ =	swait.ge [sflag:s29], $0x1  }
0xb6: {  	[sflag:s29] =	ssyncadd.s32 $0xFFFFFFFF  }
0xb7: {  	_ =	strace $0x90000048  }
0xb8: {  	_ =	sfence  }
0xb9: {  	s30 =	sld [smem:$0x0];
	_ =	sdelay $0x2  }
0xba: {  	s31 =	sshll.u32 s1, $0xD;
	s1 =	sshrl.u32 s1, $0x2  }
0xbb: {  	s3 =	sand.u32 $0x4000, s31;
	s1 =	sadd.s32 s1, s30  }
0xbc: {  	s0 =	sor.u32 s3, s0;
	s1 =	sshll.u32 s1, $0x11  }
0xbd: {  	s0 =	sor.u32 s1, s0  }
0xbe: {  	s0 =	sadd.s32 $0x8F2B, s0  }
0xbf: {  	[sflag:s0] =	ssyncadd.remote.s32 $0x1  }
0xc0: {  	_ =	sfence.sel $0xFFFF  }
0xc1: {  	[dreg:$0x0] =	wrdreg $0xFFFFFFFF;
	(pc) =	sbr.abs _section_cstart, $3  }
0xc2: {  	[dreg:$0x1] =	wrdreg $0xFFFFFFFF  }
0xc3: {  	_ =	task.clear_ibuf [dreg:s8], $0x2FFFF;
	_ =	strace $0x9FFFFFFF  }
0xc4: {  	(tm) =	ssettm $0x7FFFFFFF  }
0xc5: {  	_ =	shalt  }
tec
execute0_lowered:
.L_overlay_start_1:
0x0: {  	(tag) =	ssettag $0x1  }
0x1: {  	s0 =	rddreg [dreg:$0x0]  }
0x2: {  	s1 =	rddreg [dreg:$0x1]  }
0x3: {  	s2 =	rddreg [dreg:$0x2];
	s3 =	simm.s32 $0x0;
	s4 =	srdreg.scid  }
0x4: {  	s5 =	stileid.u32;
	s15 =	simm.s32 $0x1;
	s18 =	simm.s32 $0x2  }
0x5: {  	s19 =	simm.s32 $0x4;
	s20 =	simm.s32 $0x10000;
	[smem:$0x7FF] =	sst s3  }
0x6: {  	s4 =	sand.u32 $0x1, s4;
	s5 =	sshll.u32 s5, $0x1;
	s6 =	sadd.s32 $0x600, s1  }
0x7: {  	s1 =	sadd.s32 $0x400, s1;
	s9 =	sadd.s32 $0x800, s0;
	_ =	strace $0x80000047  }
0x8: {  	s5 =	sor.u32 s4, s5;
	[dreg:$0x4] =	wrdreg s6;
	s4 =	ssub.s32 $0x2, s4  }
0x9: {  	[dreg:$0x5] =	wrdreg s1;
	s26 =	sshll.u32 s5, $0x13;
	s28 =	sshrl.u32 s4, $0x1  }
0xa: {  	s7 =	sshll.u32 s5, $0x10;
	p0 =	sne.s32 s5, $0x0;
	s6 =	sadd.s32 $0xFFFFE000, s26  }
.Ltmp0:
0xb: {  	s1 =	ssub.s32 s4, s28;
	s30 =	sadd.s32 s0, s7;
	(pc) =	sbr.rel .LBB2_1-.Ltmp0, $4  }
0xc: {  	s29 =	sshrl.u32 s6, $0x3;
	[dreg:$0x7] =	wrdreg s30;
	s31 =	smax.u32 s1, $0x1  }
0xd: {  	s4 =	sadd.s32 s0, s29;
	[dreg:$0x8] =	wrdreg s31;
	s0 =	simm.s32 @!p0 $0x0  }
0xe: {  	s11 =	simm.s32 $0x0;
	[dreg:$0x6] =	wrdreg s4;
	s0 =	simm.s32 @p0 $0x1  }
0xf: {  	v0 =	vimm.f32 $0.0e+00;
	s6 =	sshll.u32 s5, $0x9;
	s4 =	simm.s32 $0x5;
	[smem:$0x7FD] =	sst s0  }
.LBB2_59:
0x10: {  	s0 =	simm.s32 $0x3  }
0x11: {  	_ =	swait.ge [sflag:s0], $0x4000  }
0x12: {  	[sflag:s0] =	ssyncset.done $0x0  }
0x13: {  	[sflag:s0] =	ssyncadd.s32 $0xFFFFC000  }
0x14: {  	_ =	swait.ge [sflag:s19], $0x4000  }
0x15: {  	s11 =	rddreg [dreg:$0x9]  }
0x16: {  	s31 =	rddreg [dreg:$0x8];
	s11 =	sadd.s32 $0x1, s11  }
0x17: {  	p0 =	sne.s32 s11, s31  }
.Ltmp1:
0x18: {  	_ = 	snop;
	(pc) =	sbr.rel @!p0 .LBB2_60-.Ltmp1, $3  }
0x19: {  	_ =	sdelay $0x1  }
0x1a: {  	[sflag:s19] =	ssyncset.done $0x0  }
0x1b: {  	s4 =	simm.s32 $0x5;
	[sflag:s19] =	ssyncadd.s32 $0xFFFFC000  }
.LBB2_1:
0x1c: {  	s0 =	rddreg [dreg:$0x5];
	s1 =	simm.s32 $0x14000  }
0x1d: {  	[tilespmem:s1], [sflag:$0x5] =	stream.linear.gather [hbm4b:s0+s3], $0x1000, $0x38;
	[tilespmem:$0x15080] =	vst v63  }
0x1e: {  	_ =	swait.ge [sflag:s4], $0x1000  }
0x1f: {  	[sflag:s4] =	ssyncset.done $0x0  }
0x20: {  	s30 =	simm.s32 $0x15000;
	s29 =	rddreg [dreg:$0x4];
	[sflag:s4] =	ssyncadd.s32 $0xFFFFF000  }
0x21: {  	[tilespmem:s30], [sflag:$0x5] =	stream.linear.gather [hbm4b:s29+s3], $0x80, $0x38;
	[tilespmem:$0x15080] =	vst v63  }
0x22: {  	_ =	swait.ge [sflag:s4], $0x80  }
0x23: {  	s31 =	sld [smem:$0x7FD];
	_ =	sdelay $0x2  }
0x24: {  	p0 =	seq.s32 s31, $0x1  }
.Ltmp2:
0x25: {  	_ = 	snop;
	(pc) =	sbr.rel @!p0 .LBB2_2-.Ltmp2, $3  }
0x26: {  	_ =	sdelay $0x1  }
0x27: {  	[sflag:s4] =	ssyncset.done $0x0  }
0x28: {  	[dreg:$0x9] =	wrdreg s11;
	[sflag:s4] =	ssyncadd.s32 $0xFFFFFF80  }
.Ltmp3:
0x29: {  	s0 =	rddreg [dreg:$0x6];
	(pc) =	sbr.rel .LBB2_6-.Ltmp3, $4  }
0x2a: {  	[tilespmem:s3], [sflag:$0x5] =	stream.linear.gather [hbm4b:s0+s3], $0x2000, $0x38;
	[tilespmem:$0x15080] =	vst v63  }
0x2b: {  	_ =	swait.ge [sflag:s4], $0x2000  }
0x2c: {  	[sflag:s4] =	ssyncset.done $0x0  }
0x2d: {  	[sflag:s4] =	ssyncadd.s32 $0xFFFFE000  }
.LBB2_2:
0x2e: {  	s0 =	sshrl.u32 s3, $0x6  }
0x2f: {  	s1 =	sadd.s32 $0x5, s0  }
0x30: {  	s7 =	sand.u32 $0x1C00, s3;
	s4 =	sshll.u32 s1, $0xA;
	s1 =	sshll.u32 s1, $0x7  }
0x31: {  	s0 =	sadd.s32 $0x1, s3;
	s4 =	sand.u32 $0x2000, s4;
	s5 =	sand.u32 $0x380, s1  }
0x32: {  	s1 =	simm.s32 $0x0;
	s7 =	sor.u32 s7, s4;
	s4 =	simm.s32 $0x0  }
.LBB2_3:
0x33: {  	s8 =	sshrl.u32 s0, $0x6  }
0x34: {  	s10 =	sand.u32 $0x70, s1;
	s5 =	sor.u32 s5, s7;
	p0 =	seq.s32 s0, $0xBF  }
.Ltmp4:
0x35: {  	s0 =	sadd.s32 $0x1, s0;
	s5 =	sor.u32 s10, s5;
	(pc) =	sbr.rel @!p0 .LBB2_3-.Ltmp4, $4  }
0x36: {  	s7 =	sadd.s32 $0x5, s8;
	[tilespmem:s5+$0x0] =	vst v0  }
0x37: {  	s4 =	sadd.s32 $0x80, s4;
	s5 =	sshll.u32 s7, $0xA  }
0x38: {  	s10 =	sand.u32 $0x1C00, s4;
	s8 =	sand.u32 $0x2000, s5;
	s5 =	sshll.u32 s7, $0x7  }
0x39: {  	s1 =	sadd.s32 $0x10, s1;
	s5 =	sand.u32 $0x380, s5;
	s7 =	sor.u32 s10, s8  }
0x3a: {  	s0 =	sand.u32 $0x70, s1;
	s31 =	sor.u32 s5, s7  }
0x3b: {  	s0 =	sor.u32 s0, s31  }
0x3c: {  	[tilespmem:s0+$0x0] =	vst v0  }
.LBB2_6:
0x3d: {  	s23 =	simm.s32 $0x0  }
0x3e: {  	s0 =	rddreg [dreg:$0x7];
	s1 =	simm.s32 $0x2000;
	s28 =	simm.s32 $0x1  }
0x3f: {  	[tilespmem:s1], [sflag:$0x1] =	stream.linear.gather [hbm4b:s0+s23], $0x4000, $0x38;
	[tilespmem:$0x15080] =	vst v63  }
0x40: {  	v1 =	vld [tilespmem:s28+$0x15000];
	_ =	sdelay $0x4  }
0x41: {  	(v2sf) =	vpush v1, $0x0;
	_ =	sdelay $0xd  }
0x42: {  	s30 =	simm.s32 $0x2  }
0x43: {  	s12 =	simm.s32 $0x1;
	s13 =	simm.s32 $0x1;
	s29 =	spop (v2sf)  }
0x44: {  	s1 =	simm.s32 $0xC;
	s4 =	sand.u32 $0xF, s29;
	s10 =	ssub.s32 s29, s6  }
0x45: {  	p0 =	sne.s32 s29, s6;
	s5 =	sadd.s32 $0x2, s29;
	s0 =	sadd.s32 $0x1, s29  }
0x46: {  	p1 =	slt.u32 s10, $0x200;
	s8 =	sand.u32 $0xF, s5;
	p5 =	sne.s32 s4, $0x0  }
0x47: {  	s11 =	sand.u32 $0xF, s0;
	s4 =	ssub.s32 s5, s6;
	s21 =	sshra.s32 s10, $0x1F  }
0x48: {  	s12 =	simm.s32 @!p0 $0x0;
	p0 =	sne.s32 s5, s6;
	s5 =	ssub.s32 s0, s6  }
0x49: {  	v1 =	vld [tilespmem:s30+$0x15000];
	s7 =	simm.s32 @!p1 $0x0;
	p2 =	slt.u32 s4, $0x200;
	s31 =	sshrl.u32 s21, $0x1C  }
0x4a: {  	p3 =	slt.u32 s5, $0x200;
	p6 =	sne.s32 s8, $0x0;
	s8 =	sshra.s32 s4, $0x1F  }
0x4b: {  	s24 =	sor.u32 s12, s21;
	s7 =	simm.s32 @p1 $0x1;
	p1 =	sne.s32 s0, s6  }
0x4c: {  	s10 =	sadd.s32 s31, s10;
	s21 =	sshrl.u32 s8, $0x1C;
	s0 =	simm.s32 $0x0  }
0x4d: {  	[smem:$0x7FC] =	sst s7;
	s7 =	simm.s32 $0x1;
	s13 =	simm.s32 @!p1 $0x0  }
0x4e: {  	(v2sf) =	vpush v1, $0x0;
	s7 =	simm.s32 @!p0 $0x0;
	p0 =	sne.s32 s11, $0x0;
	s11 =	sshra.s32 s5, $0x1F  }
.LBB2_7:
0x4f: {  	p1 =	sne.s32 s1, $0x3C;
	s31 =	sshrl.u32 s11, $0x1C  }
0x50: {  	s7 =	sor.u32 s7, s8;
	s11 =	sor.u32 s13, s11;
	s4 =	sadd.s32 s21, s4  }
0x51: {  	s10 =	sshra.s32 s10, $0x4;
	s8 =	simm.s32 $0x1;
	s14 =	sshra.s32 s1, $0x2  }
0x52: {  	s21 =	simm.s32 $0x1;
	s1 =	sadd.s32 $0x4, s1;
	s12 =	simm.s32 @!p1 $0x0  }
0x53: {  	s5 =	sadd.s32 s31, s5;
	p4 =	sne.s32 s7, $0x1;
	s4 =	sshra.s32 s4, $0x4  }
0x54: {  	s7 =	simm.s32 $0x1;
	s12 =	simm.s32 @p1 $0x1;
	p1 =	sne.s32 s24, $0x1  }
0x55: {  	s5 =	sshra.s32 s5, $0x4;
	p1 =	por !p5, !p1;
	p5 =	sne.s32 s11, $0x1  }
0x56: {  	[smem:$0x7FB] =	sst s12;
	p1 =	por !p1, !p1;
	p0 =	por !p0, !p5  }
0x57: {  	s12 =	sld [smem:$0x7FC];
	s7 =	simm.s32 @!p1 $0x0;
	p0 =	por !p0, !p0  }
0x58: {  	p6 =	por !p6, !p4;
	s7 =	ssub.s32 s10, s7;
	s8 =	simm.s32 @!p0 $0x0  }
0x59: {  	p0 =	por !p6, !p6;
	s5 =	ssub.s32 s5, s8;
	s8 =	simm.s32 $0x1  }
0x5a: {  	s7 =	sshll.u32 s15, s7;
	s8 =	simm.s32 @!p0 $0x0;
	p0 =	seq.s32 s12, $0x1  }
0x5b: {  	s5 =	sshll.u32 s15, s5;
	s7 =	simm.s32 @!p0 $0x0;
	s4 =	ssub.s32 s4, s8  }
0x5c: {  	s5 =	simm.s32 @!p3 $0x0;
	s4 =	sshll.u32 s15, s4;
	s0 =	sor.u32 s0, s7  }
0x5d: {  	s31 =	sld [smem:$0x7FB];
	s4 =	simm.s32 @!p2 $0x0;
	s0 =	sor.u32 s5, s0  }
0x5e: {  	s7 =	simm.s32 $0x1;
	s0 =	sor.u32 s4, s0;
	s13 =	spop (v2sf)  }
0x5f: {  	s16 =	sand.u32 $0xF, s13;
	s17 =	ssub.s32 s13, s6;
	p0 =	sne.s32 s13, s6  }
0x60: {  	s25 =	sadd.s32 $0x2, s13;
	s26 =	sadd.s32 $0x1, s13;
	s13 =	simm.s32 $0x1  }
0x61: {  	p1 =	slt.u32 s17, $0x200;
	s28 =	sand.u32 $0xF, s25;
	p5 =	sne.s32 s16, $0x0  }
0x62: {  	s29 =	sand.u32 $0xF, s26;
	s30 =	sshra.s32 s17, $0x1F;
	s4 =	simm.s32 @!p1 $0x0  }
0x63: {  	s21 =	simm.s32 @!p0 $0x0;
	s4 =	simm.s32 @p1 $0x1;
	p1 =	sne.s32 s26, s6  }
0x64: {  	v1 =	vld [tilespmem:s14+$0x15000];
	p4 =	sne.s32 s25, s6;
	s13 =	simm.s32 @!p1 $0x0;
	p1 =	seq.s32 s31, $0x1  }
.Ltmp5:
0x65: {  	s5 =	ssub.s32 s26, s6;
	s22 =	sshrl.u32 s30, $0x1C;
	(pc) =	sbr.rel @p1 .LBB2_7-.Ltmp5, $4  }
0x66: {  	p3 =	slt.u32 s5, $0x200;
	p6 =	sne.s32 s28, $0x0;
	p0 =	sne.s32 s29, $0x0  }
0x67: {  	s7 =	simm.s32 @!p4 $0x0;
	[smem:$0x7FC] =	sst s4;
	s4 =	ssub.s32 s25, s6  }
0x68: {  	s24 =	sor.u32 s21, s30;
	s11 =	sshra.s32 s5, $0x1F;
	s8 =	sshra.s32 s4, $0x1F  }
0x69: {  	(v2sf) =	vpush v1, $0x0;
	s10 =	sadd.s32 s22, s17;
	p2 =	slt.u32 s4, $0x200;
	s21 =	sshrl.u32 s8, $0x1C  }
0x6a: {  	_ = 	snop  }
0x6b: {  	s1 =	sor.u32 s13, s11;
	p1 =	sne.s32 s24, $0x1  }
0x6c: {  	s16 =	sor.u32 s7, s8;
	s7 =	simm.s32 $0x1;
	s17 =	sshrl.u32 s11, $0x1C  }
0x6d: {  	s21 =	sadd.s32 s21, s4;
	s24 =	sshra.s32 s10, $0x4;
	s8 =	simm.s32 $0x1  }
0x6e: {  	s25 =	sld [smem:$0x7FC];
	p4 =	sne.s32 s1, $0x1;
	p1 =	por !p5, !p1  }
0x6f: {  	s22 =	sadd.s32 s17, s5;
	s1 =	sshra.s32 s21, $0x4;
	s21 =	simm.s32 $0x1  }
0x70: {  	p0 =	por !p0, !p4;
	p1 =	por !p1, !p1;
	p4 =	sne.s32 s16, $0x1  }
0x71: {  	s4 =	sshra.s32 s22, $0x4;
	s7 =	simm.s32 @!p1 $0x0;
	p1 =	por !p6, !p4  }
0x72: {  	p0 =	por !p0, !p0;
	s5 =	ssub.s32 s24, s7;
	s7 =	simm.s32 $0x1  }
0x73: {  	s7 =	simm.s32 @!p0 $0x0;
	p0 =	por !p1, !p1;
	s5 =	sshll.u32 s15, s5  }
0x74: {  	s4 =	ssub.s32 s4, s7;
	s8 =	simm.s32 @!p0 $0x0;
	p0 =	seq.s32 s25, $0x1  }
0x75: {  	s22 =	simm.s32 $0x1;
	s5 =	simm.s32 @!p0 $0x0;
	s4 =	sshll.u32 s15, s4  }
0x76: {  	s1 =	ssub.s32 s1, s8;
	s8 =	simm.s32 $0x1;
	s4 =	simm.s32 @!p3 $0x0  }
0x77: {  	s1 =	sshll.u32 s15, s1;
	s0 =	sor.u32 s0, s5;
	s5 =	simm.s32 $0x1  }
0x78: {  	s1 =	simm.s32 @!p2 $0x0;
	s0 =	sor.u32 s4, s0;
	s26 =	spop (v2sf)  }
0x79: {  	s0 =	sor.u32 s1, s0;
	s28 =	sand.u32 $0xF, s26;
	s29 =	ssub.s32 s26, s6  }
0x7a: {  	p1 =	sne.s32 s26, s6;
	s30 =	sadd.s32 $0x2, s26;
	s7 =	sadd.s32 $0x1, s26  }
0x7b: {  	s12 =	sand.u32 $0xF, s30;
	p0 =	sne.s32 s28, $0x0;
	s31 =	sand.u32 $0xF, s7  }
0x7c: {  	s13 =	ssub.s32 s30, s6;
	s14 =	sshra.s32 s29, $0x1F;
	s22 =	simm.s32 @!p1 $0x0  }
0x7d: {  	p3 =	sne.s32 s30, s6;
	s16 =	ssub.s32 s7, s6;
	p4 =	sne.s32 s7, s6  }
0x7e: {  	p1 =	sne.s32 s12, $0x0;
	p2 =	sne.s32 s31, $0x0;
	s17 =	sshra.s32 s13, $0x1F  }
0x7f: {  	s24 =	sor.u32 s22, s14;
	s8 =	simm.s32 @!p3 $0x0;
	s22 =	simm.s32 $0x1  }
0x80: {  	s25 =	sshra.s32 s16, $0x1F;
	s28 =	sshrl.u32 s14, $0x1C;
	p5 =	sne.s32 s24, $0x1  }
0x81: {  	s22 =	simm.s32 @!p4 $0x0;
	s8 =	sor.u32 s8, s17;
	s4 =	sadd.s32 s28, s29  }
0x82: {  	s12 =	sshrl.u32 s25, $0x1C;
	s7 =	sshrl.u32 s17, $0x1C;
	p6 =	sne.s32 s8, $0x1  }
0x83: {  	s26 =	sor.u32 s22, s25;
	p0 =	por !p0, !p5;
	s8 =	simm.s32 $0x1  }
0x84: {  	s4 =	sshra.s32 s4, $0x4;
	s7 =	sadd.s32 s7, s13;
	p5 =	sne.s32 s26, $0x1  }
0x85: {  	p0 =	por !p0, !p0;
	p6 =	por !p1, !p6;
	s7 =	sshra.s32 s7, $0x4  }
0x86: {  	p2 =	por !p2, !p5;
	s8 =	simm.s32 @!p0 $0x0;
	p0 =	por !p6, !p6  }
0x87: {  	p1 =	por !p2, !p2;
	s21 =	simm.s32 @!p0 $0x0;
	p0 =	slt.u32 s29, $0x200  }
0x88: {  	s29 =	sadd.s32 s12, s16;
	s4 =	ssub.s32 s4, s8;
	s5 =	simm.s32 @!p1 $0x0  }
0x89: {  	s30 =	sshra.s32 s29, $0x4;
	s4 =	sshll.u32 s15, s4;
	s31 =	ssub.s32 s7, s21  }
.Ltmp6:
0x8a: {  	s5 =	ssub.s32 s30, s5;
	s4 =	simm.s32 @!p0 $0x0;
	(pc) =	sbr.rel .LBB2_9-.Ltmp6, $4  }
0x8b: {  	p0 =	slt.u32 s16, $0x200;
	s1 =	sshll.u32 s15, s31;
	s5 =	sshll.u32 s15, s5  }
0x8c: {  	s0 =	sor.u32 s0, s4;
	s5 =	simm.s32 @!p0 $0x0;
	p0 =	slt.u32 s13, $0x200  }
0x8d: {  	s1 =	simm.s32 @!p0 $0x0;
	s0 =	sor.u32 s5, s0  }
0x8e: {  	s24 =	sor.u32 s1, s0  }
.LBB2_58:
0x8f: {  	s23 =	sadd.s32 $0x1, s23  }
0x90: {  	p0 =	sne.s32 s23, $0x10  }
.Ltmp7:
0x91: {  	_ = 	snop;
	(pc) =	sbr.rel @!p0 .LBB2_59-.Ltmp7, $4  }
0x92: {  	_ = 	snop  }
0x93: {  	s0 =	sshll.u32 s25, $0x7  }
0x94: {  	s0 =	sadd.s32 s2, s0  }
0x95: {  	[hbm4b:s0+s3] =	stream.linear.scatter [tilespmem:s20], [sflag:$0x4], $0x4000, $0x38;
	[tilespmem:$0x15080] =	vst v63  }
.LBB2_9:
0x96: {  	s0 =	sshll.u32 s23, $0x5  }
0x97: {  	s26 =	sor.u32 s6, s0  }
0x98: {  	s29 =	sshll.u32 s26, $0x7  }
0x99: {  	s1 =	simm.s32 $0x8000;
	s8 =	sadd.s32 s29, s9  }
0x9a: {  	[tilespmem:s1], [sflag:$0x2] =	stream.linear.gather [hbm4b:s8+s3], $0x4000, $0x38;
	[tilespmem:$0x15080] =	vst v63  }
0x9b: {  	_ =	swait.ge [sflag:s15], $0x4000  }
0x9c: {  	p1 =	seq.s32 s23, $0x0;
	[sflag:s15] =	ssyncset.done $0x0  }
0x9d: {  	s31 =	simm.s32 $0x0;
	s0 =	simm.s32 @!p1 $0x3;
	[sflag:s15] =	ssyncadd.s32 $0xFFFFC000  }
0x9e: {  	s10 =	simm.s32 $0x0;
	s4 =	simm.s32 $0x0;
	_ =	swait.ge @!p1 [sflag:s0], $0x4000  }
0x9f: {  	s5 =	sand.u32 $0x70, s31;
	s1 =	sand.u32 $0x3FFFFE00, s10;
	[sflag:s0] =	ssyncset.done @!p1 $0x0  }
0xa0: {  	s11 =	sand.u32 $0xFFFFFC00, s4;
	s1 =	sor.u32 s5, s1;
	[sflag:s0] =	ssyncadd.s32 @!p1 $0xFFFFC000  }
0xa1: {  	s25 =	sor.u32 s5, s11;
	v1 =	vld [tilespmem:s1+$0x14000]  }
0xa2: {  	v2 =	vld [tilespmem:s25+$0x280]  }
0xa3: {  	v3 =	vld [tilespmem:s25+$0x300]  }
0xa4: {  	v4 =	vld [tilespmem:s25+$0x4000]  }
0xa5: {  	v5 =	vld [tilespmem:s25+$0x4080]  }
0xa6: {  	v6 =	vld [tilespmem:s25+$0x4100]  }
0xa7: {  	v7 =	vld [tilespmem:s25+$0x4180]  }
0xa8: {  	s12 =	sor.u32 $0x2000, s25;
	v8 =	vld [tilespmem:s25+$0x4200]  }
0xa9: {  	s1 =	sadd.s32 $0x14000, s1;
	v13 =	vld [tilespmem:s12+$0x0]  }
0xaa: {  	v9 =	vld [tilespmem:s1+$0x80]  }
0xab: {  	s0 =	sadd.s32 $0x0, s11;
	v10 =	vld [tilespmem:s1+$0x100]  }
0xac: {  	s30 =	sor.u32 $0x380, s0;
	v11 =	vld [tilespmem:s1+$0x180]  }
0xad: {  	v12 =	vld [tilespmem:s30+$0x0]  }
0xae: {  	s13 =	sor.u32 $0x2080, s25;
	v2 =	vmul.f32 v2, v1;
	v14 =	vmul.f32 v3, v1  }
0xaf: {  	v17 =	vld [tilespmem:s13+$0x0];
	v15 =	vmul.f32 v4, v1;
	v16 =	vmul.f32 v5, v1  }
0xb0: {  	s14 =	sor.u32 $0x2100, s25;
	v18 =	vmul.f32 v6, v1;
	v19 =	vmul.f32 v7, v1  }
0xb1: {  	v21 =	vld [tilespmem:s14+$0x0];
	v20 =	vmul.f32 v8, v1;
	v3 =	vmul.f32 v3, v9  }
0xb2: {  	s16 =	sor.u32 $0x2180, s25;
	v22 =	vmul.f32 v12, v10;
	v23 =	vmul.f32 v13, v11  }
0xb3: {  	v26 =	vld [tilespmem:s16+$0x0];
	v24 =	vmul.f32 v12, v9;
	v25 =	vmul.f32 v13, v10  }
0xb4: {  	s17 =	sor.u32 $0x2200, s25;
	v27 =	vmul.f32 v17, v11;
	v12 =	vmul.f32 v12, v1  }
0xb5: {  	v30 =	vld [tilespmem:s17+$0x0];
	v28 =	vmul.f32 v13, v9;
	v29 =	vmul.f32 v17, v10  }
0xb6: {  	s21 =	sor.u32 $0x2280, s25;
	v31 =	vmul.f32 v21, v11;
	v13 =	vmul.f32 v13, v1  }
0xb7: {  	v33 =	vld [tilespmem:s21+$0x0];
	v32 =	vmul.f32 v17, v9;
	v34 =	vmul.f32 v21, v10  }
0xb8: {  	s22 =	sor.u32 $0x2300, s25;
	v35 =	vmul.f32 v26, v11;
	v17 =	vmul.f32 v17, v1  }
0xb9: {  	v36 =	vld [tilespmem:s22+$0x0];
	v37 =	vmul.f32 v21, v9;
	v38 =	vmul.f32 v26, v10  }
0xba: {  	s28 =	sor.u32 $0x2380, s0;
	v39 =	vmul.f32 v30, v11;
	v21 =	vmul.f32 v21, v1  }
0xbb: {  	v40 =	vld [tilespmem:s28+$0x0];
	v41 =	vmul.f32 v26, v9;
	v42 =	vmul.f32 v30, v10  }
0xbc: {  	v43 =	vmul.f32 v33, v11;
	v26 =	vmul.f32 v26, v1  }
0xbd: {  	v44 =	vmul.f32 v30, v9;
	v45 =	vmul.f32 v33, v10  }
0xbe: {  	v46 =	vmul.f32 v36, v11;
	v30 =	vmul.f32 v30, v1  }
0xbf: {  	v47 =	vmul.f32 v33, v9;
	v48 =	vmul.f32 v36, v10  }
0xc0: {  	v49 =	vmul.f32 v40, v11;
	v33 =	vmul.f32 v33, v1  }
0xc1: {  	v50 =	vmul.f32 v36, v9;
	v51 =	vmul.f32 v40, v10  }
0xc2: {  	v52 =	vmul.f32 v4, v11;
	v36 =	vmul.f32 v36, v1  }
0xc3: {  	v53 =	vmul.f32 v40, v9;
	v54 =	vmul.f32 v4, v10  }
0xc4: {  	v55 =	vmul.f32 v5, v11;
	v40 =	vmul.f32 v40, v1  }
0xc5: {  	v4 =	vmul.f32 v4, v9;
	v58 =	vadd.f32 v3, v2;
	v22 =	vadd.f32 v23, v22  }
0xc6: {  	v56 =	vmul.f32 v5, v10;
	v14 =	vadd.f32 v24, v14;
	v24 =	vadd.f32 v27, v25  }
0xc7: {  	v57 =	vmul.f32 v6, v11;
	v12 =	vadd.f32 v28, v12;
	v27 =	vadd.f32 v31, v29  }
0xc8: {  	v5 =	vmul.f32 v5, v9;
	v13 =	vadd.f32 v32, v13;
	v28 =	vadd.f32 v35, v34  }
0xc9: {  	v59 =	vmul.f32 v7, v11;
	v31 =	vadd.f32 v37, v17;
	v32 =	vadd.f32 v39, v38  }
0xca: {  	v60 =	vmul.f32 v7, v10;
	v21 =	vadd.f32 v41, v21;
	v61 =	vadd.f32 v43, v42  }
0xcb: {  	v7 =	vmul.f32 v7, v9;
	v26 =	vadd.f32 v44, v26;
	v62 =	vadd.f32 v46, v45  }
0xcc: {  	v63 =	vmul.f32 v8, v10;
	v30 =	vadd.f32 v47, v30;
	v48 =	vadd.f32 v49, v48  }
0xcd: {  	v23 =	vmul.f32 v6, v10;
	v33 =	vadd.f32 v50, v33;
	v51 =	vadd.f32 v52, v51  }
0xce: {  	v6 =	vmul.f32 v6, v9;
	v36 =	vadd.f32 v53, v36;
	v52 =	vadd.f32 v55, v54  }
0xcf: {  	v17 =	vmul.f32 v8, v11;
	v4 =	vadd.f32 v4, v40;
	v54 =	vadd.f32 v57, v56  }
0xd0: {  	v8 =	vmul.f32 v8, v9;
	v5 =	vadd.f32 v5, v15;
	v57 =	vadd.f32 v7, v18  }
0xd1: {  	v1 =	vld [tilespmem:s25+$0x4280];
	v23 =	vadd.f32 v59, v23;
	v6 =	vadd.f32 v6, v16  }
0xd2: {  	v56 =	vadd.f32 v17, v60;
	v59 =	vadd.f32 v8, v19  }
0xd3: {  	v19 =	vadd.f32 v22, v58;
	v18 =	vadd.f32 v24, v14  }
0xd4: {  	v2 =	vld [tilespmem:s25+$0x4300];
	v17 =	vadd.f32 v27, v12;
	v16 =	vadd.f32 v28, v13  }
0xd5: {  	v3 =	vld [tilespmem:s25+$0x4380];
	v15 =	vadd.f32 v32, v31;
	v14 =	vadd.f32 v61, v21  }
0xd6: {  	v13 =	vadd.f32 v62, v26;
	v12 =	vadd.f32 v48, v30;
	v49 =	vmul.f32 v1, v11  }
0xd7: {  	v53 =	vmul.f32 v1, v10;
	v8 =	vadd.f32 v23, v5;
	v21 =	vsub.f32 $0.0e+00, v18  }
0xd8: {  	v9 =	vmul.f32 v1, v9;
	v23 =	vsub.f32 $0.0e+00, v17;
	v61 =	vsub.f32 $0.0e+00, v15  }
0xd9: {  	v55 =	vmul.f32 v2, v11;
	v10 =	vmul.f32 v2, v10;
	v37 =	vadd.f32 v49, v63  }
0xda: {  	v7 =	vmul.f32 v3, v11;
	v20 =	vadd.f32 v9, v20;
	v11 =	vadd.f32 v51, v33  }
0xdb: {  	v9 =	vadd.f32 v54, v4;
	v4 =	vsub.f32 $0.0e+00, v19  }
0xdc: {  	v63 =	vsub.f32 $0.0e+00, v14;
	v23 =	vmul.f32 $1.442695020e+00, v23;
	v60 =	vadd.f32 v7, v10  }
0xdd: {  	v43 =	vadd.f32 v55, v53;
	v10 =	vadd.f32 v52, v36;
	v22 =	vmul.f32 $1.442695020e+00, v4  }
0xde: {  	v4 =	vadd.f32 v60, v20;
	v20 =	vmul.f32 $1.442695020e+00, v21;
	v21 =	vsub.f32 $0.0e+00, v16  }
0xdf: {  	v7 =	vadd.f32 v56, v6;
	v6 =	vadd.f32 v37, v57;
	(erf) = vpow2.f32 v22  }
0xe0: {  	v5 =	vadd.f32 v43, v59;
	v62 =	vmul.f32 $1.442695020e+00, v21;
	(erf) = vpow2.f32 v20  }
0xe1: {  	v22 =	vsub.f32 $0.0e+00, v13;
	v21 =	vmul.f32 $1.442695020e+00, v61;
	(erf) = vpow2.f32 v23  }
0xe2: {  	s0 =	sshll.u32 s23, $0x1;
	s1 =	simm.s32 $0x1;
	v20 =	vmul.f32 $1.442695020e+00, v63;
	v23 =	vsub.f32 $0.0e+00, v12;
	(erf) = vpow2.f32 v62  }
.LBB2_10:
0xe3: {  	p2 =	sne.s32 s1, $0x3F;
	v22 =	vmul.f32 $1.442695020e+00, v22;
	v24 =	vsub.f32 $0.0e+00, v11;
	(erf) = vpow2.f32 v21  }
0xe4: {  	s4 =	sshll.u32 s1, $0x6;
	s31 =	sadd.s32 $0x10, s31;
	v21 =	vmul.f32 $1.442695020e+00, v23;
	v23 =	vsub.f32 $0.0e+00, v10;
	(erf) = vpow2.f32 v20  }
0xe5: {  	s5 =	sshll.u32 s1, $0x7;
	v25 =	vsub.f32 $0.0e+00, v9;
	s7 =	sand.u32 $0x70, s31;
	s4 =	sand.u32 $0x3FFFFE00, s4;
	v20 =	vmul.f32 $1.442695020e+00, v24;
	(erf) = vpow2.f32 v22  }
0xe6: {  	s5 =	sand.u32 $0xFFFFFC00, s5;
	s4 =	sor.u32 s7, s4;
	v22 =	vmul.f32 $1.442695020e+00, v23;
	v23 =	vsub.f32 $0.0e+00, v8;
	(erf) = vpow2.f32 v21  }
0xe7: {  	s11 =	sor.u32 s7, s5;
	v21 =	vmul.f32 $1.442695020e+00, v25;
	v25 =	vsub.f32 $0.0e+00, v7;
	v24 =	vld [tilespmem:s4+$0x14000];
	(erf) = vpow2.f32 v20  }
0xe8: {  	v26 =	vld [tilespmem:s11+$0x280];
	v20 =	vmul.f32 $1.442695020e+00, v23;
	v23 =	vsub.f32 $0.0e+00, v6;
	v27 =	vpop (erf);
	(erf) = vpow2.f32 v22  }
0xe9: {  	v22 =	vmul.f32 $1.442695020e+00, v25;
	v25 =	vsub.f32 $0.0e+00, v5;
	v36 =	vld [tilespmem:s11+$0x300];
	v29 =	vpop (erf);
	(erf) = vpow2.f32 v21  }
0xea: {  	v32 =	vld [tilespmem:s11+$0x4000];
	v21 =	vmul.f32 $1.442695020e+00, v23;
	v23 =	vsub.f32 $0.0e+00, v4;
	v30 =	vpop (erf);
	(erf) = vpow2.f32 v20  }
0xeb: {  	v20 =	vmul.f32 $1.442695020e+00, v25;
	v33 =	vld [tilespmem:s11+$0x4080];
	v31 =	vpop (erf);
	(erf) = vpow2.f32 v22  }
0xec: {  	v28 =	vld [tilespmem:s11+$0x4100];
	v22 =	vmul.f32 $1.442695020e+00, v23;
	v37 =	vpop (erf);
	(erf) = vpow2.f32 v21  }
0xed: {  	v21 =	vadd.f32 $1.000000000e+00, v27;
	v25 =	vld [tilespmem:s11+$0x4180];
	v38 =	vpop (erf);
	(erf) = vpow2.f32 v20  }
0xee: {  	s4 =	sadd.s32 $0x14000, s4;
	v27 =	vadd.f32 $1.000000000e+00, v29;
	v23 =	vld [tilespmem:s11+$0x4200];
	v39 =	vpop (erf);
	(erf) = vpow2.f32 v22  }
0xef: {  	v29 =	vadd.f32 $1.000000000e+00, v30;
	v34 =	vmul.f32 v26, v24;
	v20 =	vld [tilespmem:s4+$0x80];
	v40 =	vpop (erf);
	(erf) = vrcp.f32 v21  }
0xf0: {  	s7 =	sadd.s32 s5, s31;
	v30 =	vadd.f32 $1.000000000e+00, v31;
	v35 =	vmul.f32 v36, v24;
	v21 =	vld [tilespmem:s4+$0x100];
	v41 =	vpop (erf);
	(erf) = vrcp.f32 v27  }
0xf1: {  	s13 =	sor.u32 $0x380, s7;
	v31 =	vadd.f32 $1.000000000e+00, v37;
	v26 =	vmul.f32 v32, v24;
	v22 =	vld [tilespmem:s4+$0x180];
	v37 =	vpop (erf);
	(erf) = vrcp.f32 v29  }
0xf2: {  	v38 =	vadd.f32 $1.000000000e+00, v38;
	v27 =	vmul.f32 v33, v24;
	s4 =	sor.u32 $0x2000, s11;
	v42 =	vld [tilespmem:s13+$0x0];
	v43 =	vpop (erf);
	(erf) = vrcp.f32 v30  }
0xf3: {  	v39 =	vadd.f32 $1.000000000e+00, v39;
	v29 =	vmul.f32 v28, v24;
	v44 =	vld [tilespmem:s4+$0x0];
	v45 =	vpop (erf);
	(erf) = vrcp.f32 v31  }
0xf4: {  	v40 =	vadd.f32 $1.000000000e+00, v40;
	v30 =	vmul.f32 v25, v24;
	v46 =	vpop (erf);
	(erf) = vrcp.f32 v38  }
0xf5: {  	v31 =	vmul.f32 v23, v24;
	v38 =	vadd.f32 $1.000000000e+00, v41;
	v41 =	vpop (erf);
	(erf) = vrcp.f32 v39  }
0xf6: {  	v36 =	vmul.f32 v36, v20;
	v39 =	vadd.f32 $1.000000000e+00, v37;
	v47 =	vpop (erf);
	(erf) = vrcp.f32 v40  }
0xf7: {  	v40 =	vadd.f32 $1.000000000e+00, v43;
	v37 =	vmul.f32 v42, v21;
	v43 =	vpop (erf);
	(erf) = vrcp.f32 v38  }
0xf8: {  	v45 =	vadd.f32 $1.000000000e+00, v45;
	v38 =	vmul.f32 v44, v22;
	v48 =	vpop (erf);
	(erf) = vrcp.f32 v39  }
0xf9: {  	v39 =	vadd.f32 $1.000000000e+00, v46;
	v19 =	vmul.f32 v48, v19;
	v46 =	vpop (erf);
	(erf) = vrcp.f32 v40  }
0xfa: {  	v40 =	vadd.f32 $1.000000000e+00, v41;
	v18 =	vmul.f32 v46, v18;
	v41 =	vpop (erf);
	(erf) = vrcp.f32 v45  }
0xfb: {  	s4 =	sor.u32 $0x2080, s11;
	[tilespmem:s25+$0xC000] =	vst v19;
	v45 =	vmul.f32 v41, v17;
	v19 =	vadd.f32 $1.000000000e+00, v47;
	v41 =	vpop (erf);
	(erf) = vrcp.f32 v39  }
0xfc: {  	v39 =	vld [tilespmem:s4+$0x0];
	[tilespmem:s25+$0xC080] =	vst v18;
	v46 =	vmul.f32 v41, v16;
	v18 =	vadd.f32 $1.000000000e+00, v43;
	v41 =	vpop (erf);
	(erf) = vrcp.f32 v40  }
0xfd: {  	[tilespmem:s25+$0xC100] =	vst v45;
	v40 =	vmul.f32 v41, v15;
	v17 =	vpop (erf);
	(erf) = vrcp.f32 v19  }
0xfe: {  	[tilespmem:s25+$0xC180] =	vst v46;
	v19 =	vmul.f32 v17, v14;
	v16 =	vpop (erf);
	(erf) = vrcp.f32 v18  }
0xff: {  	s4 =	sor.u32 $0x2100, s11;
	v17 =	vmul.f32 v42, v20;
	[tilespmem:s25+$0xC200] =	vst v40;
	v40 =	vmul.f32 v16, v13;
	v15 =	vpop (erf)  }
0x100: {  	v18 =	vmul.f32 v44, v21;
	v16 =	vld [tilespmem:s4+$0x0];
	[tilespmem:s25+$0xC280] =	vst v19;
	v19 =	vmul.f32 v15, v12;
	v14 =	vpop (erf)  }
0x101: {  	v15 =	vmul.f32 v39, v22;
	[tilespmem:s25+$0xC300] =	vst v40;
	v40 =	vmul.f32 v14, v11;
	v13 =	vpop (erf)  }
0x102: {  	v14 =	vmul.f32 v42, v24;
	[tilespmem:s30+$0xC000] =	vst v19;
	v41 =	vmul.f32 v13, v10;
	v12 =	vpop (erf)  }
0x103: {  	s4 =	sor.u32 $0x2180, s11;
	v13 =	vmul.f32 v44, v20;
	[tilespmem:s25+$0xE000] =	vst v40;
	v40 =	vmul.f32 v12, v9;
	v11 =	vpop (erf)  }
0x104: {  	v19 =	vmul.f32 v39, v21;
	v12 =	vld [tilespmem:s4+$0x0];
	[tilespmem:s25+$0xE080] =	vst v41;
	v41 =	vmul.f32 v11, v8;
	v10 =	vpop (erf)  }
0x105: {  	s4 =	sor.u32 $0x2200, s11;
	v11 =	vmul.f32 v16, v22;
	[tilespmem:s25+$0xE100] =	vst v40;
	v42 =	vmul.f32 v10, v7;
	v9 =	vpop (erf)  }
0x106: {  	v40 =	vmul.f32 v44, v24;
	v10 =	vld [tilespmem:s4+$0x0];
	[tilespmem:s25+$0xE180] =	vst v41;
	v6 =	vmul.f32 v9, v6;
	v8 =	vpop (erf)  }
0x107: {  	s4 =	sor.u32 $0x2280, s11;
	v9 =	vmul.f32 v39, v20;
	[tilespmem:s25+$0xE200] =	vst v42;
	v5 =	vmul.f32 v8, v5;
	v7 =	vpop (erf)  }
0x108: {  	v41 =	vmul.f32 v16, v21;
	v8 =	vld [tilespmem:s4+$0x0];
	[tilespmem:s25+$0xE280] =	vst v6;
	v4 =	vmul.f32 v7, v4  }
0x109: {  	s4 =	sor.u32 $0x2300, s11;
	v7 =	vmul.f32 v39, v24;
	v6 =	vmul.f32 v12, v22;
	[tilespmem:s25+$0xE300] =	vst v5  }
0x10a: {  	v39 =	vmul.f32 v16, v20;
	v42 =	vmul.f32 v12, v21;
	v5 =	vld [tilespmem:s4+$0x0];
	[tilespmem:s28+$0xC000] =	vst v4  }
0x10b: {  	v16 =	vmul.f32 v16, v24;
	s28 =	sor.u32 $0x2380, s7;
	v4 =	vmul.f32 v10, v22;
	[tilespmem:s25+$0x6280] =	vst v1  }
0x10c: {  	v43 =	vmul.f32 v12, v20;
	v44 =	vmul.f32 v10, v21;
	v1 =	vld [tilespmem:s28+$0x0];
	[tilespmem:s25+$0x6300] =	vst v2;
	s25 =	smov.u32 s11  }
0x10d: {  	v12 =	vmul.f32 v12, v24;
	v45 =	vmul.f32 v8, v22;
	[tilespmem:s30+$0x6000] =	vst v3;
	s30 =	smov.u32 s13  }
0x10e: {  	v3 =	vmul.f32 v10, v20;
	v46 =	vmul.f32 v8, v21  }
0x10f: {  	v10 =	vmul.f32 v10, v24;
	v47 =	vmul.f32 v5, v22  }
0x110: {  	v48 =	vmul.f32 v8, v20;
	v49 =	vmul.f32 v5, v21  }
0x111: {  	v8 =	vmul.f32 v8, v24;
	v50 =	vmul.f32 v1, v22  }
0x112: {  	v51 =	vmul.f32 v5, v20;
	v52 =	vmul.f32 v1, v21  }
0x113: {  	v53 =	vmul.f32 v32, v22;
	v5 =	vmul.f32 v5, v24  }
0x114: {  	v55 =	vmul.f32 v32, v21;
	v54 =	vmul.f32 v1, v20  }
0x115: {  	v56 =	vmul.f32 v33, v22;
	v24 =	vmul.f32 v1, v24  }
0x116: {  	v57 =	vmul.f32 v33, v21;
	v32 =	vmul.f32 v32, v20  }
0x117: {  	v58 =	vmul.f32 v28, v22;
	v33 =	vmul.f32 v33, v20  }
0x118: {  	v34 =	vadd.f32 v36, v34;
	v36 =	vadd.f32 v38, v37;
	v37 =	vmul.f32 v28, v21  }
0x119: {  	v17 =	vadd.f32 v17, v35;
	v15 =	vadd.f32 v15, v18;
	v18 =	vmul.f32 v25, v22  }
0x11a: {  	v13 =	vadd.f32 v13, v14;
	v14 =	vmul.f32 v28, v20;
	v11 =	vadd.f32 v11, v19;
	v1 =	vld [tilespmem:s25+$0x4280]  }
0x11b: {  	v19 =	vmul.f32 v25, v21;
	v9 =	vadd.f32 v9, v40;
	v6 =	vadd.f32 v6, v41  }
0x11c: {  	v28 =	vmul.f32 v23, v22;
	v7 =	vadd.f32 v39, v7;
	v4 =	vadd.f32 v4, v42  }
0x11d: {  	v35 =	vadd.f32 v43, v16;
	v16 =	vmul.f32 v25, v20;
	v38 =	vadd.f32 v45, v44;
	v2 =	vld [tilespmem:s25+$0x4300]  }
0x11e: {  	v39 =	vmul.f32 v23, v21;
	v12 =	vadd.f32 v3, v12;
	v25 =	vadd.f32 v47, v46  }
0x11f: {  	v10 =	vadd.f32 v48, v10;
	v40 =	vadd.f32 v50, v49;
	v41 =	vmul.f32 v1, v22  }
0x120: {  	v23 =	vmul.f32 v23, v20;
	v8 =	vadd.f32 v51, v8;
	v42 =	vadd.f32 v53, v52;
	v3 =	vld [tilespmem:s25+$0x4380]  }
0x121: {  	v43 =	vadd.f32 v56, v55;
	v5 =	vadd.f32 v54, v5;
	v44 =	vmul.f32 v1, v21  }
0x122: {  	v24 =	vadd.f32 v32, v24;
	v32 =	vadd.f32 v58, v57;
	v45 =	vmul.f32 v2, v22  }
0x123: {  	v26 =	vadd.f32 v33, v26;
	v33 =	vadd.f32 v18, v37;
	v18 =	vmul.f32 v1, v20  }
0x124: {  	v20 =	vadd.f32 v14, v27;
	v27 =	vadd.f32 v28, v19;
	v14 =	vmul.f32 v2, v21  }
0x125: {  	v28 =	vadd.f32 v41, v39;
	v21 =	vadd.f32 v16, v29;
	v16 =	vmul.f32 v3, v22  }
0x126: {  	v22 =	vadd.f32 v23, v30;
	v23 =	vadd.f32 v45, v44  }
0x127: {  	v29 =	vadd.f32 v18, v31;
	v30 =	vadd.f32 v16, v14  }
0x128: {  	v19 =	vadd.f32 v36, v34;
	v18 =	vadd.f32 v15, v17  }
0x129: {  	v17 =	vadd.f32 v11, v13;
	v16 =	vadd.f32 v6, v9  }
0x12a: {  	v15 =	vadd.f32 v4, v7;
	v14 =	vadd.f32 v38, v35  }
0x12b: {  	v13 =	vadd.f32 v25, v12;
	v12 =	vadd.f32 v40, v10  }
0x12c: {  	v11 =	vadd.f32 v42, v8;
	v10 =	vadd.f32 v43, v5  }
0x12d: {  	v8 =	vadd.f32 v33, v26;
	v9 =	vadd.f32 v32, v24  }
0x12e: {  	v7 =	vadd.f32 v27, v20;
	v4 =	vsub.f32 $0.0e+00, v19  }
0x12f: {  	v20 =	vsub.f32 $0.0e+00, v18;
	v6 =	vadd.f32 v28, v21  }
0x130: {  	v5 =	vadd.f32 v23, v22;
	v21 =	vmul.f32 $1.442695020e+00, v4;
	v22 =	vsub.f32 $0.0e+00, v17  }
.Ltmp8:
0x131: {  	v20 =	vmul.f32 $1.442695020e+00, v20;
	v4 =	vadd.f32 v30, v29;
	v23 =	vsub.f32 $0.0e+00, v16;
	(pc) =	sbr.rel @p2 .LBB2_10-.Ltmp8, $4  }
0x132: {  	v24 =	vmul.f32 $1.442695020e+00, v22;
	v22 =	vsub.f32 $0.0e+00, v15;
	(erf) = vpow2.f32 v21  }
0x133: {  	v25 =	vmul.f32 $1.442695020e+00, v23;
	v23 =	vsub.f32 $0.0e+00, v14;
	(erf) = vpow2.f32 v20  }
0x134: {  	v21 =	vmul.f32 $1.442695020e+00, v22;
	v22 =	vsub.f32 $0.0e+00, v13;
	(erf) = vpow2.f32 v24  }
0x135: {  	s1 =	sadd.s32 $0x1, s1;
	v20 =	vmul.f32 $1.442695020e+00, v23;
	v23 =	vsub.f32 $0.0e+00, v12;
	(erf) = vpow2.f32 v25  }
0x136: {  	v22 =	vmul.f32 $1.442695020e+00, v22;
	v24 =	vsub.f32 $0.0e+00, v11;
	(erf) = vpow2.f32 v21  }
0x137: {  	v31 =	vsub.f32 $0.0e+00, v10;
	v30 =	vmul.f32 $1.442695020e+00, v23;
	(erf) = vpow2.f32 v20  }
0x138: {  	v33 =	vsub.f32 $0.0e+00, v9;
	v32 =	vmul.f32 $1.442695020e+00, v24;
	(erf) = vpow2.f32 v22  }
0x139: {  	v35 =	vsub.f32 $0.0e+00, v8;
	v34 =	vmul.f32 $1.442695020e+00, v31;
	(erf) = vpow2.f32 v30  }
0x13a: {  	v37 =	vsub.f32 $0.0e+00, v7;
	v36 =	vmul.f32 $1.442695020e+00, v33;
	(erf) = vpow2.f32 v32  }
0x13b: {  	v39 =	vsub.f32 $0.0e+00, v6;
	v38 =	vmul.f32 $1.442695020e+00, v35;
	v25 =	vpop (erf);
	(erf) = vpow2.f32 v34  }
0x13c: {  	v41 =	vsub.f32 $0.0e+00, v5;
	v40 =	vmul.f32 $1.442695020e+00, v37;
	v26 =	vpop (erf);
	(erf) = vpow2.f32 v36  }
0x13d: {  	v43 =	vsub.f32 $0.0e+00, v4;
	v42 =	vmul.f32 $1.442695020e+00, v39;
	v27 =	vpop (erf);
	(erf) = vpow2.f32 v38  }
0x13e: {  	v44 =	vmul.f32 $1.442695020e+00, v41;
	v45 =	vpop (erf);
	(erf) = vpow2.f32 v40  }
0x13f: {  	v46 =	vmul.f32 $1.442695020e+00, v43;
	v47 =	vpop (erf);
	(erf) = vpow2.f32 v42  }
0x140: {  	v48 =	vadd.f32 $1.000000000e+00, v25;
	v49 =	vpop (erf);
	(erf) = vpow2.f32 v44  }
0x141: {  	v50 =	vadd.f32 $1.000000000e+00, v26;
	v51 =	vpop (erf);
	(erf) = vpow2.f32 v46  }
0x142: {  	v52 =	vadd.f32 $1.000000000e+00, v27;
	v53 =	vpop (erf);
	(erf) = vrcp.f32 v48  }
0x143: {  	v54 =	vadd.f32 $1.000000000e+00, v45;
	v55 =	vpop (erf);
	(erf) = vrcp.f32 v50  }
0x144: {  	v56 =	vadd.f32 $1.000000000e+00, v47;
	v57 =	vpop (erf);
	(erf) = vrcp.f32 v52  }
0x145: {  	v58 =	vadd.f32 $1.000000000e+00, v49;
	v59 =	vpop (erf);
	(erf) = vrcp.f32 v54  }
0x146: {  	v60 =	vadd.f32 $1.000000000e+00, v51;
	v61 =	vpop (erf);
	(erf) = vrcp.f32 v56  }
0x147: {  	v62 =	vadd.f32 $1.000000000e+00, v53;
	v63 =	vpop (erf);
	(erf) = vrcp.f32 v58  }
0x148: {  	v29 =	vadd.f32 $1.000000000e+00, v55;
	v30 =	vpop (erf);
	(erf) = vrcp.f32 v60  }
0x149: {  	v31 =	vadd.f32 $1.000000000e+00, v57;
	v32 =	vpop (erf);
	(erf) = vrcp.f32 v62  }
0x14a: {  	v33 =	vadd.f32 $1.000000000e+00, v59;
	v34 =	vpop (erf);
	(erf) = vrcp.f32 v29  }
0x14b: {  	v35 =	vadd.f32 $1.000000000e+00, v61;
	v36 =	vpop (erf);
	(erf) = vrcp.f32 v31  }
0x14c: {  	v37 =	vadd.f32 $1.000000000e+00, v63;
	v19 =	vmul.f32 v36, v19;
	v38 =	vpop (erf);
	(erf) = vrcp.f32 v33  }
0x14d: {  	v39 =	vadd.f32 $1.000000000e+00, v30;
	v18 =	vmul.f32 v38, v18;
	v40 =	vpop (erf);
	(erf) = vrcp.f32 v35  }
0x14e: {  	v41 =	vadd.f32 $1.000000000e+00, v32;
	[tilespmem:s25+$0xC000] =	vst v19;
	v17 =	vmul.f32 v40, v17;
	v42 =	vpop (erf);
	(erf) = vrcp.f32 v37  }
0x14f: {  	v43 =	vadd.f32 $1.000000000e+00, v34;
	[tilespmem:s25+$0xC080] =	vst v18;
	v16 =	vmul.f32 v42, v16;
	v44 =	vpop (erf);
	(erf) = vrcp.f32 v39  }
0x150: {  	[tilespmem:s25+$0xC100] =	vst v17;
	v15 =	vmul.f32 v44, v15;
	v45 =	vpop (erf);
	(erf) = vrcp.f32 v41  }
0x151: {  	[tilespmem:s25+$0xC180] =	vst v16;
	v14 =	vmul.f32 v45, v14;
	v46 =	vpop (erf);
	(erf) = vrcp.f32 v43  }
0x152: {  	[tilespmem:s25+$0xC200] =	vst v15;
	v13 =	vmul.f32 v46, v13;
	v47 =	vpop (erf)  }
0x153: {  	[tilespmem:s25+$0xC280] =	vst v14;
	v12 =	vmul.f32 v47, v12;
	v48 =	vpop (erf)  }
0x154: {  	[tilespmem:s25+$0xC300] =	vst v13;
	v49 =	vmul.f32 v48, v11;
	v50 =	vpop (erf)  }
0x155: {  	[tilespmem:s30+$0xC000] =	vst v12;
	v51 =	vmul.f32 v50, v10;
	v52 =	vpop (erf)  }
0x156: {  	[tilespmem:s25+$0xE000] =	vst v49;
	v53 =	vmul.f32 v52, v9;
	v54 =	vpop (erf)  }
0x157: {  	[tilespmem:s25+$0xE080] =	vst v51;
	v55 =	vmul.f32 v54, v8;
	v56 =	vpop (erf)  }
0x158: {  	[tilespmem:s25+$0xE100] =	vst v53;
	v57 =	vmul.f32 v56, v7;
	v58 =	vpop (erf)  }
0x159: {  	[tilespmem:s25+$0xE180] =	vst v55;
	v59 =	vmul.f32 v58, v6;
	v60 =	vpop (erf)  }
0x15a: {  	[tilespmem:s25+$0xE200] =	vst v57;
	v61 =	vmul.f32 v60, v5;
	v62 =	vpop (erf)  }
0x15b: {  	[tilespmem:s25+$0xE280] =	vst v59;
	v63 =	vmul.f32 v62, v4  }
0x15c: {  	[tilespmem:s25+$0xE300] =	vst v61  }
0x15d: {  	[tilespmem:s28+$0xC000] =	vst v63;
	s28 =	sshrl.u32 s24, s0  }
0x15e: {  	s0 =	sand.u32 $0x1, s28  }
0x15f: {  	p0 =	seq.s32 s0, $0x0  }
.Ltmp9:
0x160: {  	_ = 	snop;
	(pc) =	sbr.rel @!p0 .LBB2_12-.Ltmp9, $4  }
0x161: {  	_ = 	snop  }
0x162: {  	[tilespmem:s25+$0x6280] =	vst v1  }
0x163: {  	[tilespmem:s25+$0x6300] =	vst v2  }
0x164: {  	s25 =	sor.u32 $0x10, s26;
	[tilespmem:s30+$0x6000] =	vst v3;
	s30 =	simm.s32 $0x1  }
.LBB2_31:
0x165: {  	p0 =	sne.s32 s23, $0xF  }
.Ltmp10:
0x166: {  	_ = 	snop;
	(pc) =	sbr.rel @p0 .LBB2_33-.Ltmp10, $3  }
0x167: {  	_ =	sdelay $0x1  }
0x168: {  	s0 =	sadd.s32 s2, s29;
	s1 =	simm.s32 $0xC000  }
0x169: {  	[hbm4b:s0+s3] =	stream.linear.scatter [tilespmem:s1], [sflag:$0x3], $0x4000, $0x38;
	[tilespmem:$0x15080] =	vst v63  }
.Ltmp11:
0x16a: {  	(pc) =	sbr.rel .LBB2_34-.Ltmp11, $4  }
0x16b: {  	_ = 	snop  }
0x16c: {  	_ =	swait.ge [sflag:s18], $0x4000  }
0x16d: {  	[sflag:s18] =	ssyncset.done $0x0  }
0x16e: {  	[sflag:s18] =	ssyncadd.s32 $0xFFFFC000  }
.LBB2_30:
0x16f: {  	s30 =	sadd.s32 $0x1, s30  }
0x170: {  	p0 =	sne.s32 s30, $0x10  }
.Ltmp12:
0x171: {  	_ = 	snop;
	(pc) =	sbr.rel @!p0 .LBB2_31-.Ltmp12, $1  }
0x172: {  	_ =	sdelay $0x3  }
.LBB2_12:
0x173: {  	v1 =	vld [tilespmem:s30+$0x15000];
	_ =	sdelay $0x4  }
0x174: {  	(v2sf) =	vpush v1, $0x0;
	_ =	sdelay $0xe  }
0x175: {  	s31 =	spop (v2sf)  }
0x176: {  	p0 =	slt.s32 s31, s26  }
0x177: {  	p2 =	sge.s32 @!p0 s31, s25  }
0x178: {  	p0 =	por p0, p2  }
.Ltmp13:
0x179: {  	_ = 	snop;
	(pc) =	sbr.rel @p0 .LBB2_18-.Ltmp13, $2  }
0x17a: {  	_ =	sdelay $0x2  }
0x17b: {  	s0 =	simm.s32 $0x0  }
0x17c: {  	s1 =	sshra.s32 s0, $0x2  }
0x17d: {  	v1 =	vld [tilespmem:s1+$0x15001]  }
0x17e: {  	v2 =	vld [tilespmem:s1+$0x15000];
	_ =	sdelay $0x3  }
0x17f: {  	(v2sf) =	vpush v1, $0x0  }
0x180: {  	(v2sf) =	vpush v2, $0x0;
	_ =	sdelay $0x4  }
0x181: {  	s16 =	sadd.s32 $0x4, s0  }
0x182: {  	s17 =	sshra.s32 s16, $0x2  }
0x183: {  	s0 =	sadd.s32 $0x4, s16;
	v1 =	vld [tilespmem:s17+$0x15001]  }
0x184: {  	s21 =	sshra.s32 s0, $0x2;
	v2 =	vld [tilespmem:s17+$0x15000]  }
0x185: {  	v3 =	vld [tilespmem:s21+$0x15001]  }
0x186: {  	v4 =	vld [tilespmem:s21+$0x15000];
	_ =	sdelay $0x1  }
0x187: {  	(v2sf) =	vpush v1, $0x0  }
0x188: {  	(v2sf) =	vpush v2, $0x0  }
0x189: {  	s5 =	spop (v2sf);
	(v2sf) =	vpush v3, $0x0  }
0x18a: {  	s22 =	spop (v2sf);
	(v2sf) =	vpush v4, $0x0;
	_ =	sdelay $0x1  }
0x18b: {  	s0 =	sadd.s32 $0x4, s0  }
0x18c: {  	s4 =	sshra.s32 s0, $0x2  }
0x18d: {  	v1 =	vld [tilespmem:s4+$0x15001]  }
0x18e: {  	v2 =	vld [tilespmem:s4+$0x15000];
	_ =	sdelay $0x1  }
0x18f: {  	s1 =	sadd.s32 $0x4, s0  }
0x190: {  	s0 =	simm.s32 $0x1;
	p0 =	sle.s32 s5, s31;
	p3 =	sne.s32 s5, s22  }
.LBB2_14:
0x191: {  	s4 =	sshra.s32 s1, $0x2;
	(v2sf) =	vpush v1, $0x0;
	p0 =	por !p0, !p3  }
0x192: {  	p2 =	sne.s32 s1, $0x38;
	s1 =	sadd.s32 $0x4, s1;
	v1 =	vld [tilespmem:s4+$0x15001];
	(v2sf) =	vpush v2, $0x0;
	p0 =	por !p0, !p0  }
.Ltmp14:
0x193: {  	v2 =	vld [tilespmem:s4+$0x15000];
	s4 =	simm.s32 $0x1;
	(pc) =	sbr.rel @p2 .LBB2_14-.Ltmp14, $4  }
0x194: {  	s4 =	simm.s32 @!p0 $0x0  }
0x195: {  	s5 =	spop (v2sf);
	s0 =	sadd.s32 s4, s0  }
0x196: {  	s4 =	spop (v2sf)  }
0x197: {  	p0 =	sle.s32 s5, s31;
	p3 =	sne.s32 s5, s4  }
0x198: {  	(v2sf) =	vpush v1, $0x0  }
0x199: {  	(v2sf) =	vpush v2, $0x0;
	_ =	sdelay $0x8  }
0x19a: {  	p0 =	por !p0, !p3;
	s1 =	spop (v2sf)  }
0x19b: {  	s4 =	simm.s32 $0x1;
	s7 =	simm.s32 $0x1;
	s5 =	spop (v2sf)  }
0x19c: {  	p0 =	por !p0, !p0;
	p2 =	sle.s32 s1, s31;
	p5 =	sne.s32 s1, s5  }
0x19d: {  	s4 =	simm.s32 @!p0 $0x0;
	p6 =	por !p2, !p5;
	s21 =	spop (v2sf)  }
0x19e: {  	s1 =	simm.s32 $0x1;
	p0 =	por !p6, !p6;
	s22 =	spop (v2sf)  }
0x19f: {  	s0 =	sadd.s32 s4, s0;
	s7 =	simm.s32 @!p0 $0x0;
	s8 =	spop (v2sf)  }
0x1a0: {  	p2 =	sle.s32 s21, s31;
	p3 =	sne.s32 s21, s22;
	s10 =	spop (v2sf)  }
0x1a1: {  	p0 =	por !p2, !p3;
	p5 =	sle.s32 s8, s31;
	p4 =	sne.s32 s8, s10  }
0x1a2: {  	s4 =	simm.s32 $0x1;
	p0 =	por !p0, !p0;
	p6 =	por !p5, !p4  }
0x1a3: {  	s0 =	sadd.s32 s7, s0;
	s1 =	simm.s32 @!p0 $0x0;
	p0 =	por !p6, !p6  }
0x1a4: {  	s0 =	sadd.s32 s1, s0;
	s4 =	simm.s32 @!p0 $0x0  }
0x1a5: {  	s0 =	sadd.s32 s4, s0  }
0x1a6: {  	v1 =	vld [tilespmem:s0+$0x14FFF];
	_ =	sdelay $0x4  }
0x1a7: {  	(v2sf) =	vpush v1, $0x0;
	_ =	sdelay $0x8  }
0x1a8: {  	s11 =	sadd.s32 $0xFFFFFFFE, s31;
	s12 =	sadd.s32 $0xFFFFFFFF, s31  }
0x1a9: {  	s7 =	simm.f32 $0.0e+00;
	s21 =	simm.f32 $0.0e+00;
	s1 =	ssub.s32 s31, s26  }
0x1aa: {  	s13 =	sadd.s32 $0x5, s1;
	s16 =	sadd.s32 $0x6, s1;
	s22 =	sadd.s32 $0x7, s1  }
0x1ab: {  	s1 =	sshll.u32 s1, $0xA;
	s14 =	sshll.u32 s13, $0xA;
	s17 =	sshll.u32 s16, $0xA  }
0x1ac: {  	s5 =	sshll.u32 s16, $0x7;
	s16 =	sshll.u32 s31, $0x7;
	s1 =	sand.u32 $0xFFFFE000, s1  }
0x1ad: {  	s10 =	sadd.s32 $0xFFFFFFFD, s31;
	s5 =	sand.u32 $0x380, s5;
	s0 =	sshll.u32 s13, $0x7  }
0x1ae: {  	s4 =	sand.u32 $0xFFFFE000, s14;
	s0 =	sand.u32 $0x380, s0;
	s8 =	spop (v2sf)  }
0x1af: {  	s14 =	sshll.u32 s22, $0xA;
	s13 =	sor.u32 s0, s4;
	p0 =	slt.s32 s10, s8  }
0x1b0: {  	s10 =	simm.f32 $0.0e+00;
	p2 =	slt.s32 s12, s8;
	s12 =	simm.f32 $0.0e+00  }
0x1b1: {  	s7 =	simm.s32 @!p0 $0x3F800000;
	p0 =	slt.s32 s11, s8;
	s12 =	simm.s32 @!p2 $0x3F800000  }
0x1b2: {  	s10 =	simm.s32 @!p0 $0x3F800000;
	p0 =	slt.s32 s31, s8;
	s8 =	sand.u32 $0xFFFFE000, s17  }
0x1b3: {  	s17 =	sand.u32 $0x380, s16;
	s16 =	simm.s32 $0x0;
	s21 =	simm.s32 @!p0 $0x3F800000  }
0x1b4: {  	s11 =	sor.u32 s5, s8;
	s8 =	sand.u32 $0xFFFFE000, s14;
	s14 =	sshll.u32 s22, $0x7  }
0x1b5: {  	s22 =	sor.u32 s17, s1;
	s0 =	sand.u32 $0xFFFFFC00, s16;
	s4 =	sand.u32 $0x380, s14  }
0x1b6: {  	s17 =	simm.s32 $0x0;
	s5 =	sor.u32 s4, s8;
	s8 =	simm.s32 $0x0  }
0x1b7: {  	v1 =	vmov s7;
	s7 =	sadd.s32 $0xC000, s22;
	s1 =	sand.u32 $0x70, s8;
	s16 =	sadd.s32 s0, s5  }
0x1b8: {  	s4 =	sadd.s32 $0x2000, s22;
	s22 =	sand.u32 $0x3FFFFE00, s17;
	s16 =	sadd.s32 s1, s16  }
0x1b9: {  	v3 =	vmov s12;
	v4 =	vmov s10;
	s10 =	simm.s32 $0x1;
	v2 =	vmov s21;
	s12 =	sadd.s32 s0, s13;
	s21 =	sor.u32 s1, s22;
	v5 =	vld [tilespmem:s16+$0x0]  }
.LBB2_16:
0x1ba: {  	p2 =	sne.s32 s10, $0x3F;
	s12 =	sadd.s32 s1, s12;
	v6 =	vld [tilespmem:s21+$0x14000];
	s14 =	sadd.s32 s0, s11  }
0x1bb: {  	v7 =	vld [tilespmem:s12+$0x0];
	s12 =	sadd.s32 s1, s14  }
0x1bc: {  	s14 =	sadd.s32 $0x14000, s21;
	v8 =	vld [tilespmem:s12+$0x0]  }
0x1bd: {  	v9 =	vld [tilespmem:s14+$0x80]  }
0x1be: {  	s12 =	sadd.s32 s0, s4;
	v10 =	vld [tilespmem:s14+$0x100]  }
0x1bf: {  	s12 =	sadd.s32 s1, s12  }
0x1c0: {  	v11 =	vld [tilespmem:s12+$0x0]  }
0x1c1: {  	v12 =	vld [tilespmem:s14+$0x180]  }
0x1c2: {  	v6 =	vmul.f32 v6, v7;
	v7 =	vmul.f32 v9, v8  }
0x1c3: {  	v5 =	vmul.f32 v10, v5  }
0x1c4: {  	v6 =	vmul.f32 v6, v1;
	v7 =	vmul.f32 v7, v4;
	_ =	sdelay $0x1  }
0x1c5: {  	v5 =	vmul.f32 v5, v3;
	v6 =	vadd.f32 v7, v6;
	v7 =	vmul.f32 v12, v11;
	_ =	sdelay $0x1  }
0x1c6: {  	v5 =	vadd.f32 v5, v6;
	v6 =	vmul.f32 v7, v2;
	_ =	sdelay $0x1  }
0x1c7: {  	v5 =	vadd.f32 v6, v5;
	_ =	sdelay $0x1  }
0x1c8: {  	v6 =	vsub.f32 $0.0e+00, v5;
	_ =	sdelay $0x1  }
0x1c9: {  	v6 =	vmul.f32 $1.442695020e+00, v6;
	_ =	sdelay $0x1  }
0x1ca: {  	(erf) = vpow2.f32 v6;
	_ =	sdelay $0x8  }
0x1cb: {  	v6 =	vpop (erf)  }
0x1cc: {  	v6 =	vadd.f32 $1.000000000e+00, v6;
	_ =	sdelay $0x1  }
0x1cd: {  	(erf) = vrcp.f32 v6;
	_ =	sdelay $0x8  }
.Ltmp15:
0x1ce: {  	s8 =	sadd.s32 $0x10, s8;
	s12 =	sshll.u32 s10, $0x7;
	v6 =	vpop (erf);
	(pc) =	sbr.rel @p2 .LBB2_16-.Ltmp15, $4  }
0x1cf: {  	s16 =	sadd.s32 s0, s7;
	s14 =	sshll.u32 s10, $0x6;
	s0 =	sand.u32 $0xFFFFFC00, s12;
	v5 =	vmul.f32 v6, v5  }
0x1d0: {  	s16 =	sadd.s32 s1, s16;
	s1 =	sand.u32 $0x70, s8;
	s12 =	sadd.s32 s0, s5  }
0x1d1: {  	s14 =	sand.u32 $0x3FFFFE00, s14;
	s22 =	sadd.s32 s1, s12;
	[tilespmem:s16+$0x0] =	vst v5  }
0x1d2: {  	s10 =	sadd.s32 $0x1, s10;
	s12 =	sadd.s32 s0, s13;
	s21 =	sor.u32 s1, s14;
	v5 =	vld [tilespmem:s22+$0x0]  }
0x1d3: {  	s5 =	sadd.s32 s1, s12;
	v6 =	vld [tilespmem:s21+$0x14000]  }
0x1d4: {  	s8 =	sadd.s32 s0, s11;
	s21 =	sadd.s32 $0x14000, s21;
	v7 =	vld [tilespmem:s5+$0x0]  }
0x1d5: {  	s17 =	sadd.s32 s1, s8;
	v9 =	vld [tilespmem:s21+$0x80]  }
0x1d6: {  	v8 =	vld [tilespmem:s17+$0x0]  }
0x1d7: {  	v10 =	vld [tilespmem:s21+$0x100]  }
0x1d8: {  	s4 =	sadd.s32 s0, s4  }
0x1d9: {  	s4 =	sadd.s32 s1, s4;
	v12 =	vld [tilespmem:s21+$0x180]  }
0x1da: {  	v11 =	vld [tilespmem:s4+$0x0]  }
0x1db: {  	v6 =	vmul.f32 v6, v7;
	v62 =	vmul.f32 v9, v8  }
0x1dc: {  	v5 =	vmul.f32 v10, v5  }
0x1dd: {  	v1 =	vmul.f32 v6, v1;
	v4 =	vmul.f32 v62, v4;
	_ =	sdelay $0x1  }
0x1de: {  	v63 =	vmul.f32 v12, v11;
	v3 =	vmul.f32 v5, v3;
	v1 =	vadd.f32 v4, v1;
	_ =	sdelay $0x1  }
0x1df: {  	v2 =	vmul.f32 v63, v2;
	v1 =	vadd.f32 v3, v1;
	_ =	sdelay $0x1  }
0x1e0: {  	v1 =	vadd.f32 v2, v1;
	_ =	sdelay $0x1  }
0x1e1: {  	v2 =	vsub.f32 $0.0e+00, v1;
	_ =	sdelay $0x1  }
0x1e2: {  	v2 =	vmul.f32 $1.442695020e+00, v2;
	_ =	sdelay $0x1  }
0x1e3: {  	(erf) = vpow2.f32 v2;
	_ =	sdelay $0x8  }
0x1e4: {  	v2 =	vpop (erf)  }
0x1e5: {  	v2 =	vadd.f32 $1.000000000e+00, v2;
	_ =	sdelay $0x1  }
0x1e6: {  	(erf) = vrcp.f32 v2;
	_ =	sdelay $0x8  }
0x1e7: {  	v2 =	vpop (erf)  }
0x1e8: {  	s22 =	sadd.s32 s0, s7;
	v1 =	vmul.f32 v2, v1  }
0x1e9: {  	s0 =	sadd.s32 s1, s22  }
0x1ea: {  	[tilespmem:s0+$0x0] =	vst v1  }
.LBB2_18:
0x1eb: {  	s0 =	sadd.s32 $0x1, s31  }
0x1ec: {  	p0 =	slt.s32 s0, s26  }
0x1ed: {  	p2 =	sge.s32 @!p0 s0, s25  }
0x1ee: {  	p0 =	por p0, p2  }
.Ltmp16:
0x1ef: {  	_ = 	snop;
	(pc) =	sbr.rel @p0 .LBB2_24-.Ltmp16, $1  }
0x1f0: {  	_ =	sdelay $0x3  }
0x1f1: {  	s1 =	simm.s32 $0x0  }
0x1f2: {  	v1 =	vld [tilespmem:s1+$0x15001]  }
0x1f3: {  	v2 =	vld [tilespmem:s1+$0x15000];
	_ =	sdelay $0x3  }
0x1f4: {  	(v2sf) =	vpush v1, $0x0  }
0x1f5: {  	(v2sf) =	vpush v2, $0x0;
	_ =	sdelay $0x5  }
0x1f6: {  	s21 =	simm.s32 $0x1  }
0x1f7: {  	v1 =	vld [tilespmem:s21+$0x15001]  }
0x1f8: {  	s22 =	simm.s32 $0x2;
	v2 =	vld [tilespmem:s21+$0x15000]  }
0x1f9: {  	v3 =	vld [tilespmem:s22+$0x15001]  }
0x1fa: {  	v4 =	vld [tilespmem:s22+$0x15000];
	_ =	sdelay $0x1  }
0x1fb: {  	(v2sf) =	vpush v1, $0x0  }
0x1fc: {  	(v2sf) =	vpush v2, $0x0  }
0x1fd: {  	s5 =	spop (v2sf);
	(v2sf) =	vpush v3, $0x0  }
0x1fe: {  	s7 =	spop (v2sf);
	(v2sf) =	vpush v4, $0x0;
	_ =	sdelay $0x2  }
0x1ff: {  	s4 =	simm.s32 $0x3  }
0x200: {  	v1 =	vld [tilespmem:s4+$0x15001]  }
0x201: {  	v2 =	vld [tilespmem:s4+$0x15000];
	_ =	sdelay $0x1  }
0x202: {  	s1 =	simm.s32 $0x1  }
0x203: {  	s4 =	simm.s32 $0x10;
	p0 =	sle.s32 s5, s0;
	p3 =	sne.s32 s5, s7  }
.LBB2_20:
0x204: {  	s5 =	sshra.s32 s4, $0x2;
	(v2sf) =	vpush v1, $0x0;
	p0 =	por !p0, !p3  }
0x205: {  	p2 =	sne.s32 s4, $0x38;
	s4 =	sadd.s32 $0x4, s4;
	v1 =	vld [tilespmem:s5+$0x15001];
	(v2sf) =	vpush v2, $0x0;
	p0 =	por !p0, !p0  }
.Ltmp17:
0x206: {  	v2 =	vld [tilespmem:s5+$0x15000];
	s5 =	simm.s32 $0x1;
	(pc) =	sbr.rel @p2 .LBB2_20-.Ltmp17, $4  }
0x207: {  	s5 =	simm.s32 @!p0 $0x0  }
0x208: {  	s7 =	spop (v2sf);
	s1 =	sadd.s32 s5, s1  }
0x209: {  	s5 =	spop (v2sf)  }
0x20a: {  	p0 =	sle.s32 s7, s0;
	p3 =	sne.s32 s7, s5  }
0x20b: {  	(v2sf) =	vpush v1, $0x0  }
0x20c: {  	(v2sf) =	vpush v2, $0x0;
	_ =	sdelay $0x8  }
0x20d: {  	p0 =	por !p0, !p3;
	s4 =	spop (v2sf)  }
0x20e: {  	s5 =	simm.s32 $0x1;
	s8 =	simm.s32 $0x1;
	s7 =	spop (v2sf)  }
0x20f: {  	p0 =	por !p0, !p0;
	p2 =	sle.s32 s4, s0;
	p5 =	sne.s32 s4, s7  }
0x210: {  	s5 =	simm.s32 @!p0 $0x0;
	p6 =	por !p2, !p5;
	s16 =	spop (v2sf)  }
0x211: {  	s4 =	simm.s32 $0x1;
	p0 =	por !p6, !p6;
	s17 =	spop (v2sf)  }
0x212: {  	s1 =	sadd.s32 s5, s1;
	s8 =	simm.s32 @!p0 $0x0;
	s10 =	spop (v2sf)  }
0x213: {  	p2 =	sle.s32 s16, s0;
	p3 =	sne.s32 s16, s17;
	s11 =	spop (v2sf)  }
0x214: {  	p0 =	por !p2, !p3;
	p5 =	sle.s32 s10, s0;
	p4 =	sne.s32 s10, s11  }
0x215: {  	s5 =	simm.s32 $0x1;
	p0 =	por !p0, !p0;
	p6 =	por !p5, !p4  }
0x216: {  	s1 =	sadd.s32 s8, s1;
	s4 =	simm.s32 @!p0 $0x0;
	p0 =	por !p6, !p6  }
0x217: {  	s1 =	sadd.s32 s4, s1;
	s5 =	simm.s32 @!p0 $0x0  }
0x218: {  	s1 =	sadd.s32 s5, s1  }
0x219: {  	v1 =	vld [tilespmem:s1+$0x14FFF];
	_ =	sdelay $0x4  }
0x21a: {  	(v2sf) =	vpush v1, $0x0;
	_ =	sdelay $0xd  }
0x21b: {  	s22 =	sadd.s32 $0xFFFFFFFE, s31  }
0x21c: {  	s12 =	simm.f32 $0.0e+00;
	s14 =	simm.f32 $0.0e+00;
	s21 =	spop (v2sf)  }
0x21d: {  	s16 =	simm.f32 $0.0e+00;
	s11 =	simm.f32 $0.0e+00;
	p0 =	slt.s32 s22, s21  }
0x21e: {  	s5 =	sadd.s32 $0xFFFFFFFF, s31;
	p2 =	slt.s32 s31, s21;
	s11 =	simm.s32 @!p0 $0x3F800000  }
0x21f: {  	p0 =	slt.s32 s5, s21;
	s14 =	simm.s32 @!p2 $0x3F800000;
	s5 =	ssub.s32 s0, s26  }
0x220: {  	s12 =	simm.s32 @!p0 $0x3F800000;
	p0 =	slt.s32 s0, s21;
	s7 =	sadd.s32 $0x5, s5  }
0x221: {  	s10 =	sadd.s32 $0x6, s5;
	s17 =	sadd.s32 $0x7, s5;
	s5 =	sshll.u32 s5, $0xA  }
0x222: {  	s16 =	simm.s32 @!p0 $0x3F800000;
	s8 =	sshll.u32 s7, $0xA;
	s1 =	sshll.u32 s7, $0x7  }
0x223: {  	s13 =	sshll.u32 s10, $0xA;
	s7 =	sshll.u32 s10, $0x7;
	s21 =	sshll.u32 s17, $0xA  }
0x224: {  	s10 =	sshll.u32 s17, $0x7;
	s17 =	sshll.u32 s0, $0x7;
	s5 =	sand.u32 $0xFFFFE000, s5  }
0x225: {  	s4 =	sand.u32 $0xFFFFE000, s8;
	s1 =	sand.u32 $0x380, s1;
	s8 =	sand.u32 $0xFFFFE000, s13  }
0x226: {  	s7 =	sand.u32 $0x380, s7;
	s22 =	sand.u32 $0xFFFFE000, s21;
	s21 =	sand.u32 $0x380, s17  }
0x227: {  	s4 =	sor.u32 s1, s4;
	s13 =	sor.u32 s7, s8;
	s7 =	sand.u32 $0x380, s10  }
0x228: {  	s21 =	sor.u32 s21, s5;
	s8 =	sor.u32 s7, s22;
	s22 =	simm.s32 $0x0  }
0x229: {  	s10 =	simm.s32 $0x0;
	s5 =	sadd.s32 $0x2000, s21;
	s1 =	sand.u32 $0xFFFFFC00, s22  }
0x22a: {  	s7 =	sand.u32 $0x70, s10;
	s22 =	simm.s32 $0x0;
	s17 =	sadd.s32 s1, s8  }
0x22b: {  	v1 =	vmov s11;
	s11 =	sadd.s32 $0xC000, s21;
	s21 =	sand.u32 $0x3FFFFE00, s22;
	s17 =	sadd.s32 s7, s17  }
0x22c: {  	v3 =	vmov s14;
	v4 =	vmov s12;
	v2 =	vmov s16;
	s22 =	sadd.s32 s1, s4;
	s12 =	sor.u32 s7, s21;
	s21 =	simm.s32 $0x1;
	v5 =	vld [tilespmem:s17+$0x0]  }
.LBB2_22:
0x22d: {  	p2 =	sne.s32 s21, $0x3F;
	s14 =	sadd.s32 s7, s22;
	v6 =	vld [tilespmem:s12+$0x14000];
	s16 =	sadd.s32 s1, s13  }
0x22e: {  	v7 =	vld [tilespmem:s14+$0x0];
	s14 =	sadd.s32 s7, s16  }
0x22f: {  	s12 =	sadd.s32 $0x14000, s12;
	v8 =	vld [tilespmem:s14+$0x0]  }
0x230: {  	v9 =	vld [tilespmem:s12+$0x80]  }
0x231: {  	s14 =	sadd.s32 s1, s5;
	v10 =	vld [tilespmem:s12+$0x100]  }
0x232: {  	s14 =	sadd.s32 s7, s14  }
0x233: {  	v11 =	vld [tilespmem:s14+$0x0]  }
0x234: {  	v12 =	vld [tilespmem:s12+$0x180]  }
0x235: {  	v6 =	vmul.f32 v6, v7;
	v7 =	vmul.f32 v9, v8  }
0x236: {  	v5 =	vmul.f32 v10, v5  }
0x237: {  	v6 =	vmul.f32 v6, v1;
	v7 =	vmul.f32 v7, v4;
	_ =	sdelay $0x1  }
0x238: {  	v5 =	vmul.f32 v5, v3;
	v6 =	vadd.f32 v7, v6;
	v7 =	vmul.f32 v12, v11;
	_ =	sdelay $0x1  }
0x239: {  	v5 =	vadd.f32 v5, v6;
	v6 =	vmul.f32 v7, v2;
	_ =	sdelay $0x1  }
0x23a: {  	v5 =	vadd.f32 v6, v5;
	_ =	sdelay $0x1  }
0x23b: {  	v6 =	vsub.f32 $0.0e+00, v5;
	_ =	sdelay $0x1  }
0x23c: {  	v6 =	vmul.f32 $1.442695020e+00, v6;
	_ =	sdelay $0x1  }
0x23d: {  	(erf) = vpow2.f32 v6;
	_ =	sdelay $0x8  }
0x23e: {  	v6 =	vpop (erf)  }
0x23f: {  	v6 =	vadd.f32 $1.000000000e+00, v6;
	_ =	sdelay $0x1  }
0x240: {  	(erf) = vrcp.f32 v6;
	_ =	sdelay $0x8  }
.Ltmp18:
0x241: {  	s10 =	sadd.s32 $0x10, s10;
	s12 =	sshll.u32 s21, $0x7;
	v6 =	vpop (erf);
	(pc) =	sbr.rel @p2 .LBB2_22-.Ltmp18, $4  }
0x242: {  	s16 =	sadd.s32 s1, s11;
	s14 =	sshll.u32 s21, $0x6;
	s1 =	sand.u32 $0xFFFFFC00, s12;
	v5 =	vmul.f32 v6, v5  }
0x243: {  	s16 =	sadd.s32 s7, s16;
	s7 =	sand.u32 $0x70, s10;
	s12 =	sadd.s32 s1, s8  }
0x244: {  	s14 =	sand.u32 $0x3FFFFE00, s14;
	s17 =	sadd.s32 s7, s12;
	[tilespmem:s16+$0x0] =	vst v5  }
0x245: {  	s21 =	sadd.s32 $0x1, s21;
	s22 =	sadd.s32 s1, s4;
	s12 =	sor.u32 s7, s14;
	v5 =	vld [tilespmem:s17+$0x0]  }
0x246: {  	s4 =	sadd.s32 s7, s22;
	v6 =	vld [tilespmem:s12+$0x14000]  }
0x247: {  	s8 =	sadd.s32 s1, s13;
	s17 =	sadd.s32 $0x14000, s12;
	v7 =	vld [tilespmem:s4+$0x0]  }
0x248: {  	s16 =	sadd.s32 s7, s8;
	v9 =	vld [tilespmem:s17+$0x80]  }
0x249: {  	v8 =	vld [tilespmem:s16+$0x0]  }
0x24a: {  	v10 =	vld [tilespmem:s17+$0x100]  }
0x24b: {  	s21 =	sadd.s32 s1, s5  }
0x24c: {  	s4 =	sadd.s32 s7, s21;
	v12 =	vld [tilespmem:s17+$0x180]  }
0x24d: {  	v11 =	vld [tilespmem:s4+$0x0]  }
0x24e: {  	v6 =	vmul.f32 v6, v7;
	v62 =	vmul.f32 v9, v8  }
0x24f: {  	v5 =	vmul.f32 v10, v5  }
0x250: {  	v1 =	vmul.f32 v6, v1;
	v4 =	vmul.f32 v62, v4;
	_ =	sdelay $0x1  }
0x251: {  	v63 =	vmul.f32 v12, v11;
	v3 =	vmul.f32 v5, v3;
	v1 =	vadd.f32 v4, v1;
	_ =	sdelay $0x1  }
0x252: {  	v2 =	vmul.f32 v63, v2;
	v1 =	vadd.f32 v3, v1;
	_ =	sdelay $0x1  }
0x253: {  	v1 =	vadd.f32 v2, v1;
	_ =	sdelay $0x1  }
0x254: {  	v2 =	vsub.f32 $0.0e+00, v1;
	_ =	sdelay $0x1  }
0x255: {  	v2 =	vmul.f32 $1.442695020e+00, v2;
	_ =	sdelay $0x1  }
0x256: {  	(erf) = vpow2.f32 v2;
	_ =	sdelay $0x8  }
0x257: {  	v2 =	vpop (erf)  }
0x258: {  	v2 =	vadd.f32 $1.000000000e+00, v2;
	_ =	sdelay $0x1  }
0x259: {  	(erf) = vrcp.f32 v2;
	_ =	sdelay $0x8  }
0x25a: {  	v2 =	vpop (erf)  }
0x25b: {  	s22 =	sadd.s32 s1, s11;
	v1 =	vmul.f32 v2, v1  }
0x25c: {  	s1 =	sadd.s32 s7, s22  }
0x25d: {  	[tilespmem:s1+$0x0] =	vst v1  }
.LBB2_24:
0x25e: {  	s1 =	sadd.s32 $0x2, s31  }
0x25f: {  	p0 =	slt.s32 s1, s26  }
0x260: {  	p2 =	sge.s32 @!p0 s1, s25  }
0x261: {  	p0 =	por p0, p2  }
.Ltmp19:
0x262: {  	_ = 	snop;
	(pc) =	sbr.rel @p0 .LBB2_30-.Ltmp19, $1  }
0x263: {  	_ =	sdelay $0x3  }
0x264: {  	s4 =	simm.s32 $0x0  }
0x265: {  	v1 =	vld [tilespmem:s4+$0x15001]  }
0x266: {  	v2 =	vld [tilespmem:s4+$0x15000];
	_ =	sdelay $0x3  }
0x267: {  	(v2sf) =	vpush v1, $0x0  }
0x268: {  	(v2sf) =	vpush v2, $0x0;
	_ =	sdelay $0x5  }
0x269: {  	s21 =	simm.s32 $0x1  }
0x26a: {  	v1 =	vld [tilespmem:s21+$0x15001]  }
0x26b: {  	s22 =	simm.s32 $0x2;
	v2 =	vld [tilespmem:s21+$0x15000]  }
0x26c: {  	v3 =	vld [tilespmem:s22+$0x15001]  }
0x26d: {  	v4 =	vld [tilespmem:s22+$0x15000];
	_ =	sdelay $0x1  }
0x26e: {  	(v2sf) =	vpush v1, $0x0  }
0x26f: {  	(v2sf) =	vpush v2, $0x0  }
0x270: {  	s7 =	spop (v2sf);
	(v2sf) =	vpush v3, $0x0  }
0x271: {  	s8 =	spop (v2sf);
	(v2sf) =	vpush v4, $0x0;
	_ =	sdelay $0x2  }
0x272: {  	s5 =	simm.s32 $0x3  }
0x273: {  	v1 =	vld [tilespmem:s5+$0x15001]  }
0x274: {  	v2 =	vld [tilespmem:s5+$0x15000];
	_ =	sdelay $0x1  }
0x275: {  	s4 =	simm.s32 $0x1  }
0x276: {  	s5 =	simm.s32 $0x10;
	p0 =	sle.s32 s7, s1;
	p3 =	sne.s32 s7, s8  }
.LBB2_26:
0x277: {  	s7 =	sshra.s32 s5, $0x2;
	(v2sf) =	vpush v1, $0x0;
	p0 =	por !p0, !p3  }
0x278: {  	p2 =	sne.s32 s5, $0x38;
	s5 =	sadd.s32 $0x4, s5;
	v1 =	vld [tilespmem:s7+$0x15001];
	(v2sf) =	vpush v2, $0x0;
	p0 =	por !p0, !p0  }
.Ltmp20:
0x279: {  	v2 =	vld [tilespmem:s7+$0x15000];
	s7 =	simm.s32 $0x1;
	(pc) =	sbr.rel @p2 .LBB2_26-.Ltmp20, $4  }
0x27a: {  	s7 =	simm.s32 @!p0 $0x0  }
0x27b: {  	s8 =	spop (v2sf);
	s4 =	sadd.s32 s7, s4  }
0x27c: {  	s7 =	spop (v2sf)  }
0x27d: {  	p0 =	sle.s32 s8, s1;
	p3 =	sne.s32 s8, s7  }
0x27e: {  	(v2sf) =	vpush v1, $0x0  }
0x27f: {  	(v2sf) =	vpush v2, $0x0;
	_ =	sdelay $0x8  }
0x280: {  	p0 =	por !p0, !p3;
	s5 =	spop (v2sf)  }
0x281: {  	s7 =	simm.s32 $0x1;
	s10 =	simm.s32 $0x1;
	s8 =	spop (v2sf)  }
0x282: {  	p0 =	por !p0, !p0;
	p2 =	sle.s32 s5, s1;
	p5 =	sne.s32 s5, s8  }
0x283: {  	s7 =	simm.s32 @!p0 $0x0;
	p6 =	por !p2, !p5;
	s21 =	spop (v2sf)  }
0x284: {  	s5 =	simm.s32 $0x1;
	p0 =	por !p6, !p6;
	s22 =	spop (v2sf)  }
0x285: {  	s4 =	sadd.s32 s7, s4;
	s10 =	simm.s32 @!p0 $0x0;
	s11 =	spop (v2sf)  }
0x286: {  	p2 =	sle.s32 s21, s1;
	p3 =	sne.s32 s21, s22;
	s12 =	spop (v2sf)  }
0x287: {  	p0 =	por !p2, !p3;
	p5 =	sle.s32 s11, s1;
	p4 =	sne.s32 s11, s12  }
0x288: {  	s7 =	simm.s32 $0x1;
	p0 =	por !p0, !p0;
	p6 =	por !p5, !p4  }
0x289: {  	s4 =	sadd.s32 s10, s4;
	s5 =	simm.s32 @!p0 $0x0;
	p0 =	por !p6, !p6  }
0x28a: {  	s4 =	sadd.s32 s5, s4;
	s7 =	simm.s32 @!p0 $0x0  }
0x28b: {  	s4 =	sadd.s32 s7, s4  }
0x28c: {  	v1 =	vld [tilespmem:s4+$0x14FFF];
	_ =	sdelay $0x4  }
0x28d: {  	(v2sf) =	vpush v1, $0x0;
	_ =	sdelay $0xe  }
0x28e: {  	s14 =	sadd.s32 $0xFFFFFFFF, s31;
	s13 =	simm.f32 $0.0e+00;
	s11 =	spop (v2sf)  }
0x28f: {  	s12 =	simm.f32 $0.0e+00;
	s7 =	simm.f32 $0.0e+00;
	p0 =	slt.s32 s14, s11  }
0x290: {  	p2 =	slt.s32 s0, s11;
	s0 =	ssub.s32 s1, s26;
	s14 =	simm.f32 $0.0e+00  }
0x291: {  	s7 =	simm.s32 @!p0 $0x3F800000;
	p0 =	slt.s32 s31, s11;
	s13 =	simm.s32 @!p2 $0x3F800000  }
0x292: {  	s16 =	sadd.s32 $0x5, s0;
	s21 =	sadd.s32 $0x6, s0;
	s12 =	simm.s32 @!p0 $0x3F800000  }
0x293: {  	p0 =	slt.s32 s1, s11;
	s17 =	sshll.u32 s16, $0xA;
	s4 =	sshll.u32 s16, $0x7  }
0x294: {  	s22 =	sshll.u32 s21, $0xA;
	s8 =	sshll.u32 s21, $0x7;
	s16 =	sadd.s32 $0x7, s0  }
0x295: {  	s0 =	sshll.u32 s0, $0xA;
	v3 =	vmov s13;
	s13 =	simm.s32 $0x1;
	s14 =	simm.s32 @!p0 $0x3F800000  }
0x296: {  	s5 =	sand.u32 $0xFFFFE000, s17;
	s4 =	sand.u32 $0x380, s4;
	s10 =	sand.u32 $0xFFFFE000, s22  }
0x297: {  	s8 =	sand.u32 $0x380, s8;
	s17 =	sshll.u32 s16, $0xA;
	s0 =	sand.u32 $0xFFFFE000, s0  }
0x298: {  	s22 =	simm.s32 $0x0;
	s4 =	sor.u32 s4, s5;
	s11 =	sor.u32 s8, s10  }
0x299: {  	s31 =	sand.u32 $0xFFFFE000, s17;
	s10 =	sshll.u32 s16, $0x7;
	s16 =	sshll.u32 s1, $0x7  }
0x29a: {  	s8 =	sand.u32 $0x380, s10;
	s1 =	sand.u32 $0x380, s16;
	s10 =	simm.s32 $0x0  }
0x29b: {  	s8 =	sor.u32 s8, s31;
	s17 =	sor.u32 s1, s0;
	s0 =	sand.u32 $0xFFFFFC00, s22  }
0x29c: {  	s31 =	simm.s32 $0x0;
	s1 =	sand.u32 $0x70, s10;
	s21 =	sadd.s32 s0, s8  }
0x29d: {  	s5 =	sadd.s32 $0x2000, s17;
	s22 =	sand.u32 $0x3FFFFE00, s31;
	s31 =	sadd.s32 s1, s21  }
0x29e: {  	v1 =	vmov s7;
	v4 =	vmov s12;
	v2 =	vmov s14;
	s7 =	sadd.s32 $0xC000, s17;
	s21 =	sadd.s32 s0, s4;
	s12 =	sor.u32 s1, s22;
	v5 =	vld [tilespmem:s31+$0x0]  }
.LBB2_28:
0x29f: {  	p2 =	sne.s32 s13, $0x3F;
	s14 =	sadd.s32 s1, s21;
	v6 =	vld [tilespmem:s12+$0x14000];
	s16 =	sadd.s32 s0, s11  }
0x2a0: {  	v7 =	vld [tilespmem:s14+$0x0];
	s14 =	sadd.s32 s1, s16  }
0x2a1: {  	s12 =	sadd.s32 $0x14000, s12;
	v8 =	vld [tilespmem:s14+$0x0]  }
0x2a2: {  	v9 =	vld [tilespmem:s12+$0x80]  }
0x2a3: {  	s14 =	sadd.s32 s0, s5;
	v10 =	vld [tilespmem:s12+$0x100]  }
0x2a4: {  	s14 =	sadd.s32 s1, s14  }
0x2a5: {  	v11 =	vld [tilespmem:s14+$0x0]  }
0x2a6: {  	v12 =	vld [tilespmem:s12+$0x180]  }
0x2a7: {  	v6 =	vmul.f32 v6, v7;
	v7 =	vmul.f32 v9, v8  }
0x2a8: {  	v5 =	vmul.f32 v10, v5  }
0x2a9: {  	v6 =	vmul.f32 v6, v1;
	v7 =	vmul.f32 v7, v4;
	_ =	sdelay $0x1  }
0x2aa: {  	v5 =	vmul.f32 v5, v3;
	v6 =	vadd.f32 v7, v6;
	v7 =	vmul.f32 v12, v11;
	_ =	sdelay $0x1  }
0x2ab: {  	v5 =	vadd.f32 v5, v6;
	v6 =	vmul.f32 v7, v2;
	_ =	sdelay $0x1  }
0x2ac: {  	v5 =	vadd.f32 v6, v5;
	_ =	sdelay $0x1  }
0x2ad: {  	v6 =	vsub.f32 $0.0e+00, v5;
	_ =	sdelay $0x1  }
0x2ae: {  	v6 =	vmul.f32 $1.442695020e+00, v6;
	_ =	sdelay $0x1  }
0x2af: {  	(erf) = vpow2.f32 v6;
	_ =	sdelay $0x8  }
0x2b0: {  	v6 =	vpop (erf)  }
0x2b1: {  	v6 =	vadd.f32 $1.000000000e+00, v6;
	_ =	sdelay $0x1  }
0x2b2: {  	(erf) = vrcp.f32 v6;
	_ =	sdelay $0x8  }
.Ltmp21:
0x2b3: {  	s10 =	sadd.s32 $0x10, s10;
	s12 =	sshll.u32 s13, $0x7;
	v6 =	vpop (erf);
	(pc) =	sbr.rel @p2 .LBB2_28-.Ltmp21, $4  }
0x2b4: {  	s16 =	sadd.s32 s0, s7;
	s14 =	sshll.u32 s13, $0x6;
	s0 =	sand.u32 $0xFFFFFC00, s12;
	v5 =	vmul.f32 v6, v5  }
0x2b5: {  	s16 =	sadd.s32 s1, s16;
	s1 =	sand.u32 $0x70, s10;
	s12 =	sadd.s32 s0, s8  }
0x2b6: {  	s14 =	sand.u32 $0x3FFFFE00, s14;
	s17 =	sadd.s32 s1, s12;
	[tilespmem:s16+$0x0] =	vst v5  }
0x2b7: {  	s13 =	sadd.s32 $0x1, s13;
	s21 =	sadd.s32 s0, s4;
	s12 =	sor.u32 s1, s14;
	v5 =	vld [tilespmem:s17+$0x0]  }
0x2b8: {  	s4 =	sadd.s32 s1, s21;
	v6 =	vld [tilespmem:s12+$0x14000]  }
0x2b9: {  	s8 =	sadd.s32 s0, s11;
	s21 =	sadd.s32 $0x14000, s12;
	v7 =	vld [tilespmem:s4+$0x0]  }
0x2ba: {  	s17 =	sadd.s32 s1, s8;
	v9 =	vld [tilespmem:s21+$0x80]  }
0x2bb: {  	v8 =	vld [tilespmem:s17+$0x0]  }
0x2bc: {  	v10 =	vld [tilespmem:s21+$0x100]  }
0x2bd: {  	s22 =	sadd.s32 s0, s5  }
0x2be: {  	s4 =	sadd.s32 s1, s22;
	v12 =	vld [tilespmem:s21+$0x180]  }
0x2bf: {  	v11 =	vld [tilespmem:s4+$0x0]  }
0x2c0: {  	v6 =	vmul.f32 v6, v7;
	v62 =	vmul.f32 v9, v8  }
0x2c1: {  	v5 =	vmul.f32 v10, v5  }
0x2c2: {  	v1 =	vmul.f32 v6, v1;
	v4 =	vmul.f32 v62, v4;
	_ =	sdelay $0x1  }
0x2c3: {  	v63 =	vmul.f32 v12, v11;
	v3 =	vmul.f32 v5, v3;
	v1 =	vadd.f32 v4, v1;
	_ =	sdelay $0x1  }
0x2c4: {  	v2 =	vmul.f32 v63, v2;
	v1 =	vadd.f32 v3, v1;
	_ =	sdelay $0x1  }
0x2c5: {  	v1 =	vadd.f32 v2, v1;
	_ =	sdelay $0x1  }
0x2c6: {  	v2 =	vsub.f32 $0.0e+00, v1;
	_ =	sdelay $0x1  }
0x2c7: {  	v2 =	vmul.f32 $1.442695020e+00, v2;
	_ =	sdelay $0x1  }
0x2c8: {  	(erf) = vpow2.f32 v2;
	_ =	sdelay $0x8  }
0x2c9: {  	v2 =	vpop (erf)  }
0x2ca: {  	v2 =	vadd.f32 $1.000000000e+00, v2;
	_ =	sdelay $0x1  }
0x2cb: {  	(erf) = vrcp.f32 v2;
	_ =	sdelay $0x7  }
.Ltmp22:
0x2cc: {  	_ = 	snop;
	(pc) =	sbr.rel .LBB2_30-.Ltmp22, $4  }
0x2cd: {  	v2 =	vpop (erf)  }
0x2ce: {  	s31 =	sadd.s32 s0, s7;
	v1 =	vmul.f32 v2, v1  }
0x2cf: {  	s0 =	sadd.s32 s1, s31  }
0x2d0: {  	[tilespmem:s0+$0x0] =	vst v1  }
.LBB2_33:
0x2d1: {  	s0 =	sshll.u32 s25, $0x7  }
.Ltmp23:
0x2d2: {  	s1 =	simm.s32 $0x2000;
	s0 =	sadd.s32 s0, s9;
	(pc) =	sbr.rel @p1 .LBB2_35-.Ltmp23, $4  }
0x2d3: {  	[tilespmem:s1], [sflag:$0x1] =	stream.linear.gather [hbm4b:s0+s3], $0x4000, $0x38;
	[tilespmem:$0x15080] =	vst v63  }
0x2d4: {  	_ =	swait.ge [sflag:s18], $0x4000  }
0x2d5: {  	[sflag:s18] =	ssyncset.done $0x0  }
0x2d6: {  	[sflag:s18] =	ssyncadd.s32 $0xFFFFC000  }
.LBB2_34:
0x2d7: {  	_ =	swait.ge [sflag:s19], $0x4000  }
0x2d8: {  	[sflag:s19] =	ssyncset.done $0x0  }
0x2d9: {  	[sflag:s19] =	ssyncadd.s32 $0xFFFFC000  }
.LBB2_35:
0x2da: {  	s0 =	simm.s32 $0x0;
	s1 =	simm.s32 $0x0  }
0x2db: {  	s4 =	simm.s32 $0x0;
	s5 =	sand.u32 $0x70, s0;
	s1 =	sand.u32 $0x3FFFFE00, s1  }
0x2dc: {  	s4 =	sand.u32 $0xFFFFFC00, s4;
	s1 =	sor.u32 s5, s1  }
0x2dd: {  	s29 =	sor.u32 s5, s4;
	v1 =	vld [tilespmem:s1+$0x14000]  }
0x2de: {  	v2 =	vld [tilespmem:s29+$0x6280]  }
0x2df: {  	v3 =	vld [tilespmem:s29+$0x6300]  }
0x2e0: {  	v4 =	vld [tilespmem:s29+$0x8000]  }
0x2e1: {  	v5 =	vld [tilespmem:s29+$0x8080]  }
0x2e2: {  	v6 =	vld [tilespmem:s29+$0x8100]  }
0x2e3: {  	v7 =	vld [tilespmem:s29+$0x8180]  }
0x2e4: {  	v8 =	vld [tilespmem:s29+$0x8200]  }
0x2e5: {  	v9 =	vld [tilespmem:s29+$0x8280]  }
0x2e6: {  	v10 =	vld [tilespmem:s29+$0x8300]  }
0x2e7: {  	v11 =	vld [tilespmem:s29+$0xA000]  }
0x2e8: {  	v12 =	vld [tilespmem:s29+$0xA080]  }
0x2e9: {  	v13 =	vld [tilespmem:s29+$0xA100]  }
0x2ea: {  	v14 =	vld [tilespmem:s29+$0xA180]  }
0x2eb: {  	s1 =	sadd.s32 $0x14000, s1;
	v15 =	vld [tilespmem:s29+$0xA200]  }
0x2ec: {  	s4 =	sadd.s32 $0x0, s4;
	v17 =	vld [tilespmem:s1+$0x80];
	v2 =	vmul.f32 v2, v1  }
0x2ed: {  	s30 =	sor.u32 $0x380, s4;
	v20 =	vld [tilespmem:s1+$0x100];
	v16 =	vmul.f32 v3, v1;
	v18 =	vmul.f32 v4, v1  }
0x2ee: {  	v23 =	vld [tilespmem:s30+$0x6000];
	v19 =	vmul.f32 v5, v1;
	v21 =	vmul.f32 v6, v1  }
0x2ef: {  	v26 =	vld [tilespmem:s1+$0x180];
	v22 =	vmul.f32 v7, v1;
	v24 =	vmul.f32 v8, v1  }
0x2f0: {  	v25 =	vmul.f32 v9, v1;
	v27 =	vmul.f32 v10, v1  }
0x2f1: {  	v28 =	vmul.f32 v11, v1;
	v29 =	vmul.f32 v12, v1  }
0x2f2: {  	v30 =	vmul.f32 v13, v1;
	v31 =	vmul.f32 v14, v1  }
0x2f3: {  	v32 =	vmul.f32 v15, v1;
	v3 =	vmul.f32 v3, v17  }
0x2f4: {  	v33 =	vmul.f32 v23, v20;
	v34 =	vmul.f32 v4, v26  }
0x2f5: {  	v35 =	vmul.f32 v23, v17;
	v36 =	vmul.f32 v4, v20  }
0x2f6: {  	v37 =	vmul.f32 v5, v26;
	v23 =	vmul.f32 v23, v1  }
0x2f7: {  	v4 =	vmul.f32 v4, v17;
	v38 =	vmul.f32 v5, v20  }
0x2f8: {  	v39 =	vmul.f32 v6, v26;
	v5 =	vmul.f32 v5, v17  }
0x2f9: {  	s31 =	sor.u32 $0x2380, s4;
	v40 =	vmul.f32 v6, v20;
	v41 =	vmul.f32 v7, v26  }
0x2fa: {  	v42 =	vld [tilespmem:s31+$0x6000];
	v6 =	vmul.f32 v6, v17;
	v43 =	vmul.f32 v7, v20  }
0x2fb: {  	v44 =	vmul.f32 v8, v26;
	v7 =	vmul.f32 v7, v17  }
0x2fc: {  	v45 =	vmul.f32 v8, v20;
	v46 =	vmul.f32 v9, v26  }
0x2fd: {  	v8 =	vmul.f32 v8, v17;
	v47 =	vmul.f32 v9, v20  }
0x2fe: {  	v48 =	vmul.f32 v10, v26;
	v9 =	vmul.f32 v9, v17  }
0x2ff: {  	v49 =	vmul.f32 v10, v20;
	v50 =	vmul.f32 v42, v26  }
0x300: {  	v10 =	vmul.f32 v10, v17;
	v51 =	vmul.f32 v42, v20  }
0x301: {  	v52 =	vmul.f32 v11, v26;
	v53 =	vmul.f32 v42, v17  }
0x302: {  	v54 =	vmul.f32 v11, v20;
	v55 =	vmul.f32 v12, v26  }
0x303: {  	v42 =	vmul.f32 v42, v1;
	v58 =	vadd.f32 v3, v2;
	v33 =	vadd.f32 v34, v33  }
0x304: {  	v11 =	vmul.f32 v11, v17;
	v16 =	vadd.f32 v35, v16;
	v35 =	vadd.f32 v37, v36  }
0x305: {  	v56 =	vmul.f32 v12, v20;
	v4 =	vadd.f32 v4, v23;
	v23 =	vadd.f32 v39, v38  }
0x306: {  	v57 =	vmul.f32 v13, v26;
	v5 =	vadd.f32 v5, v18;
	v62 =	vadd.f32 v41, v40  }
0x307: {  	v12 =	vmul.f32 v12, v17;
	v6 =	vadd.f32 v6, v19;
	v63 =	vadd.f32 v44, v43  }
0x308: {  	v60 =	vmul.f32 v13, v20;
	v7 =	vadd.f32 v7, v21;
	v21 =	vadd.f32 v46, v45  }
0x309: {  	v61 =	vmul.f32 v14, v26;
	v8 =	vadd.f32 v8, v22;
	v22 =	vadd.f32 v48, v47  }
0x30a: {  	v13 =	vmul.f32 v13, v17;
	v9 =	vadd.f32 v9, v24;
	v49 =	vadd.f32 v50, v49  }
0x30b: {  	v18 =	vmul.f32 v14, v20;
	v10 =	vadd.f32 v10, v25;
	v52 =	vadd.f32 v52, v51  }
0x30c: {  	v19 =	vmul.f32 v15, v26;
	v27 =	vadd.f32 v53, v27;
	v53 =	vadd.f32 v55, v54  }
0x30d: {  	v1 =	vld [tilespmem:s29+$0xA280];
	v48 =	vmul.f32 v15, v20;
	v42 =	vadd.f32 v11, v42;
	v55 =	vadd.f32 v57, v56  }
0x30e: {  	v15 =	vmul.f32 v15, v17;
	v28 =	vadd.f32 v12, v28;
	v34 =	vadd.f32 v61, v60  }
0x30f: {  	v2 =	vld [tilespmem:s29+$0xA300];
	v29 =	vadd.f32 v13, v29;
	v56 =	vadd.f32 v19, v18  }
0x310: {  	v59 =	vadd.f32 v15, v31;
	v19 =	vadd.f32 v33, v58  }
0x311: {  	v14 =	vmul.f32 v14, v17;
	v3 =	vld [tilespmem:s29+$0xA380];
	v18 =	vadd.f32 v35, v16;
	v16 =	vadd.f32 v62, v5  }
0x312: {  	v15 =	vadd.f32 v63, v6;
	v50 =	vmul.f32 v1, v26;
	v54 =	vmul.f32 v1, v20  }
0x313: {  	v12 =	vmul.f32 v1, v17;
	v17 =	vadd.f32 v23, v4;
	v4 =	vsub.f32 $0.0e+00, v19  }
0x314: {  	v23 =	vsub.f32 $0.0e+00, v16;
	v62 =	vsub.f32 $0.0e+00, v15;
	v11 =	vmul.f32 v2, v26  }
0x315: {  	v13 =	vmul.f32 v2, v20;
	v20 =	vadd.f32 v14, v30;
	v57 =	vadd.f32 v50, v48  }
0x316: {  	v14 =	vmul.f32 v3, v26;
	v32 =	vadd.f32 v12, v32;
	v12 =	vadd.f32 v49, v9  }
0x317: {  	v9 =	vadd.f32 v55, v42;
	v60 =	vadd.f32 v11, v54  }
0x318: {  	v61 =	vadd.f32 v14, v13;
	v14 =	vadd.f32 v21, v7  }
0x319: {  	v13 =	vadd.f32 v22, v8;
	v11 =	vadd.f32 v52, v10  }
0x31a: {  	v24 =	vmul.f32 $1.442695020e+00, v62;
	v6 =	vadd.f32 v57, v20;
	v20 =	vsub.f32 $0.0e+00, v18  }
0x31b: {  	v10 =	vadd.f32 v53, v27;
	v21 =	vmul.f32 $1.442695020e+00, v4;
	v22 =	vsub.f32 $0.0e+00, v17  }
0x31c: {  	v8 =	vadd.f32 v34, v28;
	v7 =	vadd.f32 v56, v29;
	v20 =	vmul.f32 $1.442695020e+00, v20  }
0x31d: {  	v5 =	vadd.f32 v60, v59;
	v22 =	vmul.f32 $1.442695020e+00, v22;
	(erf) = vpow2.f32 v21  }
0x31e: {  	v21 =	vmul.f32 $1.442695020e+00, v23;
	v23 =	vsub.f32 $0.0e+00, v14;
	(erf) = vpow2.f32 v20  }
0x31f: {  	v4 =	vadd.f32 v61, v32;
	v63 =	vsub.f32 $0.0e+00, v13;
	(erf) = vpow2.f32 v22  }
0x320: {  	v20 =	vmul.f32 $1.442695020e+00, v23;
	v23 =	vsub.f32 $0.0e+00, v12;
	(erf) = vpow2.f32 v21  }
0x321: {  	p1 =	seq.s32 s23, $0xF;
	s1 =	simm.s32 $0x1;
	v22 =	vsub.f32 $0.0e+00, v11;
	v21 =	vmul.f32 $1.442695020e+00, v63;
	(erf) = vpow2.f32 v24  }
.LBB2_36:
0x322: {  	s4 =	sshll.u32 s1, $0x6;
	v23 =	vmul.f32 $1.442695020e+00, v23;
	v24 =	vsub.f32 $0.0e+00, v10;
	s0 =	sadd.s32 $0x10, s0;
	(erf) = vpow2.f32 v20  }
0x323: {  	s5 =	sshll.u32 s1, $0x7;
	v25 =	vsub.f32 $0.0e+00, v9;
	s7 =	sand.u32 $0x70, s0;
	s8 =	sand.u32 $0x3FFFFE00, s4;
	v22 =	vmul.f32 $1.442695020e+00, v22;
	(erf) = vpow2.f32 v21  }
0x324: {  	s4 =	sand.u32 $0xFFFFFC00, s5;
	s5 =	sor.u32 s7, s8;
	v21 =	vmul.f32 $1.442695020e+00, v24;
	v24 =	vsub.f32 $0.0e+00, v8;
	(erf) = vpow2.f32 v23  }
0x325: {  	s11 =	sor.u32 s7, s4;
	v23 =	vmul.f32 $1.442695020e+00, v25;
	v25 =	vsub.f32 $0.0e+00, v7;
	v20 =	vld [tilespmem:s5+$0x14000];
	(erf) = vpow2.f32 v22  }
0x326: {  	v26 =	vsub.f32 $0.0e+00, v6;
	v22 =	vld [tilespmem:s11+$0x6280];
	v24 =	vmul.f32 $1.442695020e+00, v24;
	v27 =	vpop (erf);
	(erf) = vpow2.f32 v21  }
0x327: {  	v30 =	vsub.f32 $0.0e+00, v5;
	v21 =	vmul.f32 $1.442695020e+00, v25;
	v44 =	vld [tilespmem:s11+$0x6300];
	v28 =	vpop (erf);
	(erf) = vpow2.f32 v23  }
0x328: {  	v31 =	vsub.f32 $0.0e+00, v4;
	v23 =	vmul.f32 $1.442695020e+00, v26;
	v42 =	vld [tilespmem:s11+$0x8000];
	v29 =	vpop (erf);
	(erf) = vpow2.f32 v24  }
0x329: {  	v24 =	vmul.f32 $1.442695020e+00, v30;
	v41 =	vld [tilespmem:s11+$0x8080];
	v25 =	vpop (erf);
	(erf) = vpow2.f32 v21  }
0x32a: {  	v21 =	vmul.f32 $1.442695020e+00, v31;
	v40 =	vld [tilespmem:s11+$0x8100];
	v26 =	vpop (erf);
	(erf) = vpow2.f32 v23  }
0x32b: {  	v23 =	vadd.f32 $1.000000000e+00, v27;
	v35 =	vld [tilespmem:s11+$0x8180];
	v22 =	vmul.f32 v22, v20;
	v27 =	vpop (erf);
	(erf) = vpow2.f32 v24  }
0x32c: {  	v28 =	vadd.f32 $1.000000000e+00, v28;
	v36 =	vld [tilespmem:s11+$0x8200];
	v24 =	vmul.f32 v44, v20;
	v30 =	vpop (erf);
	(erf) = vpow2.f32 v21  }
0x32d: {  	v29 =	vadd.f32 $1.000000000e+00, v29;
	v38 =	vld [tilespmem:s11+$0x8280];
	v21 =	vmul.f32 v42, v20;
	v31 =	vpop (erf);
	(erf) = vrcp.f32 v23  }
0x32e: {  	v32 =	vadd.f32 $1.000000000e+00, v25;
	v39 =	vld [tilespmem:s11+$0x8300];
	v23 =	vmul.f32 v41, v20;
	v43 =	vpop (erf);
	(erf) = vrcp.f32 v28  }
0x32f: {  	v28 =	vadd.f32 $1.000000000e+00, v26;
	v34 =	vld [tilespmem:s11+$0xA000];
	v25 =	vmul.f32 v40, v20;
	v45 =	vpop (erf);
	(erf) = vrcp.f32 v29  }
0x330: {  	v27 =	vadd.f32 $1.000000000e+00, v27;
	v37 =	vld [tilespmem:s11+$0xA080];
	v26 =	vmul.f32 v35, v20;
	v46 =	vpop (erf);
	(erf) = vrcp.f32 v32  }
0x331: {  	v47 =	vadd.f32 $1.000000000e+00, v30;
	v33 =	vld [tilespmem:s11+$0xA100];
	v29 =	vmul.f32 v36, v20;
	v48 =	vpop (erf);
	(erf) = vrcp.f32 v28  }
0x332: {  	v28 =	vadd.f32 $1.000000000e+00, v31;
	v30 =	vmul.f32 v38, v20;
	v49 =	vpop (erf);
	(erf) = vrcp.f32 v27  }
0x333: {  	v31 =	vadd.f32 $1.000000000e+00, v43;
	v32 =	vmul.f32 v39, v20;
	v50 =	vpop (erf);
	(erf) = vrcp.f32 v47  }
0x334: {  	v43 =	vadd.f32 $1.000000000e+00, v45;
	v27 =	vmul.f32 v34, v20;
	v45 =	vpop (erf);
	(erf) = vrcp.f32 v28  }
0x335: {  	v46 =	vadd.f32 $1.000000000e+00, v46;
	v28 =	vmul.f32 v37, v20;
	v47 =	vpop (erf);
	(erf) = vrcp.f32 v31  }
0x336: {  	v48 =	vadd.f32 $1.000000000e+00, v48;
	v31 =	vmul.f32 v33, v20;
	v51 =	vpop (erf);
	(erf) = vrcp.f32 v43  }
0x337: {  	v49 =	vadd.f32 $1.000000000e+00, v49;
	v43 =	vld [tilespmem:s11+$0xA180];
	v53 =	vmul.f32 v51, v19;
	v52 =	vpop (erf);
	(erf) = vrcp.f32 v46  }
0x338: {  	s7 =	sadd.s32 $0x14000, s5;
	v50 =	vadd.f32 $1.000000000e+00, v50;
	v19 =	vld [tilespmem:s11+$0xA200];
	v46 =	vmul.f32 v52, v18;
	v52 =	vpop (erf);
	(erf) = vrcp.f32 v48  }
0x339: {  	s8 =	sadd.s32 $0x10000, s29;
	s5 =	sadd.s32 s4, s0;
	v18 =	vld [tilespmem:s7+$0x80];
	[tilespmem:s29+$0x10000] =	vst v53;
	v52 =	vmul.f32 v52, v17;
	v53 =	vadd.f32 $1.000000000e+00, v45;
	v51 =	vpop (erf);
	(erf) = vrcp.f32 v49  }
0x33a: {  	s4 =	sor.u32 $0x380, s5;
	v17 =	vld [tilespmem:s7+$0x100];
	[tilespmem:s8+$0x80] =	vst v46;
	v16 =	vmul.f32 v51, v16;
	v51 =	vadd.f32 $1.000000000e+00, v47;
	v47 =	vpop (erf);
	(erf) = vrcp.f32 v50  }
0x33b: {  	v49 =	vld [tilespmem:s4+$0x6000];
	[tilespmem:s8+$0x100] =	vst v52;
	v47 =	vmul.f32 v47, v15;
	v48 =	vpop (erf);
	(erf) = vrcp.f32 v53  }
0x33c: {  	v15 =	vld [tilespmem:s7+$0x180];
	[tilespmem:s8+$0x180] =	vst v16;
	v48 =	vmul.f32 v48, v14;
	v45 =	vpop (erf);
	(erf) = vrcp.f32 v51  }
0x33d: {  	v14 =	vmul.f32 v43, v20;
	[tilespmem:s8+$0x200] =	vst v47;
	v45 =	vmul.f32 v45, v13;
	v46 =	vpop (erf)  }
0x33e: {  	v13 =	vmul.f32 v19, v20;
	[tilespmem:s29+$0x10280] =	vst v48;
	v46 =	vmul.f32 v46, v12;
	v16 =	vpop (erf)  }
0x33f: {  	v44 =	vmul.f32 v44, v18;
	[tilespmem:s29+$0x10300] =	vst v45;
	v47 =	vmul.f32 v16, v11;
	v16 =	vpop (erf)  }
0x340: {  	v45 =	vmul.f32 v49, v17;
	[tilespmem:s30+$0x10000] =	vst v46;
	v46 =	vmul.f32 v16, v10;
	v12 =	vpop (erf)  }
0x341: {  	v16 =	vmul.f32 v42, v15;
	[tilespmem:s29+$0x12000] =	vst v47;
	v47 =	vmul.f32 v12, v9;
	v11 =	vpop (erf)  }
0x342: {  	v12 =	vmul.f32 v49, v18;
	[tilespmem:s29+$0x12080] =	vst v46;
	v46 =	vmul.f32 v11, v8;
	v10 =	vpop (erf)  }
0x343: {  	v11 =	vmul.f32 v42, v17;
	[tilespmem:s29+$0x12100] =	vst v47;
	v47 =	vmul.f32 v10, v7;
	v9 =	vpop (erf)  }
0x344: {  	v10 =	vmul.f32 v41, v15;
	[tilespmem:s29+$0x12180] =	vst v46;
	v6 =	vmul.f32 v9, v6;
	v8 =	vpop (erf)  }
0x345: {  	v9 =	vmul.f32 v49, v20;
	[tilespmem:s29+$0x12200] =	vst v47;
	v5 =	vmul.f32 v8, v5;
	v7 =	vpop (erf)  }
0x346: {  	v8 =	vmul.f32 v42, v18;
	[tilespmem:s29+$0x12280] =	vst v6;
	v4 =	vmul.f32 v7, v4  }
0x347: {  	v6 =	vmul.f32 v41, v17;
	v7 =	vmul.f32 v40, v15;
	[tilespmem:s29+$0x12300] =	vst v5  }
0x348: {  	s7 =	sor.u32 $0x280, s29;
	v5 =	vmul.f32 v41, v18;
	v41 =	vmul.f32 v40, v17;
	[tilespmem:s31+$0x10000] =	vst v4  }
0x349: {  	v40 =	vmul.f32 v40, v18;
	s31 =	sor.u32 $0x2380, s5;
	v4 =	vmul.f32 v35, v15;
	s5 =	sor.u32 $0x300, s29;
	s29 =	smov.u32 s11;
	[tilespmem:s7+$0x0] =	vst @!p1 v1  }
0x34a: {  	v46 =	vmul.f32 v36, v15;
	v42 =	vmul.f32 v35, v17;
	v1 =	vld [tilespmem:s31+$0x6000];
	[tilespmem:s5+$0x0] =	vst @!p1 v2  }
0x34b: {  	v47 =	vmul.f32 v36, v17;
	v35 =	vmul.f32 v35, v18;
	[tilespmem:s30+$0x0] =	vst @!p1 v3;
	s30 =	smov.u32 s4  }
0x34c: {  	v36 =	vmul.f32 v36, v18;
	v3 =	vmul.f32 v38, v15  }
0x34d: {  	v48 =	vmul.f32 v38, v17;
	v49 =	vmul.f32 v39, v15  }
0x34e: {  	v50 =	vmul.f32 v39, v17;
	v38 =	vmul.f32 v38, v18  }
0x34f: {  	v39 =	vmul.f32 v39, v18;
	v51 =	vmul.f32 v1, v15  }
0x350: {  	v53 =	vmul.f32 v34, v15;
	v52 =	vmul.f32 v1, v17  }
0x351: {  	v55 =	vmul.f32 v34, v17;
	v54 =	vmul.f32 v1, v18  }
0x352: {  	v56 =	vmul.f32 v37, v15;
	v20 =	vmul.f32 v1, v20  }
0x353: {  	v57 =	vmul.f32 v37, v17;
	v34 =	vmul.f32 v34, v18  }
0x354: {  	v58 =	vmul.f32 v33, v15;
	v37 =	vmul.f32 v37, v18  }
0x355: {  	v22 =	vadd.f32 v44, v22;
	v44 =	vmul.f32 v33, v17;
	v16 =	vadd.f32 v16, v45  }
0x356: {  	v12 =	vadd.f32 v12, v24;
	v10 =	vadd.f32 v10, v11;
	v11 =	vmul.f32 v43, v15  }
0x357: {  	v8 =	vadd.f32 v8, v9;
	v6 =	vadd.f32 v7, v6;
	v7 =	vmul.f32 v33, v18;
	v1 =	vld [tilespmem:s29+$0xA280]  }
0x358: {  	v9 =	vmul.f32 v43, v17;
	v5 =	vadd.f32 v5, v21;
	v4 =	vadd.f32 v4, v41  }
0x359: {  	v24 =	vmul.f32 v19, v15;
	v21 =	vadd.f32 v40, v23;
	v23 =	vadd.f32 v46, v42  }
0x35a: {  	v25 =	vadd.f32 v35, v25;
	v35 =	vmul.f32 v43, v18;
	v33 =	vadd.f32 v3, v47;
	v2 =	vld [tilespmem:s29+$0xA300]  }
0x35b: {  	v26 =	vadd.f32 v36, v26;
	v36 =	vadd.f32 v49, v48;
	v40 =	vmul.f32 v19, v17  }
0x35c: {  	v29 =	vadd.f32 v38, v29;
	v38 =	vadd.f32 v51, v50;
	v41 =	vmul.f32 v1, v15  }
0x35d: {  	v30 =	vadd.f32 v39, v30;
	v19 =	vmul.f32 v19, v18;
	v39 =	vadd.f32 v53, v52;
	v3 =	vld [tilespmem:s29+$0xA380]  }
0x35e: {  	v42 =	vadd.f32 v56, v55;
	v32 =	vadd.f32 v54, v32;
	v43 =	vmul.f32 v1, v17  }
0x35f: {  	v20 =	vadd.f32 v34, v20;
	v34 =	vadd.f32 v58, v57;
	v45 =	vmul.f32 v2, v15  }
0x360: {  	v27 =	vadd.f32 v37, v27;
	v37 =	vadd.f32 v11, v44;
	v11 =	vmul.f32 v1, v18  }
0x361: {  	v24 =	vadd.f32 v24, v9;
	v7 =	vadd.f32 v7, v28;
	v9 =	vmul.f32 v2, v17  }
0x362: {  	v28 =	vadd.f32 v35, v31;
	v31 =	vadd.f32 v41, v40;
	v15 =	vmul.f32 v3, v15  }
0x363: {  	v35 =	vadd.f32 v19, v14;
	v40 =	vadd.f32 v45, v43  }
0x364: {  	v41 =	vadd.f32 v11, v13;
	v43 =	vadd.f32 v15, v9  }
0x365: {  	v19 =	vadd.f32 v16, v22;
	v18 =	vadd.f32 v10, v12  }
0x366: {  	v16 =	vadd.f32 v4, v5;
	v17 =	vadd.f32 v6, v8  }
0x367: {  	v14 =	vadd.f32 v33, v25;
	v15 =	vadd.f32 v23, v21  }
0x368: {  	v12 =	vadd.f32 v38, v29;
	v13 =	vadd.f32 v36, v26  }
0x369: {  	v10 =	vadd.f32 v42, v32;
	v11 =	vadd.f32 v39, v30  }
0x36a: {  	v8 =	vadd.f32 v37, v27;
	v9 =	vadd.f32 v34, v20  }
0x36b: {  	v7 =	vadd.f32 v24, v7;
	v4 =	vsub.f32 $0.0e+00, v19  }
0x36c: {  	v6 =	vadd.f32 v31, v28;
	v20 =	vsub.f32 $0.0e+00, v18  }
0x36d: {  	s1 =	sadd.s32 $0x1, s1;
	v22 =	vsub.f32 $0.0e+00, v17;
	v5 =	vadd.f32 v40, v35;
	v21 =	vmul.f32 $1.442695020e+00, v4  }
0x36e: {  	p0 =	sne.s32 s1, $0x40;
	v23 =	vsub.f32 $0.0e+00, v16;
	v4 =	vadd.f32 v43, v41;
	v20 =	vmul.f32 $1.442695020e+00, v20  }
.Ltmp24:
0x36f: {  	v22 =	vmul.f32 $1.442695020e+00, v22;
	v24 =	vsub.f32 $0.0e+00, v15;
	(erf) = vpow2.f32 v21;
	(pc) =	sbr.rel @p0 .LBB2_36-.Ltmp24, $4  }
0x370: {  	v21 =	vmul.f32 $1.442695020e+00, v23;
	v23 =	vsub.f32 $0.0e+00, v14;
	(erf) = vpow2.f32 v20  }
0x371: {  	v25 =	vsub.f32 $0.0e+00, v13;
	v24 =	vmul.f32 $1.442695020e+00, v24;
	(erf) = vpow2.f32 v22  }
0x372: {  	v20 =	vmul.f32 $1.442695020e+00, v23;
	v23 =	vsub.f32 $0.0e+00, v12;
	(erf) = vpow2.f32 v21  }
0x373: {  	v22 =	vsub.f32 $0.0e+00, v11;
	v21 =	vmul.f32 $1.442695020e+00, v25;
	(erf) = vpow2.f32 v24  }
0x374: {  	v23 =	vmul.f32 $1.442695020e+00, v23;
	v24 =	vsub.f32 $0.0e+00, v10;
	(erf) = vpow2.f32 v20  }
0x375: {  	v34 =	vsub.f32 $0.0e+00, v9;
	v33 =	vmul.f32 $1.442695020e+00, v22;
	(erf) = vpow2.f32 v21  }
0x376: {  	v36 =	vsub.f32 $0.0e+00, v8;
	v35 =	vmul.f32 $1.442695020e+00, v24;
	(erf) = vpow2.f32 v23  }
0x377: {  	v37 =	vsub.f32 $0.0e+00, v7;
	v22 =	vmul.f32 $1.442695020e+00, v34;
	(erf) = vpow2.f32 v33  }
0x378: {  	v39 =	vsub.f32 $0.0e+00, v6;
	v38 =	vmul.f32 $1.442695020e+00, v36;
	v25 =	vpop (erf);
	(erf) = vpow2.f32 v35  }
0x379: {  	v41 =	vsub.f32 $0.0e+00, v5;
	v40 =	vmul.f32 $1.442695020e+00, v37;
	v26 =	vpop (erf);
	(erf) = vpow2.f32 v22  }
0x37a: {  	v43 =	vsub.f32 $0.0e+00, v4;
	v42 =	vmul.f32 $1.442695020e+00, v39;
	v27 =	vpop (erf);
	(erf) = vpow2.f32 v38  }
0x37b: {  	v44 =	vmul.f32 $1.442695020e+00, v41;
	v45 =	vpop (erf);
	(erf) = vpow2.f32 v40  }
0x37c: {  	v46 =	vmul.f32 $1.442695020e+00, v43;
	v47 =	vpop (erf);
	(erf) = vpow2.f32 v42  }
0x37d: {  	v48 =	vadd.f32 $1.000000000e+00, v25;
	v49 =	vpop (erf);
	(erf) = vpow2.f32 v44  }
0x37e: {  	v50 =	vadd.f32 $1.000000000e+00, v26;
	v51 =	vpop (erf);
	(erf) = vpow2.f32 v46  }
0x37f: {  	v52 =	vadd.f32 $1.000000000e+00, v27;
	v53 =	vpop (erf);
	(erf) = vrcp.f32 v48  }
0x380: {  	v54 =	vadd.f32 $1.000000000e+00, v45;
	v55 =	vpop (erf);
	(erf) = vrcp.f32 v50  }
0x381: {  	v56 =	vadd.f32 $1.000000000e+00, v47;
	v57 =	vpop (erf);
	(erf) = vrcp.f32 v52  }
0x382: {  	v58 =	vadd.f32 $1.000000000e+00, v49;
	v59 =	vpop (erf);
	(erf) = vrcp.f32 v54  }
0x383: {  	v60 =	vadd.f32 $1.000000000e+00, v51;
	v61 =	vpop (erf);
	(erf) = vrcp.f32 v56  }
0x384: {  	v62 =	vadd.f32 $1.000000000e+00, v53;
	v63 =	vpop (erf);
	(erf) = vrcp.f32 v58  }
0x385: {  	v30 =	vadd.f32 $1.000000000e+00, v55;
	v31 =	vpop (erf);
	(erf) = vrcp.f32 v60  }
0x386: {  	v32 =	vadd.f32 $1.000000000e+00, v57;
	v33 =	vpop (erf);
	(erf) = vrcp.f32 v62  }
0x387: {  	v34 =	vadd.f32 $1.000000000e+00, v59;
	v35 =	vpop (erf);
	(erf) = vrcp.f32 v30  }
0x388: {  	v36 =	vadd.f32 $1.000000000e+00, v61;
	v37 =	vpop (erf);
	(erf) = vrcp.f32 v32  }
0x389: {  	v38 =	vadd.f32 $1.000000000e+00, v63;
	v19 =	vmul.f32 v37, v19;
	v39 =	vpop (erf);
	(erf) = vrcp.f32 v34  }
0x38a: {  	v40 =	vadd.f32 $1.000000000e+00, v31;
	v18 =	vmul.f32 v39, v18;
	v41 =	vpop (erf);
	(erf) = vrcp.f32 v36  }
0x38b: {  	s0 =	sadd.s32 $0x10000, s29;
	v42 =	vadd.f32 $1.000000000e+00, v33;
	[tilespmem:s29+$0x10000] =	vst v19;
	v17 =	vmul.f32 v41, v17;
	v43 =	vpop (erf);
	(erf) = vrcp.f32 v38  }
0x38c: {  	v44 =	vadd.f32 $1.000000000e+00, v35;
	[tilespmem:s0+$0x80] =	vst v18;
	v16 =	vmul.f32 v43, v16;
	v45 =	vpop (erf);
	(erf) = vrcp.f32 v40  }
0x38d: {  	[tilespmem:s0+$0x100] =	vst v17;
	v15 =	vmul.f32 v45, v15;
	v46 =	vpop (erf);
	(erf) = vrcp.f32 v42  }
0x38e: {  	[tilespmem:s0+$0x180] =	vst v16;
	v14 =	vmul.f32 v46, v14;
	v47 =	vpop (erf);
	(erf) = vrcp.f32 v44  }
0x38f: {  	[tilespmem:s0+$0x200] =	vst v15;
	v13 =	vmul.f32 v47, v13;
	v48 =	vpop (erf)  }
0x390: {  	[tilespmem:s29+$0x10280] =	vst v14;
	v12 =	vmul.f32 v48, v12;
	v49 =	vpop (erf)  }
0x391: {  	[tilespmem:s29+$0x10300] =	vst v13;
	v11 =	vmul.f32 v49, v11;
	v50 =	vpop (erf)  }
0x392: {  	[tilespmem:s30+$0x10000] =	vst v12;
	v51 =	vmul.f32 v50, v10;
	v52 =	vpop (erf)  }
0x393: {  	[tilespmem:s29+$0x12000] =	vst v11;
	v53 =	vmul.f32 v52, v9;
	v54 =	vpop (erf)  }
0x394: {  	[tilespmem:s29+$0x12080] =	vst v51;
	v55 =	vmul.f32 v54, v8;
	v56 =	vpop (erf)  }
0x395: {  	[tilespmem:s29+$0x12100] =	vst v53;
	v57 =	vmul.f32 v56, v7;
	v58 =	vpop (erf)  }
0x396: {  	[tilespmem:s29+$0x12180] =	vst v55;
	v59 =	vmul.f32 v58, v6;
	v60 =	vpop (erf)  }
0x397: {  	[tilespmem:s29+$0x12200] =	vst v57;
	v61 =	vmul.f32 v60, v5;
	v62 =	vpop (erf)  }
0x398: {  	[tilespmem:s29+$0x12280] =	vst v59;
	v63 =	vmul.f32 v62, v4  }
0x399: {  	[tilespmem:s29+$0x12300] =	vst v61  }
0x39a: {  	[tilespmem:s31+$0x10000] =	vst v63;
	s31 =	sand.u32 $0x2, s28  }
0x39b: {  	p0 =	seq.s32 s31, $0x0  }
.Ltmp25:
0x39c: {  	_ = 	snop;
	(pc) =	sbr.rel @p0 .LBB2_58-.Ltmp25, $4  }
0x39d: {  	s0 =	sor.u32 $0x280, s29  }
0x39e: {  	s1 =	sor.u32 $0x300, s29;
	[tilespmem:s0+$0x0] =	vst @!p1 v1  }
0x39f: {  	[tilespmem:s1+$0x0] =	vst @!p1 v2  }
0x3a0: {  	[tilespmem:s30+$0x0] =	vst @!p1 v3  }
.Ltmp26:
0x3a1: {  	(pc) =	sbr.rel .LBB2_39-.Ltmp26, $2  }
0x3a2: {  	_ =	sdelay $0x2  }
0x3a3: {  	s26 =	sadd.s32 $0x20, s26;
	s28 =	simm.s32 $0x1  }
.LBB2_57:
0x3a4: {  	s28 =	sadd.s32 $0x1, s28  }
0x3a5: {  	p0 =	sne.s32 s28, $0x10  }
.Ltmp27:
0x3a6: {  	_ = 	snop;
	(pc) =	sbr.rel @!p0 .LBB2_58-.Ltmp27, $1  }
0x3a7: {  	_ =	sdelay $0x3  }
.LBB2_39:
0x3a8: {  	v1 =	vld [tilespmem:s28+$0x15000];
	_ =	sdelay $0x4  }
0x3a9: {  	(v2sf) =	vpush v1, $0x0;
	_ =	sdelay $0xe  }
0x3aa: {  	s29 =	spop (v2sf)  }
0x3ab: {  	p0 =	slt.s32 s29, s25  }
0x3ac: {  	p1 =	sge.s32 @!p0 s29, s26  }
0x3ad: {  	p0 =	por p0, p1  }
.Ltmp28:
0x3ae: {  	_ = 	snop;
	(pc) =	sbr.rel @p0 .LBB2_45-.Ltmp28, $2  }
0x3af: {  	_ =	sdelay $0x2  }
0x3b0: {  	s0 =	simm.s32 $0x0  }
0x3b1: {  	s1 =	sshra.s32 s0, $0x2  }
0x3b2: {  	v1 =	vld [tilespmem:s1+$0x15001]  }
0x3b3: {  	v2 =	vld [tilespmem:s1+$0x15000];
	_ =	sdelay $0x3  }
0x3b4: {  	(v2sf) =	vpush v1, $0x0  }
0x3b5: {  	(v2sf) =	vpush v2, $0x0;
	_ =	sdelay $0x4  }
0x3b6: {  	s21 =	sadd.s32 $0x4, s0  }
0x3b7: {  	s22 =	sshra.s32 s21, $0x2  }
0x3b8: {  	s0 =	sadd.s32 $0x4, s21;
	v1 =	vld [tilespmem:s22+$0x15001]  }
0x3b9: {  	s30 =	sshra.s32 s0, $0x2;
	v2 =	vld [tilespmem:s22+$0x15000]  }
0x3ba: {  	v3 =	vld [tilespmem:s30+$0x15001]  }
0x3bb: {  	v4 =	vld [tilespmem:s30+$0x15000];
	_ =	sdelay $0x1  }
0x3bc: {  	(v2sf) =	vpush v1, $0x0  }
0x3bd: {  	(v2sf) =	vpush v2, $0x0  }
0x3be: {  	s5 =	spop (v2sf);
	(v2sf) =	vpush v3, $0x0  }
0x3bf: {  	s31 =	spop (v2sf);
	(v2sf) =	vpush v4, $0x0;
	_ =	sdelay $0x1  }
0x3c0: {  	s0 =	sadd.s32 $0x4, s0  }
0x3c1: {  	s4 =	sshra.s32 s0, $0x2  }
0x3c2: {  	v1 =	vld [tilespmem:s4+$0x15001]  }
0x3c3: {  	v2 =	vld [tilespmem:s4+$0x15000];
	_ =	sdelay $0x1  }
0x3c4: {  	s1 =	sadd.s32 $0x4, s0  }
0x3c5: {  	s0 =	simm.s32 $0x1;
	p0 =	sle.s32 s5, s29;
	p2 =	sne.s32 s5, s31  }
.LBB2_41:
0x3c6: {  	s4 =	sshra.s32 s1, $0x2;
	(v2sf) =	vpush v1, $0x0;
	p0 =	por !p0, !p2  }
0x3c7: {  	p1 =	sne.s32 s1, $0x38;
	s1 =	sadd.s32 $0x4, s1;
	v1 =	vld [tilespmem:s4+$0x15001];
	(v2sf) =	vpush v2, $0x0;
	p0 =	por !p0, !p0  }
.Ltmp29:
0x3c8: {  	v2 =	vld [tilespmem:s4+$0x15000];
	s4 =	simm.s32 $0x1;
	(pc) =	sbr.rel @p1 .LBB2_41-.Ltmp29, $4  }
0x3c9: {  	s4 =	simm.s32 @!p0 $0x0  }
0x3ca: {  	s5 =	spop (v2sf);
	s0 =	sadd.s32 s4, s0  }
0x3cb: {  	s4 =	spop (v2sf)  }
0x3cc: {  	p0 =	sle.s32 s5, s29;
	p2 =	sne.s32 s5, s4  }
0x3cd: {  	(v2sf) =	vpush v1, $0x0  }
0x3ce: {  	(v2sf) =	vpush v2, $0x0;
	_ =	sdelay $0x8  }
0x3cf: {  	p0 =	por !p0, !p2;
	s1 =	spop (v2sf)  }
0x3d0: {  	s4 =	simm.s32 $0x1;
	s7 =	simm.s32 $0x1;
	s5 =	spop (v2sf)  }
0x3d1: {  	p0 =	por !p0, !p0;
	p1 =	sle.s32 s1, s29;
	p6 =	sne.s32 s1, s5  }
0x3d2: {  	s4 =	simm.s32 @!p0 $0x0;
	p1 =	por !p1, !p6;
	s30 =	spop (v2sf)  }
0x3d3: {  	s1 =	simm.s32 $0x1;
	p0 =	por !p1, !p1;
	s31 =	spop (v2sf)  }
0x3d4: {  	s0 =	sadd.s32 s4, s0;
	s7 =	simm.s32 @!p0 $0x0;
	s8 =	spop (v2sf)  }
0x3d5: {  	p2 =	sle.s32 s30, s29;
	p4 =	sne.s32 s30, s31;
	s10 =	spop (v2sf)  }
0x3d6: {  	p0 =	por !p2, !p4;
	p5 =	sle.s32 s8, s29;
	p3 =	sne.s32 s8, s10  }
0x3d7: {  	s4 =	simm.s32 $0x1;
	p0 =	por !p0, !p0;
	p6 =	por !p5, !p3  }
0x3d8: {  	s0 =	sadd.s32 s7, s0;
	s1 =	simm.s32 @!p0 $0x0;
	p0 =	por !p6, !p6  }
0x3d9: {  	s0 =	sadd.s32 s1, s0;
	s4 =	simm.s32 @!p0 $0x0  }
0x3da: {  	s0 =	sadd.s32 s4, s0  }
0x3db: {  	v1 =	vld [tilespmem:s0+$0x14FFF];
	_ =	sdelay $0x4  }
0x3dc: {  	(v2sf) =	vpush v1, $0x0;
	_ =	sdelay $0x3  }
0x3dd: {  	s11 =	sadd.s32 $0xFFFFFFFE, s29;
	s12 =	sadd.s32 $0xFFFFFFFF, s29  }
0x3de: {  	s14 =	simm.f32 $0.0e+00;
	s7 =	simm.f32 $0.0e+00;
	s1 =	ssub.s32 s29, s25  }
0x3df: {  	s13 =	sadd.s32 $0x5, s1;
	s17 =	sadd.s32 $0x6, s1;
	s22 =	sadd.s32 $0x7, s1  }
0x3e0: {  	s1 =	sshll.u32 s1, $0xA;
	s16 =	sshll.u32 s13, $0xA;
	s21 =	sshll.u32 s17, $0xA  }
0x3e1: {  	s5 =	sshll.u32 s17, $0x7;
	s31 =	sshll.u32 s22, $0xA;
	s17 =	sshll.u32 s29, $0x7  }
0x3e2: {  	s1 =	sand.u32 $0xFFFFE000, s1;
	s10 =	sadd.s32 $0xFFFFFFFD, s29;
	s0 =	sshll.u32 s13, $0x7  }
0x3e3: {  	s5 =	sand.u32 $0x380, s5;
	s4 =	sand.u32 $0xFFFFE000, s16;
	s0 =	sand.u32 $0x380, s0  }
0x3e4: {  	s16 =	sshll.u32 s22, $0x7;
	s22 =	simm.s32 $0x0;
	s0 =	sor.u32 s0, s4  }
0x3e5: {  	s4 =	sand.u32 $0xFFFFE000, s21;
	s21 =	sand.u32 $0x380, s17;
	s17 =	simm.s32 $0x0  }
0x3e6: {  	s30 =	sor.u32 s5, s4;
	s5 =	sand.u32 $0xFFFFE000, s31;
	s4 =	sand.u32 $0x380, s16  }
0x3e7: {  	s13 =	sadd.s32 $0x6000, s0;
	s16 =	sor.u32 s21, s1;
	s0 =	sor.u32 s4, s5  }
0x3e8: {  	s5 =	sadd.s32 $0x6000, s0;
	s0 =	sand.u32 $0xFFFFFC00, s22;
	s8 =	spop (v2sf)  }
0x3e9: {  	s4 =	sadd.s32 $0x8000, s16;
	s21 =	sadd.s32 s0, s5;
	p0 =	slt.s32 s10, s8  }
0x3ea: {  	s10 =	simm.f32 $0.0e+00;
	p1 =	slt.s32 s12, s8;
	s12 =	simm.f32 $0.0e+00  }
0x3eb: {  	s7 =	simm.s32 @!p0 $0x3F800000;
	p0 =	slt.s32 s11, s8;
	s12 =	simm.s32 @!p1 $0x3F800000  }
0x3ec: {  	s10 =	simm.s32 @!p0 $0x3F800000;
	p0 =	slt.s32 s29, s8;
	s8 =	simm.s32 $0x0  }
0x3ed: {  	s11 =	sadd.s32 $0x6000, s30;
	s30 =	sand.u32 $0x3FFFFE00, s17;
	s1 =	sand.u32 $0x70, s8  }
0x3ee: {  	v1 =	vmov s7;
	s7 =	sadd.s32 $0x10000, s16;
	s14 =	simm.s32 @!p0 $0x3F800000;
	s31 =	sadd.s32 s1, s21  }
0x3ef: {  	v3 =	vmov s12;
	v4 =	vmov s10;
	s10 =	simm.s32 $0x1;
	v2 =	vmov s14;
	s21 =	sadd.s32 s0, s13;
	s12 =	sor.u32 s1, s30;
	v5 =	vld [tilespmem:s31+$0x0]  }
.LBB2_43:
0x3f0: {  	p1 =	sne.s32 s10, $0x3F;
	s14 =	sadd.s32 s1, s21;
	v6 =	vld [tilespmem:s12+$0x14000];
	s16 =	sadd.s32 s0, s11  }
0x3f1: {  	v7 =	vld [tilespmem:s14+$0x0];
	s14 =	sadd.s32 s1, s16  }
0x3f2: {  	s12 =	sadd.s32 $0x14000, s12;
	v8 =	vld [tilespmem:s14+$0x0]  }
0x3f3: {  	v9 =	vld [tilespmem:s12+$0x80]  }
0x3f4: {  	s14 =	sadd.s32 s0, s4;
	v10 =	vld [tilespmem:s12+$0x100]  }
0x3f5: {  	s14 =	sadd.s32 s1, s14  }
0x3f6: {  	v11 =	vld [tilespmem:s14+$0x0]  }
0x3f7: {  	v12 =	vld [tilespmem:s12+$0x180]  }
0x3f8: {  	v6 =	vmul.f32 v6, v7;
	v7 =	vmul.f32 v9, v8  }
0x3f9: {  	v5 =	vmul.f32 v10, v5  }
0x3fa: {  	v6 =	vmul.f32 v6, v1;
	v7 =	vmul.f32 v7, v4;
	_ =	sdelay $0x1  }
0x3fb: {  	v5 =	vmul.f32 v5, v3;
	v6 =	vadd.f32 v7, v6;
	v7 =	vmul.f32 v12, v11;
	_ =	sdelay $0x1  }
0x3fc: {  	v5 =	vadd.f32 v5, v6;
	v6 =	vmul.f32 v7, v2;
	_ =	sdelay $0x1  }
0x3fd: {  	v5 =	vadd.f32 v6, v5;
	_ =	sdelay $0x1  }
0x3fe: {  	v6 =	vsub.f32 $0.0e+00, v5;
	_ =	sdelay $0x1  }
0x3ff: {  	v6 =	vmul.f32 $1.442695020e+00, v6;
	_ =	sdelay $0x1  }
0x400: {  	(erf) = vpow2.f32 v6;
	_ =	sdelay $0x8  }
0x401: {  	v6 =	vpop (erf)  }
0x402: {  	v6 =	vadd.f32 $1.000000000e+00, v6;
	_ =	sdelay $0x1  }
0x403: {  	(erf) = vrcp.f32 v6;
	_ =	sdelay $0x8  }
.Ltmp30:
0x404: {  	s8 =	sadd.s32 $0x10, s8;
	s12 =	sshll.u32 s10, $0x7;
	v6 =	vpop (erf);
	(pc) =	sbr.rel @p1 .LBB2_43-.Ltmp30, $4  }
0x405: {  	s16 =	sadd.s32 s0, s7;
	s14 =	sshll.u32 s10, $0x6;
	s0 =	sand.u32 $0xFFFFFC00, s12;
	v5 =	vmul.f32 v6, v5  }
0x406: {  	s16 =	sadd.s32 s1, s16;
	s1 =	sand.u32 $0x70, s8;
	s12 =	sadd.s32 s0, s5  }
0x407: {  	s14 =	sand.u32 $0x3FFFFE00, s14;
	s17 =	sadd.s32 s1, s12;
	[tilespmem:s16+$0x0] =	vst v5  }
0x408: {  	s10 =	sadd.s32 $0x1, s10;
	s21 =	sadd.s32 s0, s13;
	s12 =	sor.u32 s1, s14;
	v5 =	vld [tilespmem:s17+$0x0]  }
0x409: {  	s5 =	sadd.s32 s1, s21;
	v6 =	vld [tilespmem:s12+$0x14000]  }
0x40a: {  	s8 =	sadd.s32 s0, s11;
	s30 =	sadd.s32 $0x14000, s12;
	v7 =	vld [tilespmem:s5+$0x0]  }
0x40b: {  	s22 =	sadd.s32 s1, s8;
	v9 =	vld [tilespmem:s30+$0x80]  }
0x40c: {  	v8 =	vld [tilespmem:s22+$0x0]  }
0x40d: {  	v10 =	vld [tilespmem:s30+$0x100]  }
0x40e: {  	s4 =	sadd.s32 s0, s4  }
0x40f: {  	s4 =	sadd.s32 s1, s4;
	v12 =	vld [tilespmem:s30+$0x180]  }
0x410: {  	v11 =	vld [tilespmem:s4+$0x0]  }
0x411: {  	v6 =	vmul.f32 v6, v7;
	v62 =	vmul.f32 v9, v8  }
0x412: {  	v5 =	vmul.f32 v10, v5  }
0x413: {  	v1 =	vmul.f32 v6, v1;
	v4 =	vmul.f32 v62, v4;
	_ =	sdelay $0x1  }
0x414: {  	v63 =	vmul.f32 v12, v11;
	v3 =	vmul.f32 v5, v3;
	v1 =	vadd.f32 v4, v1;
	_ =	sdelay $0x1  }
0x415: {  	v2 =	vmul.f32 v63, v2;
	v1 =	vadd.f32 v3, v1;
	_ =	sdelay $0x1  }
0x416: {  	v1 =	vadd.f32 v2, v1;
	_ =	sdelay $0x1  }
0x417: {  	v2 =	vsub.f32 $0.0e+00, v1;
	_ =	sdelay $0x1  }
0x418: {  	v2 =	vmul.f32 $1.442695020e+00, v2;
	_ =	sdelay $0x1  }
0x419: {  	(erf) = vpow2.f32 v2;
	_ =	sdelay $0x8  }
0x41a: {  	v2 =	vpop (erf)  }
0x41b: {  	v2 =	vadd.f32 $1.000000000e+00, v2;
	_ =	sdelay $0x1  }
0x41c: {  	(erf) = vrcp.f32 v2;
	_ =	sdelay $0x8  }
0x41d: {  	v2 =	vpop (erf)  }
0x41e: {  	s31 =	sadd.s32 s0, s7;
	v1 =	vmul.f32 v2, v1  }
0x41f: {  	s0 =	sadd.s32 s1, s31  }
0x420: {  	[tilespmem:s0+$0x0] =	vst v1  }
.LBB2_45:
0x421: {  	s0 =	sadd.s32 $0x1, s29  }
0x422: {  	p0 =	slt.s32 s0, s25  }
0x423: {  	p1 =	sge.s32 @!p0 s0, s26  }
0x424: {  	p0 =	por p0, p1  }
.Ltmp31:
0x425: {  	_ = 	snop;
	(pc) =	sbr.rel @p0 .LBB2_51-.Ltmp31, $1  }
0x426: {  	_ =	sdelay $0x3  }
0x427: {  	s1 =	simm.s32 $0x0  }
0x428: {  	v1 =	vld [tilespmem:s1+$0x15001]  }
0x429: {  	v2 =	vld [tilespmem:s1+$0x15000];
	_ =	sdelay $0x3  }
0x42a: {  	(v2sf) =	vpush v1, $0x0  }
0x42b: {  	(v2sf) =	vpush v2, $0x0;
	_ =	sdelay $0x5  }
0x42c: {  	s30 =	simm.s32 $0x1  }
0x42d: {  	v1 =	vld [tilespmem:s30+$0x15001]  }
0x42e: {  	s31 =	simm.s32 $0x2;
	v2 =	vld [tilespmem:s30+$0x15000]  }
0x42f: {  	v3 =	vld [tilespmem:s31+$0x15001]  }
0x430: {  	v4 =	vld [tilespmem:s31+$0x15000];
	_ =	sdelay $0x1  }
0x431: {  	(v2sf) =	vpush v1, $0x0  }
0x432: {  	(v2sf) =	vpush v2, $0x0  }
0x433: {  	s5 =	spop (v2sf);
	(v2sf) =	vpush v3, $0x0  }
0x434: {  	s7 =	spop (v2sf);
	(v2sf) =	vpush v4, $0x0;
	_ =	sdelay $0x2  }
0x435: {  	s4 =	simm.s32 $0x3  }
0x436: {  	v1 =	vld [tilespmem:s4+$0x15001]  }
0x437: {  	v2 =	vld [tilespmem:s4+$0x15000];
	_ =	sdelay $0x1  }
0x438: {  	s1 =	simm.s32 $0x1  }
0x439: {  	s4 =	simm.s32 $0x10;
	p0 =	sle.s32 s5, s0;
	p2 =	sne.s32 s5, s7  }
.LBB2_47:
0x43a: {  	s5 =	sshra.s32 s4, $0x2;
	(v2sf) =	vpush v1, $0x0;
	p0 =	por !p0, !p2  }
0x43b: {  	p1 =	sne.s32 s4, $0x38;
	s4 =	sadd.s32 $0x4, s4;
	v1 =	vld [tilespmem:s5+$0x15001];
	(v2sf) =	vpush v2, $0x0;
	p0 =	por !p0, !p0  }
.Ltmp32:
0x43c: {  	v2 =	vld [tilespmem:s5+$0x15000];
	s5 =	simm.s32 $0x1;
	(pc) =	sbr.rel @p1 .LBB2_47-.Ltmp32, $4  }
0x43d: {  	s5 =	simm.s32 @!p0 $0x0  }
0x43e: {  	s7 =	spop (v2sf);
	s1 =	sadd.s32 s5, s1  }
0x43f: {  	s5 =	spop (v2sf)  }
0x440: {  	p0 =	sle.s32 s7, s0;
	p2 =	sne.s32 s7, s5  }
0x441: {  	(v2sf) =	vpush v1, $0x0  }
0x442: {  	(v2sf) =	vpush v2, $0x0;
	_ =	sdelay $0x8  }
0x443: {  	p0 =	por !p0, !p2;
	s4 =	spop (v2sf)  }
0x444: {  	s5 =	simm.s32 $0x1;
	s8 =	simm.s32 $0x1;
	s7 =	spop (v2sf)  }
0x445: {  	p0 =	por !p0, !p0;
	p1 =	sle.s32 s4, s0;
	p6 =	sne.s32 s4, s7  }
0x446: {  	s5 =	simm.s32 @!p0 $0x0;
	p1 =	por !p1, !p6;
	s22 =	spop (v2sf)  }
0x447: {  	s4 =	simm.s32 $0x1;
	p0 =	por !p1, !p1;
	s31 =	spop (v2sf)  }
0x448: {  	s1 =	sadd.s32 s5, s1;
	s8 =	simm.s32 @!p0 $0x0;
	s10 =	spop (v2sf)  }
0x449: {  	p2 =	sle.s32 s22, s0;
	p4 =	sne.s32 s22, s31;
	s11 =	spop (v2sf)  }
0x44a: {  	p0 =	por !p2, !p4;
	p5 =	sle.s32 s10, s0;
	p3 =	sne.s32 s10, s11  }
0x44b: {  	s5 =	simm.s32 $0x1;
	p0 =	por !p0, !p0;
	p6 =	por !p5, !p3  }
0x44c: {  	s1 =	sadd.s32 s8, s1;
	s4 =	simm.s32 @!p0 $0x0;
	p0 =	por !p6, !p6  }
0x44d: {  	s1 =	sadd.s32 s4, s1;
	s5 =	simm.s32 @!p0 $0x0  }
0x44e: {  	s1 =	sadd.s32 s5, s1  }
0x44f: {  	v1 =	vld [tilespmem:s1+$0x14FFF];
	_ =	sdelay $0x4  }
0x450: {  	(v2sf) =	vpush v1, $0x0;
	_ =	sdelay $0x5  }
0x451: {  	s12 =	sadd.s32 $0xFFFFFFFF, s29  }
0x452: {  	s14 =	simm.f32 $0.0e+00;
	s16 =	simm.f32 $0.0e+00;
	s4 =	ssub.s32 s0, s25  }
0x453: {  	s13 =	sadd.s32 $0x5, s4;
	s21 =	sadd.s32 $0x6, s4;
	s31 =	sadd.s32 $0x7, s4  }
0x454: {  	s4 =	sshll.u32 s4, $0xA;
	s17 =	sshll.u32 s13, $0xA;
	s22 =	sshll.u32 s21, $0xA  }
0x455: {  	s7 =	sshll.u32 s21, $0x7;
	s21 =	sshll.u32 s31, $0x7;
	s4 =	sand.u32 $0xFFFFE000, s4  }
0x456: {  	s11 =	sadd.s32 $0xFFFFFFFE, s29;
	s10 =	simm.f32 $0.0e+00;
	s1 =	sshll.u32 s13, $0x7  }
0x457: {  	s7 =	sand.u32 $0x380, s7;
	s5 =	sand.u32 $0xFFFFE000, s17;
	s1 =	sand.u32 $0x380, s1  }
0x458: {  	s1 =	sor.u32 s1, s5;
	s5 =	sand.u32 $0xFFFFE000, s22;
	s22 =	sshll.u32 s0, $0x7  }
0x459: {  	s30 =	sadd.s32 $0x6000, s1;
	s7 =	sor.u32 s7, s5;
	s5 =	sand.u32 $0x380, s21  }
0x45a: {  	s21 =	simm.s32 $0x0;
	s13 =	sadd.s32 $0x6000, s7;
	s8 =	spop (v2sf)  }
0x45b: {  	s7 =	sand.u32 $0x380, s22;
	p0 =	slt.s32 s11, s8;
	p1 =	slt.s32 s29, s8  }
0x45c: {  	s11 =	sshll.u32 s31, $0xA;
	s31 =	sor.u32 s7, s4;
	s10 =	simm.s32 @!p0 $0x3F800000  }
0x45d: {  	p0 =	slt.s32 s12, s8;
	s12 =	simm.f32 $0.0e+00;
	s14 =	simm.s32 @!p1 $0x3F800000  }
0x45e: {  	s17 =	sand.u32 $0xFFFFE000, s11;
	s4 =	sadd.s32 $0x8000, s31;
	s11 =	sadd.s32 $0x10000, s31  }
0x45f: {  	s12 =	simm.s32 @!p0 $0x3F800000;
	p0 =	slt.s32 s0, s8;
	s1 =	sor.u32 s5, s17  }
0x460: {  	s8 =	simm.s32 $0x0;
	s5 =	sadd.s32 $0x6000, s1;
	s1 =	sand.u32 $0xFFFFFC00, s21  }
0x461: {  	s17 =	simm.s32 $0x0;
	s7 =	sand.u32 $0x70, s8;
	s21 =	sadd.s32 s1, s5  }
0x462: {  	v1 =	vmov s10;
	s16 =	simm.s32 @!p0 $0x3F800000;
	s22 =	sand.u32 $0x3FFFFE00, s17;
	s31 =	sadd.s32 s7, s21  }
0x463: {  	v3 =	vmov s14;
	s10 =	simm.s32 $0x1;
	v4 =	vmov s12;
	v2 =	vmov s16;
	s12 =	sor.u32 s7, s22;
	s21 =	sadd.s32 s1, s30;
	v5 =	vld [tilespmem:s31+$0x0]  }
.LBB2_49:
0x464: {  	p1 =	sne.s32 s10, $0x3F;
	s14 =	sadd.s32 s7, s21;
	v6 =	vld [tilespmem:s12+$0x14000];
	s16 =	sadd.s32 s1, s13  }
0x465: {  	v7 =	vld [tilespmem:s14+$0x0];
	s14 =	sadd.s32 s7, s16  }
0x466: {  	s12 =	sadd.s32 $0x14000, s12;
	v8 =	vld [tilespmem:s14+$0x0]  }
0x467: {  	v9 =	vld [tilespmem:s12+$0x80]  }
0x468: {  	s14 =	sadd.s32 s1, s4;
	v10 =	vld [tilespmem:s12+$0x100]  }
0x469: {  	s14 =	sadd.s32 s7, s14  }
0x46a: {  	v11 =	vld [tilespmem:s14+$0x0]  }
0x46b: {  	v12 =	vld [tilespmem:s12+$0x180]  }
0x46c: {  	v6 =	vmul.f32 v6, v7;
	v7 =	vmul.f32 v9, v8  }
0x46d: {  	v5 =	vmul.f32 v10, v5  }
0x46e: {  	v6 =	vmul.f32 v6, v1;
	v7 =	vmul.f32 v7, v4;
	_ =	sdelay $0x1  }
0x46f: {  	v5 =	vmul.f32 v5, v3;
	v6 =	vadd.f32 v7, v6;
	v7 =	vmul.f32 v12, v11;
	_ =	sdelay $0x1  }
0x470: {  	v5 =	vadd.f32 v5, v6;
	v6 =	vmul.f32 v7, v2;
	_ =	sdelay $0x1  }
0x471: {  	v5 =	vadd.f32 v6, v5;
	_ =	sdelay $0x1  }
0x472: {  	v6 =	vsub.f32 $0.0e+00, v5;
	_ =	sdelay $0x1  }
0x473: {  	v6 =	vmul.f32 $1.442695020e+00, v6;
	_ =	sdelay $0x1  }
0x474: {  	(erf) = vpow2.f32 v6;
	_ =	sdelay $0x8  }
0x475: {  	v6 =	vpop (erf)  }
0x476: {  	v6 =	vadd.f32 $1.000000000e+00, v6;
	_ =	sdelay $0x1  }
0x477: {  	(erf) = vrcp.f32 v6;
	_ =	sdelay $0x8  }
.Ltmp33:
0x478: {  	s8 =	sadd.s32 $0x10, s8;
	s12 =	sshll.u32 s10, $0x7;
	v6 =	vpop (erf);
	(pc) =	sbr.rel @p1 .LBB2_49-.Ltmp33, $4  }
0x479: {  	s16 =	sadd.s32 s1, s11;
	s14 =	sshll.u32 s10, $0x6;
	s1 =	sand.u32 $0xFFFFFC00, s12;
	v5 =	vmul.f32 v6, v5  }
0x47a: {  	s16 =	sadd.s32 s7, s16;
	s7 =	sand.u32 $0x70, s8;
	s12 =	sadd.s32 s1, s5  }
0x47b: {  	s14 =	sand.u32 $0x3FFFFE00, s14;
	s17 =	sadd.s32 s7, s12;
	[tilespmem:s16+$0x0] =	vst v5  }
0x47c: {  	s10 =	sadd.s32 $0x1, s10;
	s21 =	sadd.s32 s1, s30;
	s12 =	sor.u32 s7, s14;
	v5 =	vld [tilespmem:s17+$0x0]  }
0x47d: {  	s5 =	sadd.s32 s7, s21;
	v6 =	vld [tilespmem:s12+$0x14000]  }
0x47e: {  	s8 =	sadd.s32 s1, s13;
	s30 =	sadd.s32 $0x14000, s12;
	v7 =	vld [tilespmem:s5+$0x0]  }
0x47f: {  	s22 =	sadd.s32 s7, s8;
	v9 =	vld [tilespmem:s30+$0x80]  }
0x480: {  	v8 =	vld [tilespmem:s22+$0x0]  }
0x481: {  	v10 =	vld [tilespmem:s30+$0x100]  }
0x482: {  	s4 =	sadd.s32 s1, s4  }
0x483: {  	s4 =	sadd.s32 s7, s4;
	v12 =	vld [tilespmem:s30+$0x180]  }
0x484: {  	v11 =	vld [tilespmem:s4+$0x0]  }
0x485: {  	v6 =	vmul.f32 v6, v7;
	v62 =	vmul.f32 v9, v8  }
0x486: {  	v5 =	vmul.f32 v10, v5  }
0x487: {  	v1 =	vmul.f32 v6, v1;
	v4 =	vmul.f32 v62, v4;
	_ =	sdelay $0x1  }
0x488: {  	v63 =	vmul.f32 v12, v11;
	v3 =	vmul.f32 v5, v3;
	v1 =	vadd.f32 v4, v1;
	_ =	sdelay $0x1  }
0x489: {  	v2 =	vmul.f32 v63, v2;
	v1 =	vadd.f32 v3, v1;
	_ =	sdelay $0x1  }
0x48a: {  	v1 =	vadd.f32 v2, v1;
	_ =	sdelay $0x1  }
0x48b: {  	v2 =	vsub.f32 $0.0e+00, v1;
	_ =	sdelay $0x1  }
0x48c: {  	v2 =	vmul.f32 $1.442695020e+00, v2;
	_ =	sdelay $0x1  }
0x48d: {  	(erf) = vpow2.f32 v2;
	_ =	sdelay $0x8  }
0x48e: {  	v2 =	vpop (erf)  }
0x48f: {  	v2 =	vadd.f32 $1.000000000e+00, v2;
	_ =	sdelay $0x1  }
0x490: {  	(erf) = vrcp.f32 v2;
	_ =	sdelay $0x8  }
0x491: {  	v2 =	vpop (erf)  }
0x492: {  	s31 =	sadd.s32 s1, s11;
	v1 =	vmul.f32 v2, v1  }
0x493: {  	s1 =	sadd.s32 s7, s31  }
0x494: {  	[tilespmem:s1+$0x0] =	vst v1  }
.LBB2_51:
0x495: {  	s1 =	sadd.s32 $0x2, s29  }
0x496: {  	p0 =	slt.s32 s1, s25  }
0x497: {  	p1 =	sge.s32 @!p0 s1, s26  }
0x498: {  	p0 =	por p0, p1  }
.Ltmp34:
0x499: {  	_ = 	snop;
	(pc) =	sbr.rel @p0 .LBB2_57-.Ltmp34, $1  }
0x49a: {  	_ =	sdelay $0x3  }
0x49b: {  	s4 =	simm.s32 $0x0  }
0x49c: {  	v1 =	vld [tilespmem:s4+$0x15001]  }
0x49d: {  	v2 =	vld [tilespmem:s4+$0x15000];
	_ =	sdelay $0x3  }
0x49e: {  	(v2sf) =	vpush v1, $0x0  }
0x49f: {  	(v2sf) =	vpush v2, $0x0;
	_ =	sdelay $0x5  }
0x4a0: {  	s30 =	simm.s32 $0x1  }
0x4a1: {  	v1 =	vld [tilespmem:s30+$0x15001]  }
0x4a2: {  	s31 =	simm.s32 $0x2;
	v2 =	vld [tilespmem:s30+$0x15000]  }
0x4a3: {  	v3 =	vld [tilespmem:s31+$0x15001]  }
0x4a4: {  	v4 =	vld [tilespmem:s31+$0x15000];
	_ =	sdelay $0x1  }
0x4a5: {  	(v2sf) =	vpush v1, $0x0  }
0x4a6: {  	(v2sf) =	vpush v2, $0x0  }
0x4a7: {  	s7 =	spop (v2sf);
	(v2sf) =	vpush v3, $0x0  }
0x4a8: {  	s8 =	spop (v2sf);
	(v2sf) =	vpush v4, $0x0;
	_ =	sdelay $0x2  }
0x4a9: {  	s5 =	simm.s32 $0x3  }
0x4aa: {  	v1 =	vld [tilespmem:s5+$0x15001]  }
0x4ab: {  	v2 =	vld [tilespmem:s5+$0x15000];
	_ =	sdelay $0x1  }
0x4ac: {  	s4 =	simm.s32 $0x1  }
0x4ad: {  	s5 =	simm.s32 $0x10;
	p0 =	sle.s32 s7, s1;
	p2 =	sne.s32 s7, s8  }
.LBB2_53:
0x4ae: {  	s7 =	sshra.s32 s5, $0x2;
	(v2sf) =	vpush v1, $0x0;
	p0 =	por !p0, !p2  }
0x4af: {  	p1 =	sne.s32 s5, $0x38;
	s5 =	sadd.s32 $0x4, s5;
	v1 =	vld [tilespmem:s7+$0x15001];
	(v2sf) =	vpush v2, $0x0;
	p0 =	por !p0, !p0  }
.Ltmp35:
0x4b0: {  	v2 =	vld [tilespmem:s7+$0x15000];
	s7 =	simm.s32 $0x1;
	(pc) =	sbr.rel @p1 .LBB2_53-.Ltmp35, $4  }
0x4b1: {  	s7 =	simm.s32 @!p0 $0x0  }
0x4b2: {  	s8 =	spop (v2sf);
	s4 =	sadd.s32 s7, s4  }
0x4b3: {  	s7 =	spop (v2sf)  }
0x4b4: {  	p0 =	sle.s32 s8, s1;
	p2 =	sne.s32 s8, s7  }
0x4b5: {  	(v2sf) =	vpush v1, $0x0  }
0x4b6: {  	(v2sf) =	vpush v2, $0x0;
	_ =	sdelay $0x8  }
0x4b7: {  	p0 =	por !p0, !p2;
	s5 =	spop (v2sf)  }
0x4b8: {  	s7 =	simm.s32 $0x1;
	s10 =	simm.s32 $0x1;
	s8 =	spop (v2sf)  }
0x4b9: {  	p0 =	por !p0, !p0;
	p1 =	sle.s32 s5, s1;
	p6 =	sne.s32 s5, s8  }
0x4ba: {  	s7 =	simm.s32 @!p0 $0x0;
	p1 =	por !p1, !p6;
	s8 =	spop (v2sf)  }
0x4bb: {  	s5 =	simm.s32 $0x1;
	p0 =	por !p1, !p1;
	s13 =	spop (v2sf)  }
0x4bc: {  	s4 =	sadd.s32 s7, s4;
	s10 =	simm.s32 @!p0 $0x0;
	s11 =	spop (v2sf)  }
0x4bd: {  	p2 =	sle.s32 s8, s1;
	p4 =	sne.s32 s8, s13;
	s12 =	spop (v2sf)  }
0x4be: {  	p0 =	por !p2, !p4;
	p5 =	sle.s32 s11, s1;
	p3 =	sne.s32 s11, s12  }
0x4bf: {  	s7 =	simm.s32 $0x1;
	p0 =	por !p0, !p0;
	p6 =	por !p5, !p3  }
0x4c0: {  	s4 =	sadd.s32 s10, s4;
	s5 =	simm.s32 @!p0 $0x0;
	p0 =	por !p6, !p6  }
0x4c1: {  	s4 =	sadd.s32 s5, s4;
	s7 =	simm.s32 @!p0 $0x0  }
0x4c2: {  	s4 =	sadd.s32 s7, s4  }
0x4c3: {  	v1 =	vld [tilespmem:s4+$0x14FFF];
	_ =	sdelay $0x4  }
0x4c4: {  	(v2sf) =	vpush v1, $0x0;
	_ =	sdelay $0xe  }
0x4c5: {  	s16 =	sadd.s32 $0xFFFFFFFF, s29;
	s10 =	simm.f32 $0.0e+00;
	s14 =	spop (v2sf)  }
0x4c6: {  	s12 =	simm.f32 $0.0e+00;
	s7 =	simm.f32 $0.0e+00;
	p0 =	slt.s32 s16, s14  }
0x4c7: {  	p1 =	slt.s32 s0, s14;
	s0 =	ssub.s32 s1, s25;
	s7 =	simm.s32 @!p0 $0x3F800000  }
0x4c8: {  	p0 =	slt.s32 s29, s14;
	s12 =	simm.s32 @!p1 $0x3F800000;
	s17 =	sadd.s32 $0x5, s0  }
0x4c9: {  	s22 =	sadd.s32 $0x6, s0;
	s16 =	sadd.s32 $0x7, s0;
	s0 =	sshll.u32 s0, $0xA  }
0x4ca: {  	s10 =	simm.s32 @!p0 $0x3F800000;
	p0 =	slt.s32 s1, s14;
	s14 =	simm.f32 $0.0e+00  }
0x4cb: {  	s21 =	sshll.u32 s17, $0xA;
	s4 =	sshll.u32 s17, $0x7;
	s29 =	sshll.u32 s22, $0xA  }
0x4cc: {  	s8 =	sshll.u32 s22, $0x7;
	s31 =	sshll.u32 s16, $0xA;
	s17 =	sshll.u32 s16, $0x7  }
0x4cd: {  	s0 =	sand.u32 $0xFFFFE000, s0;
	s14 =	simm.s32 @!p0 $0x3F800000;
	s5 =	sand.u32 $0xFFFFE000, s21  }
0x4ce: {  	s4 =	sand.u32 $0x380, s4;
	s8 =	sand.u32 $0x380, s8;
	s21 =	sshll.u32 s1, $0x7  }
0x4cf: {  	v4 =	vmov s10;
	s10 =	simm.s32 $0x1;
	s4 =	sor.u32 s4, s5;
	s5 =	sand.u32 $0xFFFFE000, s29  }
0x4d0: {  	s1 =	sand.u32 $0x380, s21;
	s29 =	simm.s32 $0x0;
	s13 =	sadd.s32 $0x6000, s4  }
0x4d1: {  	s30 =	sor.u32 s8, s5;
	s8 =	sand.u32 $0xFFFFE000, s31;
	s5 =	sand.u32 $0x380, s17  }
0x4d2: {  	s22 =	sor.u32 s1, s0;
	s0 =	sand.u32 $0xFFFFFC00, s29;
	s4 =	sor.u32 s5, s8  }
0x4d3: {  	s17 =	simm.s32 $0x0;
	s8 =	simm.s32 $0x0;
	s5 =	sadd.s32 $0x6000, s4  }
0x4d4: {  	s11 =	sadd.s32 $0x6000, s30;
	s1 =	sand.u32 $0x70, s8;
	s21 =	sadd.s32 s0, s5  }
0x4d5: {  	v1 =	vmov s7;
	s7 =	sadd.s32 $0x10000, s22;
	s30 =	sand.u32 $0x3FFFFE00, s17;
	s31 =	sadd.s32 s1, s21  }
0x4d6: {  	v3 =	vmov s12;
	v2 =	vmov s14;
	s4 =	sadd.s32 $0x8000, s22;
	s12 =	sor.u32 s1, s30;
	s21 =	sadd.s32 s0, s13;
	v5 =	vld [tilespmem:s31+$0x0]  }
.LBB2_55:
0x4d7: {  	p1 =	sne.s32 s10, $0x3F;
	s14 =	sadd.s32 s1, s21;
	v6 =	vld [tilespmem:s12+$0x14000];
	s16 =	sadd.s32 s0, s11  }
0x4d8: {  	v7 =	vld [tilespmem:s14+$0x0];
	s14 =	sadd.s32 s1, s16  }
0x4d9: {  	s12 =	sadd.s32 $0x14000, s12;
	v8 =	vld [tilespmem:s14+$0x0]  }
0x4da: {  	v9 =	vld [tilespmem:s12+$0x80]  }
0x4db: {  	s14 =	sadd.s32 s0, s4;
	v10 =	vld [tilespmem:s12+$0x100]  }
0x4dc: {  	s14 =	sadd.s32 s1, s14  }
0x4dd: {  	v11 =	vld [tilespmem:s14+$0x0]  }
0x4de: {  	v12 =	vld [tilespmem:s12+$0x180]  }
0x4df: {  	v6 =	vmul.f32 v6, v7;
	v7 =	vmul.f32 v9, v8  }
0x4e0: {  	v5 =	vmul.f32 v10, v5  }
0x4e1: {  	v6 =	vmul.f32 v6, v1;
	v7 =	vmul.f32 v7, v4;
	_ =	sdelay $0x1  }
0x4e2: {  	v5 =	vmul.f32 v5, v3;
	v6 =	vadd.f32 v7, v6;
	v7 =	vmul.f32 v12, v11;
	_ =	sdelay $0x1  }
0x4e3: {  	v5 =	vadd.f32 v5, v6;
	v6 =	vmul.f32 v7, v2;
	_ =	sdelay $0x1  }
0x4e4: {  	v5 =	vadd.f32 v6, v5;
	_ =	sdelay $0x1  }
0x4e5: {  	v6 =	vsub.f32 $0.0e+00, v5;
	_ =	sdelay $0x1  }
0x4e6: {  	v6 =	vmul.f32 $1.442695020e+00, v6;
	_ =	sdelay $0x1  }
0x4e7: {  	(erf) = vpow2.f32 v6;
	_ =	sdelay $0x8  }
0x4e8: {  	v6 =	vpop (erf)  }
0x4e9: {  	v6 =	vadd.f32 $1.000000000e+00, v6;
	_ =	sdelay $0x1  }
0x4ea: {  	(erf) = vrcp.f32 v6;
	_ =	sdelay $0x8  }
.Ltmp36:
0x4eb: {  	s8 =	sadd.s32 $0x10, s8;
	s12 =	sshll.u32 s10, $0x7;
	v6 =	vpop (erf);
	(pc) =	sbr.rel @p1 .LBB2_55-.Ltmp36, $4  }
0x4ec: {  	s16 =	sadd.s32 s0, s7;
	s14 =	sshll.u32 s10, $0x6;
	s0 =	sand.u32 $0xFFFFFC00, s12;
	v5 =	vmul.f32 v6, v5  }
0x4ed: {  	s16 =	sadd.s32 s1, s16;
	s1 =	sand.u32 $0x70, s8;
	s12 =	sadd.s32 s0, s5  }
0x4ee: {  	s14 =	sand.u32 $0x3FFFFE00, s14;
	s17 =	sadd.s32 s1, s12;
	[tilespmem:s16+$0x0] =	vst v5  }
0x4ef: {  	s10 =	sadd.s32 $0x1, s10;
	s21 =	sadd.s32 s0, s13;
	s12 =	sor.u32 s1, s14;
	v5 =	vld [tilespmem:s17+$0x0]  }
0x4f0: {  	s5 =	sadd.s32 s1, s21;
	v6 =	vld [tilespmem:s12+$0x14000]  }
0x4f1: {  	s8 =	sadd.s32 s0, s11;
	s30 =	sadd.s32 $0x14000, s12;
	v7 =	vld [tilespmem:s5+$0x0]  }
0x4f2: {  	s29 =	sadd.s32 s1, s8;
	v9 =	vld [tilespmem:s30+$0x80]  }
0x4f3: {  	v8 =	vld [tilespmem:s29+$0x0]  }
0x4f4: {  	v10 =	vld [tilespmem:s30+$0x100]  }
0x4f5: {  	s4 =	sadd.s32 s0, s4  }
0x4f6: {  	s4 =	sadd.s32 s1, s4;
	v12 =	vld [tilespmem:s30+$0x180]  }
0x4f7: {  	v11 =	vld [tilespmem:s4+$0x0]  }
0x4f8: {  	v6 =	vmul.f32 v6, v7;
	v62 =	vmul.f32 v9, v8  }
0x4f9: {  	v5 =	vmul.f32 v10, v5  }
0x4fa: {  	v1 =	vmul.f32 v6, v1;
	v4 =	vmul.f32 v62, v4;
	_ =	sdelay $0x1  }
0x4fb: {  	v63 =	vmul.f32 v12, v11;
	v3 =	vmul.f32 v5, v3;
	v1 =	vadd.f32 v4, v1;
	_ =	sdelay $0x1  }
0x4fc: {  	v2 =	vmul.f32 v63, v2;
	v1 =	vadd.f32 v3, v1;
	_ =	sdelay $0x1  }
0x4fd: {  	v1 =	vadd.f32 v2, v1;
	_ =	sdelay $0x1  }
0x4fe: {  	v2 =	vsub.f32 $0.0e+00, v1;
	_ =	sdelay $0x1  }
0x4ff: {  	v2 =	vmul.f32 $1.442695020e+00, v2;
	_ =	sdelay $0x1  }
0x500: {  	(erf) = vpow2.f32 v2;
	_ =	sdelay $0x8  }
0x501: {  	v2 =	vpop (erf)  }
0x502: {  	v2 =	vadd.f32 $1.000000000e+00, v2;
	_ =	sdelay $0x1  }
0x503: {  	(erf) = vrcp.f32 v2;
	_ =	sdelay $0x7  }
.Ltmp37:
0x504: {  	_ = 	snop;
	(pc) =	sbr.rel .LBB2_57-.Ltmp37, $4  }
0x505: {  	v2 =	vpop (erf)  }
0x506: {  	s31 =	sadd.s32 s0, s7;
	v1 =	vmul.f32 v2, v1  }
0x507: {  	s0 =	sadd.s32 s1, s31  }
0x508: {  	[tilespmem:s0+$0x0] =	vst v1  }
.LBB2_60:
0x509: {  	_ =	sfence.sel $0x180000  }
0x50a: {  	[bflag:$0x0] =	sbarrier.arrive $0xFFFF  }
0x50b: {  	_ =	strace $0x90000047  }
0x50c: {  	s0 =	stileid.u32;
	[bflag:$0x2] =	sbarrier.arrive $0xFFFF  }
0x50d: {  	p0 =	sne.s32 s0, $0x0;
	s0 =	rddreg [dreg:$0x3]  }
0x50e: {  	s0 =	sadd.s32 @!p0 $0x100000, s0  }
0x50f: {  	[sflag:s0] =	ssyncadd.tile.s32 @!p0 $0x1;
	_ =	shalt  }
.Lfunc_end2:
_tile_overlayer_lowered:
.L_overlay_start_2:
0x510: {  	(tag) =	ssettag $0x2  }
0x511: {  	s0 =	rddreg [dreg:$0x0];
	s2 =	stileid.u32  }
0x512: {  	s1 =	rddreg [dreg:$0x1];
	p0 =	sne.s32 s2, $0x0  }
0x513: {  	s3 =	rddreg [dreg:$0x2];
	[bflag:$0x3] =	sbarrier.arrive $0xFFFF;
	s2 =	simm.s32 @!p0 $0x1C05  }
0x514: {  	[timem:s3], [sflag:s2] =	dma.local @!p0 [hbm:s0], s1  }
0x515: {  	s0 =	simm.s32 @!p0 $0x5  }
0x516: {  	_ =	swait.ge @!p0 [sflag:s0], s1  }
0x517: {  	s1 =	ssub.s32 @!p0 $0x0, s1;
	[sflag:s0] =	ssyncset.done @!p0 $0x0  }
0x518: {  	[sflag:s0] =	ssyncadd.s32 @!p0 s1  }
0x519: {  	[bflag:$0x3] =	sbarrier.arrive $0xFFFF  }
0x51a: {  	_ =	shalt  }

</sc_bundles>
